<compile_context>
chip_gen: v7x
topology: tpu7x:2x2x1
jax: 0.10.2.dev20260603
libtpu: 0.0.44.dev20260713+nightly
codegen_flags: <defaults>
</compile_context>

<pallas_src>
import functools

import jax
import jax.numpy as jnp
from jax import lax
from jax.experimental import pallas as pl
from jax.experimental.pallas import tpu as pltpu
from jax.experimental.pallas import tpu_sc as plsc

N = 10000
NP = 10240
E = 320000
D_IN = 128
D_HID = 128
D_OUT = 64

NC = 2
NS = 16
NW = NC * NS
E_T = E // NW
CH1 = 80
CH2 = 125
NBUF = 4

R = 2048
GRID = NP // R

_mesh = plsc.VectorSubcoreMesh(
    core_axis_name="c", subcore_axis_name="s", num_cores=NC, num_subcores=NS)


@functools.partial(
    pl.kernel,
    out_type=jax.ShapeDtypeStruct((NW, NP), jnp.float32),
    mesh=_mesh,
    compiler_params=pltpu.CompilerParams(needs_layout_passes=False),
    scratch_types=[
        pltpu.VMEM((E_T,), jnp.int32),
        pltpu.VMEM((NP,), jnp.float32),
    ],
)
def _deg_kernel(dst_hbm, degp_hbm, idx_v, deg_v):
    c = lax.axis_index("c")
    s = lax.axis_index("s")
    wid = c * NS + s
    base = wid * E_T
    pltpu.sync_copy(dst_hbm.at[pl.ds(base, E_T)], idx_v)

    zeros16 = jnp.zeros((16,), jnp.float32)

    def zbody(i, _):
        deg_v[pl.ds(i * 16, 16)] = zeros16
        return 0

    lax.fori_loop(0, NP // 16, zbody, 0, unroll=4)

    ones16 = jnp.ones((16,), jnp.float32)

    def body(i, _):
        idx = idx_v[pl.ds(i * 16, 16)]
        plsc.addupdate_scatter(deg_v, [idx], ones16)
        return 0

    lax.fori_loop(0, E_T // 16, body, 0, unroll=4)
    pltpu.sync_copy(deg_v, degp_hbm.at[wid])


def _make_agg(D, CH, idx2d=False):
    NCH = E_T // CH
    NFULL = (NCH // NBUF) * NBUF
    REM = NCH - NFULL
    assert REM in (0, 1)
    ZR = 80
    assert CH >= ZR and (NP // NS) % ZR == 0

    @functools.partial(
        pl.kernel,
        out_type=jax.ShapeDtypeStruct((NC, NP, D), jnp.float32),
        mesh=_mesh,
        compiler_params=pltpu.CompilerParams(use_tc_tiling_on_sc=False),
        scratch_types=[
            pltpu.VMEM((NBUF, CH), jnp.int32),
            pltpu.VMEM((NBUF, CH), jnp.int32),
            pltpu.VMEM((NBUF, CH, D), jnp.float32),
            pltpu.VMEM_SHARED((NP, D), jnp.float32),
        ] + [pltpu.SemaphoreType.DMA] * (4 * NBUF + 1),
    )
    def agg(g_hbm, src_hbm, dst_hbm, out_hbm, isrc_v, idst_v, rows_v,
            part_sh, *sems):
        gsem = sems[0:NBUF]
        ssem = sems[NBUF:2 * NBUF]
        issem = sems[2 * NBUF:3 * NBUF]
        idsem = sems[3 * NBUF:4 * NBUF]
        zsem = sems[4 * NBUF]
        c = lax.axis_index("c")
        s = lax.axis_index("s")
        wid = c * NS + s
        if idx2d:
            ibase = wid * NCH

            def _islice(ref, j):
                return ref.at[ibase + j]

            def _idummy(ref):
                return ref.at[0]
        else:
            ebase = wid * E_T

            def _islice(ref, j):
                return ref.at[pl.ds(ebase + j * CH, CH)]

            def _idummy(ref):
                return ref.at[pl.ds(0, CH)]

        def issue_isrc(j, b):
            pltpu.async_copy(_islice(src_hbm, j), isrc_v.at[b], issem[b])

        def drain_isrc(b):
            pltpu.make_async_copy(_idummy(src_hbm), isrc_v.at[b],
                                  issem[b]).wait()

        def issue_idst(j, b):
            pltpu.async_copy(_islice(dst_hbm, j), idst_v.at[b], idsem[b])

        def drain_idst(b):
            pltpu.make_async_copy(_idummy(dst_hbm), idst_v.at[b],
                                  idsem[b]).wait()

        def issue_g(b):
            pltpu.async_copy(g_hbm.at[isrc_v.at[b]], rows_v.at[b], gsem[b])

        def drain_g(b):
            pltpu.make_async_copy(
                g_hbm.at[isrc_v.at[0]], rows_v.at[b], gsem[b]).wait()

        def issue_s(b):
            pltpu.async_copy(rows_v.at[b], part_sh.at[idst_v.at[b]], ssem[b],
                             add=True)

        def drain_s(b):
            pltpu.make_async_copy(
                rows_v.at[b], part_sh.at[idst_v.at[0]], ssem[b]).wait()

        for b in range(3):
            issue_isrc(b, b)
        for b in range(2):
            issue_idst(b, b)

        zeros16 = jnp.zeros((16,), jnp.float32)

        def zb(i, _):
            r = i // (D // 16)
            q = i % (D // 16)
            rows_v[0, r, pl.ds(q * 16, 16)] = zeros16
            return 0

        lax.fori_loop(0, ZR * (D // 16), zb, 0, unroll=4)

        rows_per = NP // NS
        nz = rows_per // ZR
        zsrc = rows_v.at[0, pl.ds(0, ZR)]
        for k in range(nz):
            pltpu.async_copy(zsrc, part_sh.at[pl.ds(s * rows_per + k * ZR, ZR)],
                             zsem)
        for k in range(nz):
            pltpu.make_async_copy(
                zsrc, part_sh.at[pl.ds(s * rows_per, ZR)], zsem).wait()
        plsc.subcore_barrier()

        drain_isrc(0)
        issue_g(0)
        drain_isrc(1)
        issue_g(1)

        def body(i, _):
            j0 = NBUF * i
            for b in range(NBUF):
                j = j0 + b
                b2 = (b + 2) % NBUF
                b3 = (b + 3) % NBUF
                drain_g(b)
                drain_idst(b)
                issue_s(b)
                if b >= 2:
                    drain_s(b2)
                else:
                    @pl.when(i > 0)
                    def _():
                        drain_s(b2)

                @pl.when(j + 2 < NCH)
                def _():
                    drain_isrc(b2)
                    issue_g(b2)
                    issue_idst(j + 2, b2)

                @pl.when(j + 3 < NCH)
                def _():
                    issue_isrc(j + 3, b3)

            return 0

        lax.fori_loop(0, NFULL // NBUF, body, 0)

        if REM:
            drain_g(0)
            drain_idst(0)
            issue_s(0)
            drain_s((NCH - 3) % NBUF)
            drain_s((NCH - 2) % NBUF)
            drain_s((NCH - 1) % NBUF)
        else:
            drain_s((NCH - 2) % NBUF)
            drain_s((NCH - 1) % NBUF)
        plsc.subcore_barrier()

        pltpu.sync_copy(part_sh.at[pl.ds(s * rows_per, rows_per)],
                        out_hbm.at[c, pl.ds(s * rows_per, rows_per)])

    return agg


_agg128 = _make_agg(D_HID, CH1)
_agg64 = _make_agg(D_OUT, CH2, idx2d=True)


def _dinv_col(degp_blk):
    ones = jnp.ones((NW, 1), jnp.float32)
    degsum = lax.dot_general(degp_blk, ones, (((0,), (0,)), ((), ())),
                             preferred_element_type=jnp.float32) + 1.0
    return lax.rsqrt(degsum)


def _k2_body(degp_ref, x_ref, w1_ref, g1_ref):
    dinv = _dinv_col(degp_ref[...])
    h = jnp.dot(x_ref[...], w1_ref[...], preferred_element_type=jnp.float32)
    g1_ref[...] = h * dinv


def _prescale(degp, x, W1):
    return pl.pallas_call(
        _k2_body,
        grid=(GRID,),
        in_specs=[
            pl.BlockSpec((NW, R), lambda i: (0, i)),
            pl.BlockSpec((R, D_IN), lambda i: (i, 0)),
            pl.BlockSpec((D_IN, D_HID), lambda i: (0, 0)),
        ],
        out_specs=pl.BlockSpec((R, D_HID), lambda i: (i, 0)),
        out_shape=jax.ShapeDtypeStruct((NP, D_HID), jnp.float32),
    )(degp, x, W1)


def _k45_body(p0_ref, p1_ref, g1_ref, degp_ref, b1_ref, gamma_ref, beta_ref,
              w2_ref, g2_ref, out1_sc, sum_sc, sq_sc, ss_sc):
    i = pl.program_id(0)

    @pl.when(i < GRID)
    def _():
        dinv = _dinv_col(degp_ref[...])
        out1 = (dinv * (p0_ref[0] + p1_ref[0] + g1_ref[...])
                + b1_ref[...])
        out1_sc[pl.ds(i * R, R), :] = out1

        @pl.when(i == 0)
        def _():
            sum_sc[...] = jnp.zeros_like(sum_sc)
            sq_sc[...] = jnp.zeros_like(sq_sc)

        rows = lax.broadcasted_iota(jnp.int32, (R, 1), 0) + i * R
        out1m = jnp.where(rows < N, out1, 0.0)
        sum_sc[...] += jnp.sum(out1m, axis=0, keepdims=True)
        sq_sc[...] += jnp.sum(out1m * out1m, axis=0, keepdims=True)

        @pl.when(i == GRID - 1)
        def _():
            mean = sum_sc[...] / N
            var = sq_sc[...] / N - mean * mean
            scale = gamma_ref[...] * lax.rsqrt(var + 1e-5)
            shift = beta_ref[...] - mean * scale
            ss_sc[...] = jnp.concatenate([scale, shift], axis=0)

    @pl.when(i >= GRID)
    def _():
        k = i - GRID
        out1 = out1_sc[pl.ds(k * R, R), :]
        a = jax.nn.relu(out1 * ss_sc[0:1, :] + ss_sc[1:2, :])
        h2 = jnp.dot(a, w2_ref[...], preferred_element_type=jnp.float32)
        g2_ref[...] = h2 * _dinv_col(degp_ref[...])


def _bn_layer2(p0p1, g1, degp, b1, gamma, beta, W2):
    return pl.pallas_call(
        _k45_body,
        grid=(2 * GRID,),
        in_specs=[
            pl.BlockSpec((1, R, D_HID),
                         lambda i: (0, jnp.minimum(i, GRID - 1), 0)),
            pl.BlockSpec((1, R, D_HID),
                         lambda i: (1, jnp.minimum(i, GRID - 1), 0)),
            pl.BlockSpec((R, D_HID), lambda i: (jnp.minimum(i, GRID - 1), 0)),
            pl.BlockSpec((NW, R), lambda i: (0, i % GRID)),
            pl.BlockSpec((1, D_HID), lambda i: (0, 0)),
            pl.BlockSpec((1, D_HID), lambda i: (0, 0)),
            pl.BlockSpec((1, D_HID), lambda i: (0, 0)),
            pl.BlockSpec((D_HID, D_OUT), lambda i: (0, 0)),
        ],
        out_specs=pl.BlockSpec((R, D_OUT),
                               lambda i: (jnp.maximum(i - GRID, 0), 0)),
        out_shape=jax.ShapeDtypeStruct((NP, D_OUT), jnp.float32),
        scratch_shapes=[
            pltpu.VMEM((NP, D_HID), jnp.float32),
            pltpu.VMEM((1, D_HID), jnp.float32),
            pltpu.VMEM((1, D_HID), jnp.float32),
            pltpu.VMEM((2, D_HID), jnp.float32),
        ],
    )(p0p1, p0p1, g1, degp, b1, gamma, beta, W2)


def _k7_body(p0_ref, p1_ref, g2_ref, degp_ref, b2_ref, out_ref):
    dinv = _dinv_col(degp_ref[...])
    out_ref[...] = (dinv * (p0_ref[0] + p1_ref[0] + g2_ref[...])
                    + b2_ref[...])


def _final(parts, g2, degp, b2):
    return pl.pallas_call(
        _k7_body,
        grid=(GRID,),
        in_specs=[
            pl.BlockSpec((1, R, D_OUT), lambda i: (0, i, 0)),
            pl.BlockSpec((1, R, D_OUT), lambda i: (1, i, 0)),
            pl.BlockSpec((R, D_OUT), lambda i: (i, 0)),
            pl.BlockSpec((NW, R), lambda i: (0, i)),
            pl.BlockSpec((1, D_OUT), lambda i: (0, 0)),
        ],
        out_specs=pl.BlockSpec((R, D_OUT), lambda i: (i, 0)),
        out_shape=jax.ShapeDtypeStruct((NP, D_OUT), jnp.float32),
    )(parts, parts, g2, degp, b2)


def kernel(x, edge_index, W1, b1, gamma, beta, W2, b2):
    xp = jnp.pad(x, ((0, NP - N), (0, 0)))

    src = edge_index[0].astype(jnp.int32)
    dst = edge_index[1].astype(jnp.int32)
    degp = _deg_kernel(dst)
    g1 = _prescale(degp, xp, W1)
    parts1 = _agg128(g1, src, dst)
    g2 = _bn_layer2(parts1, g1, degp,
                    b1.reshape(1, D_HID), gamma.reshape(1, D_HID),
                    beta.reshape(1, D_HID), W2)
    src2 = src.reshape(NW * (E_T // CH2), CH2)
    dst2 = dst.reshape(NW * (E_T // CH2), CH2)
    parts2 = _agg64(g2, src2, dst2)
    return _final(parts2, g2, degp, b2.reshape(1, D_OUT))[:N]

# --- scband reference (transcript-rebuilt; emitter-appended) ---
"""Pipeline reference for scband-gcn-61830349193252 (READ-ONLY COPY).

The authoritative reference and input builder live on the scoring server;
editing this copy changes nothing except your own understanding.
"""

import jax, jax.numpy as jnp
import numpy as np

N_NODES = 10000
N_EDGES = 320000
D_IN = 128
D_HID = 128
D_OUT = 64


def setup_inputs(seed: int = 0) -> dict:
    key = jax.random.key(seed)
    ks = jax.random.split(key, 8)
    x = jax.random.normal(ks[0], (N_NODES, D_IN), dtype=jnp.float32)
    edge_index = jax.random.randint(ks[1], (2, N_EDGES), 0, N_NODES, dtype=jnp.int64)
    s1 = 1.0 / np.sqrt(D_IN)
    s2 = 1.0 / np.sqrt(D_HID)
    W1 = jax.random.uniform(ks[2], (D_IN, D_HID), minval=-s1, maxval=s1, dtype=jnp.float32)
    b1 = jnp.zeros((D_HID,), dtype=jnp.float32)
    gamma = jnp.ones((D_HID,), dtype=jnp.float32)
    beta = jnp.zeros((D_HID,), dtype=jnp.float32)
    W2 = jax.random.uniform(ks[3], (D_HID, D_OUT), minval=-s2, maxval=s2, dtype=jnp.float32)
    b2 = jnp.zeros((D_OUT,), dtype=jnp.float32)
    return {"x": x, "edge_index": edge_index, "W1": W1, "b1": b1, "gamma": gamma, "beta": beta, "W2": W2, "b2": b2}


def _gcn_conv(x, src, dst, W, b, n):
    # self-loops appended
    loop = jnp.arange(n, dtype=src.dtype)
    s = jnp.concatenate([src, loop])
    d = jnp.concatenate([dst, loop])
    deg = jnp.zeros((n,), dtype=x.dtype).at[d].add(1.0)
    dinv = jnp.where(deg > 0, jax.lax.rsqrt(deg), 0.0)
    norm = dinv[s] * dinv[d]
    h = x @ W
    msg = jnp.take(h, s, axis=0) * norm[:, None]
    out = jnp.zeros((n, W.shape[1]), dtype=x.dtype).at[d].add(msg)
    return out + b


def _batch_norm(x, gamma, beta, eps=1e-5):
    mean = jnp.mean(x, axis=0)
    var = jnp.var(x, axis=0)
    xh = (x - mean) * jax.lax.rsqrt(var + eps)
    return xh * gamma + beta


def reference(x, edge_index, W1, b1, gamma, beta, W2, b2):
    src, dst = edge_index[0], edge_index[1]
    h = _gcn_conv(x, src, dst, W1, b1, N_NODES)
    h = _batch_norm(h, gamma, beta)
    h = jax.nn.relu(h)
    # dropout is identity in eval mode
    out = _gcn_conv(h, src, dst, W2, b2, N_NODES)
    return out

if __name__ == "__main__":
    import jax
    _d = setup_inputs()
    print(jax.jit(kernel)(*tuple(_d.values())))

</pallas_src>

<mosaic_0001>
#map = affine_map<(d0, d1) -> (0)>
#map1 = affine_map<(d0, d1) -> (0, 0)>
module attributes {stable_mosaic.version = 14 : i64} {
  func.func @_deg_kernel(%arg0: i32, %arg1: i32, %arg2: memref<320000xi32, #tpu.memory_space<hbm>>, %arg3: memref<32x10240xf32, #tpu.memory_space<hbm>>, %arg4: memref<10000xi32, #tpu.memory_space<vmem>>, %arg5: memref<10240xf32, #tpu.memory_space<vmem>>) attributes {dimension_semantics = [#tpu.dimension_semantics<core_parallel>, #tpu.dimension_semantics<subcore_parallel>], iteration_bounds = array<i64: 2, 16>, scalar_prefetch = 0 : i64, scratch_operands = 2 : i64, tpu.core_type = #tpu.core_type<sc_vector_subcore>, window_params = [{transform_indices = #map}, {transform_indices = #map1}]} {
    %mul3A = arith.constant 16 : i32
    %mul3A_0 = arith.muli %arg0, %mul3A : i32
    %add3A = arith.addi %mul3A_0, %arg1 : i32
    %mul3A_1 = arith.constant 10000 : i32
    %mul3A_2 = arith.muli %add3A, %mul3A_1 : i32
    "tpu.region"() ({
      %run_scoped3A = tpu.sem_alloc : memref<!tpu.dma_semaphore, #tpu.memory_space<semaphore_mem>>
      %dma_start3A = tpu.memref_slice %arg2[%mul3A_2] : memref<320000xi32, #tpu.memory_space<hbm>> -> memref<10000xi32, #tpu.memory_space<hbm>>
      %dma_start3A_25 = tpu.memref_slice %arg2[%mul3A_2] : memref<320000xi32, #tpu.memory_space<hbm>> -> memref<10000xi32, #tpu.memory_space<hbm>>
      tpu.enqueue_dma source(%dma_start3A_25 : memref<10000xi32, #tpu.memory_space<hbm>>) target(%arg4 : memref<10000xi32, #tpu.memory_space<vmem>>) target_semaphore(%run_scoped3A : memref<!tpu.dma_semaphore, #tpu.memory_space<semaphore_mem>>)
      %dma_wait3A = tpu.memref_slice %arg2[%mul3A_2] : memref<320000xi32, #tpu.memory_space<hbm>> -> memref<10000xi32, #tpu.memory_space<hbm>>
      %dma_wait3A_26 = tpu.memref_slice %arg2[%mul3A_2] : memref<320000xi32, #tpu.memory_space<hbm>> -> memref<10000xi32, #tpu.memory_space<hbm>>
      tpu.wait_dma2 semaphore(%run_scoped3A : memref<!tpu.dma_semaphore, #tpu.memory_space<semaphore_mem>>) src(%dma_wait3A_26 : memref<10000xi32, #tpu.memory_space<hbm>>) dst(%arg4 : memref<10000xi32, #tpu.memory_space<vmem>>)
      tpu.yield
    }) : () -> ()
    %broadcast_in_dim3A = arith.constant 0.000000e+00 : f32
    %broadcast_in_dim3A_3 = vector.broadcast %broadcast_in_dim3A : f32 to vector<16xf32>
    %scan3A = arith.constant 0 : i32
    %scan3A_4 = arith.constant 0 : i32
    %scan3A_5 = arith.constant 640 : i32
    %scan3A_6 = arith.addi %scan3A_4, %scan3A_5 : i32
    %scan3A_7 = arith.constant 4 : i32
    %scan3A_8 = scf.for %scan3A_25 = %scan3A_4 to %scan3A_6 step %scan3A_7 iter_args(%scan3A_26 = %scan3A) -> (i32)  : i32 {
      %mul3A_27 = arith.constant 16 : i32
      %mul3A_28 = arith.muli %scan3A_25, %mul3A_27 : i32
      %swap3A = arith.index_cast %mul3A_28 : i32 to index
      %swap3A_29 = tpu.vector_load %arg5[%swap3A] {strides = array<i32>} : memref<10240xf32, #tpu.memory_space<vmem>>, vector<16xf32>,
      tpu.vector_store %arg5[%swap3A], %broadcast_in_dim3A_3 {strides = array<i32>} : memref<10240xf32, #tpu.memory_space<vmem>>, vector<16xf32>,
      %scan3A_30 = arith.constant 0 : i32
      %scan3A_31 = arith.constant 1 : i32
      %scan3A_32 = arith.addi %scan3A_25, %scan3A_31 : i32
      %mul3A_33 = arith.constant 16 : i32
      %mul3A_34 = arith.muli %scan3A_32, %mul3A_33 : i32
      %swap3A_35 = arith.index_cast %mul3A_34 : i32 to index
      %swap3A_36 = tpu.vector_load %arg5[%swap3A_35] {strides = array<i32>} : memref<10240xf32, #tpu.memory_space<vmem>>, vector<16xf32>,
      tpu.vector_store %arg5[%swap3A_35], %broadcast_in_dim3A_3 {strides = array<i32>} : memref<10240xf32, #tpu.memory_space<vmem>>, vector<16xf32>,
      %scan3A_37 = arith.constant 0 : i32
      %scan3A_38 = arith.constant 2 : i32
      %scan3A_39 = arith.addi %scan3A_25, %scan3A_38 : i32
      %mul3A_40 = arith.constant 16 : i32
      %mul3A_41 = arith.muli %scan3A_39, %mul3A_40 : i32
      %swap3A_42 = arith.index_cast %mul3A_41 : i32 to index
      %swap3A_43 = tpu.vector_load %arg5[%swap3A_42] {strides = array<i32>} : memref<10240xf32, #tpu.memory_space<vmem>>, vector<16xf32>,
      tpu.vector_store %arg5[%swap3A_42], %broadcast_in_dim3A_3 {strides = array<i32>} : memref<10240xf32, #tpu.memory_space<vmem>>, vector<16xf32>,
      %scan3A_44 = arith.constant 0 : i32
      %scan3A_45 = arith.constant 3 : i32
      %scan3A_46 = arith.addi %scan3A_25, %scan3A_45 : i32
      %mul3A_47 = arith.constant 16 : i32
      %mul3A_48 = arith.muli %scan3A_46, %mul3A_47 : i32
      %swap3A_49 = arith.index_cast %mul3A_48 : i32 to index
      %swap3A_50 = tpu.vector_load %arg5[%swap3A_49] {strides = array<i32>} : memref<10240xf32, #tpu.memory_space<vmem>>, vector<16xf32>,
      tpu.vector_store %arg5[%swap3A_49], %broadcast_in_dim3A_3 {strides = array<i32>} : memref<10240xf32, #tpu.memory_space<vmem>>, vector<16xf32>,
      %scan3A_51 = arith.constant 0 : i32
      scf.yield %scan3A_51 : i32
    }
    %scan3A_9 = arith.constant 640 : i32
    %broadcast_in_dim3A_10 = arith.constant 1.000000e+00 : f32
    %broadcast_in_dim3A_11 = vector.broadcast %broadcast_in_dim3A_10 : f32 to vector<16xf32>
    %scan3A_12 = arith.constant 0 : i32
    %scan3A_13 = arith.constant 0 : i32
    %scan3A_14 = arith.constant 624 : i32
    %scan3A_15 = arith.addi %scan3A_13, %scan3A_14 : i32
    %scan3A_16 = arith.constant 4 : i32
    %scan3A_17 = scf.for %scan3A_25 = %scan3A_13 to %scan3A_15 step %scan3A_16 iter_args(%scan3A_26 = %scan3A_12) -> (i32)  : i32 {
      %mul3A_27 = arith.constant 16 : i32
      %mul3A_28 = arith.muli %scan3A_25, %mul3A_27 : i32
      %get3A_29 = arith.index_cast %mul3A_28 : i32 to index
      %get3A_30 = tpu.vector_load %arg4[%get3A_29] {strides = array<i32>} : memref<10000xi32, #tpu.memory_space<vmem>>, vector<16xi32>,
      tpu.vector_store_idx %arg5[%get3A_30], %broadcast_in_dim3A_11 {add = true} : memref<10240xf32, #tpu.memory_space<vmem>>[vector<16xi32>], vector<16xf32>,
      %scan3A_31 = arith.constant 0 : i32
      %scan3A_32 = arith.constant 1 : i32
      %scan3A_33 = arith.addi %scan3A_25, %scan3A_32 : i32
      %mul3A_34 = arith.constant 16 : i32
      %mul3A_35 = arith.muli %scan3A_33, %mul3A_34 : i32
      %get3A_36 = arith.index_cast %mul3A_35 : i32 to index
      %get3A_37 = tpu.vector_load %arg4[%get3A_36] {strides = array<i32>} : memref<10000xi32, #tpu.memory_space<vmem>>, vector<16xi32>,
      tpu.vector_store_idx %arg5[%get3A_37], %broadcast_in_dim3A_11 {add = true} : memref<10240xf32, #tpu.memory_space<vmem>>[vector<16xi32>], vector<16xf32>,
      %scan3A_38 = arith.constant 0 : i32
      %scan3A_39 = arith.constant 2 : i32
      %scan3A_40 = arith.addi %scan3A_25, %scan3A_39 : i32
      %mul3A_41 = arith.constant 16 : i32
      %mul3A_42 = arith.muli %scan3A_40, %mul3A_41 : i32
      %get3A_43 = arith.index_cast %mul3A_42 : i32 to index
      %get3A_44 = tpu.vector_load %arg4[%get3A_43] {strides = array<i32>} : memref<10000xi32, #tpu.memory_space<vmem>>, vector<16xi32>,
      tpu.vector_store_idx %arg5[%get3A_44], %broadcast_in_dim3A_11 {add = true} : memref<10240xf32, #tpu.memory_space<vmem>>[vector<16xi32>], vector<16xf32>,
      %scan3A_45 = arith.constant 0 : i32
      %scan3A_46 = arith.constant 3 : i32
      %scan3A_47 = arith.addi %scan3A_25, %scan3A_46 : i32
      %mul3A_48 = arith.constant 16 : i32
      %mul3A_49 = arith.muli %scan3A_47, %mul3A_48 : i32
      %get3A_50 = arith.index_cast %mul3A_49 : i32 to index
      %get3A_51 = tpu.vector_load %arg4[%get3A_50] {strides = array<i32>} : memref<10000xi32, #tpu.memory_space<vmem>>, vector<16xi32>,
      tpu.vector_store_idx %arg5[%get3A_51], %broadcast_in_dim3A_11 {add = true} : memref<10240xf32, #tpu.memory_space<vmem>>[vector<16xi32>], vector<16xf32>,
      %scan3A_52 = arith.constant 0 : i32
      scf.yield %scan3A_52 : i32
    }
    %scan3A_18 = arith.constant 624 : i32
    %scan3A_19 = arith.addi %scan3A_13, %scan3A_18 : i32
    %mul3A_20 = arith.constant 16 : i32
    %mul3A_21 = arith.muli %scan3A_19, %mul3A_20 : i32
    %get3A = arith.index_cast %mul3A_21 : i32 to index
    %get3A_22 = tpu.vector_load %arg4[%get3A] {strides = array<i32>} : memref<10000xi32, #tpu.memory_space<vmem>>, vector<16xi32>,
    tpu.vector_store_idx %arg5[%get3A_22], %broadcast_in_dim3A_11 {add = true} : memref<10240xf32, #tpu.memory_space<vmem>>[vector<16xi32>], vector<16xf32>,
    %scan3A_23 = arith.constant 0 : i32
    %scan3A_24 = arith.constant 625 : i32
    "tpu.region"() ({
      %run_scoped3A = tpu.sem_alloc : memref<!tpu.dma_semaphore, #tpu.memory_space<semaphore_mem>>
      %dma_start3A = arith.constant 0 : i32
      %dma_start3A_25 = tpu.memref_slice %arg3[%add3A, %dma_start3A] : memref<32x10240xf32, #tpu.memory_space<hbm>> -> memref<1x10240xf32, #tpu.memory_space<hbm>>
      %dma_start3A_26 = tpu.memref_squeeze %dma_start3A_25 : memref<1x10240xf32, #tpu.memory_space<hbm>> -> memref<10240xf32, #tpu.memory_space<hbm>>
      %dma_start3A_27 = arith.constant 0 : i32
      %dma_start3A_28 = tpu.memref_slice %arg3[%add3A, %dma_start3A_27] : memref<32x10240xf32, #tpu.memory_space<hbm>> -> memref<1x10240xf32, #tpu.memory_space<hbm>>
      %dma_start3A_29 = tpu.memref_squeeze %dma_start3A_28 : memref<1x10240xf32, #tpu.memory_space<hbm>> -> memref<10240xf32, #tpu.memory_space<hbm>>
      tpu.enqueue_dma source(%arg5 : memref<10240xf32, #tpu.memory_space<vmem>>) target(%dma_start3A_29 : memref<10240xf32, #tpu.memory_space<hbm>>) target_semaphore(%run_scoped3A : memref<!tpu.dma_semaphore, #tpu.memory_space<semaphore_mem>>)
      %dma_wait3A = arith.constant 0 : i32
      %dma_wait3A_30 = tpu.memref_slice %arg3[%add3A, %dma_wait3A] : memref<32x10240xf32, #tpu.memory_space<hbm>> -> memref<1x10240xf32, #tpu.memory_space<hbm>>
      %dma_wait3A_31 = tpu.memref_squeeze %dma_wait3A_30 : memref<1x10240xf32, #tpu.memory_space<hbm>> -> memref<10240xf32, #tpu.memory_space<hbm>>
      %dma_wait3A_32 = arith.constant 0 : i32
      %dma_wait3A_33 = tpu.memref_slice %arg3[%add3A, %dma_wait3A_32] : memref<32x10240xf32, #tpu.memory_space<hbm>> -> memref<1x10240xf32, #tpu.memory_space<hbm>>
      %dma_wait3A_34 = tpu.memref_squeeze %dma_wait3A_33 : memref<1x10240xf32, #tpu.memory_space<hbm>> -> memref<10240xf32, #tpu.memory_space<hbm>>
      tpu.wait_dma2 semaphore(%run_scoped3A : memref<!tpu.dma_semaphore, #tpu.memory_space<semaphore_mem>>) src(%arg5 : memref<10240xf32, #tpu.memory_space<vmem>>) dst(%dma_wait3A_34 : memref<10240xf32, #tpu.memory_space<hbm>>)
      tpu.yield
    }) : () -> ()
    return
  }
}

#map = affine_map<(d0, d1) -> (0, 0)>
#map1 = affine_map<(d0, d1) -> (0, 0, 0)>
module attributes {stable_mosaic.version = 14 : i64} {
  func.func @agg(%arg0: i32, %arg1: i32, %arg2: memref<10240x64xf32, #tpu.memory_space<hbm>>, %arg3: memref<2560x125xi32, #tpu.memory_space<hbm>>, %arg4: memref<2560x125xi32, #tpu.memory_space<hbm>>, %arg5: memref<2x10240x64xf32, #tpu.memory_space<hbm>>, %arg6: memref<4x125xi32, #tpu.memory_space<vmem>>, %arg7: memref<4x125xi32, #tpu.memory_space<vmem>>, %arg8: memref<4x125x64xf32, #tpu.memory_space<vmem>>, %arg9: memref<10240x64xf32, #tpu.memory_space<vmem_shared>>, %arg10: memref<!tpu.dma_semaphore, #tpu.memory_space<semaphore_mem>>, %arg11: memref<!tpu.dma_semaphore, #tpu.memory_space<semaphore_mem>>, %arg12: memref<!tpu.dma_semaphore, #tpu.memory_space<semaphore_mem>>, %arg13: memref<!tpu.dma_semaphore, #tpu.memory_space<semaphore_mem>>, %arg14: memref<!tpu.dma_semaphore, #tpu.memory_space<semaphore_mem>>, %arg15: memref<!tpu.dma_semaphore, #tpu.memory_space<semaphore_mem>>, %arg16: memref<!tpu.dma_semaphore, #tpu.memory_space<semaphore_mem>>, %arg17: memref<!tpu.dma_semaphore, #tpu.memory_space<semaphore_mem>>, %arg18: memref<!tpu.dma_semaphore, #tpu.memory_space<semaphore_mem>>, %arg19: memref<!tpu.dma_semaphore, #tpu.memory_space<semaphore_mem>>, %arg20: memref<!tpu.dma_semaphore, #tpu.memory_space<semaphore_mem>>, %arg21: memref<!tpu.dma_semaphore, #tpu.memory_space<semaphore_mem>>, %arg22: memref<!tpu.dma_semaphore, #tpu.memory_space<semaphore_mem>>, %arg23: memref<!tpu.dma_semaphore, #tpu.memory_space<semaphore_mem>>, %arg24: memref<!tpu.dma_semaphore, #tpu.memory_space<semaphore_mem>>, %arg25: memref<!tpu.dma_semaphore, #tpu.memory_space<semaphore_mem>>, %arg26: memref<!tpu.dma_semaphore, #tpu.memory_space<semaphore_mem>>) attributes {dimension_semantics = [#tpu.dimension_semantics<core_parallel>, #tpu.dimension_semantics<subcore_parallel>], iteration_bounds = array<i64: 2, 16>, scalar_prefetch = 0 : i64, scratch_operands = 21 : i64, tpu.core_type = #tpu.core_type<sc_vector_subcore>, window_params = [{transform_indices = #map}, {transform_indices = #map}, {transform_indices = #map}, {transform_indices = #map1}]} {
    %mul3A = arith.constant 16 : i32
    %mul3A_0 = arith.muli %arg0, %mul3A : i32
    %add3A = arith.addi %mul3A_0, %arg1 : i32
    %mul3A_1 = arith.constant 80 : i32
    %mul3A_2 = arith.muli %add3A, %mul3A_1 : i32
    %add3A_3 = arith.constant 0 : i32
    %add3A_4 = arith.addi %mul3A_2, %add3A_3 : i32
    %dma_start3A = arith.constant 0 : i32
    %dma_start3A_5 = arith.constant 0 : i32
    %dma_start3A_6 = tpu.memref_slice %arg6[%dma_start3A, %dma_start3A_5] : memref<4x125xi32, #tpu.memory_space<vmem>> -> memref<1x125xi32, #tpu.memory_space<vmem>>
    %dma_start3A_7 = tpu.memref_squeeze %dma_start3A_6 : memref<1x125xi32, #tpu.memory_space<vmem>> -> memref<125xi32, #tpu.memory_space<vmem>>
    %dma_start3A_8 = arith.constant 0 : i32
    %dma_start3A_9 = tpu.memref_slice %arg3[%add3A_4, %dma_start3A_8] : memref<2560x125xi32, #tpu.memory_space<hbm>> -> memref<1x125xi32, #tpu.memory_space<hbm>>
    %dma_start3A_10 = tpu.memref_squeeze %dma_start3A_9 : memref<1x125xi32, #tpu.memory_space<hbm>> -> memref<125xi32, #tpu.memory_space<hbm>>
    %dma_start3A_11 = arith.constant 0 : i32
    %dma_start3A_12 = tpu.memref_slice %arg6[%dma_start3A, %dma_start3A_11] : memref<4x125xi32, #tpu.memory_space<vmem>> -> memref<1x125xi32, #tpu.memory_space<vmem>>
    %dma_start3A_13 = tpu.memref_squeeze %dma_start3A_12 : memref<1x125xi32, #tpu.memory_space<vmem>> -> memref<125xi32, #tpu.memory_space<vmem>>
    %dma_start3A_14 = arith.constant 0 : i32
    %dma_start3A_15 = tpu.memref_slice %arg3[%add3A_4, %dma_start3A_14] : memref<2560x125xi32, #tpu.memory_space<hbm>> -> memref<1x125xi32, #tpu.memory_space<hbm>>
    %dma_start3A_16 = tpu.memref_squeeze %dma_start3A_15 : memref<1x125xi32, #tpu.memory_space<hbm>> -> memref<125xi32, #tpu.memory_space<hbm>>
    tpu.enqueue_dma source(%dma_start3A_16 : memref<125xi32, #tpu.memory_space<hbm>>) target(%dma_start3A_13 : memref<125xi32, #tpu.memory_space<vmem>>) target_semaphore(%arg18 : memref<!tpu.dma_semaphore, #tpu.memory_space<semaphore_mem>>)
    %add3A_17 = arith.constant 1 : i32
    %add3A_18 = arith.addi %mul3A_2, %add3A_17 : i32
    %dma_start3A_19 = arith.constant 1 : i32
    %dma_start3A_20 = arith.constant 0 : i32
    %dma_start3A_21 = tpu.memref_slice %arg6[%dma_start3A_19, %dma_start3A_20] : memref<4x125xi32, #tpu.memory_space<vmem>> -> memref<1x125xi32, #tpu.memory_space<vmem>>
    %dma_start3A_22 = tpu.memref_squeeze %dma_start3A_21 : memref<1x125xi32, #tpu.memory_space<vmem>> -> memref<125xi32, #tpu.memory_space<vmem>>
    %dma_start3A_23 = arith.constant 0 : i32
    %dma_start3A_24 = tpu.memref_slice %arg3[%add3A_18, %dma_start3A_23] : memref<2560x125xi32, #tpu.memory_space<hbm>> -> memref<1x125xi32, #tpu.memory_space<hbm>>
    %dma_start3A_25 = tpu.memref_squeeze %dma_start3A_24 : memref<1x125xi32, #tpu.memory_space<hbm>> -> memref<125xi32, #tpu.memory_space<hbm>>
    %dma_start3A_26 = arith.constant 0 : i32
    %dma_start3A_27 = tpu.memref_slice %arg6[%dma_start3A_19, %dma_start3A_26] : memref<4x125xi32, #tpu.memory_space<vmem>> -> memref<1x125xi32, #tpu.memory_space<vmem>>
    %dma_start3A_28 = tpu.memref_squeeze %dma_start3A_27 : memref<1x125xi32, #tpu.memory_space<vmem>> -> memref<125xi32, #tpu.memory_space<vmem>>
    %dma_start3A_29 = arith.constant 0 : i32
    %dma_start3A_30 = tpu.memref_slice %arg3[%add3A_18, %dma_start3A_29] : memref<2560x125xi32, #tpu.memory_space<hbm>> -> memref<1x125xi32, #tpu.memory_space<hbm>>
    %dma_start3A_31 = tpu.memref_squeeze %dma_start3A_30 : memref<1x125xi32, #tpu.memory_space<hbm>> -> memref<125xi32, #tpu.memory_space<hbm>>
    tpu.enqueue_dma source(%dma_start3A_31 : memref<125xi32, #tpu.memory_space<hbm>>) target(%dma_start3A_28 : memref<125xi32, #tpu.memory_space<vmem>>) target_semaphore(%arg19 : memref<!tpu.dma_semaphore, #tpu.memory_space<semaphore_mem>>)
    %add3A_32 = arith.constant 2 : i32
    %add3A_33 = arith.addi %mul3A_2, %add3A_32 : i32
    %dma_start3A_34 = arith.constant 2 : i32
    %dma_start3A_35 = arith.constant 0 : i32
    %dma_start3A_36 = tpu.memref_slice %arg6[%dma_start3A_34, %dma_start3A_35] : memref<4x125xi32, #tpu.memory_space<vmem>> -> memref<1x125xi32, #tpu.memory_space<vmem>>
    %dma_start3A_37 = tpu.memref_squeeze %dma_start3A_36 : memref<1x125xi32, #tpu.memory_space<vmem>> -> memref<125xi32, #tpu.memory_space<vmem>>
    %dma_start3A_38 = arith.constant 0 : i32
    %dma_start3A_39 = tpu.memref_slice %arg3[%add3A_33, %dma_start3A_38] : memref<2560x125xi32, #tpu.memory_space<hbm>> -> memref<1x125xi32, #tpu.memory_space<hbm>>
    %dma_start3A_40 = tpu.memref_squeeze %dma_start3A_39 : memref<1x125xi32, #tpu.memory_space<hbm>> -> memref<125xi32, #tpu.memory_space<hbm>>
    %dma_start3A_41 = arith.constant 0 : i32
    %dma_start3A_42 = tpu.memref_slice %arg6[%dma_start3A_34, %dma_start3A_41] : memref<4x125xi32, #tpu.memory_space<vmem>> -> memref<1x125xi32, #tpu.memory_space<vmem>>
    %dma_start3A_43 = tpu.memref_squeeze %dma_start3A_42 : memref<1x125xi32, #tpu.memory_space<vmem>> -> memref<125xi32, #tpu.memory_space<vmem>>
    %dma_start3A_44 = arith.constant 0 : i32
    %dma_start3A_45 = tpu.memref_slice %arg3[%add3A_33, %dma_start3A_44] : memref<2560x125xi32, #tpu.memory_space<hbm>> -> memref<1x125xi32, #tpu.memory_space<hbm>>
    %dma_start3A_46 = tpu.memref_squeeze %dma_start3A_45 : memref<1x125xi32, #tpu.memory_space<hbm>> -> memref<125xi32, #tpu.memory_space<hbm>>
    tpu.enqueue_dma source(%dma_start3A_46 : memref<125xi32, #tpu.memory_space<hbm>>) target(%dma_start3A_43 : memref<125xi32, #tpu.memory_space<vmem>>) target_semaphore(%arg20 : memref<!tpu.dma_semaphore, #tpu.memory_space<semaphore_mem>>)
    %add3A_47 = arith.constant 0 : i32
    %add3A_48 = arith.addi %mul3A_2, %add3A_47 : i32
    %dma_start3A_49 = arith.constant 0 : i32
    %dma_start3A_50 = arith.constant 0 : i32
    %dma_start3A_51 = tpu.memref_slice %arg7[%dma_start3A_49, %dma_start3A_50] : memref<4x125xi32, #tpu.memory_space<vmem>> -> memref<1x125xi32, #tpu.memory_space<vmem>>
    %dma_start3A_52 = tpu.memref_squeeze %dma_start3A_51 : memref<1x125xi32, #tpu.memory_space<vmem>> -> memref<125xi32, #tpu.memory_space<vmem>>
    %dma_start3A_53 = arith.constant 0 : i32
    %dma_start3A_54 = tpu.memref_slice %arg4[%add3A_48, %dma_start3A_53] : memref<2560x125xi32, #tpu.memory_space<hbm>> -> memref<1x125xi32, #tpu.memory_space<hbm>>
    %dma_start3A_55 = tpu.memref_squeeze %dma_start3A_54 : memref<1x125xi32, #tpu.memory_space<hbm>> -> memref<125xi32, #tpu.memory_space<hbm>>
    %dma_start3A_56 = arith.constant 0 : i32
    %dma_start3A_57 = tpu.memref_slice %arg7[%dma_start3A_49, %dma_start3A_56] : memref<4x125xi32, #tpu.memory_space<vmem>> -> memref<1x125xi32, #tpu.memory_space<vmem>>
    %dma_start3A_58 = tpu.memref_squeeze %dma_start3A_57 : memref<1x125xi32, #tpu.memory_space<vmem>> -> memref<125xi32, #tpu.memory_space<vmem>>
    %dma_start3A_59 = arith.constant 0 : i32
    %dma_start3A_60 = tpu.memref_slice %arg4[%add3A_48, %dma_start3A_59] : memref<2560x125xi32, #tpu.memory_space<hbm>> -> memref<1x125xi32, #tpu.memory_space<hbm>>
    %dma_start3A_61 = tpu.memref_squeeze %dma_start3A_60 : memref<1x125xi32, #tpu.memory_space<hbm>> -> memref<125xi32, #tpu.memory_space<hbm>>
    tpu.enqueue_dma source(%dma_start3A_61 : memref<125xi32, #tpu.memory_space<hbm>>) target(%dma_start3A_58 : memref<125xi32, #tpu.memory_space<vmem>>) target_semaphore(%arg22 : memref<!tpu.dma_semaphore, #tpu.memory_space<semaphore_mem>>)
    %add3A_62 = arith.constant 1 : i32
    %add3A_63 = arith.addi %mul3A_2, %add3A_62 : i32
    %dma_start3A_64 = arith.constant 1 : i32
    %dma_start3A_65 = arith.constant 0 : i32
    %dma_start3A_66 = tpu.memref_slice %arg7[%dma_start3A_64, %dma_start3A_65] : memref<4x125xi32, #tpu.memory_space<vmem>> -> memref<1x125xi32, #tpu.memory_space<vmem>>
    %dma_start3A_67 = tpu.memref_squeeze %dma_start3A_66 : memref<1x125xi32, #tpu.memory_space<vmem>> -> memref<125xi32, #tpu.memory_space<vmem>>
    %dma_start3A_68 = arith.constant 0 : i32
    %dma_start3A_69 = tpu.memref_slice %arg4[%add3A_63, %dma_start3A_68] : memref<2560x125xi32, #tpu.memory_space<hbm>> -> memref<1x125xi32, #tpu.memory_space<hbm>>
    %dma_start3A_70 = tpu.memref_squeeze %dma_start3A_69 : memref<1x125xi32, #tpu.memory_space<hbm>> -> memref<125xi32, #tpu.memory_space<hbm>>
    %dma_start3A_71 = arith.constant 0 : i32
    %dma_start3A_72 = tpu.memref_slice %arg7[%dma_start3A_64, %dma_start3A_71] : memref<4x125xi32, #tpu.memory_space<vmem>> -> memref<1x125xi32, #tpu.memory_space<vmem>>
    %dma_start3A_73 = tpu.memref_squeeze %dma_start3A_72 : memref<1x125xi32, #tpu.memory_space<vmem>> -> memref<125xi32, #tpu.memory_space<vmem>>
    %dma_start3A_74 = arith.constant 0 : i32
    %dma_start3A_75 = tpu.memref_slice %arg4[%add3A_63, %dma_start3A_74] : memref<2560x125xi32, #tpu.memory_space<hbm>> -> memref<1x125xi32, #tpu.memory_space<hbm>>
    %dma_start3A_76 = tpu.memref_squeeze %dma_start3A_75 : memref<1x125xi32, #tpu.memory_space<hbm>> -> memref<125xi32, #tpu.memory_space<hbm>>
    tpu.enqueue_dma source(%dma_start3A_76 : memref<125xi32, #tpu.memory_space<hbm>>) target(%dma_start3A_73 : memref<125xi32, #tpu.memory_space<vmem>>) target_semaphore(%arg23 : memref<!tpu.dma_semaphore, #tpu.memory_space<semaphore_mem>>)
    %broadcast_in_dim3A = arith.constant 0.000000e+00 : f32
    %broadcast_in_dim3A_77 = vector.broadcast %broadcast_in_dim3A : f32 to vector<16xf32>
    %scan3A = arith.constant 0 : i32
    %scan3A_78 = arith.constant 0 : i32
    %scan3A_79 = arith.constant 320 : i32
    %scan3A_80 = arith.addi %scan3A_78, %scan3A_79 : i32
    %scan3A_81 = arith.constant 4 : i32
    %scan3A_82 = scf.for %scan3A_427 = %scan3A_78 to %scan3A_80 step %scan3A_81 iter_args(%scan3A_428 = %scan3A) -> (i32)  : i32 {
      %jit3A = arith.constant 4 : i32
      %div3A = arith.divsi %scan3A_427, %jit3A : i32
      %sign3A = arith.constant 0 : i32
      %sign3A_429 = arith.cmpi sgt, %scan3A_427, %sign3A : i32
      %sign3A_430 = arith.extui %sign3A_429 : i1 to i32
      %sign3A_431 = arith.constant 0 : i32
      %sign3A_432 = arith.cmpi slt, %scan3A_427, %sign3A_431 : i32
      %sign3A_433 = arith.extui %sign3A_432 : i1 to i32
      %sign3A_434 = arith.subi %sign3A_430, %sign3A_433 : i32
      %sign3A_435 = arith.constant 0 : i32
      %sign3A_436 = arith.cmpi sgt, %jit3A, %sign3A_435 : i32
      %sign3A_437 = arith.extui %sign3A_436 : i1 to i32
      %sign3A_438 = arith.constant 0 : i32
      %sign3A_439 = arith.cmpi slt, %jit3A, %sign3A_438 : i32
      %sign3A_440 = arith.extui %sign3A_439 : i1 to i32
      %sign3A_441 = arith.subi %sign3A_437, %sign3A_440 : i32
      %ne3A = arith.cmpi ne, %sign3A_434, %sign3A_441 : i32
      %rem3A = arith.remsi %scan3A_427, %jit3A : i32
      %ne3A_442 = arith.constant 0 : i32
      %ne3A_443 = arith.cmpi ne, %rem3A, %ne3A_442 : i32
      %and3A = arith.andi %ne3A, %ne3A_443 : i1
      %sub3A = arith.constant 1 : i32
      %sub3A_444 = arith.subi %div3A, %sub3A : i32
      %select_n3A = arith.select %and3A, %sub3A_444, %div3A : i32
      %jit3A_445 = arith.constant 4 : i32
      %eq3A = arith.constant 0 : i32
      %eq3A_446 = arith.cmpi eq, %jit3A_445, %eq3A : i32
      %jit3A_447 = arith.constant 1 : i32
      %select_n3A_448 = arith.select %eq3A_446, %jit3A_447, %jit3A_445 : i32
      %rem3A_449 = arith.remsi %scan3A_427, %select_n3A_448 : i32
      %ne3A_450 = arith.constant 0 : i32
      %ne3A_451 = arith.cmpi ne, %rem3A_449, %ne3A_450 : i32
      %lt3A = arith.constant 0 : i32
      %lt3A_452 = arith.cmpi slt, %rem3A_449, %lt3A : i32
      %lt3A_453 = arith.constant 0 : i32
      %lt3A_454 = arith.cmpi slt, %select_n3A_448, %lt3A_453 : i32
      %ne3A_455 = arith.xori %lt3A_452, %lt3A_454 : i1
      %and3A_456 = arith.andi %ne3A_455, %ne3A_451 : i1
      %add3A_457 = arith.addi %rem3A_449, %select_n3A_448 : i32
      %select_n3A_458 = arith.select %and3A_456, %add3A_457, %rem3A_449 : i32
      %mul3A_459 = arith.constant 16 : i32
      %mul3A_460 = arith.muli %select_n3A_458, %mul3A_459 : i32
      %swap3A = arith.constant 0 : i32
      %swap3A_461 = arith.index_cast %swap3A : i32 to index
      %swap3A_462 = arith.index_cast %select_n3A : i32 to index
      %swap3A_463 = arith.index_cast %mul3A_460 : i32 to index
      %swap3A_464 = tpu.vector_load %arg8[%swap3A_461, %swap3A_462, %swap3A_463] {strides = array<i32>} : memref<4x125x64xf32, #tpu.memory_space<vmem>>, vector<1x1x16xf32>,
      %swap3A_465 = vector.shape_cast %swap3A_464 : vector<1x1x16xf32> to vector<16xf32>
      %swap3A_466 = vector.shape_cast %broadcast_in_dim3A_77 : vector<16xf32> to vector<1x1x16xf32>
      tpu.vector_store %arg8[%swap3A_461, %swap3A_462, %swap3A_463], %swap3A_466 {strides = array<i32>} : memref<4x125x64xf32, #tpu.memory_space<vmem>>, vector<1x1x16xf32>,
      %scan3A_467 = arith.constant 0 : i32
      %scan3A_468 = arith.constant 1 : i32
      %scan3A_469 = arith.addi %scan3A_427, %scan3A_468 : i32
      %jit3A_470 = arith.constant 4 : i32
      %div3A_471 = arith.divsi %scan3A_469, %jit3A_470 : i32
      %sign3A_472 = arith.constant 0 : i32
      %sign3A_473 = arith.cmpi sgt, %scan3A_469, %sign3A_472 : i32
      %sign3A_474 = arith.extui %sign3A_473 : i1 to i32
      %sign3A_475 = arith.constant 0 : i32
      %sign3A_476 = arith.cmpi slt, %scan3A_469, %sign3A_475 : i32
      %sign3A_477 = arith.extui %sign3A_476 : i1 to i32
      %sign3A_478 = arith.subi %sign3A_474, %sign3A_477 : i32
      %sign3A_479 = arith.constant 0 : i32
      %sign3A_480 = arith.cmpi sgt, %jit3A_470, %sign3A_479 : i32
      %sign3A_481 = arith.extui %sign3A_480 : i1 to i32
      %sign3A_482 = arith.constant 0 : i32
      %sign3A_483 = arith.cmpi slt, %jit3A_470, %sign3A_482 : i32
      %sign3A_484 = arith.extui %sign3A_483 : i1 to i32
      %sign3A_485 = arith.subi %sign3A_481, %sign3A_484 : i32
      %ne3A_486 = arith.cmpi ne, %sign3A_478, %sign3A_485 : i32
      %rem3A_487 = arith.remsi %scan3A_469, %jit3A_470 : i32
      %ne3A_488 = arith.constant 0 : i32
      %ne3A_489 = arith.cmpi ne, %rem3A_487, %ne3A_488 : i32
      %and3A_490 = arith.andi %ne3A_486, %ne3A_489 : i1
      %sub3A_491 = arith.constant 1 : i32
      %sub3A_492 = arith.subi %div3A_471, %sub3A_491 : i32
      %select_n3A_493 = arith.select %and3A_490, %sub3A_492, %div3A_471 : i32
      %jit3A_494 = arith.constant 4 : i32
      %eq3A_495 = arith.constant 0 : i32
      %eq3A_496 = arith.cmpi eq, %jit3A_494, %eq3A_495 : i32
      %jit3A_497 = arith.constant 1 : i32
      %select_n3A_498 = arith.select %eq3A_496, %jit3A_497, %jit3A_494 : i32
      %rem3A_499 = arith.remsi %scan3A_469, %select_n3A_498 : i32
      %ne3A_500 = arith.constant 0 : i32
      %ne3A_501 = arith.cmpi ne, %rem3A_499, %ne3A_500 : i32
      %lt3A_502 = arith.constant 0 : i32
      %lt3A_503 = arith.cmpi slt, %rem3A_499, %lt3A_502 : i32
      %lt3A_504 = arith.constant 0 : i32
      %lt3A_505 = arith.cmpi slt, %select_n3A_498, %lt3A_504 : i32
      %ne3A_506 = arith.xori %lt3A_503, %lt3A_505 : i1
      %and3A_507 = arith.andi %ne3A_506, %ne3A_501 : i1
      %add3A_508 = arith.addi %rem3A_499, %select_n3A_498 : i32
      %select_n3A_509 = arith.select %and3A_507, %add3A_508, %rem3A_499 : i32
      %mul3A_510 = arith.constant 16 : i32
      %mul3A_511 = arith.muli %select_n3A_509, %mul3A_510 : i32
      %swap3A_512 = arith.constant 0 : i32
      %swap3A_513 = arith.index_cast %swap3A_512 : i32 to index
      %swap3A_514 = arith.index_cast %select_n3A_493 : i32 to index
      %swap3A_515 = arith.index_cast %mul3A_511 : i32 to index
      %swap3A_516 = tpu.vector_load %arg8[%swap3A_513, %swap3A_514, %swap3A_515] {strides = array<i32>} : memref<4x125x64xf32, #tpu.memory_space<vmem>>, vector<1x1x16xf32>,
      %swap3A_517 = vector.shape_cast %swap3A_516 : vector<1x1x16xf32> to vector<16xf32>
      %swap3A_518 = vector.shape_cast %broadcast_in_dim3A_77 : vector<16xf32> to vector<1x1x16xf32>
      tpu.vector_store %arg8[%swap3A_513, %swap3A_514, %swap3A_515], %swap3A_518 {strides = array<i32>} : memref<4x125x64xf32, #tpu.memory_space<vmem>>, vector<1x1x16xf32>,
      %scan3A_519 = arith.constant 0 : i32
      %scan3A_520 = arith.constant 2 : i32
      %scan3A_521 = arith.addi %scan3A_427, %scan3A_520 : i32
      %jit3A_522 = arith.constant 4 : i32
      %div3A_523 = arith.divsi %scan3A_521, %jit3A_522 : i32
      %sign3A_524 = arith.constant 0 : i32
      %sign3A_525 = arith.cmpi sgt, %scan3A_521, %sign3A_524 : i32
      %sign3A_526 = arith.extui %sign3A_525 : i1 to i32
      %sign3A_527 = arith.constant 0 : i32
      %sign3A_528 = arith.cmpi slt, %scan3A_521, %sign3A_527 : i32
      %sign3A_529 = arith.extui %sign3A_528 : i1 to i32
      %sign3A_530 = arith.subi %sign3A_526, %sign3A_529 : i32
      %sign3A_531 = arith.constant 0 : i32
      %sign3A_532 = arith.cmpi sgt, %jit3A_522, %sign3A_531 : i32
      %sign3A_533 = arith.extui %sign3A_532 : i1 to i32
      %sign3A_534 = arith.constant 0 : i32
      %sign3A_535 = arith.cmpi slt, %jit3A_522, %sign3A_534 : i32
      %sign3A_536 = arith.extui %sign3A_535 : i1 to i32
      %sign3A_537 = arith.subi %sign3A_533, %sign3A_536 : i32
      %ne3A_538 = arith.cmpi ne, %sign3A_530, %sign3A_537 : i32
      %rem3A_539 = arith.remsi %scan3A_521, %jit3A_522 : i32
      %ne3A_540 = arith.constant 0 : i32
      %ne3A_541 = arith.cmpi ne, %rem3A_539, %ne3A_540 : i32
      %and3A_542 = arith.andi %ne3A_538, %ne3A_541 : i1
      %sub3A_543 = arith.constant 1 : i32
      %sub3A_544 = arith.subi %div3A_523, %sub3A_543 : i32
      %select_n3A_545 = arith.select %and3A_542, %sub3A_544, %div3A_523 : i32
      %jit3A_546 = arith.constant 4 : i32
      %eq3A_547 = arith.constant 0 : i32
      %eq3A_548 = arith.cmpi eq, %jit3A_546, %eq3A_547 : i32
      %jit3A_549 = arith.constant 1 : i32
      %select_n3A_550 = arith.select %eq3A_548, %jit3A_549, %jit3A_546 : i32
      %rem3A_551 = arith.remsi %scan3A_521, %select_n3A_550 : i32
      %ne3A_552 = arith.constant 0 : i32
      %ne3A_553 = arith.cmpi ne, %rem3A_551, %ne3A_552 : i32
      %lt3A_554 = arith.constant 0 : i32
      %lt3A_555 = arith.cmpi slt, %rem3A_551, %lt3A_554 : i32
      %lt3A_556 = arith.constant 0 : i32
      %lt3A_557 = arith.cmpi slt, %select_n3A_550, %lt3A_556 : i32
      %ne3A_558 = arith.xori %lt3A_555, %lt3A_557 : i1
      %and3A_559 = arith.andi %ne3A_558, %ne3A_553 : i1
      %add3A_560 = arith.addi %rem3A_551, %select_n3A_550 : i32
      %select_n3A_561 = arith.select %and3A_559, %add3A_560, %rem3A_551 : i32
      %mul3A_562 = arith.constant 16 : i32
      %mul3A_563 = arith.muli %select_n3A_561, %mul3A_562 : i32
      %swap3A_564 = arith.constant 0 : i32
      %swap3A_565 = arith.index_cast %swap3A_564 : i32 to index
      %swap3A_566 = arith.index_cast %select_n3A_545 : i32 to index
      %swap3A_567 = arith.index_cast %mul3A_563 : i32 to index
      %swap3A_568 = tpu.vector_load %arg8[%swap3A_565, %swap3A_566, %swap3A_567] {strides = array<i32>} : memref<4x125x64xf32, #tpu.memory_space<vmem>>, vector<1x1x16xf32>,
      %swap3A_569 = vector.shape_cast %swap3A_568 : vector<1x1x16xf32> to vector<16xf32>
      %swap3A_570 = vector.shape_cast %broadcast_in_dim3A_77 : vector<16xf32> to vector<1x1x16xf32>
      tpu.vector_store %arg8[%swap3A_565, %swap3A_566, %swap3A_567], %swap3A_570 {strides = array<i32>} : memref<4x125x64xf32, #tpu.memory_space<vmem>>, vector<1x1x16xf32>,
      %scan3A_571 = arith.constant 0 : i32
      %scan3A_572 = arith.constant 3 : i32
      %scan3A_573 = arith.addi %scan3A_427, %scan3A_572 : i32
      %jit3A_574 = arith.constant 4 : i32
      %div3A_575 = arith.divsi %scan3A_573, %jit3A_574 : i32
      %sign3A_576 = arith.constant 0 : i32
      %sign3A_577 = arith.cmpi sgt, %scan3A_573, %sign3A_576 : i32
      %sign3A_578 = arith.extui %sign3A_577 : i1 to i32
      %sign3A_579 = arith.constant 0 : i32
      %sign3A_580 = arith.cmpi slt, %scan3A_573, %sign3A_579 : i32
      %sign3A_581 = arith.extui %sign3A_580 : i1 to i32
      %sign3A_582 = arith.subi %sign3A_578, %sign3A_581 : i32
      %sign3A_583 = arith.constant 0 : i32
      %sign3A_584 = arith.cmpi sgt, %jit3A_574, %sign3A_583 : i32
      %sign3A_585 = arith.extui %sign3A_584 : i1 to i32
      %sign3A_586 = arith.constant 0 : i32
      %sign3A_587 = arith.cmpi slt, %jit3A_574, %sign3A_586 : i32
      %sign3A_588 = arith.extui %sign3A_587 : i1 to i32
      %sign3A_589 = arith.subi %sign3A_585, %sign3A_588 : i32
      %ne3A_590 = arith.cmpi ne, %sign3A_582, %sign3A_589 : i32
      %rem3A_591 = arith.remsi %scan3A_573, %jit3A_574 : i32
      %ne3A_592 = arith.constant 0 : i32
      %ne3A_593 = arith.cmpi ne, %rem3A_591, %ne3A_592 : i32
      %and3A_594 = arith.andi %ne3A_590, %ne3A_593 : i1
      %sub3A_595 = arith.constant 1 : i32
      %sub3A_596 = arith.subi %div3A_575, %sub3A_595 : i32
      %select_n3A_597 = arith.select %and3A_594, %sub3A_596, %div3A_575 : i32
      %jit3A_598 = arith.constant 4 : i32
      %eq3A_599 = arith.constant 0 : i32
      %eq3A_600 = arith.cmpi eq, %jit3A_598, %eq3A_599 : i32
      %jit3A_601 = arith.constant 1 : i32
      %select_n3A_602 = arith.select %eq3A_600, %jit3A_601, %jit3A_598 : i32
      %rem3A_603 = arith.remsi %scan3A_573, %select_n3A_602 : i32
      %ne3A_604 = arith.constant 0 : i32
      %ne3A_605 = arith.cmpi ne, %rem3A_603, %ne3A_604 : i32
      %lt3A_606 = arith.constant 0 : i32
      %lt3A_607 = arith.cmpi slt, %rem3A_603, %lt3A_606 : i32
      %lt3A_608 = arith.constant 0 : i32
      %lt3A_609 = arith.cmpi slt, %select_n3A_602, %lt3A_608 : i32
      %ne3A_610 = arith.xori %lt3A_607, %lt3A_609 : i1
      %and3A_611 = arith.andi %ne3A_610, %ne3A_605 : i1
      %add3A_612 = arith.addi %rem3A_603, %select_n3A_602 : i32
      %select_n3A_613 = arith.select %and3A_611, %add3A_612, %rem3A_603 : i32
      %mul3A_614 = arith.constant 16 : i32
      %mul3A_615 = arith.muli %select_n3A_613, %mul3A_614 : i32
      %swap3A_616 = arith.constant 0 : i32
      %swap3A_617 = arith.index_cast %swap3A_616 : i32 to index
      %swap3A_618 = arith.index_cast %select_n3A_597 : i32 to index
      %swap3A_619 = arith.index_cast %mul3A_615 : i32 to index
      %swap3A_620 = tpu.vector_load %arg8[%swap3A_617, %swap3A_618, %swap3A_619] {strides = array<i32>} : memref<4x125x64xf32, #tpu.memory_space<vmem>>, vector<1x1x16xf32>,
      %swap3A_621 = vector.shape_cast %swap3A_620 : vector<1x1x16xf32> to vector<16xf32>
      %swap3A_622 = vector.shape_cast %broadcast_in_dim3A_77 : vector<16xf32> to vector<1x1x16xf32>
      tpu.vector_store %arg8[%swap3A_617, %swap3A_618, %swap3A_619], %swap3A_622 {strides = array<i32>} : memref<4x125x64xf32, #tpu.memory_space<vmem>>, vector<1x1x16xf32>,
      %scan3A_623 = arith.constant 0 : i32
      scf.yield %scan3A_623 : i32
    }
    %scan3A_83 = arith.constant 320 : i32
    %mul3A_84 = arith.constant 640 : i32
    %mul3A_85 = arith.muli %arg1, %mul3A_84 : i32
    %add3A_86 = arith.constant 0 : i32
    %add3A_87 = arith.addi %mul3A_85, %add3A_86 : i32
    %dma_start3A_88 = arith.constant 0 : i32
    %dma_start3A_89 = arith.constant 0 : i32
    %dma_start3A_90 = arith.constant 0 : i32
    %dma_start3A_91 = tpu.memref_slice %arg8[%dma_start3A_88, %dma_start3A_89, %dma_start3A_90] : memref<4x125x64xf32, #tpu.memory_space<vmem>> -> memref<1x80x64xf32, #tpu.memory_space<vmem>>
    %dma_start3A_92 = tpu.memref_squeeze %dma_start3A_91 : memref<1x80x64xf32, #tpu.memory_space<vmem>> -> memref<80x64xf32, #tpu.memory_space<vmem>>
    %dma_start3A_93 = arith.constant 0 : i32
    %dma_start3A_94 = tpu.memref_slice %arg9[%add3A_87, %dma_start3A_93] : memref<10240x64xf32, #tpu.memory_space<vmem_shared>> -> memref<80x64xf32, #tpu.memory_space<vmem_shared>>
    %dma_start3A_95 = arith.constant 0 : i32
    %dma_start3A_96 = tpu.memref_slice %arg9[%add3A_87, %dma_start3A_95] : memref<10240x64xf32, #tpu.memory_space<vmem_shared>> -> memref<80x64xf32, #tpu.memory_space<vmem_shared>>
    %dma_start3A_97 = arith.constant 0 : i32
    %dma_start3A_98 = arith.constant 0 : i32
    %dma_start3A_99 = tpu.memref_slice %arg8[%dma_start3A_88, %dma_start3A_97, %dma_start3A_98] : memref<4x125x64xf32, #tpu.memory_space<vmem>> -> memref<1x80x64xf32, #tpu.memory_space<vmem>>
    %dma_start3A_100 = tpu.memref_squeeze %dma_start3A_99 : memref<1x80x64xf32, #tpu.memory_space<vmem>> -> memref<80x64xf32, #tpu.memory_space<vmem>>
    tpu.enqueue_dma source(%dma_start3A_100 : memref<80x64xf32, #tpu.memory_space<vmem>>) target(%dma_start3A_96 : memref<80x64xf32, #tpu.memory_space<vmem_shared>>) target_semaphore(%arg26 : memref<!tpu.dma_semaphore, #tpu.memory_space<semaphore_mem>>)
    %mul3A_101 = arith.constant 640 : i32
    %mul3A_102 = arith.muli %arg1, %mul3A_101 : i32
    %add3A_103 = arith.constant 80 : i32
    %add3A_104 = arith.addi %mul3A_102, %add3A_103 : i32
    %dma_start3A_105 = arith.constant 0 : i32
    %dma_start3A_106 = arith.constant 0 : i32
    %dma_start3A_107 = arith.constant 0 : i32
    %dma_start3A_108 = tpu.memref_slice %arg8[%dma_start3A_105, %dma_start3A_106, %dma_start3A_107] : memref<4x125x64xf32, #tpu.memory_space<vmem>> -> memref<1x80x64xf32, #tpu.memory_space<vmem>>
    %dma_start3A_109 = tpu.memref_squeeze %dma_start3A_108 : memref<1x80x64xf32, #tpu.memory_space<vmem>> -> memref<80x64xf32, #tpu.memory_space<vmem>>
    %dma_start3A_110 = arith.constant 0 : i32
    %dma_start3A_111 = tpu.memref_slice %arg9[%add3A_104, %dma_start3A_110] : memref<10240x64xf32, #tpu.memory_space<vmem_shared>> -> memref<80x64xf32, #tpu.memory_space<vmem_shared>>
    %dma_start3A_112 = arith.constant 0 : i32
    %dma_start3A_113 = tpu.memref_slice %arg9[%add3A_104, %dma_start3A_112] : memref<10240x64xf32, #tpu.memory_space<vmem_shared>> -> memref<80x64xf32, #tpu.memory_space<vmem_shared>>
    %dma_start3A_114 = arith.constant 0 : i32
    %dma_start3A_115 = arith.constant 0 : i32
    %dma_start3A_116 = tpu.memref_slice %arg8[%dma_start3A_105, %dma_start3A_114, %dma_start3A_115] : memref<4x125x64xf32, #tpu.memory_space<vmem>> -> memref<1x80x64xf32, #tpu.memory_space<vmem>>
    %dma_start3A_117 = tpu.memref_squeeze %dma_start3A_116 : memref<1x80x64xf32, #tpu.memory_space<vmem>> -> memref<80x64xf32, #tpu.memory_space<vmem>>
    tpu.enqueue_dma source(%dma_start3A_117 : memref<80x64xf32, #tpu.memory_space<vmem>>) target(%dma_start3A_113 : memref<80x64xf32, #tpu.memory_space<vmem_shared>>) target_semaphore(%arg26 : memref<!tpu.dma_semaphore, #tpu.memory_space<semaphore_mem>>)
    %mul3A_118 = arith.constant 640 : i32
    %mul3A_119 = arith.muli %arg1, %mul3A_118 : i32
    %add3A_120 = arith.constant 160 : i32
    %add3A_121 = arith.addi %mul3A_119, %add3A_120 : i32
    %dma_start3A_122 = arith.constant 0 : i32
    %dma_start3A_123 = arith.constant 0 : i32
    %dma_start3A_124 = arith.constant 0 : i32
    %dma_start3A_125 = tpu.memref_slice %arg8[%dma_start3A_122, %dma_start3A_123, %dma_start3A_124] : memref<4x125x64xf32, #tpu.memory_space<vmem>> -> memref<1x80x64xf32, #tpu.memory_space<vmem>>
    %dma_start3A_126 = tpu.memref_squeeze %dma_start3A_125 : memref<1x80x64xf32, #tpu.memory_space<vmem>> -> memref<80x64xf32, #tpu.memory_space<vmem>>
    %dma_start3A_127 = arith.constant 0 : i32
    %dma_start3A_128 = tpu.memref_slice %arg9[%add3A_121, %dma_start3A_127] : memref<10240x64xf32, #tpu.memory_space<vmem_shared>> -> memref<80x64xf32, #tpu.memory_space<vmem_shared>>
    %dma_start3A_129 = arith.constant 0 : i32
    %dma_start3A_130 = tpu.memref_slice %arg9[%add3A_121, %dma_start3A_129] : memref<10240x64xf32, #tpu.memory_space<vmem_shared>> -> memref<80x64xf32, #tpu.memory_space<vmem_shared>>
    %dma_start3A_131 = arith.constant 0 : i32
    %dma_start3A_132 = arith.constant 0 : i32
    %dma_start3A_133 = tpu.memref_slice %arg8[%dma_start3A_122, %dma_start3A_131, %dma_start3A_132] : memref<4x125x64xf32, #tpu.memory_space<vmem>> -> memref<1x80x64xf32, #tpu.memory_space<vmem>>
    %dma_start3A_134 = tpu.memref_squeeze %dma_start3A_133 : memref<1x80x64xf32, #tpu.memory_space<vmem>> -> memref<80x64xf32, #tpu.memory_space<vmem>>
    tpu.enqueue_dma source(%dma_start3A_134 : memref<80x64xf32, #tpu.memory_space<vmem>>) target(%dma_start3A_130 : memref<80x64xf32, #tpu.memory_space<vmem_shared>>) target_semaphore(%arg26 : memref<!tpu.dma_semaphore, #tpu.memory_space<semaphore_mem>>)
    %mul3A_135 = arith.constant 640 : i32
    %mul3A_136 = arith.muli %arg1, %mul3A_135 : i32
    %add3A_137 = arith.constant 240 : i32
    %add3A_138 = arith.addi %mul3A_136, %add3A_137 : i32
    %dma_start3A_139 = arith.constant 0 : i32
    %dma_start3A_140 = arith.constant 0 : i32
    %dma_start3A_141 = arith.constant 0 : i32
    %dma_start3A_142 = tpu.memref_slice %arg8[%dma_start3A_139, %dma_start3A_140, %dma_start3A_141] : memref<4x125x64xf32, #tpu.memory_space<vmem>> -> memref<1x80x64xf32, #tpu.memory_space<vmem>>
    %dma_start3A_143 = tpu.memref_squeeze %dma_start3A_142 : memref<1x80x64xf32, #tpu.memory_space<vmem>> -> memref<80x64xf32, #tpu.memory_space<vmem>>
    %dma_start3A_144 = arith.constant 0 : i32
    %dma_start3A_145 = tpu.memref_slice %arg9[%add3A_138, %dma_start3A_144] : memref<10240x64xf32, #tpu.memory_space<vmem_shared>> -> memref<80x64xf32, #tpu.memory_space<vmem_shared>>
    %dma_start3A_146 = arith.constant 0 : i32
    %dma_start3A_147 = tpu.memref_slice %arg9[%add3A_138, %dma_start3A_146] : memref<10240x64xf32, #tpu.memory_space<vmem_shared>> -> memref<80x64xf32, #tpu.memory_space<vmem_shared>>
    %dma_start3A_148 = arith.constant 0 : i32
    %dma_start3A_149 = arith.constant 0 : i32
    %dma_start3A_150 = tpu.memref_slice %arg8[%dma_start3A_139, %dma_start3A_148, %dma_start3A_149] : memref<4x125x64xf32, #tpu.memory_space<vmem>> -> memref<1x80x64xf32, #tpu.memory_space<vmem>>
    %dma_start3A_151 = tpu.memref_squeeze %dma_start3A_150 : memref<1x80x64xf32, #tpu.memory_space<vmem>> -> memref<80x64xf32, #tpu.memory_space<vmem>>
    tpu.enqueue_dma source(%dma_start3A_151 : memref<80x64xf32, #tpu.memory_space<vmem>>) target(%dma_start3A_147 : memref<80x64xf32, #tpu.memory_space<vmem_shared>>) target_semaphore(%arg26 : memref<!tpu.dma_semaphore, #tpu.memory_space<semaphore_mem>>)
    %mul3A_152 = arith.constant 640 : i32
    %mul3A_153 = arith.muli %arg1, %mul3A_152 : i32
    %add3A_154 = arith.constant 320 : i32
    %add3A_155 = arith.addi %mul3A_153, %add3A_154 : i32
    %dma_start3A_156 = arith.constant 0 : i32
    %dma_start3A_157 = arith.constant 0 : i32
    %dma_start3A_158 = arith.constant 0 : i32
    %dma_start3A_159 = tpu.memref_slice %arg8[%dma_start3A_156, %dma_start3A_157, %dma_start3A_158] : memref<4x125x64xf32, #tpu.memory_space<vmem>> -> memref<1x80x64xf32, #tpu.memory_space<vmem>>
    %dma_start3A_160 = tpu.memref_squeeze %dma_start3A_159 : memref<1x80x64xf32, #tpu.memory_space<vmem>> -> memref<80x64xf32, #tpu.memory_space<vmem>>
    %dma_start3A_161 = arith.constant 0 : i32
    %dma_start3A_162 = tpu.memref_slice %arg9[%add3A_155, %dma_start3A_161] : memref<10240x64xf32, #tpu.memory_space<vmem_shared>> -> memref<80x64xf32, #tpu.memory_space<vmem_shared>>
    %dma_start3A_163 = arith.constant 0 : i32
    %dma_start3A_164 = tpu.memref_slice %arg9[%add3A_155, %dma_start3A_163] : memref<10240x64xf32, #tpu.memory_space<vmem_shared>> -> memref<80x64xf32, #tpu.memory_space<vmem_shared>>
    %dma_start3A_165 = arith.constant 0 : i32
    %dma_start3A_166 = arith.constant 0 : i32
    %dma_start3A_167 = tpu.memref_slice %arg8[%dma_start3A_156, %dma_start3A_165, %dma_start3A_166] : memref<4x125x64xf32, #tpu.memory_space<vmem>> -> memref<1x80x64xf32, #tpu.memory_space<vmem>>
    %dma_start3A_168 = tpu.memref_squeeze %dma_start3A_167 : memref<1x80x64xf32, #tpu.memory_space<vmem>> -> memref<80x64xf32, #tpu.memory_space<vmem>>
    tpu.enqueue_dma source(%dma_start3A_168 : memref<80x64xf32, #tpu.memory_space<vmem>>) target(%dma_start3A_164 : memref<80x64xf32, #tpu.memory_space<vmem_shared>>) target_semaphore(%arg26 : memref<!tpu.dma_semaphore, #tpu.memory_space<semaphore_mem>>)
    %mul3A_169 = arith.constant 640 : i32
    %mul3A_170 = arith.muli %arg1, %mul3A_169 : i32
    %add3A_171 = arith.constant 400 : i32
    %add3A_172 = arith.addi %mul3A_170, %add3A_171 : i32
    %dma_start3A_173 = arith.constant 0 : i32
    %dma_start3A_174 = arith.constant 0 : i32
    %dma_start3A_175 = arith.constant 0 : i32
    %dma_start3A_176 = tpu.memref_slice %arg8[%dma_start3A_173, %dma_start3A_174, %dma_start3A_175] : memref<4x125x64xf32, #tpu.memory_space<vmem>> -> memref<1x80x64xf32, #tpu.memory_space<vmem>>
    %dma_start3A_177 = tpu.memref_squeeze %dma_start3A_176 : memref<1x80x64xf32, #tpu.memory_space<vmem>> -> memref<80x64xf32, #tpu.memory_space<vmem>>
    %dma_start3A_178 = arith.constant 0 : i32
    %dma_start3A_179 = tpu.memref_slice %arg9[%add3A_172, %dma_start3A_178] : memref<10240x64xf32, #tpu.memory_space<vmem_shared>> -> memref<80x64xf32, #tpu.memory_space<vmem_shared>>
    %dma_start3A_180 = arith.constant 0 : i32
    %dma_start3A_181 = tpu.memref_slice %arg9[%add3A_172, %dma_start3A_180] : memref<10240x64xf32, #tpu.memory_space<vmem_shared>> -> memref<80x64xf32, #tpu.memory_space<vmem_shared>>
    %dma_start3A_182 = arith.constant 0 : i32
    %dma_start3A_183 = arith.constant 0 : i32
    %dma_start3A_184 = tpu.memref_slice %arg8[%dma_start3A_173, %dma_start3A_182, %dma_start3A_183] : memref<4x125x64xf32, #tpu.memory_space<vmem>> -> memref<1x80x64xf32, #tpu.memory_space<vmem>>
    %dma_start3A_185 = tpu.memref_squeeze %dma_start3A_184 : memref<1x80x64xf32, #tpu.memory_space<vmem>> -> memref<80x64xf32, #tpu.memory_space<vmem>>
    tpu.enqueue_dma source(%dma_start3A_185 : memref<80x64xf32, #tpu.memory_space<vmem>>) target(%dma_start3A_181 : memref<80x64xf32, #tpu.memory_space<vmem_shared>>) target_semaphore(%arg26 : memref<!tpu.dma_semaphore, #tpu.memory_space<semaphore_mem>>)
    %mul3A_186 = arith.constant 640 : i32
    %mul3A_187 = arith.muli %arg1, %mul3A_186 : i32
    %add3A_188 = arith.constant 480 : i32
    %add3A_189 = arith.addi %mul3A_187, %add3A_188 : i32
    %dma_start3A_190 = arith.constant 0 : i32
    %dma_start3A_191 = arith.constant 0 : i32
    %dma_start3A_192 = arith.constant 0 : i32
    %dma_start3A_193 = tpu.memref_slice %arg8[%dma_start3A_190, %dma_start3A_191, %dma_start3A_192] : memref<4x125x64xf32, #tpu.memory_space<vmem>> -> memref<1x80x64xf32, #tpu.memory_space<vmem>>
    %dma_start3A_194 = tpu.memref_squeeze %dma_start3A_193 : memref<1x80x64xf32, #tpu.memory_space<vmem>> -> memref<80x64xf32, #tpu.memory_space<vmem>>
    %dma_start3A_195 = arith.constant 0 : i32
    %dma_start3A_196 = tpu.memref_slice %arg9[%add3A_189, %dma_start3A_195] : memref<10240x64xf32, #tpu.memory_space<vmem_shared>> -> memref<80x64xf32, #tpu.memory_space<vmem_shared>>
    %dma_start3A_197 = arith.constant 0 : i32
    %dma_start3A_198 = tpu.memref_slice %arg9[%add3A_189, %dma_start3A_197] : memref<10240x64xf32, #tpu.memory_space<vmem_shared>> -> memref<80x64xf32, #tpu.memory_space<vmem_shared>>
    %dma_start3A_199 = arith.constant 0 : i32
    %dma_start3A_200 = arith.constant 0 : i32
    %dma_start3A_201 = tpu.memref_slice %arg8[%dma_start3A_190, %dma_start3A_199, %dma_start3A_200] : memref<4x125x64xf32, #tpu.memory_space<vmem>> -> memref<1x80x64xf32, #tpu.memory_space<vmem>>
    %dma_start3A_202 = tpu.memref_squeeze %dma_start3A_201 : memref<1x80x64xf32, #tpu.memory_space<vmem>> -> memref<80x64xf32, #tpu.memory_space<vmem>>
    tpu.enqueue_dma source(%dma_start3A_202 : memref<80x64xf32, #tpu.memory_space<vmem>>) target(%dma_start3A_198 : memref<80x64xf32, #tpu.memory_space<vmem_shared>>) target_semaphore(%arg26 : memref<!tpu.dma_semaphore, #tpu.memory_space<semaphore_mem>>)
    %mul3A_203 = arith.constant 640 : i32
    %mul3A_204 = arith.muli %arg1, %mul3A_203 : i32
    %add3A_205 = arith.constant 560 : i32
    %add3A_206 = arith.addi %mul3A_204, %add3A_205 : i32
    %dma_start3A_207 = arith.constant 0 : i32
    %dma_start3A_208 = arith.constant 0 : i32
    %dma_start3A_209 = arith.constant 0 : i32
    %dma_start3A_210 = tpu.memref_slice %arg8[%dma_start3A_207, %dma_start3A_208, %dma_start3A_209] : memref<4x125x64xf32, #tpu.memory_space<vmem>> -> memref<1x80x64xf32, #tpu.memory_space<vmem>>
    %dma_start3A_211 = tpu.memref_squeeze %dma_start3A_210 : memref<1x80x64xf32, #tpu.memory_space<vmem>> -> memref<80x64xf32, #tpu.memory_space<vmem>>
    %dma_start3A_212 = arith.constant 0 : i32
    %dma_start3A_213 = tpu.memref_slice %arg9[%add3A_206, %dma_start3A_212] : memref<10240x64xf32, #tpu.memory_space<vmem_shared>> -> memref<80x64xf32, #tpu.memory_space<vmem_shared>>
    %dma_start3A_214 = arith.constant 0 : i32
    %dma_start3A_215 = tpu.memref_slice %arg9[%add3A_206, %dma_start3A_214] : memref<10240x64xf32, #tpu.memory_space<vmem_shared>> -> memref<80x64xf32, #tpu.memory_space<vmem_shared>>
    %dma_start3A_216 = arith.constant 0 : i32
    %dma_start3A_217 = arith.constant 0 : i32
    %dma_start3A_218 = tpu.memref_slice %arg8[%dma_start3A_207, %dma_start3A_216, %dma_start3A_217] : memref<4x125x64xf32, #tpu.memory_space<vmem>> -> memref<1x80x64xf32, #tpu.memory_space<vmem>>
    %dma_start3A_219 = tpu.memref_squeeze %dma_start3A_218 : memref<1x80x64xf32, #tpu.memory_space<vmem>> -> memref<80x64xf32, #tpu.memory_space<vmem>>
    tpu.enqueue_dma source(%dma_start3A_219 : memref<80x64xf32, #tpu.memory_space<vmem>>) target(%dma_start3A_215 : memref<80x64xf32, #tpu.memory_space<vmem_shared>>) target_semaphore(%arg26 : memref<!tpu.dma_semaphore, #tpu.memory_space<semaphore_mem>>)
    %mul3A_220 = arith.constant 640 : i32
    %mul3A_221 = arith.muli %arg1, %mul3A_220 : i32
    %dma_wait3A = arith.constant 0 : i32
    %dma_wait3A_222 = arith.constant 0 : i32
    %dma_wait3A_223 = arith.constant 0 : i32
    %dma_wait3A_224 = tpu.memref_slice %arg8[%dma_wait3A, %dma_wait3A_222, %dma_wait3A_223] : memref<4x125x64xf32, #tpu.memory_space<vmem>> -> memref<1x80x64xf32, #tpu.memory_space<vmem>>
    %dma_wait3A_225 = tpu.memref_squeeze %dma_wait3A_224 : memref<1x80x64xf32, #tpu.memory_space<vmem>> -> memref<80x64xf32, #tpu.memory_space<vmem>>
    %dma_wait3A_226 = arith.constant 0 : i32
    %dma_wait3A_227 = tpu.memref_slice %arg9[%mul3A_221, %dma_wait3A_226] : memref<10240x64xf32, #tpu.memory_space<vmem_shared>> -> memref<80x64xf32, #tpu.memory_space<vmem_shared>>
    %dma_wait3A_228 = arith.constant 0 : i32
    %dma_wait3A_229 = tpu.memref_slice %arg9[%mul3A_221, %dma_wait3A_228] : memref<10240x64xf32, #tpu.memory_space<vmem_shared>> -> memref<80x64xf32, #tpu.memory_space<vmem_shared>>
    %dma_wait3A_230 = arith.constant 0 : i32
    %dma_wait3A_231 = arith.constant 0 : i32
    %dma_wait3A_232 = tpu.memref_slice %arg8[%dma_wait3A, %dma_wait3A_230, %dma_wait3A_231] : memref<4x125x64xf32, #tpu.memory_space<vmem>> -> memref<1x80x64xf32, #tpu.memory_space<vmem>>
    %dma_wait3A_233 = tpu.memref_squeeze %dma_wait3A_232 : memref<1x80x64xf32, #tpu.memory_space<vmem>> -> memref<80x64xf32, #tpu.memory_space<vmem>>
    tpu.wait_dma2 semaphore(%arg26 : memref<!tpu.dma_semaphore, #tpu.memory_space<semaphore_mem>>) src(%dma_wait3A_233 : memref<80x64xf32, #tpu.memory_space<vmem>>) dst(%dma_wait3A_229 : memref<80x64xf32, #tpu.memory_space<vmem_shared>>)
    %mul3A_234 = arith.constant 640 : i32
    %mul3A_235 = arith.muli %arg1, %mul3A_234 : i32
    %dma_wait3A_236 = arith.constant 0 : i32
    %dma_wait3A_237 = arith.constant 0 : i32
    %dma_wait3A_238 = arith.constant 0 : i32
    %dma_wait3A_239 = tpu.memref_slice %arg8[%dma_wait3A_236, %dma_wait3A_237, %dma_wait3A_238] : memref<4x125x64xf32, #tpu.memory_space<vmem>> -> memref<1x80x64xf32, #tpu.memory_space<vmem>>
    %dma_wait3A_240 = tpu.memref_squeeze %dma_wait3A_239 : memref<1x80x64xf32, #tpu.memory_space<vmem>> -> memref<80x64xf32, #tpu.memory_space<vmem>>
    %dma_wait3A_241 = arith.constant 0 : i32
    %dma_wait3A_242 = tpu.memref_slice %arg9[%mul3A_235, %dma_wait3A_241] : memref<10240x64xf32, #tpu.memory_space<vmem_shared>> -> memref<80x64xf32, #tpu.memory_space<vmem_shared>>
    %dma_wait3A_243 = arith.constant 0 : i32
    %dma_wait3A_244 = tpu.memref_slice %arg9[%mul3A_235, %dma_wait3A_243] : memref<10240x64xf32, #tpu.memory_space<vmem_shared>> -> memref<80x64xf32, #tpu.memory_space<vmem_shared>>
    %dma_wait3A_245 = arith.constant 0 : i32
    %dma_wait3A_246 = arith.constant 0 : i32
    %dma_wait3A_247 = tpu.memref_slice %arg8[%dma_wait3A_236, %dma_wait3A_245, %dma_wait3A_246] : memref<4x125x64xf32, #tpu.memory_space<vmem>> -> memref<1x80x64xf32, #tpu.memory_space<vmem>>
    %dma_wait3A_248 = tpu.memref_squeeze %dma_wait3A_247 : memref<1x80x64xf32, #tpu.memory_space<vmem>> -> memref<80x64xf32, #tpu.memory_space<vmem>>
    tpu.wait_dma2 semaphore(%arg26 : memref<!tpu.dma_semaphore, #tpu.memory_space<semaphore_mem>>) src(%dma_wait3A_248 : memref<80x64xf32, #tpu.memory_space<vmem>>) dst(%dma_wait3A_244 : memref<80x64xf32, #tpu.memory_space<vmem_shared>>)
    %mul3A_249 = arith.constant 640 : i32
    %mul3A_250 = arith.muli %arg1, %mul3A_249 : i32
    %dma_wait3A_251 = arith.constant 0 : i32
    %dma_wait3A_252 = arith.constant 0 : i32
    %dma_wait3A_253 = arith.constant 0 : i32
    %dma_wait3A_254 = tpu.memref_slice %arg8[%dma_wait3A_251, %dma_wait3A_252, %dma_wait3A_253] : memref<4x125x64xf32, #tpu.memory_space<vmem>> -> memref<1x80x64xf32, #tpu.memory_space<vmem>>
    %dma_wait3A_255 = tpu.memref_squeeze %dma_wait3A_254 : memref<1x80x64xf32, #tpu.memory_space<vmem>> -> memref<80x64xf32, #tpu.memory_space<vmem>>
    %dma_wait3A_256 = arith.constant 0 : i32
    %dma_wait3A_257 = tpu.memref_slice %arg9[%mul3A_250, %dma_wait3A_256] : memref<10240x64xf32, #tpu.memory_space<vmem_shared>> -> memref<80x64xf32, #tpu.memory_space<vmem_shared>>
    %dma_wait3A_258 = arith.constant 0 : i32
    %dma_wait3A_259 = tpu.memref_slice %arg9[%mul3A_250, %dma_wait3A_258] : memref<10240x64xf32, #tpu.memory_space<vmem_shared>> -> memref<80x64xf32, #tpu.memory_space<vmem_shared>>
    %dma_wait3A_260 = arith.constant 0 : i32
    %dma_wait3A_261 = arith.constant 0 : i32
    %dma_wait3A_262 = tpu.memref_slice %arg8[%dma_wait3A_251, %dma_wait3A_260, %dma_wait3A_261] : memref<4x125x64xf32, #tpu.memory_space<vmem>> -> memref<1x80x64xf32, #tpu.memory_space<vmem>>
    %dma_wait3A_263 = tpu.memref_squeeze %dma_wait3A_262 : memref<1x80x64xf32, #tpu.memory_space<vmem>> -> memref<80x64xf32, #tpu.memory_space<vmem>>
    tpu.wait_dma2 semaphore(%arg26 : memref<!tpu.dma_semaphore, #tpu.memory_space<semaphore_mem>>) src(%dma_wait3A_263 : memref<80x64xf32, #tpu.memory_space<vmem>>) dst(%dma_wait3A_259 : memref<80x64xf32, #tpu.memory_space<vmem_shared>>)
    %mul3A_264 = arith.constant 640 : i32
    %mul3A_265 = arith.muli %arg1, %mul3A_264 : i32
    %dma_wait3A_266 = arith.constant 0 : i32
    %dma_wait3A_267 = arith.constant 0 : i32
    %dma_wait3A_268 = arith.constant 0 : i32
    %dma_wait3A_269 = tpu.memref_slice %arg8[%dma_wait3A_266, %dma_wait3A_267, %dma_wait3A_268] : memref<4x125x64xf32, #tpu.memory_space<vmem>> -> memref<1x80x64xf32, #tpu.memory_space<vmem>>
    %dma_wait3A_270 = tpu.memref_squeeze %dma_wait3A_269 : memref<1x80x64xf32, #tpu.memory_space<vmem>> -> memref<80x64xf32, #tpu.memory_space<vmem>>
    %dma_wait3A_271 = arith.constant 0 : i32
    %dma_wait3A_272 = tpu.memref_slice %arg9[%mul3A_265, %dma_wait3A_271] : memref<10240x64xf32, #tpu.memory_space<vmem_shared>> -> memref<80x64xf32, #tpu.memory_space<vmem_shared>>
    %dma_wait3A_273 = arith.constant 0 : i32
    %dma_wait3A_274 = tpu.memref_slice %arg9[%mul3A_265, %dma_wait3A_273] : memref<10240x64xf32, #tpu.memory_space<vmem_shared>> -> memref<80x64xf32, #tpu.memory_space<vmem_shared>>
    %dma_wait3A_275 = arith.constant 0 : i32
    %dma_wait3A_276 = arith.constant 0 : i32
    %dma_wait3A_277 = tpu.memref_slice %arg8[%dma_wait3A_266, %dma_wait3A_275, %dma_wait3A_276] : memref<4x125x64xf32, #tpu.memory_space<vmem>> -> memref<1x80x64xf32, #tpu.memory_space<vmem>>
    %dma_wait3A_278 = tpu.memref_squeeze %dma_wait3A_277 : memref<1x80x64xf32, #tpu.memory_space<vmem>> -> memref<80x64xf32, #tpu.memory_space<vmem>>
    tpu.wait_dma2 semaphore(%arg26 : memref<!tpu.dma_semaphore, #tpu.memory_space<semaphore_mem>>) src(%dma_wait3A_278 : memref<80x64xf32, #tpu.memory_space<vmem>>) dst(%dma_wait3A_274 : memref<80x64xf32, #tpu.memory_space<vmem_shared>>)
    %mul3A_279 = arith.constant 640 : i32
    %mul3A_280 = arith.muli %arg1, %mul3A_279 : i32
    %dma_wait3A_281 = arith.constant 0 : i32
    %dma_wait3A_282 = arith.constant 0 : i32
    %dma_wait3A_283 = arith.constant 0 : i32
    %dma_wait3A_284 = tpu.memref_slice %arg8[%dma_wait3A_281, %dma_wait3A_282, %dma_wait3A_283] : memref<4x125x64xf32, #tpu.memory_space<vmem>> -> memref<1x80x64xf32, #tpu.memory_space<vmem>>
    %dma_wait3A_285 = tpu.memref_squeeze %dma_wait3A_284 : memref<1x80x64xf32, #tpu.memory_space<vmem>> -> memref<80x64xf32, #tpu.memory_space<vmem>>
    %dma_wait3A_286 = arith.constant 0 : i32
    %dma_wait3A_287 = tpu.memref_slice %arg9[%mul3A_280, %dma_wait3A_286] : memref<10240x64xf32, #tpu.memory_space<vmem_shared>> -> memref<80x64xf32, #tpu.memory_space<vmem_shared>>
    %dma_wait3A_288 = arith.constant 0 : i32
    %dma_wait3A_289 = tpu.memref_slice %arg9[%mul3A_280, %dma_wait3A_288] : memref<10240x64xf32, #tpu.memory_space<vmem_shared>> -> memref<80x64xf32, #tpu.memory_space<vmem_shared>>
    %dma_wait3A_290 = arith.constant 0 : i32
    %dma_wait3A_291 = arith.constant 0 : i32
    %dma_wait3A_292 = tpu.memref_slice %arg8[%dma_wait3A_281, %dma_wait3A_290, %dma_wait3A_291] : memref<4x125x64xf32, #tpu.memory_space<vmem>> -> memref<1x80x64xf32, #tpu.memory_space<vmem>>
    %dma_wait3A_293 = tpu.memref_squeeze %dma_wait3A_292 : memref<1x80x64xf32, #tpu.memory_space<vmem>> -> memref<80x64xf32, #tpu.memory_space<vmem>>
    tpu.wait_dma2 semaphore(%arg26 : memref<!tpu.dma_semaphore, #tpu.memory_space<semaphore_mem>>) src(%dma_wait3A_293 : memref<80x64xf32, #tpu.memory_space<vmem>>) dst(%dma_wait3A_289 : memref<80x64xf32, #tpu.memory_space<vmem_shared>>)
    %mul3A_294 = arith.constant 640 : i32
    %mul3A_295 = arith.muli %arg1, %mul3A_294 : i32
    %dma_wait3A_296 = arith.constant 0 : i32
    %dma_wait3A_297 = arith.constant 0 : i32
    %dma_wait3A_298 = arith.constant 0 : i32
    %dma_wait3A_299 = tpu.memref_slice %arg8[%dma_wait3A_296, %dma_wait3A_297, %dma_wait3A_298] : memref<4x125x64xf32, #tpu.memory_space<vmem>> -> memref<1x80x64xf32, #tpu.memory_space<vmem>>
    %dma_wait3A_300 = tpu.memref_squeeze %dma_wait3A_299 : memref<1x80x64xf32, #tpu.memory_space<vmem>> -> memref<80x64xf32, #tpu.memory_space<vmem>>
    %dma_wait3A_301 = arith.constant 0 : i32
    %dma_wait3A_302 = tpu.memref_slice %arg9[%mul3A_295, %dma_wait3A_301] : memref<10240x64xf32, #tpu.memory_space<vmem_shared>> -> memref<80x64xf32, #tpu.memory_space<vmem_shared>>
    %dma_wait3A_303 = arith.constant 0 : i32
    %dma_wait3A_304 = tpu.memref_slice %arg9[%mul3A_295, %dma_wait3A_303] : memref<10240x64xf32, #tpu.memory_space<vmem_shared>> -> memref<80x64xf32, #tpu.memory_space<vmem_shared>>
    %dma_wait3A_305 = arith.constant 0 : i32
    %dma_wait3A_306 = arith.constant 0 : i32
    %dma_wait3A_307 = tpu.memref_slice %arg8[%dma_wait3A_296, %dma_wait3A_305, %dma_wait3A_306] : memref<4x125x64xf32, #tpu.memory_space<vmem>> -> memref<1x80x64xf32, #tpu.memory_space<vmem>>
    %dma_wait3A_308 = tpu.memref_squeeze %dma_wait3A_307 : memref<1x80x64xf32, #tpu.memory_space<vmem>> -> memref<80x64xf32, #tpu.memory_space<vmem>>
    tpu.wait_dma2 semaphore(%arg26 : memref<!tpu.dma_semaphore, #tpu.memory_space<semaphore_mem>>) src(%dma_wait3A_308 : memref<80x64xf32, #tpu.memory_space<vmem>>) dst(%dma_wait3A_304 : memref<80x64xf32, #tpu.memory_space<vmem_shared>>)
    %mul3A_309 = arith.constant 640 : i32
    %mul3A_310 = arith.muli %arg1, %mul3A_309 : i32
    %dma_wait3A_311 = arith.constant 0 : i32
    %dma_wait3A_312 = arith.constant 0 : i32
    %dma_wait3A_313 = arith.constant 0 : i32
    %dma_wait3A_314 = tpu.memref_slice %arg8[%dma_wait3A_311, %dma_wait3A_312, %dma_wait3A_313] : memref<4x125x64xf32, #tpu.memory_space<vmem>> -> memref<1x80x64xf32, #tpu.memory_space<vmem>>
    %dma_wait3A_315 = tpu.memref_squeeze %dma_wait3A_314 : memref<1x80x64xf32, #tpu.memory_space<vmem>> -> memref<80x64xf32, #tpu.memory_space<vmem>>
    %dma_wait3A_316 = arith.constant 0 : i32
    %dma_wait3A_317 = tpu.memref_slice %arg9[%mul3A_310, %dma_wait3A_316] : memref<10240x64xf32, #tpu.memory_space<vmem_shared>> -> memref<80x64xf32, #tpu.memory_space<vmem_shared>>
    %dma_wait3A_318 = arith.constant 0 : i32
    %dma_wait3A_319 = tpu.memref_slice %arg9[%mul3A_310, %dma_wait3A_318] : memref<10240x64xf32, #tpu.memory_space<vmem_shared>> -> memref<80x64xf32, #tpu.memory_space<vmem_shared>>
    %dma_wait3A_320 = arith.constant 0 : i32
    %dma_wait3A_321 = arith.constant 0 : i32
    %dma_wait3A_322 = tpu.memref_slice %arg8[%dma_wait3A_311, %dma_wait3A_320, %dma_wait3A_321] : memref<4x125x64xf32, #tpu.memory_space<vmem>> -> memref<1x80x64xf32, #tpu.memory_space<vmem>>
    %dma_wait3A_323 = tpu.memref_squeeze %dma_wait3A_322 : memref<1x80x64xf32, #tpu.memory_space<vmem>> -> memref<80x64xf32, #tpu.memory_space<vmem>>
    tpu.wait_dma2 semaphore(%arg26 : memref<!tpu.dma_semaphore, #tpu.memory_space<semaphore_mem>>) src(%dma_wait3A_323 : memref<80x64xf32, #tpu.memory_space<vmem>>) dst(%dma_wait3A_319 : memref<80x64xf32, #tpu.memory_space<vmem_shared>>)
    %mul3A_324 = arith.constant 640 : i32
    %mul3A_325 = arith.muli %arg1, %mul3A_324 : i32
    %dma_wait3A_326 = arith.constant 0 : i32
    %dma_wait3A_327 = arith.constant 0 : i32
    %dma_wait3A_328 = arith.constant 0 : i32
    %dma_wait3A_329 = tpu.memref_slice %arg8[%dma_wait3A_326, %dma_wait3A_327, %dma_wait3A_328] : memref<4x125x64xf32, #tpu.memory_space<vmem>> -> memref<1x80x64xf32, #tpu.memory_space<vmem>>
    %dma_wait3A_330 = tpu.memref_squeeze %dma_wait3A_329 : memref<1x80x64xf32, #tpu.memory_space<vmem>> -> memref<80x64xf32, #tpu.memory_space<vmem>>
    %dma_wait3A_331 = arith.constant 0 : i32
    %dma_wait3A_332 = tpu.memref_slice %arg9[%mul3A_325, %dma_wait3A_331] : memref<10240x64xf32, #tpu.memory_space<vmem_shared>> -> memref<80x64xf32, #tpu.memory_space<vmem_shared>>
    %dma_wait3A_333 = arith.constant 0 : i32
    %dma_wait3A_334 = tpu.memref_slice %arg9[%mul3A_325, %dma_wait3A_333] : memref<10240x64xf32, #tpu.memory_space<vmem_shared>> -> memref<80x64xf32, #tpu.memory_space<vmem_shared>>
    %dma_wait3A_335 = arith.constant 0 : i32
    %dma_wait3A_336 = arith.constant 0 : i32
    %dma_wait3A_337 = tpu.memref_slice %arg8[%dma_wait3A_326, %dma_wait3A_335, %dma_wait3A_336] : memref<4x125x64xf32, #tpu.memory_space<vmem>> -> memref<1x80x64xf32, #tpu.memory_space<vmem>>
    %dma_wait3A_338 = tpu.memref_squeeze %dma_wait3A_337 : memref<1x80x64xf32, #tpu.memory_space<vmem>> -> memref<80x64xf32, #tpu.memory_space<vmem>>
    tpu.wait_dma2 semaphore(%arg26 : memref<!tpu.dma_semaphore, #tpu.memory_space<semaphore_mem>>) src(%dma_wait3A_338 : memref<80x64xf32, #tpu.memory_space<vmem>>) dst(%dma_wait3A_334 : memref<80x64xf32, #tpu.memory_space<vmem_shared>>)
    %barrier3A = arith.constant 0 : index
    tpu.barrier barrier_id(%barrier3A)
    %dma_wait3A_339 = arith.constant 0 : i32
    %dma_wait3A_340 = arith.constant 0 : i32
    %dma_wait3A_341 = arith.constant 0 : i32
    %dma_wait3A_342 = tpu.memref_slice %arg6[%dma_wait3A_340, %dma_wait3A_341] : memref<4x125xi32, #tpu.memory_space<vmem>> -> memref<1x125xi32, #tpu.memory_space<vmem>>
    %dma_wait3A_343 = tpu.memref_squeeze %dma_wait3A_342 : memref<1x125xi32, #tpu.memory_space<vmem>> -> memref<125xi32, #tpu.memory_space<vmem>>
    %dma_wait3A_344 = arith.constant 0 : i32
    %dma_wait3A_345 = tpu.memref_slice %arg3[%dma_wait3A_339, %dma_wait3A_344] : memref<2560x125xi32, #tpu.memory_space<hbm>> -> memref<1x125xi32, #tpu.memory_space<hbm>>
    %dma_wait3A_346 = tpu.memref_squeeze %dma_wait3A_345 : memref<1x125xi32, #tpu.memory_space<hbm>> -> memref<125xi32, #tpu.memory_space<hbm>>
    %dma_wait3A_347 = arith.constant 0 : i32
    %dma_wait3A_348 = tpu.memref_slice %arg6[%dma_wait3A_340, %dma_wait3A_347] : memref<4x125xi32, #tpu.memory_space<vmem>> -> memref<1x125xi32, #tpu.memory_space<vmem>>
    %dma_wait3A_349 = tpu.memref_squeeze %dma_wait3A_348 : memref<1x125xi32, #tpu.memory_space<vmem>> -> memref<125xi32, #tpu.memory_space<vmem>>
    %dma_wait3A_350 = arith.constant 0 : i32
    %dma_wait3A_351 = tpu.memref_slice %arg3[%dma_wait3A_339, %dma_wait3A_350] : memref<2560x125xi32, #tpu.memory_space<hbm>> -> memref<1x125xi32, #tpu.memory_space<hbm>>
    %dma_wait3A_352 = tpu.memref_squeeze %dma_wait3A_351 : memref<1x125xi32, #tpu.memory_space<hbm>> -> memref<125xi32, #tpu.memory_space<hbm>>
    tpu.wait_dma2 semaphore(%arg18 : memref<!tpu.dma_semaphore, #tpu.memory_space<semaphore_mem>>) src(%dma_wait3A_352 : memref<125xi32, #tpu.memory_space<hbm>>) dst(%dma_wait3A_349 : memref<125xi32, #tpu.memory_space<vmem>>)
    %dma_start3A_353 = arith.constant 0 : i32
    %dma_start3A_354 = arith.constant 0 : i32
    %dma_start3A_355 = arith.constant 0 : i32
    %dma_start3A_356 = arith.constant 0 : i32
    %dma_start3A_357 = tpu.memref_slice %arg8[%dma_start3A_354, %dma_start3A_355, %dma_start3A_356] : memref<4x125x64xf32, #tpu.memory_space<vmem>> -> memref<1x125x64xf32, #tpu.memory_space<vmem>>
    %dma_start3A_358 = tpu.memref_squeeze %dma_start3A_357 : memref<1x125x64xf32, #tpu.memory_space<vmem>> -> memref<125x64xf32, #tpu.memory_space<vmem>>
    %dma_start3A_359 = arith.constant 0 : i32
    %dma_start3A_360 = tpu.memref_slice %arg6[%dma_start3A_353, %dma_start3A_359] : memref<4x125xi32, #tpu.memory_space<vmem>> -> memref<1x125xi32, #tpu.memory_space<vmem>>
    %dma_start3A_361 = tpu.memref_squeeze %dma_start3A_360 : memref<1x125xi32, #tpu.memory_space<vmem>> -> memref<125xi32, #tpu.memory_space<vmem>>
    %dma_start3A_362 = arith.constant 0 : i32
    %dma_start3A_363 = arith.constant 0 : i32
    %dma_start3A_364 = tpu.memref_slice %arg2[%dma_start3A_362, %dma_start3A_363] : memref<10240x64xf32, #tpu.memory_space<hbm>> -> memref<10240x64xf32, #tpu.memory_space<hbm>>
    tpu.enqueue_indirect_dma source(%dma_start3A_364 : memref<10240x64xf32, #tpu.memory_space<hbm>>) target(%dma_start3A_358 : memref<125x64xf32, #tpu.memory_space<vmem>>) offsets(%dma_start3A_361 : memref<125xi32, #tpu.memory_space<vmem>>) semaphore(%arg10 : memref<!tpu.dma_semaphore, #tpu.memory_space<semaphore_mem>>)
    %dma_wait3A_365 = arith.constant 0 : i32
    %dma_wait3A_366 = arith.constant 1 : i32
    %dma_wait3A_367 = arith.constant 0 : i32
    %dma_wait3A_368 = tpu.memref_slice %arg6[%dma_wait3A_366, %dma_wait3A_367] : memref<4x125xi32, #tpu.memory_space<vmem>> -> memref<1x125xi32, #tpu.memory_space<vmem>>
    %dma_wait3A_369 = tpu.memref_squeeze %dma_wait3A_368 : memref<1x125xi32, #tpu.memory_space<vmem>> -> memref<125xi32, #tpu.memory_space<vmem>>
    %dma_wait3A_370 = arith.constant 0 : i32
    %dma_wait3A_371 = tpu.memref_slice %arg3[%dma_wait3A_365, %dma_wait3A_370] : memref<2560x125xi32, #tpu.memory_space<hbm>> -> memref<1x125xi32, #tpu.memory_space<hbm>>
    %dma_wait3A_372 = tpu.memref_squeeze %dma_wait3A_371 : memref<1x125xi32, #tpu.memory_space<hbm>> -> memref<125xi32, #tpu.memory_space<hbm>>
    %dma_wait3A_373 = arith.constant 0 : i32
    %dma_wait3A_374 = tpu.memref_slice %arg6[%dma_wait3A_366, %dma_wait3A_373] : memref<4x125xi32, #tpu.memory_space<vmem>> -> memref<1x125xi32, #tpu.memory_space<vmem>>
    %dma_wait3A_375 = tpu.memref_squeeze %dma_wait3A_374 : memref<1x125xi32, #tpu.memory_space<vmem>> -> memref<125xi32, #tpu.memory_space<vmem>>
    %dma_wait3A_376 = arith.constant 0 : i32
    %dma_wait3A_377 = tpu.memref_slice %arg3[%dma_wait3A_365, %dma_wait3A_376] : memref<2560x125xi32, #tpu.memory_space<hbm>> -> memref<1x125xi32, #tpu.memory_space<hbm>>
    %dma_wait3A_378 = tpu.memref_squeeze %dma_wait3A_377 : memref<1x125xi32, #tpu.memory_space<hbm>> -> memref<125xi32, #tpu.memory_space<hbm>>
    tpu.wait_dma2 semaphore(%arg19 : memref<!tpu.dma_semaphore, #tpu.memory_space<semaphore_mem>>) src(%dma_wait3A_378 : memref<125xi32, #tpu.memory_space<hbm>>) dst(%dma_wait3A_375 : memref<125xi32, #tpu.memory_space<vmem>>)
    %dma_start3A_379 = arith.constant 1 : i32
    %dma_start3A_380 = arith.constant 1 : i32
    %dma_start3A_381 = arith.constant 0 : i32
    %dma_start3A_382 = arith.constant 0 : i32
    %dma_start3A_383 = tpu.memref_slice %arg8[%dma_start3A_380, %dma_start3A_381, %dma_start3A_382] : memref<4x125x64xf32, #tpu.memory_space<vmem>> -> memref<1x125x64xf32, #tpu.memory_space<vmem>>
    %dma_start3A_384 = tpu.memref_squeeze %dma_start3A_383 : memref<1x125x64xf32, #tpu.memory_space<vmem>> -> memref<125x64xf32, #tpu.memory_space<vmem>>
    %dma_start3A_385 = arith.constant 0 : i32
    %dma_start3A_386 = tpu.memref_slice %arg6[%dma_start3A_379, %dma_start3A_385] : memref<4x125xi32, #tpu.memory_space<vmem>> -> memref<1x125xi32, #tpu.memory_space<vmem>>
    %dma_start3A_387 = tpu.memref_squeeze %dma_start3A_386 : memref<1x125xi32, #tpu.memory_space<vmem>> -> memref<125xi32, #tpu.memory_space<vmem>>
    %dma_start3A_388 = arith.constant 0 : i32
    %dma_start3A_389 = arith.constant 0 : i32
    %dma_start3A_390 = tpu.memref_slice %arg2[%dma_start3A_388, %dma_start3A_389] : memref<10240x64xf32, #tpu.memory_space<hbm>> -> memref<10240x64xf32, #tpu.memory_space<hbm>>
    tpu.enqueue_indirect_dma source(%dma_start3A_390 : memref<10240x64xf32, #tpu.memory_space<hbm>>) target(%dma_start3A_384 : memref<125x64xf32, #tpu.memory_space<vmem>>) offsets(%dma_start3A_387 : memref<125xi32, #tpu.memory_space<vmem>>) semaphore(%arg11 : memref<!tpu.dma_semaphore, #tpu.memory_space<semaphore_mem>>)
    %scan3A_391 = arith.constant 0 : i32
    %scan3A_392 = arith.constant 0 : i32
    %scan3A_393 = arith.constant 20 : i32
    %scan3A_394 = arith.addi %scan3A_392, %scan3A_393 : i32
    %scan3A_395 = arith.constant 1 : i32
    %scan3A_396 = scf.for %scan3A_427 = %scan3A_392 to %scan3A_394 step %scan3A_395 iter_args(%scan3A_428 = %scan3A_391) -> (i32)  : i32 {
      %mul3A_429 = arith.constant 4 : i32
      %mul3A_430 = arith.muli %mul3A_429, %scan3A_427 : i32
      %add3A_431 = arith.constant 0 : i32
      %add3A_432 = arith.addi %mul3A_430, %add3A_431 : i32
      %dma_wait3A_433 = arith.constant 0 : i32
      %dma_wait3A_434 = arith.constant 0 : i32
      %dma_wait3A_435 = arith.constant 0 : i32
      %dma_wait3A_436 = arith.constant 0 : i32
      %dma_wait3A_437 = tpu.memref_slice %arg8[%dma_wait3A_434, %dma_wait3A_435, %dma_wait3A_436] : memref<4x125x64xf32, #tpu.memory_space<vmem>> -> memref<1x125x64xf32, #tpu.memory_space<vmem>>
      %dma_wait3A_438 = tpu.memref_squeeze %dma_wait3A_437 : memref<1x125x64xf32, #tpu.memory_space<vmem>> -> memref<125x64xf32, #tpu.memory_space<vmem>>
      %dma_wait3A_439 = arith.constant 0 : i32
      %dma_wait3A_440 = tpu.memref_slice %arg6[%dma_wait3A_433, %dma_wait3A_439] : memref<4x125xi32, #tpu.memory_space<vmem>> -> memref<1x125xi32, #tpu.memory_space<vmem>>
      %dma_wait3A_441 = tpu.memref_squeeze %dma_wait3A_440 : memref<1x125xi32, #tpu.memory_space<vmem>> -> memref<125xi32, #tpu.memory_space<vmem>>
      %dma_wait3A_442 = arith.constant 0 : i32
      %dma_wait3A_443 = arith.constant 0 : i32
      %dma_wait3A_444 = tpu.memref_slice %arg2[%dma_wait3A_442, %dma_wait3A_443] : memref<10240x64xf32, #tpu.memory_space<hbm>> -> memref<10240x64xf32, #tpu.memory_space<hbm>>
      tpu.wait_indirect_dma semaphore(%arg10 : memref<!tpu.dma_semaphore, #tpu.memory_space<semaphore_mem>>) src(%dma_wait3A_444 : memref<10240x64xf32, #tpu.memory_space<hbm>>) dst(%dma_wait3A_438 : memref<125x64xf32, #tpu.memory_space<vmem>>)
      %dma_wait3A_445 = arith.constant 0 : i32
      %dma_wait3A_446 = arith.constant 0 : i32
      %dma_wait3A_447 = arith.constant 0 : i32
      %dma_wait3A_448 = tpu.memref_slice %arg7[%dma_wait3A_446, %dma_wait3A_447] : memref<4x125xi32, #tpu.memory_space<vmem>> -> memref<1x125xi32, #tpu.memory_space<vmem>>
      %dma_wait3A_449 = tpu.memref_squeeze %dma_wait3A_448 : memref<1x125xi32, #tpu.memory_space<vmem>> -> memref<125xi32, #tpu.memory_space<vmem>>
      %dma_wait3A_450 = arith.constant 0 : i32
      %dma_wait3A_451 = tpu.memref_slice %arg4[%dma_wait3A_445, %dma_wait3A_450] : memref<2560x125xi32, #tpu.memory_space<hbm>> -> memref<1x125xi32, #tpu.memory_space<hbm>>
      %dma_wait3A_452 = tpu.memref_squeeze %dma_wait3A_451 : memref<1x125xi32, #tpu.memory_space<hbm>> -> memref<125xi32, #tpu.memory_space<hbm>>
      %dma_wait3A_453 = arith.constant 0 : i32
      %dma_wait3A_454 = tpu.memref_slice %arg7[%dma_wait3A_446, %dma_wait3A_453] : memref<4x125xi32, #tpu.memory_space<vmem>> -> memref<1x125xi32, #tpu.memory_space<vmem>>
      %dma_wait3A_455 = tpu.memref_squeeze %dma_wait3A_454 : memref<1x125xi32, #tpu.memory_space<vmem>> -> memref<125xi32, #tpu.memory_space<vmem>>
      %dma_wait3A_456 = arith.constant 0 : i32
      %dma_wait3A_457 = tpu.memref_slice %arg4[%dma_wait3A_445, %dma_wait3A_456] : memref<2560x125xi32, #tpu.memory_space<hbm>> -> memref<1x125xi32, #tpu.memory_space<hbm>>
      %dma_wait3A_458 = tpu.memref_squeeze %dma_wait3A_457 : memref<1x125xi32, #tpu.memory_space<hbm>> -> memref<125xi32, #tpu.memory_space<hbm>>
      tpu.wait_dma2 semaphore(%arg22 : memref<!tpu.dma_semaphore, #tpu.memory_space<semaphore_mem>>) src(%dma_wait3A_458 : memref<125xi32, #tpu.memory_space<hbm>>) dst(%dma_wait3A_455 : memref<125xi32, #tpu.memory_space<vmem>>)
      %dma_start3A_459 = arith.constant 0 : i32
      %dma_start3A_460 = arith.constant 0 : i32
      %dma_start3A_461 = arith.constant 0 : i32
      %dma_start3A_462 = arith.constant 0 : i32
      %dma_start3A_463 = tpu.memref_slice %arg8[%dma_start3A_459, %dma_start3A_461, %dma_start3A_462] : memref<4x125x64xf32, #tpu.memory_space<vmem>> -> memref<1x125x64xf32, #tpu.memory_space<vmem>>
      %dma_start3A_464 = tpu.memref_squeeze %dma_start3A_463 : memref<1x125x64xf32, #tpu.memory_space<vmem>> -> memref<125x64xf32, #tpu.memory_space<vmem>>
      %dma_start3A_465 = arith.constant 0 : i32
      %dma_start3A_466 = tpu.memref_slice %arg7[%dma_start3A_460, %dma_start3A_465] : memref<4x125xi32, #tpu.memory_space<vmem>> -> memref<1x125xi32, #tpu.memory_space<vmem>>
      %dma_start3A_467 = tpu.memref_squeeze %dma_start3A_466 : memref<1x125xi32, #tpu.memory_space<vmem>> -> memref<125xi32, #tpu.memory_space<vmem>>
      %dma_start3A_468 = arith.constant 0 : i32
      %dma_start3A_469 = arith.constant 0 : i32
      %dma_start3A_470 = tpu.memref_slice %arg9[%dma_start3A_468, %dma_start3A_469] : memref<10240x64xf32, #tpu.memory_space<vmem_shared>> -> memref<10240x64xf32, #tpu.memory_space<vmem_shared>>
      tpu.enqueue_indirect_dma source(%dma_start3A_464 : memref<125x64xf32, #tpu.memory_space<vmem>>) target(%dma_start3A_470 : memref<10240x64xf32, #tpu.memory_space<vmem_shared>>) offsets(%dma_start3A_467 : memref<125xi32, #tpu.memory_space<vmem>>) semaphore(%arg14 : memref<!tpu.dma_semaphore, #tpu.memory_space<semaphore_mem>>) {add = true}
      %gt3A = arith.constant 0 : i32
      %gt3A_471 = arith.cmpi sgt, %scan3A_427, %gt3A : i32
      %convert_element_type3A = arith.extui %gt3A_471 : i1 to i32
      %cond3A = arith.constant 0 : i32
      %cond3A_472 = arith.cmpi ne, %convert_element_type3A, %cond3A : i32
      scf.if %cond3A_472 {
        %dma_wait3A_678 = arith.constant 2 : i32
        %dma_wait3A_679 = arith.constant 0 : i32
        %dma_wait3A_680 = arith.constant 0 : i32
        %dma_wait3A_681 = arith.constant 0 : i32
        %dma_wait3A_682 = tpu.memref_slice %arg8[%dma_wait3A_678, %dma_wait3A_680, %dma_wait3A_681] : memref<4x125x64xf32, #tpu.memory_space<vmem>> -> memref<1x125x64xf32, #tpu.memory_space<vmem>>
        %dma_wait3A_683 = tpu.memref_squeeze %dma_wait3A_682 : memref<1x125x64xf32, #tpu.memory_space<vmem>> -> memref<125x64xf32, #tpu.memory_space<vmem>>
        %dma_wait3A_684 = arith.constant 0 : i32
        %dma_wait3A_685 = tpu.memref_slice %arg7[%dma_wait3A_679, %dma_wait3A_684] : memref<4x125xi32, #tpu.memory_space<vmem>> -> memref<1x125xi32, #tpu.memory_space<vmem>>
        %dma_wait3A_686 = tpu.memref_squeeze %dma_wait3A_685 : memref<1x125xi32, #tpu.memory_space<vmem>> -> memref<125xi32, #tpu.memory_space<vmem>>
        %dma_wait3A_687 = arith.constant 0 : i32
        %dma_wait3A_688 = arith.constant 0 : i32
        %dma_wait3A_689 = tpu.memref_slice %arg9[%dma_wait3A_687, %dma_wait3A_688] : memref<10240x64xf32, #tpu.memory_space<vmem_shared>> -> memref<10240x64xf32, #tpu.memory_space<vmem_shared>>
        tpu.wait_indirect_dma semaphore(%arg16 : memref<!tpu.dma_semaphore, #tpu.memory_space<semaphore_mem>>) src(%dma_wait3A_683 : memref<125x64xf32, #tpu.memory_space<vmem>>) dst(%dma_wait3A_689 : memref<10240x64xf32, #tpu.memory_space<vmem_shared>>)
      } else {
      }
      %add3A_473 = arith.constant 2 : i32
      %add3A_474 = arith.addi %add3A_432, %add3A_473 : i32
      %lt3A = arith.constant 80 : i32
      %lt3A_475 = arith.cmpi slt, %add3A_474, %lt3A : i32
      %convert_element_type3A_476 = arith.extui %lt3A_475 : i1 to i32
      %cond3A_477 = arith.constant 0 : i32
      %cond3A_478 = arith.cmpi ne, %convert_element_type3A_476, %cond3A_477 : i32
      scf.if %cond3A_478 {
        %dma_wait3A_678 = arith.constant 0 : i32
        %dma_wait3A_679 = arith.constant 2 : i32
        %dma_wait3A_680 = arith.constant 0 : i32
        %dma_wait3A_681 = tpu.memref_slice %arg6[%dma_wait3A_679, %dma_wait3A_680] : memref<4x125xi32, #tpu.memory_space<vmem>> -> memref<1x125xi32, #tpu.memory_space<vmem>>
        %dma_wait3A_682 = tpu.memref_squeeze %dma_wait3A_681 : memref<1x125xi32, #tpu.memory_space<vmem>> -> memref<125xi32, #tpu.memory_space<vmem>>
        %dma_wait3A_683 = arith.constant 0 : i32
        %dma_wait3A_684 = tpu.memref_slice %arg3[%dma_wait3A_678, %dma_wait3A_683] : memref<2560x125xi32, #tpu.memory_space<hbm>> -> memref<1x125xi32, #tpu.memory_space<hbm>>
        %dma_wait3A_685 = tpu.memref_squeeze %dma_wait3A_684 : memref<1x125xi32, #tpu.memory_space<hbm>> -> memref<125xi32, #tpu.memory_space<hbm>>
        %dma_wait3A_686 = arith.constant 0 : i32
        %dma_wait3A_687 = tpu.memref_slice %arg6[%dma_wait3A_679, %dma_wait3A_686] : memref<4x125xi32, #tpu.memory_space<vmem>> -> memref<1x125xi32, #tpu.memory_space<vmem>>
        %dma_wait3A_688 = tpu.memref_squeeze %dma_wait3A_687 : memref<1x125xi32, #tpu.memory_space<vmem>> -> memref<125xi32, #tpu.memory_space<vmem>>
        %dma_wait3A_689 = arith.constant 0 : i32
        %dma_wait3A_690 = tpu.memref_slice %arg3[%dma_wait3A_678, %dma_wait3A_689] : memref<2560x125xi32, #tpu.memory_space<hbm>> -> memref<1x125xi32, #tpu.memory_space<hbm>>
        %dma_wait3A_691 = tpu.memref_squeeze %dma_wait3A_690 : memref<1x125xi32, #tpu.memory_space<hbm>> -> memref<125xi32, #tpu.memory_space<hbm>>
        tpu.wait_dma2 semaphore(%arg20 : memref<!tpu.dma_semaphore, #tpu.memory_space<semaphore_mem>>) src(%dma_wait3A_691 : memref<125xi32, #tpu.memory_space<hbm>>) dst(%dma_wait3A_688 : memref<125xi32, #tpu.memory_space<vmem>>)
        %dma_start3A_692 = arith.constant 2 : i32
        %dma_start3A_693 = arith.constant 2 : i32
        %dma_start3A_694 = arith.constant 0 : i32
        %dma_start3A_695 = arith.constant 0 : i32
        %dma_start3A_696 = tpu.memref_slice %arg8[%dma_start3A_693, %dma_start3A_694, %dma_start3A_695] : memref<4x125x64xf32, #tpu.memory_space<vmem>> -> memref<1x125x64xf32, #tpu.memory_space<vmem>>
        %dma_start3A_697 = tpu.memref_squeeze %dma_start3A_696 : memref<1x125x64xf32, #tpu.memory_space<vmem>> -> memref<125x64xf32, #tpu.memory_space<vmem>>
        %dma_start3A_698 = arith.constant 0 : i32
        %dma_start3A_699 = tpu.memref_slice %arg6[%dma_start3A_692, %dma_start3A_698] : memref<4x125xi32, #tpu.memory_space<vmem>> -> memref<1x125xi32, #tpu.memory_space<vmem>>
        %dma_start3A_700 = tpu.memref_squeeze %dma_start3A_699 : memref<1x125xi32, #tpu.memory_space<vmem>> -> memref<125xi32, #tpu.memory_space<vmem>>
        %dma_start3A_701 = arith.constant 0 : i32
        %dma_start3A_702 = arith.constant 0 : i32
        %dma_start3A_703 = tpu.memref_slice %arg2[%dma_start3A_701, %dma_start3A_702] : memref<10240x64xf32, #tpu.memory_space<hbm>> -> memref<10240x64xf32, #tpu.memory_space<hbm>>
        tpu.enqueue_indirect_dma source(%dma_start3A_703 : memref<10240x64xf32, #tpu.memory_space<hbm>>) target(%dma_start3A_697 : memref<125x64xf32, #tpu.memory_space<vmem>>) offsets(%dma_start3A_700 : memref<125xi32, #tpu.memory_space<vmem>>) semaphore(%arg12 : memref<!tpu.dma_semaphore, #tpu.memory_space<semaphore_mem>>)
        %add3A_704 = arith.constant 2 : i32
        %add3A_705 = arith.addi %add3A_432, %add3A_704 : i32
        %add3A_706 = arith.addi %mul3A_2, %add3A_705 : i32
        %dma_start3A_707 = arith.constant 2 : i32
        %dma_start3A_708 = arith.constant 0 : i32
        %dma_start3A_709 = tpu.memref_slice %arg7[%dma_start3A_707, %dma_start3A_708] : memref<4x125xi32, #tpu.memory_space<vmem>> -> memref<1x125xi32, #tpu.memory_space<vmem>>
        %dma_start3A_710 = tpu.memref_squeeze %dma_start3A_709 : memref<1x125xi32, #tpu.memory_space<vmem>> -> memref<125xi32, #tpu.memory_space<vmem>>
        %dma_start3A_711 = arith.constant 0 : i32
        %dma_start3A_712 = tpu.memref_slice %arg4[%add3A_706, %dma_start3A_711] : memref<2560x125xi32, #tpu.memory_space<hbm>> -> memref<1x125xi32, #tpu.memory_space<hbm>>
        %dma_start3A_713 = tpu.memref_squeeze %dma_start3A_712 : memref<1x125xi32, #tpu.memory_space<hbm>> -> memref<125xi32, #tpu.memory_space<hbm>>
        %dma_start3A_714 = arith.constant 0 : i32
        %dma_start3A_715 = tpu.memref_slice %arg7[%dma_start3A_707, %dma_start3A_714] : memref<4x125xi32, #tpu.memory_space<vmem>> -> memref<1x125xi32, #tpu.memory_space<vmem>>
        %dma_start3A_716 = tpu.memref_squeeze %dma_start3A_715 : memref<1x125xi32, #tpu.memory_space<vmem>> -> memref<125xi32, #tpu.memory_space<vmem>>
        %dma_start3A_717 = arith.constant 0 : i32
        %dma_start3A_718 = tpu.memref_slice %arg4[%add3A_706, %dma_start3A_717] : memref<2560x125xi32, #tpu.memory_space<hbm>> -> memref<1x125xi32, #tpu.memory_space<hbm>>
        %dma_start3A_719 = tpu.memref_squeeze %dma_start3A_718 : memref<1x125xi32, #tpu.memory_space<hbm>> -> memref<125xi32, #tpu.memory_space<hbm>>
        tpu.enqueue_dma source(%dma_start3A_719 : memref<125xi32, #tpu.memory_space<hbm>>) target(%dma_start3A_716 : memref<125xi32, #tpu.memory_space<vmem>>) target_semaphore(%arg24 : memref<!tpu.dma_semaphore, #tpu.memory_space<semaphore_mem>>)
      } else {
      }
      %add3A_479 = arith.constant 3 : i32
      %add3A_480 = arith.addi %add3A_432, %add3A_479 : i32
      %lt3A_481 = arith.constant 80 : i32
      %lt3A_482 = arith.cmpi slt, %add3A_480, %lt3A_481 : i32
      %convert_element_type3A_483 = arith.extui %lt3A_482 : i1 to i32
      %cond3A_484 = arith.constant 0 : i32
      %cond3A_485 = arith.cmpi ne, %convert_element_type3A_483, %cond3A_484 : i32
      scf.if %cond3A_485 {
        %add3A_678 = arith.constant 3 : i32
        %add3A_679 = arith.addi %add3A_432, %add3A_678 : i32
        %add3A_680 = arith.addi %mul3A_2, %add3A_679 : i32
        %dma_start3A_681 = arith.constant 3 : i32
        %dma_start3A_682 = arith.constant 0 : i32
        %dma_start3A_683 = tpu.memref_slice %arg6[%dma_start3A_681, %dma_start3A_682] : memref<4x125xi32, #tpu.memory_space<vmem>> -> memref<1x125xi32, #tpu.memory_space<vmem>>
        %dma_start3A_684 = tpu.memref_squeeze %dma_start3A_683 : memref<1x125xi32, #tpu.memory_space<vmem>> -> memref<125xi32, #tpu.memory_space<vmem>>
        %dma_start3A_685 = arith.constant 0 : i32
        %dma_start3A_686 = tpu.memref_slice %arg3[%add3A_680, %dma_start3A_685] : memref<2560x125xi32, #tpu.memory_space<hbm>> -> memref<1x125xi32, #tpu.memory_space<hbm>>
        %dma_start3A_687 = tpu.memref_squeeze %dma_start3A_686 : memref<1x125xi32, #tpu.memory_space<hbm>> -> memref<125xi32, #tpu.memory_space<hbm>>
        %dma_start3A_688 = arith.constant 0 : i32
        %dma_start3A_689 = tpu.memref_slice %arg6[%dma_start3A_681, %dma_start3A_688] : memref<4x125xi32, #tpu.memory_space<vmem>> -> memref<1x125xi32, #tpu.memory_space<vmem>>
        %dma_start3A_690 = tpu.memref_squeeze %dma_start3A_689 : memref<1x125xi32, #tpu.memory_space<vmem>> -> memref<125xi32, #tpu.memory_space<vmem>>
        %dma_start3A_691 = arith.constant 0 : i32
        %dma_start3A_692 = tpu.memref_slice %arg3[%add3A_680, %dma_start3A_691] : memref<2560x125xi32, #tpu.memory_space<hbm>> -> memref<1x125xi32, #tpu.memory_space<hbm>>
        %dma_start3A_693 = tpu.memref_squeeze %dma_start3A_692 : memref<1x125xi32, #tpu.memory_space<hbm>> -> memref<125xi32, #tpu.memory_space<hbm>>
        tpu.enqueue_dma source(%dma_start3A_693 : memref<125xi32, #tpu.memory_space<hbm>>) target(%dma_start3A_690 : memref<125xi32, #tpu.memory_space<vmem>>) target_semaphore(%arg21 : memref<!tpu.dma_semaphore, #tpu.memory_space<semaphore_mem>>)
      } else {
      }
      %add3A_486 = arith.constant 1 : i32
      %add3A_487 = arith.addi %mul3A_430, %add3A_486 : i32
      %dma_wait3A_488 = arith.constant 0 : i32
      %dma_wait3A_489 = arith.constant 1 : i32
      %dma_wait3A_490 = arith.constant 0 : i32
      %dma_wait3A_491 = arith.constant 0 : i32
      %dma_wait3A_492 = tpu.memref_slice %arg8[%dma_wait3A_489, %dma_wait3A_490, %dma_wait3A_491] : memref<4x125x64xf32, #tpu.memory_space<vmem>> -> memref<1x125x64xf32, #tpu.memory_space<vmem>>
      %dma_wait3A_493 = tpu.memref_squeeze %dma_wait3A_492 : memref<1x125x64xf32, #tpu.memory_space<vmem>> -> memref<125x64xf32, #tpu.memory_space<vmem>>
      %dma_wait3A_494 = arith.constant 0 : i32
      %dma_wait3A_495 = tpu.memref_slice %arg6[%dma_wait3A_488, %dma_wait3A_494] : memref<4x125xi32, #tpu.memory_space<vmem>> -> memref<1x125xi32, #tpu.memory_space<vmem>>
      %dma_wait3A_496 = tpu.memref_squeeze %dma_wait3A_495 : memref<1x125xi32, #tpu.memory_space<vmem>> -> memref<125xi32, #tpu.memory_space<vmem>>
      %dma_wait3A_497 = arith.constant 0 : i32
      %dma_wait3A_498 = arith.constant 0 : i32
      %dma_wait3A_499 = tpu.memref_slice %arg2[%dma_wait3A_497, %dma_wait3A_498] : memref<10240x64xf32, #tpu.memory_space<hbm>> -> memref<10240x64xf32, #tpu.memory_space<hbm>>
      tpu.wait_indirect_dma semaphore(%arg11 : memref<!tpu.dma_semaphore, #tpu.memory_space<semaphore_mem>>) src(%dma_wait3A_499 : memref<10240x64xf32, #tpu.memory_space<hbm>>) dst(%dma_wait3A_493 : memref<125x64xf32, #tpu.memory_space<vmem>>)
      %dma_wait3A_500 = arith.constant 0 : i32
      %dma_wait3A_501 = arith.constant 1 : i32
      %dma_wait3A_502 = arith.constant 0 : i32
      %dma_wait3A_503 = tpu.memref_slice %arg7[%dma_wait3A_501, %dma_wait3A_502] : memref<4x125xi32, #tpu.memory_space<vmem>> -> memref<1x125xi32, #tpu.memory_space<vmem>>
      %dma_wait3A_504 = tpu.memref_squeeze %dma_wait3A_503 : memref<1x125xi32, #tpu.memory_space<vmem>> -> memref<125xi32, #tpu.memory_space<vmem>>
      %dma_wait3A_505 = arith.constant 0 : i32
      %dma_wait3A_506 = tpu.memref_slice %arg4[%dma_wait3A_500, %dma_wait3A_505] : memref<2560x125xi32, #tpu.memory_space<hbm>> -> memref<1x125xi32, #tpu.memory_space<hbm>>
      %dma_wait3A_507 = tpu.memref_squeeze %dma_wait3A_506 : memref<1x125xi32, #tpu.memory_space<hbm>> -> memref<125xi32, #tpu.memory_space<hbm>>
      %dma_wait3A_508 = arith.constant 0 : i32
      %dma_wait3A_509 = tpu.memref_slice %arg7[%dma_wait3A_501, %dma_wait3A_508] : memref<4x125xi32, #tpu.memory_space<vmem>> -> memref<1x125xi32, #tpu.memory_space<vmem>>
      %dma_wait3A_510 = tpu.memref_squeeze %dma_wait3A_509 : memref<1x125xi32, #tpu.memory_space<vmem>> -> memref<125xi32, #tpu.memory_space<vmem>>
      %dma_wait3A_511 = arith.constant 0 : i32
      %dma_wait3A_512 = tpu.memref_slice %arg4[%dma_wait3A_500, %dma_wait3A_511] : memref<2560x125xi32, #tpu.memory_space<hbm>> -> memref<1x125xi32, #tpu.memory_space<hbm>>
      %dma_wait3A_513 = tpu.memref_squeeze %dma_wait3A_512 : memref<1x125xi32, #tpu.memory_space<hbm>> -> memref<125xi32, #tpu.memory_space<hbm>>
      tpu.wait_dma2 semaphore(%arg23 : memref<!tpu.dma_semaphore, #tpu.memory_space<semaphore_mem>>) src(%dma_wait3A_513 : memref<125xi32, #tpu.memory_space<hbm>>) dst(%dma_wait3A_510 : memref<125xi32, #tpu.memory_space<vmem>>)
      %dma_start3A_514 = arith.constant 1 : i32
      %dma_start3A_515 = arith.constant 1 : i32
      %dma_start3A_516 = arith.constant 0 : i32
      %dma_start3A_517 = arith.constant 0 : i32
      %dma_start3A_518 = tpu.memref_slice %arg8[%dma_start3A_514, %dma_start3A_516, %dma_start3A_517] : memref<4x125x64xf32, #tpu.memory_space<vmem>> -> memref<1x125x64xf32, #tpu.memory_space<vmem>>
      %dma_start3A_519 = tpu.memref_squeeze %dma_start3A_518 : memref<1x125x64xf32, #tpu.memory_space<vmem>> -> memref<125x64xf32, #tpu.memory_space<vmem>>
      %dma_start3A_520 = arith.constant 0 : i32
      %dma_start3A_521 = tpu.memref_slice %arg7[%dma_start3A_515, %dma_start3A_520] : memref<4x125xi32, #tpu.memory_space<vmem>> -> memref<1x125xi32, #tpu.memory_space<vmem>>
      %dma_start3A_522 = tpu.memref_squeeze %dma_start3A_521 : memref<1x125xi32, #tpu.memory_space<vmem>> -> memref<125xi32, #tpu.memory_space<vmem>>
      %dma_start3A_523 = arith.constant 0 : i32
      %dma_start3A_524 = arith.constant 0 : i32
      %dma_start3A_525 = tpu.memref_slice %arg9[%dma_start3A_523, %dma_start3A_524] : memref<10240x64xf32, #tpu.memory_space<vmem_shared>> -> memref<10240x64xf32, #tpu.memory_space<vmem_shared>>
      tpu.enqueue_indirect_dma source(%dma_start3A_519 : memref<125x64xf32, #tpu.memory_space<vmem>>) target(%dma_start3A_525 : memref<10240x64xf32, #tpu.memory_space<vmem_shared>>) offsets(%dma_start3A_522 : memref<125xi32, #tpu.memory_space<vmem>>) semaphore(%arg15 : memref<!tpu.dma_semaphore, #tpu.memory_space<semaphore_mem>>) {add = true}
      %gt3A_526 = arith.constant 0 : i32
      %gt3A_527 = arith.cmpi sgt, %scan3A_427, %gt3A_526 : i32
      %convert_element_type3A_528 = arith.extui %gt3A_527 : i1 to i32
      %cond3A_529 = arith.constant 0 : i32
      %cond3A_530 = arith.cmpi ne, %convert_element_type3A_528, %cond3A_529 : i32
      scf.if %cond3A_530 {
        %dma_wait3A_678 = arith.constant 3 : i32
        %dma_wait3A_679 = arith.constant 0 : i32
        %dma_wait3A_680 = arith.constant 0 : i32
        %dma_wait3A_681 = arith.constant 0 : i32
        %dma_wait3A_682 = tpu.memref_slice %arg8[%dma_wait3A_678, %dma_wait3A_680, %dma_wait3A_681] : memref<4x125x64xf32, #tpu.memory_space<vmem>> -> memref<1x125x64xf32, #tpu.memory_space<vmem>>
        %dma_wait3A_683 = tpu.memref_squeeze %dma_wait3A_682 : memref<1x125x64xf32, #tpu.memory_space<vmem>> -> memref<125x64xf32, #tpu.memory_space<vmem>>
        %dma_wait3A_684 = arith.constant 0 : i32
        %dma_wait3A_685 = tpu.memref_slice %arg7[%dma_wait3A_679, %dma_wait3A_684] : memref<4x125xi32, #tpu.memory_space<vmem>> -> memref<1x125xi32, #tpu.memory_space<vmem>>
        %dma_wait3A_686 = tpu.memref_squeeze %dma_wait3A_685 : memref<1x125xi32, #tpu.memory_space<vmem>> -> memref<125xi32, #tpu.memory_space<vmem>>
        %dma_wait3A_687 = arith.constant 0 : i32
        %dma_wait3A_688 = arith.constant 0 : i32
        %dma_wait3A_689 = tpu.memref_slice %arg9[%dma_wait3A_687, %dma_wait3A_688] : memref<10240x64xf32, #tpu.memory_space<vmem_shared>> -> memref<10240x64xf32, #tpu.memory_space<vmem_shared>>
        tpu.wait_indirect_dma semaphore(%arg17 : memref<!tpu.dma_semaphore, #tpu.memory_space<semaphore_mem>>) src(%dma_wait3A_683 : memref<125x64xf32, #tpu.memory_space<vmem>>) dst(%dma_wait3A_689 : memref<10240x64xf32, #tpu.memory_space<vmem_shared>>)
      } else {
      }
      %add3A_531 = arith.constant 2 : i32
      %add3A_532 = arith.addi %add3A_487, %add3A_531 : i32
      %lt3A_533 = arith.constant 80 : i32
      %lt3A_534 = arith.cmpi slt, %add3A_532, %lt3A_533 : i32
      %convert_element_type3A_535 = arith.extui %lt3A_534 : i1 to i32
      %cond3A_536 = arith.constant 0 : i32
      %cond3A_537 = arith.cmpi ne, %convert_element_type3A_535, %cond3A_536 : i32
      scf.if %cond3A_537 {
        %dma_wait3A_678 = arith.constant 0 : i32
        %dma_wait3A_679 = arith.constant 3 : i32
        %dma_wait3A_680 = arith.constant 0 : i32
        %dma_wait3A_681 = tpu.memref_slice %arg6[%dma_wait3A_679, %dma_wait3A_680] : memref<4x125xi32, #tpu.memory_space<vmem>> -> memref<1x125xi32, #tpu.memory_space<vmem>>
        %dma_wait3A_682 = tpu.memref_squeeze %dma_wait3A_681 : memref<1x125xi32, #tpu.memory_space<vmem>> -> memref<125xi32, #tpu.memory_space<vmem>>
        %dma_wait3A_683 = arith.constant 0 : i32
        %dma_wait3A_684 = tpu.memref_slice %arg3[%dma_wait3A_678, %dma_wait3A_683] : memref<2560x125xi32, #tpu.memory_space<hbm>> -> memref<1x125xi32, #tpu.memory_space<hbm>>
        %dma_wait3A_685 = tpu.memref_squeeze %dma_wait3A_684 : memref<1x125xi32, #tpu.memory_space<hbm>> -> memref<125xi32, #tpu.memory_space<hbm>>
        %dma_wait3A_686 = arith.constant 0 : i32
        %dma_wait3A_687 = tpu.memref_slice %arg6[%dma_wait3A_679, %dma_wait3A_686] : memref<4x125xi32, #tpu.memory_space<vmem>> -> memref<1x125xi32, #tpu.memory_space<vmem>>
        %dma_wait3A_688 = tpu.memref_squeeze %dma_wait3A_687 : memref<1x125xi32, #tpu.memory_space<vmem>> -> memref<125xi32, #tpu.memory_space<vmem>>
        %dma_wait3A_689 = arith.constant 0 : i32
        %dma_wait3A_690 = tpu.memref_slice %arg3[%dma_wait3A_678, %dma_wait3A_689] : memref<2560x125xi32, #tpu.memory_space<hbm>> -> memref<1x125xi32, #tpu.memory_space<hbm>>
        %dma_wait3A_691 = tpu.memref_squeeze %dma_wait3A_690 : memref<1x125xi32, #tpu.memory_space<hbm>> -> memref<125xi32, #tpu.memory_space<hbm>>
        tpu.wait_dma2 semaphore(%arg21 : memref<!tpu.dma_semaphore, #tpu.memory_space<semaphore_mem>>) src(%dma_wait3A_691 : memref<125xi32, #tpu.memory_space<hbm>>) dst(%dma_wait3A_688 : memref<125xi32, #tpu.memory_space<vmem>>)
        %dma_start3A_692 = arith.constant 3 : i32
        %dma_start3A_693 = arith.constant 3 : i32
        %dma_start3A_694 = arith.constant 0 : i32
        %dma_start3A_695 = arith.constant 0 : i32
        %dma_start3A_696 = tpu.memref_slice %arg8[%dma_start3A_693, %dma_start3A_694, %dma_start3A_695] : memref<4x125x64xf32, #tpu.memory_space<vmem>> -> memref<1x125x64xf32, #tpu.memory_space<vmem>>
        %dma_start3A_697 = tpu.memref_squeeze %dma_start3A_696 : memref<1x125x64xf32, #tpu.memory_space<vmem>> -> memref<125x64xf32, #tpu.memory_space<vmem>>
        %dma_start3A_698 = arith.constant 0 : i32
        %dma_start3A_699 = tpu.memref_slice %arg6[%dma_start3A_692, %dma_start3A_698] : memref<4x125xi32, #tpu.memory_space<vmem>> -> memref<1x125xi32, #tpu.memory_space<vmem>>
        %dma_start3A_700 = tpu.memref_squeeze %dma_start3A_699 : memref<1x125xi32, #tpu.memory_space<vmem>> -> memref<125xi32, #tpu.memory_space<vmem>>
        %dma_start3A_701 = arith.constant 0 : i32
        %dma_start3A_702 = arith.constant 0 : i32
        %dma_start3A_703 = tpu.memref_slice %arg2[%dma_start3A_701, %dma_start3A_702] : memref<10240x64xf32, #tpu.memory_space<hbm>> -> memref<10240x64xf32, #tpu.memory_space<hbm>>
        tpu.enqueue_indirect_dma source(%dma_start3A_703 : memref<10240x64xf32, #tpu.memory_space<hbm>>) target(%dma_start3A_697 : memref<125x64xf32, #tpu.memory_space<vmem>>) offsets(%dma_start3A_700 : memref<125xi32, #tpu.memory_space<vmem>>) semaphore(%arg13 : memref<!tpu.dma_semaphore, #tpu.memory_space<semaphore_mem>>)
        %add3A_704 = arith.constant 2 : i32
        %add3A_705 = arith.addi %add3A_487, %add3A_704 : i32
        %add3A_706 = arith.addi %mul3A_2, %add3A_705 : i32
        %dma_start3A_707 = arith.constant 3 : i32
        %dma_start3A_708 = arith.constant 0 : i32
        %dma_start3A_709 = tpu.memref_slice %arg7[%dma_start3A_707, %dma_start3A_708] : memref<4x125xi32, #tpu.memory_space<vmem>> -> memref<1x125xi32, #tpu.memory_space<vmem>>
        %dma_start3A_710 = tpu.memref_squeeze %dma_start3A_709 : memref<1x125xi32, #tpu.memory_space<vmem>> -> memref<125xi32, #tpu.memory_space<vmem>>
        %dma_start3A_711 = arith.constant 0 : i32
        %dma_start3A_712 = tpu.memref_slice %arg4[%add3A_706, %dma_start3A_711] : memref<2560x125xi32, #tpu.memory_space<hbm>> -> memref<1x125xi32, #tpu.memory_space<hbm>>
        %dma_start3A_713 = tpu.memref_squeeze %dma_start3A_712 : memref<1x125xi32, #tpu.memory_space<hbm>> -> memref<125xi32, #tpu.memory_space<hbm>>
        %dma_start3A_714 = arith.constant 0 : i32
        %dma_start3A_715 = tpu.memref_slice %arg7[%dma_start3A_707, %dma_start3A_714] : memref<4x125xi32, #tpu.memory_space<vmem>> -> memref<1x125xi32, #tpu.memory_space<vmem>>
        %dma_start3A_716 = tpu.memref_squeeze %dma_start3A_715 : memref<1x125xi32, #tpu.memory_space<vmem>> -> memref<125xi32, #tpu.memory_space<vmem>>
        %dma_start3A_717 = arith.constant 0 : i32
        %dma_start3A_718 = tpu.memref_slice %arg4[%add3A_706, %dma_start3A_717] : memref<2560x125xi32, #tpu.memory_space<hbm>> -> memref<1x125xi32, #tpu.memory_space<hbm>>
        %dma_start3A_719 = tpu.memref_squeeze %dma_start3A_718 : memref<1x125xi32, #tpu.memory_space<hbm>> -> memref<125xi32, #tpu.memory_space<hbm>>
        tpu.enqueue_dma source(%dma_start3A_719 : memref<125xi32, #tpu.memory_space<hbm>>) target(%dma_start3A_716 : memref<125xi32, #tpu.memory_space<vmem>>) target_semaphore(%arg25 : memref<!tpu.dma_semaphore, #tpu.memory_space<semaphore_mem>>)
      } else {
      }
      %add3A_538 = arith.constant 3 : i32
      %add3A_539 = arith.addi %add3A_487, %add3A_538 : i32
      %lt3A_540 = arith.constant 80 : i32
      %lt3A_541 = arith.cmpi slt, %add3A_539, %lt3A_540 : i32
      %convert_element_type3A_542 = arith.extui %lt3A_541 : i1 to i32
      %cond3A_543 = arith.constant 0 : i32
      %cond3A_544 = arith.cmpi ne, %convert_element_type3A_542, %cond3A_543 : i32
      scf.if %cond3A_544 {
        %add3A_678 = arith.constant 3 : i32
        %add3A_679 = arith.addi %add3A_487, %add3A_678 : i32
        %add3A_680 = arith.addi %mul3A_2, %add3A_679 : i32
        %dma_start3A_681 = arith.constant 0 : i32
        %dma_start3A_682 = arith.constant 0 : i32
        %dma_start3A_683 = tpu.memref_slice %arg6[%dma_start3A_681, %dma_start3A_682] : memref<4x125xi32, #tpu.memory_space<vmem>> -> memref<1x125xi32, #tpu.memory_space<vmem>>
        %dma_start3A_684 = tpu.memref_squeeze %dma_start3A_683 : memref<1x125xi32, #tpu.memory_space<vmem>> -> memref<125xi32, #tpu.memory_space<vmem>>
        %dma_start3A_685 = arith.constant 0 : i32
        %dma_start3A_686 = tpu.memref_slice %arg3[%add3A_680, %dma_start3A_685] : memref<2560x125xi32, #tpu.memory_space<hbm>> -> memref<1x125xi32, #tpu.memory_space<hbm>>
        %dma_start3A_687 = tpu.memref_squeeze %dma_start3A_686 : memref<1x125xi32, #tpu.memory_space<hbm>> -> memref<125xi32, #tpu.memory_space<hbm>>
        %dma_start3A_688 = arith.constant 0 : i32
        %dma_start3A_689 = tpu.memref_slice %arg6[%dma_start3A_681, %dma_start3A_688] : memref<4x125xi32, #tpu.memory_space<vmem>> -> memref<1x125xi32, #tpu.memory_space<vmem>>
        %dma_start3A_690 = tpu.memref_squeeze %dma_start3A_689 : memref<1x125xi32, #tpu.memory_space<vmem>> -> memref<125xi32, #tpu.memory_space<vmem>>
        %dma_start3A_691 = arith.constant 0 : i32
        %dma_start3A_692 = tpu.memref_slice %arg3[%add3A_680, %dma_start3A_691] : memref<2560x125xi32, #tpu.memory_space<hbm>> -> memref<1x125xi32, #tpu.memory_space<hbm>>
        %dma_start3A_693 = tpu.memref_squeeze %dma_start3A_692 : memref<1x125xi32, #tpu.memory_space<hbm>> -> memref<125xi32, #tpu.memory_space<hbm>>
        tpu.enqueue_dma source(%dma_start3A_693 : memref<125xi32, #tpu.memory_space<hbm>>) target(%dma_start3A_690 : memref<125xi32, #tpu.memory_space<vmem>>) target_semaphore(%arg18 : memref<!tpu.dma_semaphore, #tpu.memory_space<semaphore_mem>>)
      } else {
      }
      %add3A_545 = arith.constant 2 : i32
      %add3A_546 = arith.addi %mul3A_430, %add3A_545 : i32
      %dma_wait3A_547 = arith.constant 0 : i32
      %dma_wait3A_548 = arith.constant 2 : i32
      %dma_wait3A_549 = arith.constant 0 : i32
      %dma_wait3A_550 = arith.constant 0 : i32
      %dma_wait3A_551 = tpu.memref_slice %arg8[%dma_wait3A_548, %dma_wait3A_549, %dma_wait3A_550] : memref<4x125x64xf32, #tpu.memory_space<vmem>> -> memref<1x125x64xf32, #tpu.memory_space<vmem>>
      %dma_wait3A_552 = tpu.memref_squeeze %dma_wait3A_551 : memref<1x125x64xf32, #tpu.memory_space<vmem>> -> memref<125x64xf32, #tpu.memory_space<vmem>>
      %dma_wait3A_553 = arith.constant 0 : i32
      %dma_wait3A_554 = tpu.memref_slice %arg6[%dma_wait3A_547, %dma_wait3A_553] : memref<4x125xi32, #tpu.memory_space<vmem>> -> memref<1x125xi32, #tpu.memory_space<vmem>>
      %dma_wait3A_555 = tpu.memref_squeeze %dma_wait3A_554 : memref<1x125xi32, #tpu.memory_space<vmem>> -> memref<125xi32, #tpu.memory_space<vmem>>
      %dma_wait3A_556 = arith.constant 0 : i32
      %dma_wait3A_557 = arith.constant 0 : i32
      %dma_wait3A_558 = tpu.memref_slice %arg2[%dma_wait3A_556, %dma_wait3A_557] : memref<10240x64xf32, #tpu.memory_space<hbm>> -> memref<10240x64xf32, #tpu.memory_space<hbm>>
      tpu.wait_indirect_dma semaphore(%arg12 : memref<!tpu.dma_semaphore, #tpu.memory_space<semaphore_mem>>) src(%dma_wait3A_558 : memref<10240x64xf32, #tpu.memory_space<hbm>>) dst(%dma_wait3A_552 : memref<125x64xf32, #tpu.memory_space<vmem>>)
      %dma_wait3A_559 = arith.constant 0 : i32
      %dma_wait3A_560 = arith.constant 2 : i32
      %dma_wait3A_561 = arith.constant 0 : i32
      %dma_wait3A_562 = tpu.memref_slice %arg7[%dma_wait3A_560, %dma_wait3A_561] : memref<4x125xi32, #tpu.memory_space<vmem>> -> memref<1x125xi32, #tpu.memory_space<vmem>>
      %dma_wait3A_563 = tpu.memref_squeeze %dma_wait3A_562 : memref<1x125xi32, #tpu.memory_space<vmem>> -> memref<125xi32, #tpu.memory_space<vmem>>
      %dma_wait3A_564 = arith.constant 0 : i32
      %dma_wait3A_565 = tpu.memref_slice %arg4[%dma_wait3A_559, %dma_wait3A_564] : memref<2560x125xi32, #tpu.memory_space<hbm>> -> memref<1x125xi32, #tpu.memory_space<hbm>>
      %dma_wait3A_566 = tpu.memref_squeeze %dma_wait3A_565 : memref<1x125xi32, #tpu.memory_space<hbm>> -> memref<125xi32, #tpu.memory_space<hbm>>
      %dma_wait3A_567 = arith.constant 0 : i32
      %dma_wait3A_568 = tpu.memref_slice %arg7[%dma_wait3A_560, %dma_wait3A_567] : memref<4x125xi32, #tpu.memory_space<vmem>> -> memref<1x125xi32, #tpu.memory_space<vmem>>
      %dma_wait3A_569 = tpu.memref_squeeze %dma_wait3A_568 : memref<1x125xi32, #tpu.memory_space<vmem>> -> memref<125xi32, #tpu.memory_space<vmem>>
      %dma_wait3A_570 = arith.constant 0 : i32
      %dma_wait3A_571 = tpu.memref_slice %arg4[%dma_wait3A_559, %dma_wait3A_570] : memref<2560x125xi32, #tpu.memory_space<hbm>> -> memref<1x125xi32, #tpu.memory_space<hbm>>
      %dma_wait3A_572 = tpu.memref_squeeze %dma_wait3A_571 : memref<1x125xi32, #tpu.memory_space<hbm>> -> memref<125xi32, #tpu.memory_space<hbm>>
      tpu.wait_dma2 semaphore(%arg24 : memref<!tpu.dma_semaphore, #tpu.memory_space<semaphore_mem>>) src(%dma_wait3A_572 : memref<125xi32, #tpu.memory_space<hbm>>) dst(%dma_wait3A_569 : memref<125xi32, #tpu.memory_space<vmem>>)
      %dma_start3A_573 = arith.constant 2 : i32
      %dma_start3A_574 = arith.constant 2 : i32
      %dma_start3A_575 = arith.constant 0 : i32
      %dma_start3A_576 = arith.constant 0 : i32
      %dma_start3A_577 = tpu.memref_slice %arg8[%dma_start3A_573, %dma_start3A_575, %dma_start3A_576] : memref<4x125x64xf32, #tpu.memory_space<vmem>> -> memref<1x125x64xf32, #tpu.memory_space<vmem>>
      %dma_start3A_578 = tpu.memref_squeeze %dma_start3A_577 : memref<1x125x64xf32, #tpu.memory_space<vmem>> -> memref<125x64xf32, #tpu.memory_space<vmem>>
      %dma_start3A_579 = arith.constant 0 : i32
      %dma_start3A_580 = tpu.memref_slice %arg7[%dma_start3A_574, %dma_start3A_579] : memref<4x125xi32, #tpu.memory_space<vmem>> -> memref<1x125xi32, #tpu.memory_space<vmem>>
      %dma_start3A_581 = tpu.memref_squeeze %dma_start3A_580 : memref<1x125xi32, #tpu.memory_space<vmem>> -> memref<125xi32, #tpu.memory_space<vmem>>
      %dma_start3A_582 = arith.constant 0 : i32
      %dma_start3A_583 = arith.constant 0 : i32
      %dma_start3A_584 = tpu.memref_slice %arg9[%dma_start3A_582, %dma_start3A_583] : memref<10240x64xf32, #tpu.memory_space<vmem_shared>> -> memref<10240x64xf32, #tpu.memory_space<vmem_shared>>
      tpu.enqueue_indirect_dma source(%dma_start3A_578 : memref<125x64xf32, #tpu.memory_space<vmem>>) target(%dma_start3A_584 : memref<10240x64xf32, #tpu.memory_space<vmem_shared>>) offsets(%dma_start3A_581 : memref<125xi32, #tpu.memory_space<vmem>>) semaphore(%arg16 : memref<!tpu.dma_semaphore, #tpu.memory_space<semaphore_mem>>) {add = true}
      %dma_wait3A_585 = arith.constant 0 : i32
      %dma_wait3A_586 = arith.constant 0 : i32
      %dma_wait3A_587 = arith.constant 0 : i32
      %dma_wait3A_588 = arith.constant 0 : i32
      %dma_wait3A_589 = tpu.memref_slice %arg8[%dma_wait3A_585, %dma_wait3A_587, %dma_wait3A_588] : memref<4x125x64xf32, #tpu.memory_space<vmem>> -> memref<1x125x64xf32, #tpu.memory_space<vmem>>
      %dma_wait3A_590 = tpu.memref_squeeze %dma_wait3A_589 : memref<1x125x64xf32, #tpu.memory_space<vmem>> -> memref<125x64xf32, #tpu.memory_space<vmem>>
      %dma_wait3A_591 = arith.constant 0 : i32
      %dma_wait3A_592 = tpu.memref_slice %arg7[%dma_wait3A_586, %dma_wait3A_591] : memref<4x125xi32, #tpu.memory_space<vmem>> -> memref<1x125xi32, #tpu.memory_space<vmem>>
      %dma_wait3A_593 = tpu.memref_squeeze %dma_wait3A_592 : memref<1x125xi32, #tpu.memory_space<vmem>> -> memref<125xi32, #tpu.memory_space<vmem>>
      %dma_wait3A_594 = arith.constant 0 : i32
      %dma_wait3A_595 = arith.constant 0 : i32
      %dma_wait3A_596 = tpu.memref_slice %arg9[%dma_wait3A_594, %dma_wait3A_595] : memref<10240x64xf32, #tpu.memory_space<vmem_shared>> -> memref<10240x64xf32, #tpu.memory_space<vmem_shared>>
      tpu.wait_indirect_dma semaphore(%arg14 : memref<!tpu.dma_semaphore, #tpu.memory_space<semaphore_mem>>) src(%dma_wait3A_590 : memref<125x64xf32, #tpu.memory_space<vmem>>) dst(%dma_wait3A_596 : memref<10240x64xf32, #tpu.memory_space<vmem_shared>>)
      %add3A_597 = arith.constant 2 : i32
      %add3A_598 = arith.addi %add3A_546, %add3A_597 : i32
      %lt3A_599 = arith.constant 80 : i32
      %lt3A_600 = arith.cmpi slt, %add3A_598, %lt3A_599 : i32
      %convert_element_type3A_601 = arith.extui %lt3A_600 : i1 to i32
      %cond3A_602 = arith.constant 0 : i32
      %cond3A_603 = arith.cmpi ne, %convert_element_type3A_601, %cond3A_602 : i32
      scf.if %cond3A_603 {
        %dma_wait3A_678 = arith.constant 0 : i32
        %dma_wait3A_679 = arith.constant 0 : i32
        %dma_wait3A_680 = arith.constant 0 : i32
        %dma_wait3A_681 = tpu.memref_slice %arg6[%dma_wait3A_679, %dma_wait3A_680] : memref<4x125xi32, #tpu.memory_space<vmem>> -> memref<1x125xi32, #tpu.memory_space<vmem>>
        %dma_wait3A_682 = tpu.memref_squeeze %dma_wait3A_681 : memref<1x125xi32, #tpu.memory_space<vmem>> -> memref<125xi32, #tpu.memory_space<vmem>>
        %dma_wait3A_683 = arith.constant 0 : i32
        %dma_wait3A_684 = tpu.memref_slice %arg3[%dma_wait3A_678, %dma_wait3A_683] : memref<2560x125xi32, #tpu.memory_space<hbm>> -> memref<1x125xi32, #tpu.memory_space<hbm>>
        %dma_wait3A_685 = tpu.memref_squeeze %dma_wait3A_684 : memref<1x125xi32, #tpu.memory_space<hbm>> -> memref<125xi32, #tpu.memory_space<hbm>>
        %dma_wait3A_686 = arith.constant 0 : i32
        %dma_wait3A_687 = tpu.memref_slice %arg6[%dma_wait3A_679, %dma_wait3A_686] : memref<4x125xi32, #tpu.memory_space<vmem>> -> memref<1x125xi32, #tpu.memory_space<vmem>>
        %dma_wait3A_688 = tpu.memref_squeeze %dma_wait3A_687 : memref<1x125xi32, #tpu.memory_space<vmem>> -> memref<125xi32, #tpu.memory_space<vmem>>
        %dma_wait3A_689 = arith.constant 0 : i32
        %dma_wait3A_690 = tpu.memref_slice %arg3[%dma_wait3A_678, %dma_wait3A_689] : memref<2560x125xi32, #tpu.memory_space<hbm>> -> memref<1x125xi32, #tpu.memory_space<hbm>>
        %dma_wait3A_691 = tpu.memref_squeeze %dma_wait3A_690 : memref<1x125xi32, #tpu.memory_space<hbm>> -> memref<125xi32, #tpu.memory_space<hbm>>
        tpu.wait_dma2 semaphore(%arg18 : memref<!tpu.dma_semaphore, #tpu.memory_space<semaphore_mem>>) src(%dma_wait3A_691 : memref<125xi32, #tpu.memory_space<hbm>>) dst(%dma_wait3A_688 : memref<125xi32, #tpu.memory_space<vmem>>)
        %dma_start3A_692 = arith.constant 0 : i32
        %dma_start3A_693 = arith.constant 0 : i32
        %dma_start3A_694 = arith.constant 0 : i32
        %dma_start3A_695 = arith.constant 0 : i32
        %dma_start3A_696 = tpu.memref_slice %arg8[%dma_start3A_693, %dma_start3A_694, %dma_start3A_695] : memref<4x125x64xf32, #tpu.memory_space<vmem>> -> memref<1x125x64xf32, #tpu.memory_space<vmem>>
        %dma_start3A_697 = tpu.memref_squeeze %dma_start3A_696 : memref<1x125x64xf32, #tpu.memory_space<vmem>> -> memref<125x64xf32, #tpu.memory_space<vmem>>
        %dma_start3A_698 = arith.constant 0 : i32
        %dma_start3A_699 = tpu.memref_slice %arg6[%dma_start3A_692, %dma_start3A_698] : memref<4x125xi32, #tpu.memory_space<vmem>> -> memref<1x125xi32, #tpu.memory_space<vmem>>
        %dma_start3A_700 = tpu.memref_squeeze %dma_start3A_699 : memref<1x125xi32, #tpu.memory_space<vmem>> -> memref<125xi32, #tpu.memory_space<vmem>>
        %dma_start3A_701 = arith.constant 0 : i32
        %dma_start3A_702 = arith.constant 0 : i32
        %dma_start3A_703 = tpu.memref_slice %arg2[%dma_start3A_701, %dma_start3A_702] : memref<10240x64xf32, #tpu.memory_space<hbm>> -> memref<10240x64xf32, #tpu.memory_space<hbm>>
        tpu.enqueue_indirect_dma source(%dma_start3A_703 : memref<10240x64xf32, #tpu.memory_space<hbm>>) target(%dma_start3A_697 : memref<125x64xf32, #tpu.memory_space<vmem>>) offsets(%dma_start3A_700 : memref<125xi32, #tpu.memory_space<vmem>>) semaphore(%arg10 : memref<!tpu.dma_semaphore, #tpu.memory_space<semaphore_mem>>)
        %add3A_704 = arith.constant 2 : i32
        %add3A_705 = arith.addi %add3A_546, %add3A_704 : i32
        %add3A_706 = arith.addi %mul3A_2, %add3A_705 : i32
        %dma_start3A_707 = arith.constant 0 : i32
        %dma_start3A_708 = arith.constant 0 : i32
        %dma_start3A_709 = tpu.memref_slice %arg7[%dma_start3A_707, %dma_start3A_708] : memref<4x125xi32, #tpu.memory_space<vmem>> -> memref<1x125xi32, #tpu.memory_space<vmem>>
        %dma_start3A_710 = tpu.memref_squeeze %dma_start3A_709 : memref<1x125xi32, #tpu.memory_space<vmem>> -> memref<125xi32, #tpu.memory_space<vmem>>
        %dma_start3A_711 = arith.constant 0 : i32
        %dma_start3A_712 = tpu.memref_slice %arg4[%add3A_706, %dma_start3A_711] : memref<2560x125xi32, #tpu.memory_space<hbm>> -> memref<1x125xi32, #tpu.memory_space<hbm>>
        %dma_start3A_713 = tpu.memref_squeeze %dma_start3A_712 : memref<1x125xi32, #tpu.memory_space<hbm>> -> memref<125xi32, #tpu.memory_space<hbm>>
        %dma_start3A_714 = arith.constant 0 : i32
        %dma_start3A_715 = tpu.memref_slice %arg7[%dma_start3A_707, %dma_start3A_714] : memref<4x125xi32, #tpu.memory_space<vmem>> -> memref<1x125xi32, #tpu.memory_space<vmem>>
        %dma_start3A_716 = tpu.memref_squeeze %dma_start3A_715 : memref<1x125xi32, #tpu.memory_space<vmem>> -> memref<125xi32, #tpu.memory_space<vmem>>
        %dma_start3A_717 = arith.constant 0 : i32
        %dma_start3A_718 = tpu.memref_slice %arg4[%add3A_706, %dma_start3A_717] : memref<2560x125xi32, #tpu.memory_space<hbm>> -> memref<1x125xi32, #tpu.memory_space<hbm>>
        %dma_start3A_719 = tpu.memref_squeeze %dma_start3A_718 : memref<1x125xi32, #tpu.memory_space<hbm>> -> memref<125xi32, #tpu.memory_space<hbm>>
        tpu.enqueue_dma source(%dma_start3A_719 : memref<125xi32, #tpu.memory_space<hbm>>) target(%dma_start3A_716 : memref<125xi32, #tpu.memory_space<vmem>>) target_semaphore(%arg22 : memref<!tpu.dma_semaphore, #tpu.memory_space<semaphore_mem>>)
      } else {
      }
      %add3A_604 = arith.constant 3 : i32
      %add3A_605 = arith.addi %add3A_546, %add3A_604 : i32
      %lt3A_606 = arith.constant 80 : i32
      %lt3A_607 = arith.cmpi slt, %add3A_605, %lt3A_606 : i32
      %convert_element_type3A_608 = arith.extui %lt3A_607 : i1 to i32
      %cond3A_609 = arith.constant 0 : i32
      %cond3A_610 = arith.cmpi ne, %convert_element_type3A_608, %cond3A_609 : i32
      scf.if %cond3A_610 {
        %add3A_678 = arith.constant 3 : i32
        %add3A_679 = arith.addi %add3A_546, %add3A_678 : i32
        %add3A_680 = arith.addi %mul3A_2, %add3A_679 : i32
        %dma_start3A_681 = arith.constant 1 : i32
        %dma_start3A_682 = arith.constant 0 : i32
        %dma_start3A_683 = tpu.memref_slice %arg6[%dma_start3A_681, %dma_start3A_682] : memref<4x125xi32, #tpu.memory_space<vmem>> -> memref<1x125xi32, #tpu.memory_space<vmem>>
        %dma_start3A_684 = tpu.memref_squeeze %dma_start3A_683 : memref<1x125xi32, #tpu.memory_space<vmem>> -> memref<125xi32, #tpu.memory_space<vmem>>
        %dma_start3A_685 = arith.constant 0 : i32
        %dma_start3A_686 = tpu.memref_slice %arg3[%add3A_680, %dma_start3A_685] : memref<2560x125xi32, #tpu.memory_space<hbm>> -> memref<1x125xi32, #tpu.memory_space<hbm>>
        %dma_start3A_687 = tpu.memref_squeeze %dma_start3A_686 : memref<1x125xi32, #tpu.memory_space<hbm>> -> memref<125xi32, #tpu.memory_space<hbm>>
        %dma_start3A_688 = arith.constant 0 : i32
        %dma_start3A_689 = tpu.memref_slice %arg6[%dma_start3A_681, %dma_start3A_688] : memref<4x125xi32, #tpu.memory_space<vmem>> -> memref<1x125xi32, #tpu.memory_space<vmem>>
        %dma_start3A_690 = tpu.memref_squeeze %dma_start3A_689 : memref<1x125xi32, #tpu.memory_space<vmem>> -> memref<125xi32, #tpu.memory_space<vmem>>
        %dma_start3A_691 = arith.constant 0 : i32
        %dma_start3A_692 = tpu.memref_slice %arg3[%add3A_680, %dma_start3A_691] : memref<2560x125xi32, #tpu.memory_space<hbm>> -> memref<1x125xi32, #tpu.memory_space<hbm>>
        %dma_start3A_693 = tpu.memref_squeeze %dma_start3A_692 : memref<1x125xi32, #tpu.memory_space<hbm>> -> memref<125xi32, #tpu.memory_space<hbm>>
        tpu.enqueue_dma source(%dma_start3A_693 : memref<125xi32, #tpu.memory_space<hbm>>) target(%dma_start3A_690 : memref<125xi32, #tpu.memory_space<vmem>>) target_semaphore(%arg19 : memref<!tpu.dma_semaphore, #tpu.memory_space<semaphore_mem>>)
      } else {
      }
      %add3A_611 = arith.constant 3 : i32
      %add3A_612 = arith.addi %mul3A_430, %add3A_611 : i32
      %dma_wait3A_613 = arith.constant 0 : i32
      %dma_wait3A_614 = arith.constant 3 : i32
      %dma_wait3A_615 = arith.constant 0 : i32
      %dma_wait3A_616 = arith.constant 0 : i32
      %dma_wait3A_617 = tpu.memref_slice %arg8[%dma_wait3A_614, %dma_wait3A_615, %dma_wait3A_616] : memref<4x125x64xf32, #tpu.memory_space<vmem>> -> memref<1x125x64xf32, #tpu.memory_space<vmem>>
      %dma_wait3A_618 = tpu.memref_squeeze %dma_wait3A_617 : memref<1x125x64xf32, #tpu.memory_space<vmem>> -> memref<125x64xf32, #tpu.memory_space<vmem>>
      %dma_wait3A_619 = arith.constant 0 : i32
      %dma_wait3A_620 = tpu.memref_slice %arg6[%dma_wait3A_613, %dma_wait3A_619] : memref<4x125xi32, #tpu.memory_space<vmem>> -> memref<1x125xi32, #tpu.memory_space<vmem>>
      %dma_wait3A_621 = tpu.memref_squeeze %dma_wait3A_620 : memref<1x125xi32, #tpu.memory_space<vmem>> -> memref<125xi32, #tpu.memory_space<vmem>>
      %dma_wait3A_622 = arith.constant 0 : i32
      %dma_wait3A_623 = arith.constant 0 : i32
      %dma_wait3A_624 = tpu.memref_slice %arg2[%dma_wait3A_622, %dma_wait3A_623] : memref<10240x64xf32, #tpu.memory_space<hbm>> -> memref<10240x64xf32, #tpu.memory_space<hbm>>
      tpu.wait_indirect_dma semaphore(%arg13 : memref<!tpu.dma_semaphore, #tpu.memory_space<semaphore_mem>>) src(%dma_wait3A_624 : memref<10240x64xf32, #tpu.memory_space<hbm>>) dst(%dma_wait3A_618 : memref<125x64xf32, #tpu.memory_space<vmem>>)
      %dma_wait3A_625 = arith.constant 0 : i32
      %dma_wait3A_626 = arith.constant 3 : i32
      %dma_wait3A_627 = arith.constant 0 : i32
      %dma_wait3A_628 = tpu.memref_slice %arg7[%dma_wait3A_626, %dma_wait3A_627] : memref<4x125xi32, #tpu.memory_space<vmem>> -> memref<1x125xi32, #tpu.memory_space<vmem>>
      %dma_wait3A_629 = tpu.memref_squeeze %dma_wait3A_628 : memref<1x125xi32, #tpu.memory_space<vmem>> -> memref<125xi32, #tpu.memory_space<vmem>>
      %dma_wait3A_630 = arith.constant 0 : i32
      %dma_wait3A_631 = tpu.memref_slice %arg4[%dma_wait3A_625, %dma_wait3A_630] : memref<2560x125xi32, #tpu.memory_space<hbm>> -> memref<1x125xi32, #tpu.memory_space<hbm>>
      %dma_wait3A_632 = tpu.memref_squeeze %dma_wait3A_631 : memref<1x125xi32, #tpu.memory_space<hbm>> -> memref<125xi32, #tpu.memory_space<hbm>>
      %dma_wait3A_633 = arith.constant 0 : i32
      %dma_wait3A_634 = tpu.memref_slice %arg7[%dma_wait3A_626, %dma_wait3A_633] : memref<4x125xi32, #tpu.memory_space<vmem>> -> memref<1x125xi32, #tpu.memory_space<vmem>>
      %dma_wait3A_635 = tpu.memref_squeeze %dma_wait3A_634 : memref<1x125xi32, #tpu.memory_space<vmem>> -> memref<125xi32, #tpu.memory_space<vmem>>
      %dma_wait3A_636 = arith.constant 0 : i32
      %dma_wait3A_637 = tpu.memref_slice %arg4[%dma_wait3A_625, %dma_wait3A_636] : memref<2560x125xi32, #tpu.memory_space<hbm>> -> memref<1x125xi32, #tpu.memory_space<hbm>>
      %dma_wait3A_638 = tpu.memref_squeeze %dma_wait3A_637 : memref<1x125xi32, #tpu.memory_space<hbm>> -> memref<125xi32, #tpu.memory_space<hbm>>
      tpu.wait_dma2 semaphore(%arg25 : memref<!tpu.dma_semaphore, #tpu.memory_space<semaphore_mem>>) src(%dma_wait3A_638 : memref<125xi32, #tpu.memory_space<hbm>>) dst(%dma_wait3A_635 : memref<125xi32, #tpu.memory_space<vmem>>)
      %dma_start3A_639 = arith.constant 3 : i32
      %dma_start3A_640 = arith.constant 3 : i32
      %dma_start3A_641 = arith.constant 0 : i32
      %dma_start3A_642 = arith.constant 0 : i32
      %dma_start3A_643 = tpu.memref_slice %arg8[%dma_start3A_639, %dma_start3A_641, %dma_start3A_642] : memref<4x125x64xf32, #tpu.memory_space<vmem>> -> memref<1x125x64xf32, #tpu.memory_space<vmem>>
      %dma_start3A_644 = tpu.memref_squeeze %dma_start3A_643 : memref<1x125x64xf32, #tpu.memory_space<vmem>> -> memref<125x64xf32, #tpu.memory_space<vmem>>
      %dma_start3A_645 = arith.constant 0 : i32
      %dma_start3A_646 = tpu.memref_slice %arg7[%dma_start3A_640, %dma_start3A_645] : memref<4x125xi32, #tpu.memory_space<vmem>> -> memref<1x125xi32, #tpu.memory_space<vmem>>
      %dma_start3A_647 = tpu.memref_squeeze %dma_start3A_646 : memref<1x125xi32, #tpu.memory_space<vmem>> -> memref<125xi32, #tpu.memory_space<vmem>>
      %dma_start3A_648 = arith.constant 0 : i32
      %dma_start3A_649 = arith.constant 0 : i32
      %dma_start3A_650 = tpu.memref_slice %arg9[%dma_start3A_648, %dma_start3A_649] : memref<10240x64xf32, #tpu.memory_space<vmem_shared>> -> memref<10240x64xf32, #tpu.memory_space<vmem_shared>>
      tpu.enqueue_indirect_dma source(%dma_start3A_644 : memref<125x64xf32, #tpu.memory_space<vmem>>) target(%dma_start3A_650 : memref<10240x64xf32, #tpu.memory_space<vmem_shared>>) offsets(%dma_start3A_647 : memref<125xi32, #tpu.memory_space<vmem>>) semaphore(%arg17 : memref<!tpu.dma_semaphore, #tpu.memory_space<semaphore_mem>>) {add = true}
      %dma_wait3A_651 = arith.constant 1 : i32
      %dma_wait3A_652 = arith.constant 0 : i32
      %dma_wait3A_653 = arith.constant 0 : i32
      %dma_wait3A_654 = arith.constant 0 : i32
      %dma_wait3A_655 = tpu.memref_slice %arg8[%dma_wait3A_651, %dma_wait3A_653, %dma_wait3A_654] : memref<4x125x64xf32, #tpu.memory_space<vmem>> -> memref<1x125x64xf32, #tpu.memory_space<vmem>>
      %dma_wait3A_656 = tpu.memref_squeeze %dma_wait3A_655 : memref<1x125x64xf32, #tpu.memory_space<vmem>> -> memref<125x64xf32, #tpu.memory_space<vmem>>
      %dma_wait3A_657 = arith.constant 0 : i32
      %dma_wait3A_658 = tpu.memref_slice %arg7[%dma_wait3A_652, %dma_wait3A_657] : memref<4x125xi32, #tpu.memory_space<vmem>> -> memref<1x125xi32, #tpu.memory_space<vmem>>
      %dma_wait3A_659 = tpu.memref_squeeze %dma_wait3A_658 : memref<1x125xi32, #tpu.memory_space<vmem>> -> memref<125xi32, #tpu.memory_space<vmem>>
      %dma_wait3A_660 = arith.constant 0 : i32
      %dma_wait3A_661 = arith.constant 0 : i32
      %dma_wait3A_662 = tpu.memref_slice %arg9[%dma_wait3A_660, %dma_wait3A_661] : memref<10240x64xf32, #tpu.memory_space<vmem_shared>> -> memref<10240x64xf32, #tpu.memory_space<vmem_shared>>
      tpu.wait_indirect_dma semaphore(%arg15 : memref<!tpu.dma_semaphore, #tpu.memory_space<semaphore_mem>>) src(%dma_wait3A_656 : memref<125x64xf32, #tpu.memory_space<vmem>>) dst(%dma_wait3A_662 : memref<10240x64xf32, #tpu.memory_space<vmem_shared>>)
      %add3A_663 = arith.constant 2 : i32
      %add3A_664 = arith.addi %add3A_612, %add3A_663 : i32
      %lt3A_665 = arith.constant 80 : i32
      %lt3A_666 = arith.cmpi slt, %add3A_664, %lt3A_665 : i32
      %convert_element_type3A_667 = arith.extui %lt3A_666 : i1 to i32
      %cond3A_668 = arith.constant 0 : i32
      %cond3A_669 = arith.cmpi ne, %convert_element_type3A_667, %cond3A_668 : i32
      scf.if %cond3A_669 {
        %dma_wait3A_678 = arith.constant 0 : i32
        %dma_wait3A_679 = arith.constant 1 : i32
        %dma_wait3A_680 = arith.constant 0 : i32
        %dma_wait3A_681 = tpu.memref_slice %arg6[%dma_wait3A_679, %dma_wait3A_680] : memref<4x125xi32, #tpu.memory_space<vmem>> -> memref<1x125xi32, #tpu.memory_space<vmem>>
        %dma_wait3A_682 = tpu.memref_squeeze %dma_wait3A_681 : memref<1x125xi32, #tpu.memory_space<vmem>> -> memref<125xi32, #tpu.memory_space<vmem>>
        %dma_wait3A_683 = arith.constant 0 : i32
        %dma_wait3A_684 = tpu.memref_slice %arg3[%dma_wait3A_678, %dma_wait3A_683] : memref<2560x125xi32, #tpu.memory_space<hbm>> -> memref<1x125xi32, #tpu.memory_space<hbm>>
        %dma_wait3A_685 = tpu.memref_squeeze %dma_wait3A_684 : memref<1x125xi32, #tpu.memory_space<hbm>> -> memref<125xi32, #tpu.memory_space<hbm>>
        %dma_wait3A_686 = arith.constant 0 : i32
        %dma_wait3A_687 = tpu.memref_slice %arg6[%dma_wait3A_679, %dma_wait3A_686] : memref<4x125xi32, #tpu.memory_space<vmem>> -> memref<1x125xi32, #tpu.memory_space<vmem>>
        %dma_wait3A_688 = tpu.memref_squeeze %dma_wait3A_687 : memref<1x125xi32, #tpu.memory_space<vmem>> -> memref<125xi32, #tpu.memory_space<vmem>>
        %dma_wait3A_689 = arith.constant 0 : i32
        %dma_wait3A_690 = tpu.memref_slice %arg3[%dma_wait3A_678, %dma_wait3A_689] : memref<2560x125xi32, #tpu.memory_space<hbm>> -> memref<1x125xi32, #tpu.memory_space<hbm>>
        %dma_wait3A_691 = tpu.memref_squeeze %dma_wait3A_690 : memref<1x125xi32, #tpu.memory_space<hbm>> -> memref<125xi32, #tpu.memory_space<hbm>>
        tpu.wait_dma2 semaphore(%arg19 : memref<!tpu.dma_semaphore, #tpu.memory_space<semaphore_mem>>) src(%dma_wait3A_691 : memref<125xi32, #tpu.memory_space<hbm>>) dst(%dma_wait3A_688 : memref<125xi32, #tpu.memory_space<vmem>>)
        %dma_start3A_692 = arith.constant 1 : i32
        %dma_start3A_693 = arith.constant 1 : i32
        %dma_start3A_694 = arith.constant 0 : i32
        %dma_start3A_695 = arith.constant 0 : i32
        %dma_start3A_696 = tpu.memref_slice %arg8[%dma_start3A_693, %dma_start3A_694, %dma_start3A_695] : memref<4x125x64xf32, #tpu.memory_space<vmem>> -> memref<1x125x64xf32, #tpu.memory_space<vmem>>
        %dma_start3A_697 = tpu.memref_squeeze %dma_start3A_696 : memref<1x125x64xf32, #tpu.memory_space<vmem>> -> memref<125x64xf32, #tpu.memory_space<vmem>>
        %dma_start3A_698 = arith.constant 0 : i32
        %dma_start3A_699 = tpu.memref_slice %arg6[%dma_start3A_692, %dma_start3A_698] : memref<4x125xi32, #tpu.memory_space<vmem>> -> memref<1x125xi32, #tpu.memory_space<vmem>>
        %dma_start3A_700 = tpu.memref_squeeze %dma_start3A_699 : memref<1x125xi32, #tpu.memory_space<vmem>> -> memref<125xi32, #tpu.memory_space<vmem>>
        %dma_start3A_701 = arith.constant 0 : i32
        %dma_start3A_702 = arith.constant 0 : i32
        %dma_start3A_703 = tpu.memref_slice %arg2[%dma_start3A_701, %dma_start3A_702] : memref<10240x64xf32, #tpu.memory_space<hbm>> -> memref<10240x64xf32, #tpu.memory_space<hbm>>
        tpu.enqueue_indirect_dma source(%dma_start3A_703 : memref<10240x64xf32, #tpu.memory_space<hbm>>) target(%dma_start3A_697 : memref<125x64xf32, #tpu.memory_space<vmem>>) offsets(%dma_start3A_700 : memref<125xi32, #tpu.memory_space<vmem>>) semaphore(%arg11 : memref<!tpu.dma_semaphore, #tpu.memory_space<semaphore_mem>>)
        %add3A_704 = arith.constant 2 : i32
        %add3A_705 = arith.addi %add3A_612, %add3A_704 : i32
        %add3A_706 = arith.addi %mul3A_2, %add3A_705 : i32
        %dma_start3A_707 = arith.constant 1 : i32
        %dma_start3A_708 = arith.constant 0 : i32
        %dma_start3A_709 = tpu.memref_slice %arg7[%dma_start3A_707, %dma_start3A_708] : memref<4x125xi32, #tpu.memory_space<vmem>> -> memref<1x125xi32, #tpu.memory_space<vmem>>
        %dma_start3A_710 = tpu.memref_squeeze %dma_start3A_709 : memref<1x125xi32, #tpu.memory_space<vmem>> -> memref<125xi32, #tpu.memory_space<vmem>>
        %dma_start3A_711 = arith.constant 0 : i32
        %dma_start3A_712 = tpu.memref_slice %arg4[%add3A_706, %dma_start3A_711] : memref<2560x125xi32, #tpu.memory_space<hbm>> -> memref<1x125xi32, #tpu.memory_space<hbm>>
        %dma_start3A_713 = tpu.memref_squeeze %dma_start3A_712 : memref<1x125xi32, #tpu.memory_space<hbm>> -> memref<125xi32, #tpu.memory_space<hbm>>
        %dma_start3A_714 = arith.constant 0 : i32
        %dma_start3A_715 = tpu.memref_slice %arg7[%dma_start3A_707, %dma_start3A_714] : memref<4x125xi32, #tpu.memory_space<vmem>> -> memref<1x125xi32, #tpu.memory_space<vmem>>
        %dma_start3A_716 = tpu.memref_squeeze %dma_start3A_715 : memref<1x125xi32, #tpu.memory_space<vmem>> -> memref<125xi32, #tpu.memory_space<vmem>>
        %dma_start3A_717 = arith.constant 0 : i32
        %dma_start3A_718 = tpu.memref_slice %arg4[%add3A_706, %dma_start3A_717] : memref<2560x125xi32, #tpu.memory_space<hbm>> -> memref<1x125xi32, #tpu.memory_space<hbm>>
        %dma_start3A_719 = tpu.memref_squeeze %dma_start3A_718 : memref<1x125xi32, #tpu.memory_space<hbm>> -> memref<125xi32, #tpu.memory_space<hbm>>
        tpu.enqueue_dma source(%dma_start3A_719 : memref<125xi32, #tpu.memory_space<hbm>>) target(%dma_start3A_716 : memref<125xi32, #tpu.memory_space<vmem>>) target_semaphore(%arg23 : memref<!tpu.dma_semaphore, #tpu.memory_space<semaphore_mem>>)
      } else {
      }
      %add3A_670 = arith.constant 3 : i32
      %add3A_671 = arith.addi %add3A_612, %add3A_670 : i32
      %lt3A_672 = arith.constant 80 : i32
      %lt3A_673 = arith.cmpi slt, %add3A_671, %lt3A_672 : i32
      %convert_element_type3A_674 = arith.extui %lt3A_673 : i1 to i32
      %cond3A_675 = arith.constant 0 : i32
      %cond3A_676 = arith.cmpi ne, %convert_element_type3A_674, %cond3A_675 : i32
      scf.if %cond3A_676 {
        %add3A_678 = arith.constant 3 : i32
        %add3A_679 = arith.addi %add3A_612, %add3A_678 : i32
        %add3A_680 = arith.addi %mul3A_2, %add3A_679 : i32
        %dma_start3A_681 = arith.constant 2 : i32
        %dma_start3A_682 = arith.constant 0 : i32
        %dma_start3A_683 = tpu.memref_slice %arg6[%dma_start3A_681, %dma_start3A_682] : memref<4x125xi32, #tpu.memory_space<vmem>> -> memref<1x125xi32, #tpu.memory_space<vmem>>
        %dma_start3A_684 = tpu.memref_squeeze %dma_start3A_683 : memref<1x125xi32, #tpu.memory_space<vmem>> -> memref<125xi32, #tpu.memory_space<vmem>>
        %dma_start3A_685 = arith.constant 0 : i32
        %dma_start3A_686 = tpu.memref_slice %arg3[%add3A_680, %dma_start3A_685] : memref<2560x125xi32, #tpu.memory_space<hbm>> -> memref<1x125xi32, #tpu.memory_space<hbm>>
        %dma_start3A_687 = tpu.memref_squeeze %dma_start3A_686 : memref<1x125xi32, #tpu.memory_space<hbm>> -> memref<125xi32, #tpu.memory_space<hbm>>
        %dma_start3A_688 = arith.constant 0 : i32
        %dma_start3A_689 = tpu.memref_slice %arg6[%dma_start3A_681, %dma_start3A_688] : memref<4x125xi32, #tpu.memory_space<vmem>> -> memref<1x125xi32, #tpu.memory_space<vmem>>
        %dma_start3A_690 = tpu.memref_squeeze %dma_start3A_689 : memref<1x125xi32, #tpu.memory_space<vmem>> -> memref<125xi32, #tpu.memory_space<vmem>>
        %dma_start3A_691 = arith.constant 0 : i32
        %dma_start3A_692 = tpu.memref_slice %arg3[%add3A_680, %dma_start3A_691] : memref<2560x125xi32, #tpu.memory_space<hbm>> -> memref<1x125xi32, #tpu.memory_space<hbm>>
        %dma_start3A_693 = tpu.memref_squeeze %dma_start3A_692 : memref<1x125xi32, #tpu.memory_space<hbm>> -> memref<125xi32, #tpu.memory_space<hbm>>
        tpu.enqueue_dma source(%dma_start3A_693 : memref<125xi32, #tpu.memory_space<hbm>>) target(%dma_start3A_690 : memref<125xi32, #tpu.memory_space<vmem>>) target_semaphore(%arg20 : memref<!tpu.dma_semaphore, #tpu.memory_space<semaphore_mem>>)
      } else {
      }
      %scan3A_677 = arith.constant 0 : i32
      scf.yield %scan3A_677 : i32
    }
    %scan3A_397 = arith.constant 20 : i32
    %dma_wait3A_398 = arith.constant 2 : i32
    %dma_wait3A_399 = arith.constant 0 : i32
    %dma_wait3A_400 = arith.constant 0 : i32
    %dma_wait3A_401 = arith.constant 0 : i32
    %dma_wait3A_402 = tpu.memref_slice %arg8[%dma_wait3A_398, %dma_wait3A_400, %dma_wait3A_401] : memref<4x125x64xf32, #tpu.memory_space<vmem>> -> memref<1x125x64xf32, #tpu.memory_space<vmem>>
    %dma_wait3A_403 = tpu.memref_squeeze %dma_wait3A_402 : memref<1x125x64xf32, #tpu.memory_space<vmem>> -> memref<125x64xf32, #tpu.memory_space<vmem>>
    %dma_wait3A_404 = arith.constant 0 : i32
    %dma_wait3A_405 = tpu.memref_slice %arg7[%dma_wait3A_399, %dma_wait3A_404] : memref<4x125xi32, #tpu.memory_space<vmem>> -> memref<1x125xi32, #tpu.memory_space<vmem>>
    %dma_wait3A_406 = tpu.memref_squeeze %dma_wait3A_405 : memref<1x125xi32, #tpu.memory_space<vmem>> -> memref<125xi32, #tpu.memory_space<vmem>>
    %dma_wait3A_407 = arith.constant 0 : i32
    %dma_wait3A_408 = arith.constant 0 : i32
    %dma_wait3A_409 = tpu.memref_slice %arg9[%dma_wait3A_407, %dma_wait3A_408] : memref<10240x64xf32, #tpu.memory_space<vmem_shared>> -> memref<10240x64xf32, #tpu.memory_space<vmem_shared>>
    tpu.wait_indirect_dma semaphore(%arg16 : memref<!tpu.dma_semaphore, #tpu.memory_space<semaphore_mem>>) src(%dma_wait3A_403 : memref<125x64xf32, #tpu.memory_space<vmem>>) dst(%dma_wait3A_409 : memref<10240x64xf32, #tpu.memory_space<vmem_shared>>)
    %dma_wait3A_410 = arith.constant 3 : i32
    %dma_wait3A_411 = arith.constant 0 : i32
    %dma_wait3A_412 = arith.constant 0 : i32
    %dma_wait3A_413 = arith.constant 0 : i32
    %dma_wait3A_414 = tpu.memref_slice %arg8[%dma_wait3A_410, %dma_wait3A_412, %dma_wait3A_413] : memref<4x125x64xf32, #tpu.memory_space<vmem>> -> memref<1x125x64xf32, #tpu.memory_space<vmem>>
    %dma_wait3A_415 = tpu.memref_squeeze %dma_wait3A_414 : memref<1x125x64xf32, #tpu.memory_space<vmem>> -> memref<125x64xf32, #tpu.memory_space<vmem>>
    %dma_wait3A_416 = arith.constant 0 : i32
    %dma_wait3A_417 = tpu.memref_slice %arg7[%dma_wait3A_411, %dma_wait3A_416] : memref<4x125xi32, #tpu.memory_space<vmem>> -> memref<1x125xi32, #tpu.memory_space<vmem>>
    %dma_wait3A_418 = tpu.memref_squeeze %dma_wait3A_417 : memref<1x125xi32, #tpu.memory_space<vmem>> -> memref<125xi32, #tpu.memory_space<vmem>>
    %dma_wait3A_419 = arith.constant 0 : i32
    %dma_wait3A_420 = arith.constant 0 : i32
    %dma_wait3A_421 = tpu.memref_slice %arg9[%dma_wait3A_419, %dma_wait3A_420] : memref<10240x64xf32, #tpu.memory_space<vmem_shared>> -> memref<10240x64xf32, #tpu.memory_space<vmem_shared>>
    tpu.wait_indirect_dma semaphore(%arg17 : memref<!tpu.dma_semaphore, #tpu.memory_space<semaphore_mem>>) src(%dma_wait3A_415 : memref<125x64xf32, #tpu.memory_space<vmem>>) dst(%dma_wait3A_421 : memref<10240x64xf32, #tpu.memory_space<vmem_shared>>)
    %barrier3A_422 = arith.constant 0 : index
    tpu.barrier barrier_id(%barrier3A_422)
    %mul3A_423 = arith.constant 640 : i32
    %mul3A_424 = arith.muli %arg1, %mul3A_423 : i32
    %mul3A_425 = arith.constant 640 : i32
    %mul3A_426 = arith.muli %arg1, %mul3A_425 : i32
    "tpu.region"() ({
      %run_scoped3A = tpu.sem_alloc : memref<!tpu.dma_semaphore, #tpu.memory_space<semaphore_mem>>
      %dma_start3A_427 = arith.constant 0 : i32
      %dma_start3A_428 = tpu.memref_slice %arg5[%arg0, %mul3A_426, %dma_start3A_427] : memref<2x10240x64xf32, #tpu.memory_space<hbm>> -> memref<1x640x64xf32, #tpu.memory_space<hbm>>
      %dma_start3A_429 = tpu.memref_squeeze %dma_start3A_428 : memref<1x640x64xf32, #tpu.memory_space<hbm>> -> memref<640x64xf32, #tpu.memory_space<hbm>>
      %dma_start3A_430 = arith.constant 0 : i32
      %dma_start3A_431 = tpu.memref_slice %arg9[%mul3A_424, %dma_start3A_430] : memref<10240x64xf32, #tpu.memory_space<vmem_shared>> -> memref<640x64xf32, #tpu.memory_space<vmem_shared>>
      tpu.enqueue_dma source(%dma_start3A_431 : memref<640x64xf32, #tpu.memory_space<vmem_shared>>) target(%dma_start3A_429 : memref<640x64xf32, #tpu.memory_space<hbm>>) target_semaphore(%run_scoped3A : memref<!tpu.dma_semaphore, #tpu.memory_space<semaphore_mem>>)
      %dma_wait3A_432 = arith.constant 0 : i32
      %dma_wait3A_433 = tpu.memref_slice %arg5[%arg0, %mul3A_426, %dma_wait3A_432] : memref<2x10240x64xf32, #tpu.memory_space<hbm>> -> memref<1x640x64xf32, #tpu.memory_space<hbm>>
      %dma_wait3A_434 = tpu.memref_squeeze %dma_wait3A_433 : memref<1x640x64xf32, #tpu.memory_space<hbm>> -> memref<640x64xf32, #tpu.memory_space<hbm>>
      %dma_wait3A_435 = arith.constant 0 : i32
      %dma_wait3A_436 = tpu.memref_slice %arg9[%mul3A_424, %dma_wait3A_435] : memref<10240x64xf32, #tpu.memory_space<vmem_shared>> -> memref<640x64xf32, #tpu.memory_space<vmem_shared>>
      tpu.wait_dma2 semaphore(%run_scoped3A : memref<!tpu.dma_semaphore, #tpu.memory_space<semaphore_mem>>) src(%dma_wait3A_436 : memref<640x64xf32, #tpu.memory_space<vmem_shared>>) dst(%dma_wait3A_434 : memref<640x64xf32, #tpu.memory_space<hbm>>)
      tpu.yield
    }) : () -> ()
    return
  }
}

#map = affine_map<(d0, d1) -> (0, 0)>
#map1 = affine_map<(d0, d1) -> (0)>
#map2 = affine_map<(d0, d1) -> (0, 0, 0)>
module attributes {stable_mosaic.version = 14 : i64} {
  func.func @agg(%arg0: i32, %arg1: i32, %arg2: memref<10240x128xf32, #tpu.memory_space<hbm>>, %arg3: memref<320000xi32, #tpu.memory_space<hbm>>, %arg4: memref<320000xi32, #tpu.memory_space<hbm>>, %arg5: memref<2x10240x128xf32, #tpu.memory_space<hbm>>, %arg6: memref<4x80xi32, #tpu.memory_space<vmem>>, %arg7: memref<4x80xi32, #tpu.memory_space<vmem>>, %arg8: memref<4x80x128xf32, #tpu.memory_space<vmem>>, %arg9: memref<10240x128xf32, #tpu.memory_space<vmem_shared>>, %arg10: memref<!tpu.dma_semaphore, #tpu.memory_space<semaphore_mem>>, %arg11: memref<!tpu.dma_semaphore, #tpu.memory_space<semaphore_mem>>, %arg12: memref<!tpu.dma_semaphore, #tpu.memory_space<semaphore_mem>>, %arg13: memref<!tpu.dma_semaphore, #tpu.memory_space<semaphore_mem>>, %arg14: memref<!tpu.dma_semaphore, #tpu.memory_space<semaphore_mem>>, %arg15: memref<!tpu.dma_semaphore, #tpu.memory_space<semaphore_mem>>, %arg16: memref<!tpu.dma_semaphore, #tpu.memory_space<semaphore_mem>>, %arg17: memref<!tpu.dma_semaphore, #tpu.memory_space<semaphore_mem>>, %arg18: memref<!tpu.dma_semaphore, #tpu.memory_space<semaphore_mem>>, %arg19: memref<!tpu.dma_semaphore, #tpu.memory_space<semaphore_mem>>, %arg20: memref<!tpu.dma_semaphore, #tpu.memory_space<semaphore_mem>>, %arg21: memref<!tpu.dma_semaphore, #tpu.memory_space<semaphore_mem>>, %arg22: memref<!tpu.dma_semaphore, #tpu.memory_space<semaphore_mem>>, %arg23: memref<!tpu.dma_semaphore, #tpu.memory_space<semaphore_mem>>, %arg24: memref<!tpu.dma_semaphore, #tpu.memory_space<semaphore_mem>>, %arg25: memref<!tpu.dma_semaphore, #tpu.memory_space<semaphore_mem>>, %arg26: memref<!tpu.dma_semaphore, #tpu.memory_space<semaphore_mem>>) attributes {dimension_semantics = [#tpu.dimension_semantics<core_parallel>, #tpu.dimension_semantics<subcore_parallel>], iteration_bounds = array<i64: 2, 16>, scalar_prefetch = 0 : i64, scratch_operands = 21 : i64, tpu.core_type = #tpu.core_type<sc_vector_subcore>, window_params = [{transform_indices = #map}, {transform_indices = #map1}, {transform_indices = #map1}, {transform_indices = #map2}]} {
    %mul3A = arith.constant 16 : i32
    %mul3A_0 = arith.muli %arg0, %mul3A : i32
    %add3A = arith.addi %mul3A_0, %arg1 : i32
    %mul3A_1 = arith.constant 10000 : i32
    %mul3A_2 = arith.muli %add3A, %mul3A_1 : i32
    %add3A_3 = arith.constant 0 : i32
    %add3A_4 = arith.addi %mul3A_2, %add3A_3 : i32
    %dma_start3A = arith.constant 0 : i32
    %dma_start3A_5 = arith.constant 0 : i32
    %dma_start3A_6 = tpu.memref_slice %arg6[%dma_start3A, %dma_start3A_5] : memref<4x80xi32, #tpu.memory_space<vmem>> -> memref<1x80xi32, #tpu.memory_space<vmem>>
    %dma_start3A_7 = tpu.memref_squeeze %dma_start3A_6 : memref<1x80xi32, #tpu.memory_space<vmem>> -> memref<80xi32, #tpu.memory_space<vmem>>
    %dma_start3A_8 = tpu.memref_slice %arg3[%add3A_4] : memref<320000xi32, #tpu.memory_space<hbm>> -> memref<80xi32, #tpu.memory_space<hbm>>
    %dma_start3A_9 = arith.constant 0 : i32
    %dma_start3A_10 = tpu.memref_slice %arg6[%dma_start3A, %dma_start3A_9] : memref<4x80xi32, #tpu.memory_space<vmem>> -> memref<1x80xi32, #tpu.memory_space<vmem>>
    %dma_start3A_11 = tpu.memref_squeeze %dma_start3A_10 : memref<1x80xi32, #tpu.memory_space<vmem>> -> memref<80xi32, #tpu.memory_space<vmem>>
    %dma_start3A_12 = tpu.memref_slice %arg3[%add3A_4] : memref<320000xi32, #tpu.memory_space<hbm>> -> memref<80xi32, #tpu.memory_space<hbm>>
    tpu.enqueue_dma source(%dma_start3A_12 : memref<80xi32, #tpu.memory_space<hbm>>) target(%dma_start3A_11 : memref<80xi32, #tpu.memory_space<vmem>>) target_semaphore(%arg18 : memref<!tpu.dma_semaphore, #tpu.memory_space<semaphore_mem>>)
    %add3A_13 = arith.constant 80 : i32
    %add3A_14 = arith.addi %mul3A_2, %add3A_13 : i32
    %dma_start3A_15 = arith.constant 1 : i32
    %dma_start3A_16 = arith.constant 0 : i32
    %dma_start3A_17 = tpu.memref_slice %arg6[%dma_start3A_15, %dma_start3A_16] : memref<4x80xi32, #tpu.memory_space<vmem>> -> memref<1x80xi32, #tpu.memory_space<vmem>>
    %dma_start3A_18 = tpu.memref_squeeze %dma_start3A_17 : memref<1x80xi32, #tpu.memory_space<vmem>> -> memref<80xi32, #tpu.memory_space<vmem>>
    %dma_start3A_19 = tpu.memref_slice %arg3[%add3A_14] : memref<320000xi32, #tpu.memory_space<hbm>> -> memref<80xi32, #tpu.memory_space<hbm>>
    %dma_start3A_20 = arith.constant 0 : i32
    %dma_start3A_21 = tpu.memref_slice %arg6[%dma_start3A_15, %dma_start3A_20] : memref<4x80xi32, #tpu.memory_space<vmem>> -> memref<1x80xi32, #tpu.memory_space<vmem>>
    %dma_start3A_22 = tpu.memref_squeeze %dma_start3A_21 : memref<1x80xi32, #tpu.memory_space<vmem>> -> memref<80xi32, #tpu.memory_space<vmem>>
    %dma_start3A_23 = tpu.memref_slice %arg3[%add3A_14] : memref<320000xi32, #tpu.memory_space<hbm>> -> memref<80xi32, #tpu.memory_space<hbm>>
    tpu.enqueue_dma source(%dma_start3A_23 : memref<80xi32, #tpu.memory_space<hbm>>) target(%dma_start3A_22 : memref<80xi32, #tpu.memory_space<vmem>>) target_semaphore(%arg19 : memref<!tpu.dma_semaphore, #tpu.memory_space<semaphore_mem>>)
    %add3A_24 = arith.constant 160 : i32
    %add3A_25 = arith.addi %mul3A_2, %add3A_24 : i32
    %dma_start3A_26 = arith.constant 2 : i32
    %dma_start3A_27 = arith.constant 0 : i32
    %dma_start3A_28 = tpu.memref_slice %arg6[%dma_start3A_26, %dma_start3A_27] : memref<4x80xi32, #tpu.memory_space<vmem>> -> memref<1x80xi32, #tpu.memory_space<vmem>>
    %dma_start3A_29 = tpu.memref_squeeze %dma_start3A_28 : memref<1x80xi32, #tpu.memory_space<vmem>> -> memref<80xi32, #tpu.memory_space<vmem>>
    %dma_start3A_30 = tpu.memref_slice %arg3[%add3A_25] : memref<320000xi32, #tpu.memory_space<hbm>> -> memref<80xi32, #tpu.memory_space<hbm>>
    %dma_start3A_31 = arith.constant 0 : i32
    %dma_start3A_32 = tpu.memref_slice %arg6[%dma_start3A_26, %dma_start3A_31] : memref<4x80xi32, #tpu.memory_space<vmem>> -> memref<1x80xi32, #tpu.memory_space<vmem>>
    %dma_start3A_33 = tpu.memref_squeeze %dma_start3A_32 : memref<1x80xi32, #tpu.memory_space<vmem>> -> memref<80xi32, #tpu.memory_space<vmem>>
    %dma_start3A_34 = tpu.memref_slice %arg3[%add3A_25] : memref<320000xi32, #tpu.memory_space<hbm>> -> memref<80xi32, #tpu.memory_space<hbm>>
    tpu.enqueue_dma source(%dma_start3A_34 : memref<80xi32, #tpu.memory_space<hbm>>) target(%dma_start3A_33 : memref<80xi32, #tpu.memory_space<vmem>>) target_semaphore(%arg20 : memref<!tpu.dma_semaphore, #tpu.memory_space<semaphore_mem>>)
    %add3A_35 = arith.constant 0 : i32
    %add3A_36 = arith.addi %mul3A_2, %add3A_35 : i32
    %dma_start3A_37 = arith.constant 0 : i32
    %dma_start3A_38 = arith.constant 0 : i32
    %dma_start3A_39 = tpu.memref_slice %arg7[%dma_start3A_37, %dma_start3A_38] : memref<4x80xi32, #tpu.memory_space<vmem>> -> memref<1x80xi32, #tpu.memory_space<vmem>>
    %dma_start3A_40 = tpu.memref_squeeze %dma_start3A_39 : memref<1x80xi32, #tpu.memory_space<vmem>> -> memref<80xi32, #tpu.memory_space<vmem>>
    %dma_start3A_41 = tpu.memref_slice %arg4[%add3A_36] : memref<320000xi32, #tpu.memory_space<hbm>> -> memref<80xi32, #tpu.memory_space<hbm>>
    %dma_start3A_42 = arith.constant 0 : i32
    %dma_start3A_43 = tpu.memref_slice %arg7[%dma_start3A_37, %dma_start3A_42] : memref<4x80xi32, #tpu.memory_space<vmem>> -> memref<1x80xi32, #tpu.memory_space<vmem>>
    %dma_start3A_44 = tpu.memref_squeeze %dma_start3A_43 : memref<1x80xi32, #tpu.memory_space<vmem>> -> memref<80xi32, #tpu.memory_space<vmem>>
    %dma_start3A_45 = tpu.memref_slice %arg4[%add3A_36] : memref<320000xi32, #tpu.memory_space<hbm>> -> memref<80xi32, #tpu.memory_space<hbm>>
    tpu.enqueue_dma source(%dma_start3A_45 : memref<80xi32, #tpu.memory_space<hbm>>) target(%dma_start3A_44 : memref<80xi32, #tpu.memory_space<vmem>>) target_semaphore(%arg22 : memref<!tpu.dma_semaphore, #tpu.memory_space<semaphore_mem>>)
    %add3A_46 = arith.constant 80 : i32
    %add3A_47 = arith.addi %mul3A_2, %add3A_46 : i32
    %dma_start3A_48 = arith.constant 1 : i32
    %dma_start3A_49 = arith.constant 0 : i32
    %dma_start3A_50 = tpu.memref_slice %arg7[%dma_start3A_48, %dma_start3A_49] : memref<4x80xi32, #tpu.memory_space<vmem>> -> memref<1x80xi32, #tpu.memory_space<vmem>>
    %dma_start3A_51 = tpu.memref_squeeze %dma_start3A_50 : memref<1x80xi32, #tpu.memory_space<vmem>> -> memref<80xi32, #tpu.memory_space<vmem>>
    %dma_start3A_52 = tpu.memref_slice %arg4[%add3A_47] : memref<320000xi32, #tpu.memory_space<hbm>> -> memref<80xi32, #tpu.memory_space<hbm>>
    %dma_start3A_53 = arith.constant 0 : i32
    %dma_start3A_54 = tpu.memref_slice %arg7[%dma_start3A_48, %dma_start3A_53] : memref<4x80xi32, #tpu.memory_space<vmem>> -> memref<1x80xi32, #tpu.memory_space<vmem>>
    %dma_start3A_55 = tpu.memref_squeeze %dma_start3A_54 : memref<1x80xi32, #tpu.memory_space<vmem>> -> memref<80xi32, #tpu.memory_space<vmem>>
    %dma_start3A_56 = tpu.memref_slice %arg4[%add3A_47] : memref<320000xi32, #tpu.memory_space<hbm>> -> memref<80xi32, #tpu.memory_space<hbm>>
    tpu.enqueue_dma source(%dma_start3A_56 : memref<80xi32, #tpu.memory_space<hbm>>) target(%dma_start3A_55 : memref<80xi32, #tpu.memory_space<vmem>>) target_semaphore(%arg23 : memref<!tpu.dma_semaphore, #tpu.memory_space<semaphore_mem>>)
    %broadcast_in_dim3A = arith.constant 0.000000e+00 : f32
    %broadcast_in_dim3A_57 = vector.broadcast %broadcast_in_dim3A : f32 to vector<16xf32>
    %scan3A = arith.constant 0 : i32
    %scan3A_58 = arith.constant 0 : i32
    %scan3A_59 = arith.constant 640 : i32
    %scan3A_60 = arith.addi %scan3A_58, %scan3A_59 : i32
    %scan3A_61 = arith.constant 4 : i32
    %scan3A_62 = scf.for %scan3A_448 = %scan3A_58 to %scan3A_60 step %scan3A_61 iter_args(%scan3A_449 = %scan3A) -> (i32)  : i32 {
      %jit3A = arith.constant 8 : i32
      %div3A = arith.divsi %scan3A_448, %jit3A : i32
      %sign3A = arith.constant 0 : i32
      %sign3A_450 = arith.cmpi sgt, %scan3A_448, %sign3A : i32
      %sign3A_451 = arith.extui %sign3A_450 : i1 to i32
      %sign3A_452 = arith.constant 0 : i32
      %sign3A_453 = arith.cmpi slt, %scan3A_448, %sign3A_452 : i32
      %sign3A_454 = arith.extui %sign3A_453 : i1 to i32
      %sign3A_455 = arith.subi %sign3A_451, %sign3A_454 : i32
      %sign3A_456 = arith.constant 0 : i32
      %sign3A_457 = arith.cmpi sgt, %jit3A, %sign3A_456 : i32
      %sign3A_458 = arith.extui %sign3A_457 : i1 to i32
      %sign3A_459 = arith.constant 0 : i32
      %sign3A_460 = arith.cmpi slt, %jit3A, %sign3A_459 : i32
      %sign3A_461 = arith.extui %sign3A_460 : i1 to i32
      %sign3A_462 = arith.subi %sign3A_458, %sign3A_461 : i32
      %ne3A = arith.cmpi ne, %sign3A_455, %sign3A_462 : i32
      %rem3A = arith.remsi %scan3A_448, %jit3A : i32
      %ne3A_463 = arith.constant 0 : i32
      %ne3A_464 = arith.cmpi ne, %rem3A, %ne3A_463 : i32
      %and3A = arith.andi %ne3A, %ne3A_464 : i1
      %sub3A = arith.constant 1 : i32
      %sub3A_465 = arith.subi %div3A, %sub3A : i32
      %select_n3A = arith.select %and3A, %sub3A_465, %div3A : i32
      %jit3A_466 = arith.constant 8 : i32
      %eq3A = arith.constant 0 : i32
      %eq3A_467 = arith.cmpi eq, %jit3A_466, %eq3A : i32
      %jit3A_468 = arith.constant 1 : i32
      %select_n3A_469 = arith.select %eq3A_467, %jit3A_468, %jit3A_466 : i32
      %rem3A_470 = arith.remsi %scan3A_448, %select_n3A_469 : i32
      %ne3A_471 = arith.constant 0 : i32
      %ne3A_472 = arith.cmpi ne, %rem3A_470, %ne3A_471 : i32
      %lt3A = arith.constant 0 : i32
      %lt3A_473 = arith.cmpi slt, %rem3A_470, %lt3A : i32
      %lt3A_474 = arith.constant 0 : i32
      %lt3A_475 = arith.cmpi slt, %select_n3A_469, %lt3A_474 : i32
      %ne3A_476 = arith.xori %lt3A_473, %lt3A_475 : i1
      %and3A_477 = arith.andi %ne3A_476, %ne3A_472 : i1
      %add3A_478 = arith.addi %rem3A_470, %select_n3A_469 : i32
      %select_n3A_479 = arith.select %and3A_477, %add3A_478, %rem3A_470 : i32
      %mul3A_480 = arith.constant 16 : i32
      %mul3A_481 = arith.muli %select_n3A_479, %mul3A_480 : i32
      %swap3A = arith.constant 0 : i32
      %swap3A_482 = arith.index_cast %swap3A : i32 to index
      %swap3A_483 = arith.index_cast %select_n3A : i32 to index
      %swap3A_484 = arith.index_cast %mul3A_481 : i32 to index
      %swap3A_485 = tpu.vector_load %arg8[%swap3A_482, %swap3A_483, %swap3A_484] {strides = array<i32>} : memref<4x80x128xf32, #tpu.memory_space<vmem>>, vector<1x1x16xf32>,
      %swap3A_486 = vector.shape_cast %swap3A_485 : vector<1x1x16xf32> to vector<16xf32>
      %swap3A_487 = vector.shape_cast %broadcast_in_dim3A_57 : vector<16xf32> to vector<1x1x16xf32>
      tpu.vector_store %arg8[%swap3A_482, %swap3A_483, %swap3A_484], %swap3A_487 {strides = array<i32>} : memref<4x80x128xf32, #tpu.memory_space<vmem>>, vector<1x1x16xf32>,
      %scan3A_488 = arith.constant 0 : i32
      %scan3A_489 = arith.constant 1 : i32
      %scan3A_490 = arith.addi %scan3A_448, %scan3A_489 : i32
      %jit3A_491 = arith.constant 8 : i32
      %div3A_492 = arith.divsi %scan3A_490, %jit3A_491 : i32
      %sign3A_493 = arith.constant 0 : i32
      %sign3A_494 = arith.cmpi sgt, %scan3A_490, %sign3A_493 : i32
      %sign3A_495 = arith.extui %sign3A_494 : i1 to i32
      %sign3A_496 = arith.constant 0 : i32
      %sign3A_497 = arith.cmpi slt, %scan3A_490, %sign3A_496 : i32
      %sign3A_498 = arith.extui %sign3A_497 : i1 to i32
      %sign3A_499 = arith.subi %sign3A_495, %sign3A_498 : i32
      %sign3A_500 = arith.constant 0 : i32
      %sign3A_501 = arith.cmpi sgt, %jit3A_491, %sign3A_500 : i32
      %sign3A_502 = arith.extui %sign3A_501 : i1 to i32
      %sign3A_503 = arith.constant 0 : i32
      %sign3A_504 = arith.cmpi slt, %jit3A_491, %sign3A_503 : i32
      %sign3A_505 = arith.extui %sign3A_504 : i1 to i32
      %sign3A_506 = arith.subi %sign3A_502, %sign3A_505 : i32
      %ne3A_507 = arith.cmpi ne, %sign3A_499, %sign3A_506 : i32
      %rem3A_508 = arith.remsi %scan3A_490, %jit3A_491 : i32
      %ne3A_509 = arith.constant 0 : i32
      %ne3A_510 = arith.cmpi ne, %rem3A_508, %ne3A_509 : i32
      %and3A_511 = arith.andi %ne3A_507, %ne3A_510 : i1
      %sub3A_512 = arith.constant 1 : i32
      %sub3A_513 = arith.subi %div3A_492, %sub3A_512 : i32
      %select_n3A_514 = arith.select %and3A_511, %sub3A_513, %div3A_492 : i32
      %jit3A_515 = arith.constant 8 : i32
      %eq3A_516 = arith.constant 0 : i32
      %eq3A_517 = arith.cmpi eq, %jit3A_515, %eq3A_516 : i32
      %jit3A_518 = arith.constant 1 : i32
      %select_n3A_519 = arith.select %eq3A_517, %jit3A_518, %jit3A_515 : i32
      %rem3A_520 = arith.remsi %scan3A_490, %select_n3A_519 : i32
      %ne3A_521 = arith.constant 0 : i32
      %ne3A_522 = arith.cmpi ne, %rem3A_520, %ne3A_521 : i32
      %lt3A_523 = arith.constant 0 : i32
      %lt3A_524 = arith.cmpi slt, %rem3A_520, %lt3A_523 : i32
      %lt3A_525 = arith.constant 0 : i32
      %lt3A_526 = arith.cmpi slt, %select_n3A_519, %lt3A_525 : i32
      %ne3A_527 = arith.xori %lt3A_524, %lt3A_526 : i1
      %and3A_528 = arith.andi %ne3A_527, %ne3A_522 : i1
      %add3A_529 = arith.addi %rem3A_520, %select_n3A_519 : i32
      %select_n3A_530 = arith.select %and3A_528, %add3A_529, %rem3A_520 : i32
      %mul3A_531 = arith.constant 16 : i32
      %mul3A_532 = arith.muli %select_n3A_530, %mul3A_531 : i32
      %swap3A_533 = arith.constant 0 : i32
      %swap3A_534 = arith.index_cast %swap3A_533 : i32 to index
      %swap3A_535 = arith.index_cast %select_n3A_514 : i32 to index
      %swap3A_536 = arith.index_cast %mul3A_532 : i32 to index
      %swap3A_537 = tpu.vector_load %arg8[%swap3A_534, %swap3A_535, %swap3A_536] {strides = array<i32>} : memref<4x80x128xf32, #tpu.memory_space<vmem>>, vector<1x1x16xf32>,
      %swap3A_538 = vector.shape_cast %swap3A_537 : vector<1x1x16xf32> to vector<16xf32>
      %swap3A_539 = vector.shape_cast %broadcast_in_dim3A_57 : vector<16xf32> to vector<1x1x16xf32>
      tpu.vector_store %arg8[%swap3A_534, %swap3A_535, %swap3A_536], %swap3A_539 {strides = array<i32>} : memref<4x80x128xf32, #tpu.memory_space<vmem>>, vector<1x1x16xf32>,
      %scan3A_540 = arith.constant 0 : i32
      %scan3A_541 = arith.constant 2 : i32
      %scan3A_542 = arith.addi %scan3A_448, %scan3A_541 : i32
      %jit3A_543 = arith.constant 8 : i32
      %div3A_544 = arith.divsi %scan3A_542, %jit3A_543 : i32
      %sign3A_545 = arith.constant 0 : i32
      %sign3A_546 = arith.cmpi sgt, %scan3A_542, %sign3A_545 : i32
      %sign3A_547 = arith.extui %sign3A_546 : i1 to i32
      %sign3A_548 = arith.constant 0 : i32
      %sign3A_549 = arith.cmpi slt, %scan3A_542, %sign3A_548 : i32
      %sign3A_550 = arith.extui %sign3A_549 : i1 to i32
      %sign3A_551 = arith.subi %sign3A_547, %sign3A_550 : i32
      %sign3A_552 = arith.constant 0 : i32
      %sign3A_553 = arith.cmpi sgt, %jit3A_543, %sign3A_552 : i32
      %sign3A_554 = arith.extui %sign3A_553 : i1 to i32
      %sign3A_555 = arith.constant 0 : i32
      %sign3A_556 = arith.cmpi slt, %jit3A_543, %sign3A_555 : i32
      %sign3A_557 = arith.extui %sign3A_556 : i1 to i32
      %sign3A_558 = arith.subi %sign3A_554, %sign3A_557 : i32
      %ne3A_559 = arith.cmpi ne, %sign3A_551, %sign3A_558 : i32
      %rem3A_560 = arith.remsi %scan3A_542, %jit3A_543 : i32
      %ne3A_561 = arith.constant 0 : i32
      %ne3A_562 = arith.cmpi ne, %rem3A_560, %ne3A_561 : i32
      %and3A_563 = arith.andi %ne3A_559, %ne3A_562 : i1
      %sub3A_564 = arith.constant 1 : i32
      %sub3A_565 = arith.subi %div3A_544, %sub3A_564 : i32
      %select_n3A_566 = arith.select %and3A_563, %sub3A_565, %div3A_544 : i32
      %jit3A_567 = arith.constant 8 : i32
      %eq3A_568 = arith.constant 0 : i32
      %eq3A_569 = arith.cmpi eq, %jit3A_567, %eq3A_568 : i32
      %jit3A_570 = arith.constant 1 : i32
      %select_n3A_571 = arith.select %eq3A_569, %jit3A_570, %jit3A_567 : i32
      %rem3A_572 = arith.remsi %scan3A_542, %select_n3A_571 : i32
      %ne3A_573 = arith.constant 0 : i32
      %ne3A_574 = arith.cmpi ne, %rem3A_572, %ne3A_573 : i32
      %lt3A_575 = arith.constant 0 : i32
      %lt3A_576 = arith.cmpi slt, %rem3A_572, %lt3A_575 : i32
      %lt3A_577 = arith.constant 0 : i32
      %lt3A_578 = arith.cmpi slt, %select_n3A_571, %lt3A_577 : i32
      %ne3A_579 = arith.xori %lt3A_576, %lt3A_578 : i1
      %and3A_580 = arith.andi %ne3A_579, %ne3A_574 : i1
      %add3A_581 = arith.addi %rem3A_572, %select_n3A_571 : i32
      %select_n3A_582 = arith.select %and3A_580, %add3A_581, %rem3A_572 : i32
      %mul3A_583 = arith.constant 16 : i32
      %mul3A_584 = arith.muli %select_n3A_582, %mul3A_583 : i32
      %swap3A_585 = arith.constant 0 : i32
      %swap3A_586 = arith.index_cast %swap3A_585 : i32 to index
      %swap3A_587 = arith.index_cast %select_n3A_566 : i32 to index
      %swap3A_588 = arith.index_cast %mul3A_584 : i32 to index
      %swap3A_589 = tpu.vector_load %arg8[%swap3A_586, %swap3A_587, %swap3A_588] {strides = array<i32>} : memref<4x80x128xf32, #tpu.memory_space<vmem>>, vector<1x1x16xf32>,
      %swap3A_590 = vector.shape_cast %swap3A_589 : vector<1x1x16xf32> to vector<16xf32>
      %swap3A_591 = vector.shape_cast %broadcast_in_dim3A_57 : vector<16xf32> to vector<1x1x16xf32>
      tpu.vector_store %arg8[%swap3A_586, %swap3A_587, %swap3A_588], %swap3A_591 {strides = array<i32>} : memref<4x80x128xf32, #tpu.memory_space<vmem>>, vector<1x1x16xf32>,
      %scan3A_592 = arith.constant 0 : i32
      %scan3A_593 = arith.constant 3 : i32
      %scan3A_594 = arith.addi %scan3A_448, %scan3A_593 : i32
      %jit3A_595 = arith.constant 8 : i32
      %div3A_596 = arith.divsi %scan3A_594, %jit3A_595 : i32
      %sign3A_597 = arith.constant 0 : i32
      %sign3A_598 = arith.cmpi sgt, %scan3A_594, %sign3A_597 : i32
      %sign3A_599 = arith.extui %sign3A_598 : i1 to i32
      %sign3A_600 = arith.constant 0 : i32
      %sign3A_601 = arith.cmpi slt, %scan3A_594, %sign3A_600 : i32
      %sign3A_602 = arith.extui %sign3A_601 : i1 to i32
      %sign3A_603 = arith.subi %sign3A_599, %sign3A_602 : i32
      %sign3A_604 = arith.constant 0 : i32
      %sign3A_605 = arith.cmpi sgt, %jit3A_595, %sign3A_604 : i32
      %sign3A_606 = arith.extui %sign3A_605 : i1 to i32
      %sign3A_607 = arith.constant 0 : i32
      %sign3A_608 = arith.cmpi slt, %jit3A_595, %sign3A_607 : i32
      %sign3A_609 = arith.extui %sign3A_608 : i1 to i32
      %sign3A_610 = arith.subi %sign3A_606, %sign3A_609 : i32
      %ne3A_611 = arith.cmpi ne, %sign3A_603, %sign3A_610 : i32
      %rem3A_612 = arith.remsi %scan3A_594, %jit3A_595 : i32
      %ne3A_613 = arith.constant 0 : i32
      %ne3A_614 = arith.cmpi ne, %rem3A_612, %ne3A_613 : i32
      %and3A_615 = arith.andi %ne3A_611, %ne3A_614 : i1
      %sub3A_616 = arith.constant 1 : i32
      %sub3A_617 = arith.subi %div3A_596, %sub3A_616 : i32
      %select_n3A_618 = arith.select %and3A_615, %sub3A_617, %div3A_596 : i32
      %jit3A_619 = arith.constant 8 : i32
      %eq3A_620 = arith.constant 0 : i32
      %eq3A_621 = arith.cmpi eq, %jit3A_619, %eq3A_620 : i32
      %jit3A_622 = arith.constant 1 : i32
      %select_n3A_623 = arith.select %eq3A_621, %jit3A_622, %jit3A_619 : i32
      %rem3A_624 = arith.remsi %scan3A_594, %select_n3A_623 : i32
      %ne3A_625 = arith.constant 0 : i32
      %ne3A_626 = arith.cmpi ne, %rem3A_624, %ne3A_625 : i32
      %lt3A_627 = arith.constant 0 : i32
      %lt3A_628 = arith.cmpi slt, %rem3A_624, %lt3A_627 : i32
      %lt3A_629 = arith.constant 0 : i32
      %lt3A_630 = arith.cmpi slt, %select_n3A_623, %lt3A_629 : i32
      %ne3A_631 = arith.xori %lt3A_628, %lt3A_630 : i1
      %and3A_632 = arith.andi %ne3A_631, %ne3A_626 : i1
      %add3A_633 = arith.addi %rem3A_624, %select_n3A_623 : i32
      %select_n3A_634 = arith.select %and3A_632, %add3A_633, %rem3A_624 : i32
      %mul3A_635 = arith.constant 16 : i32
      %mul3A_636 = arith.muli %select_n3A_634, %mul3A_635 : i32
      %swap3A_637 = arith.constant 0 : i32
      %swap3A_638 = arith.index_cast %swap3A_637 : i32 to index
      %swap3A_639 = arith.index_cast %select_n3A_618 : i32 to index
      %swap3A_640 = arith.index_cast %mul3A_636 : i32 to index
      %swap3A_641 = tpu.vector_load %arg8[%swap3A_638, %swap3A_639, %swap3A_640] {strides = array<i32>} : memref<4x80x128xf32, #tpu.memory_space<vmem>>, vector<1x1x16xf32>,
      %swap3A_642 = vector.shape_cast %swap3A_641 : vector<1x1x16xf32> to vector<16xf32>
      %swap3A_643 = vector.shape_cast %broadcast_in_dim3A_57 : vector<16xf32> to vector<1x1x16xf32>
      tpu.vector_store %arg8[%swap3A_638, %swap3A_639, %swap3A_640], %swap3A_643 {strides = array<i32>} : memref<4x80x128xf32, #tpu.memory_space<vmem>>, vector<1x1x16xf32>,
      %scan3A_644 = arith.constant 0 : i32
      scf.yield %scan3A_644 : i32
    }
    %scan3A_63 = arith.constant 640 : i32
    %mul3A_64 = arith.constant 640 : i32
    %mul3A_65 = arith.muli %arg1, %mul3A_64 : i32
    %add3A_66 = arith.constant 0 : i32
    %add3A_67 = arith.addi %mul3A_65, %add3A_66 : i32
    %dma_start3A_68 = arith.constant 0 : i32
    %dma_start3A_69 = arith.constant 0 : i32
    %dma_start3A_70 = arith.constant 0 : i32
    %dma_start3A_71 = tpu.memref_slice %arg8[%dma_start3A_68, %dma_start3A_69, %dma_start3A_70] : memref<4x80x128xf32, #tpu.memory_space<vmem>> -> memref<1x80x128xf32, #tpu.memory_space<vmem>>
    %dma_start3A_72 = tpu.memref_squeeze %dma_start3A_71 : memref<1x80x128xf32, #tpu.memory_space<vmem>> -> memref<80x128xf32, #tpu.memory_space<vmem>>
    %dma_start3A_73 = arith.constant 0 : i32
    %dma_start3A_74 = tpu.memref_slice %arg9[%add3A_67, %dma_start3A_73] : memref<10240x128xf32, #tpu.memory_space<vmem_shared>> -> memref<80x128xf32, #tpu.memory_space<vmem_shared>>
    %dma_start3A_75 = arith.constant 0 : i32
    %dma_start3A_76 = tpu.memref_slice %arg9[%add3A_67, %dma_start3A_75] : memref<10240x128xf32, #tpu.memory_space<vmem_shared>> -> memref<80x128xf32, #tpu.memory_space<vmem_shared>>
    %dma_start3A_77 = arith.constant 0 : i32
    %dma_start3A_78 = arith.constant 0 : i32
    %dma_start3A_79 = tpu.memref_slice %arg8[%dma_start3A_68, %dma_start3A_77, %dma_start3A_78] : memref<4x80x128xf32, #tpu.memory_space<vmem>> -> memref<1x80x128xf32, #tpu.memory_space<vmem>>
    %dma_start3A_80 = tpu.memref_squeeze %dma_start3A_79 : memref<1x80x128xf32, #tpu.memory_space<vmem>> -> memref<80x128xf32, #tpu.memory_space<vmem>>
    tpu.enqueue_dma source(%dma_start3A_80 : memref<80x128xf32, #tpu.memory_space<vmem>>) target(%dma_start3A_76 : memref<80x128xf32, #tpu.memory_space<vmem_shared>>) target_semaphore(%arg26 : memref<!tpu.dma_semaphore, #tpu.memory_space<semaphore_mem>>)
    %mul3A_81 = arith.constant 640 : i32
    %mul3A_82 = arith.muli %arg1, %mul3A_81 : i32
    %add3A_83 = arith.constant 80 : i32
    %add3A_84 = arith.addi %mul3A_82, %add3A_83 : i32
    %dma_start3A_85 = arith.constant 0 : i32
    %dma_start3A_86 = arith.constant 0 : i32
    %dma_start3A_87 = arith.constant 0 : i32
    %dma_start3A_88 = tpu.memref_slice %arg8[%dma_start3A_85, %dma_start3A_86, %dma_start3A_87] : memref<4x80x128xf32, #tpu.memory_space<vmem>> -> memref<1x80x128xf32, #tpu.memory_space<vmem>>
    %dma_start3A_89 = tpu.memref_squeeze %dma_start3A_88 : memref<1x80x128xf32, #tpu.memory_space<vmem>> -> memref<80x128xf32, #tpu.memory_space<vmem>>
    %dma_start3A_90 = arith.constant 0 : i32
    %dma_start3A_91 = tpu.memref_slice %arg9[%add3A_84, %dma_start3A_90] : memref<10240x128xf32, #tpu.memory_space<vmem_shared>> -> memref<80x128xf32, #tpu.memory_space<vmem_shared>>
    %dma_start3A_92 = arith.constant 0 : i32
    %dma_start3A_93 = tpu.memref_slice %arg9[%add3A_84, %dma_start3A_92] : memref<10240x128xf32, #tpu.memory_space<vmem_shared>> -> memref<80x128xf32, #tpu.memory_space<vmem_shared>>
    %dma_start3A_94 = arith.constant 0 : i32
    %dma_start3A_95 = arith.constant 0 : i32
    %dma_start3A_96 = tpu.memref_slice %arg8[%dma_start3A_85, %dma_start3A_94, %dma_start3A_95] : memref<4x80x128xf32, #tpu.memory_space<vmem>> -> memref<1x80x128xf32, #tpu.memory_space<vmem>>
    %dma_start3A_97 = tpu.memref_squeeze %dma_start3A_96 : memref<1x80x128xf32, #tpu.memory_space<vmem>> -> memref<80x128xf32, #tpu.memory_space<vmem>>
    tpu.enqueue_dma source(%dma_start3A_97 : memref<80x128xf32, #tpu.memory_space<vmem>>) target(%dma_start3A_93 : memref<80x128xf32, #tpu.memory_space<vmem_shared>>) target_semaphore(%arg26 : memref<!tpu.dma_semaphore, #tpu.memory_space<semaphore_mem>>)
    %mul3A_98 = arith.constant 640 : i32
    %mul3A_99 = arith.muli %arg1, %mul3A_98 : i32
    %add3A_100 = arith.constant 160 : i32
    %add3A_101 = arith.addi %mul3A_99, %add3A_100 : i32
    %dma_start3A_102 = arith.constant 0 : i32
    %dma_start3A_103 = arith.constant 0 : i32
    %dma_start3A_104 = arith.constant 0 : i32
    %dma_start3A_105 = tpu.memref_slice %arg8[%dma_start3A_102, %dma_start3A_103, %dma_start3A_104] : memref<4x80x128xf32, #tpu.memory_space<vmem>> -> memref<1x80x128xf32, #tpu.memory_space<vmem>>
    %dma_start3A_106 = tpu.memref_squeeze %dma_start3A_105 : memref<1x80x128xf32, #tpu.memory_space<vmem>> -> memref<80x128xf32, #tpu.memory_space<vmem>>
    %dma_start3A_107 = arith.constant 0 : i32
    %dma_start3A_108 = tpu.memref_slice %arg9[%add3A_101, %dma_start3A_107] : memref<10240x128xf32, #tpu.memory_space<vmem_shared>> -> memref<80x128xf32, #tpu.memory_space<vmem_shared>>
    %dma_start3A_109 = arith.constant 0 : i32
    %dma_start3A_110 = tpu.memref_slice %arg9[%add3A_101, %dma_start3A_109] : memref<10240x128xf32, #tpu.memory_space<vmem_shared>> -> memref<80x128xf32, #tpu.memory_space<vmem_shared>>
    %dma_start3A_111 = arith.constant 0 : i32
    %dma_start3A_112 = arith.constant 0 : i32
    %dma_start3A_113 = tpu.memref_slice %arg8[%dma_start3A_102, %dma_start3A_111, %dma_start3A_112] : memref<4x80x128xf32, #tpu.memory_space<vmem>> -> memref<1x80x128xf32, #tpu.memory_space<vmem>>
    %dma_start3A_114 = tpu.memref_squeeze %dma_start3A_113 : memref<1x80x128xf32, #tpu.memory_space<vmem>> -> memref<80x128xf32, #tpu.memory_space<vmem>>
    tpu.enqueue_dma source(%dma_start3A_114 : memref<80x128xf32, #tpu.memory_space<vmem>>) target(%dma_start3A_110 : memref<80x128xf32, #tpu.memory_space<vmem_shared>>) target_semaphore(%arg26 : memref<!tpu.dma_semaphore, #tpu.memory_space<semaphore_mem>>)
    %mul3A_115 = arith.constant 640 : i32
    %mul3A_116 = arith.muli %arg1, %mul3A_115 : i32
    %add3A_117 = arith.constant 240 : i32
    %add3A_118 = arith.addi %mul3A_116, %add3A_117 : i32
    %dma_start3A_119 = arith.constant 0 : i32
    %dma_start3A_120 = arith.constant 0 : i32
    %dma_start3A_121 = arith.constant 0 : i32
    %dma_start3A_122 = tpu.memref_slice %arg8[%dma_start3A_119, %dma_start3A_120, %dma_start3A_121] : memref<4x80x128xf32, #tpu.memory_space<vmem>> -> memref<1x80x128xf32, #tpu.memory_space<vmem>>
    %dma_start3A_123 = tpu.memref_squeeze %dma_start3A_122 : memref<1x80x128xf32, #tpu.memory_space<vmem>> -> memref<80x128xf32, #tpu.memory_space<vmem>>
    %dma_start3A_124 = arith.constant 0 : i32
    %dma_start3A_125 = tpu.memref_slice %arg9[%add3A_118, %dma_start3A_124] : memref<10240x128xf32, #tpu.memory_space<vmem_shared>> -> memref<80x128xf32, #tpu.memory_space<vmem_shared>>
    %dma_start3A_126 = arith.constant 0 : i32
    %dma_start3A_127 = tpu.memref_slice %arg9[%add3A_118, %dma_start3A_126] : memref<10240x128xf32, #tpu.memory_space<vmem_shared>> -> memref<80x128xf32, #tpu.memory_space<vmem_shared>>
    %dma_start3A_128 = arith.constant 0 : i32
    %dma_start3A_129 = arith.constant 0 : i32
    %dma_start3A_130 = tpu.memref_slice %arg8[%dma_start3A_119, %dma_start3A_128, %dma_start3A_129] : memref<4x80x128xf32, #tpu.memory_space<vmem>> -> memref<1x80x128xf32, #tpu.memory_space<vmem>>
    %dma_start3A_131 = tpu.memref_squeeze %dma_start3A_130 : memref<1x80x128xf32, #tpu.memory_space<vmem>> -> memref<80x128xf32, #tpu.memory_space<vmem>>
    tpu.enqueue_dma source(%dma_start3A_131 : memref<80x128xf32, #tpu.memory_space<vmem>>) target(%dma_start3A_127 : memref<80x128xf32, #tpu.memory_space<vmem_shared>>) target_semaphore(%arg26 : memref<!tpu.dma_semaphore, #tpu.memory_space<semaphore_mem>>)
    %mul3A_132 = arith.constant 640 : i32
    %mul3A_133 = arith.muli %arg1, %mul3A_132 : i32
    %add3A_134 = arith.constant 320 : i32
    %add3A_135 = arith.addi %mul3A_133, %add3A_134 : i32
    %dma_start3A_136 = arith.constant 0 : i32
    %dma_start3A_137 = arith.constant 0 : i32
    %dma_start3A_138 = arith.constant 0 : i32
    %dma_start3A_139 = tpu.memref_slice %arg8[%dma_start3A_136, %dma_start3A_137, %dma_start3A_138] : memref<4x80x128xf32, #tpu.memory_space<vmem>> -> memref<1x80x128xf32, #tpu.memory_space<vmem>>
    %dma_start3A_140 = tpu.memref_squeeze %dma_start3A_139 : memref<1x80x128xf32, #tpu.memory_space<vmem>> -> memref<80x128xf32, #tpu.memory_space<vmem>>
    %dma_start3A_141 = arith.constant 0 : i32
    %dma_start3A_142 = tpu.memref_slice %arg9[%add3A_135, %dma_start3A_141] : memref<10240x128xf32, #tpu.memory_space<vmem_shared>> -> memref<80x128xf32, #tpu.memory_space<vmem_shared>>
    %dma_start3A_143 = arith.constant 0 : i32
    %dma_start3A_144 = tpu.memref_slice %arg9[%add3A_135, %dma_start3A_143] : memref<10240x128xf32, #tpu.memory_space<vmem_shared>> -> memref<80x128xf32, #tpu.memory_space<vmem_shared>>
    %dma_start3A_145 = arith.constant 0 : i32
    %dma_start3A_146 = arith.constant 0 : i32
    %dma_start3A_147 = tpu.memref_slice %arg8[%dma_start3A_136, %dma_start3A_145, %dma_start3A_146] : memref<4x80x128xf32, #tpu.memory_space<vmem>> -> memref<1x80x128xf32, #tpu.memory_space<vmem>>
    %dma_start3A_148 = tpu.memref_squeeze %dma_start3A_147 : memref<1x80x128xf32, #tpu.memory_space<vmem>> -> memref<80x128xf32, #tpu.memory_space<vmem>>
    tpu.enqueue_dma source(%dma_start3A_148 : memref<80x128xf32, #tpu.memory_space<vmem>>) target(%dma_start3A_144 : memref<80x128xf32, #tpu.memory_space<vmem_shared>>) target_semaphore(%arg26 : memref<!tpu.dma_semaphore, #tpu.memory_space<semaphore_mem>>)
    %mul3A_149 = arith.constant 640 : i32
    %mul3A_150 = arith.muli %arg1, %mul3A_149 : i32
    %add3A_151 = arith.constant 400 : i32
    %add3A_152 = arith.addi %mul3A_150, %add3A_151 : i32
    %dma_start3A_153 = arith.constant 0 : i32
    %dma_start3A_154 = arith.constant 0 : i32
    %dma_start3A_155 = arith.constant 0 : i32
    %dma_start3A_156 = tpu.memref_slice %arg8[%dma_start3A_153, %dma_start3A_154, %dma_start3A_155] : memref<4x80x128xf32, #tpu.memory_space<vmem>> -> memref<1x80x128xf32, #tpu.memory_space<vmem>>
    %dma_start3A_157 = tpu.memref_squeeze %dma_start3A_156 : memref<1x80x128xf32, #tpu.memory_space<vmem>> -> memref<80x128xf32, #tpu.memory_space<vmem>>
    %dma_start3A_158 = arith.constant 0 : i32
    %dma_start3A_159 = tpu.memref_slice %arg9[%add3A_152, %dma_start3A_158] : memref<10240x128xf32, #tpu.memory_space<vmem_shared>> -> memref<80x128xf32, #tpu.memory_space<vmem_shared>>
    %dma_start3A_160 = arith.constant 0 : i32
    %dma_start3A_161 = tpu.memref_slice %arg9[%add3A_152, %dma_start3A_160] : memref<10240x128xf32, #tpu.memory_space<vmem_shared>> -> memref<80x128xf32, #tpu.memory_space<vmem_shared>>
    %dma_start3A_162 = arith.constant 0 : i32
    %dma_start3A_163 = arith.constant 0 : i32
    %dma_start3A_164 = tpu.memref_slice %arg8[%dma_start3A_153, %dma_start3A_162, %dma_start3A_163] : memref<4x80x128xf32, #tpu.memory_space<vmem>> -> memref<1x80x128xf32, #tpu.memory_space<vmem>>
    %dma_start3A_165 = tpu.memref_squeeze %dma_start3A_164 : memref<1x80x128xf32, #tpu.memory_space<vmem>> -> memref<80x128xf32, #tpu.memory_space<vmem>>
    tpu.enqueue_dma source(%dma_start3A_165 : memref<80x128xf32, #tpu.memory_space<vmem>>) target(%dma_start3A_161 : memref<80x128xf32, #tpu.memory_space<vmem_shared>>) target_semaphore(%arg26 : memref<!tpu.dma_semaphore, #tpu.memory_space<semaphore_mem>>)
    %mul3A_166 = arith.constant 640 : i32
    %mul3A_167 = arith.muli %arg1, %mul3A_166 : i32
    %add3A_168 = arith.constant 480 : i32
    %add3A_169 = arith.addi %mul3A_167, %add3A_168 : i32
    %dma_start3A_170 = arith.constant 0 : i32
    %dma_start3A_171 = arith.constant 0 : i32
    %dma_start3A_172 = arith.constant 0 : i32
    %dma_start3A_173 = tpu.memref_slice %arg8[%dma_start3A_170, %dma_start3A_171, %dma_start3A_172] : memref<4x80x128xf32, #tpu.memory_space<vmem>> -> memref<1x80x128xf32, #tpu.memory_space<vmem>>
    %dma_start3A_174 = tpu.memref_squeeze %dma_start3A_173 : memref<1x80x128xf32, #tpu.memory_space<vmem>> -> memref<80x128xf32, #tpu.memory_space<vmem>>
    %dma_start3A_175 = arith.constant 0 : i32
    %dma_start3A_176 = tpu.memref_slice %arg9[%add3A_169, %dma_start3A_175] : memref<10240x128xf32, #tpu.memory_space<vmem_shared>> -> memref<80x128xf32, #tpu.memory_space<vmem_shared>>
    %dma_start3A_177 = arith.constant 0 : i32
    %dma_start3A_178 = tpu.memref_slice %arg9[%add3A_169, %dma_start3A_177] : memref<10240x128xf32, #tpu.memory_space<vmem_shared>> -> memref<80x128xf32, #tpu.memory_space<vmem_shared>>
    %dma_start3A_179 = arith.constant 0 : i32
    %dma_start3A_180 = arith.constant 0 : i32
    %dma_start3A_181 = tpu.memref_slice %arg8[%dma_start3A_170, %dma_start3A_179, %dma_start3A_180] : memref<4x80x128xf32, #tpu.memory_space<vmem>> -> memref<1x80x128xf32, #tpu.memory_space<vmem>>
    %dma_start3A_182 = tpu.memref_squeeze %dma_start3A_181 : memref<1x80x128xf32, #tpu.memory_space<vmem>> -> memref<80x128xf32, #tpu.memory_space<vmem>>
    tpu.enqueue_dma source(%dma_start3A_182 : memref<80x128xf32, #tpu.memory_space<vmem>>) target(%dma_start3A_178 : memref<80x128xf32, #tpu.memory_space<vmem_shared>>) target_semaphore(%arg26 : memref<!tpu.dma_semaphore, #tpu.memory_space<semaphore_mem>>)
    %mul3A_183 = arith.constant 640 : i32
    %mul3A_184 = arith.muli %arg1, %mul3A_183 : i32
    %add3A_185 = arith.constant 560 : i32
    %add3A_186 = arith.addi %mul3A_184, %add3A_185 : i32
    %dma_start3A_187 = arith.constant 0 : i32
    %dma_start3A_188 = arith.constant 0 : i32
    %dma_start3A_189 = arith.constant 0 : i32
    %dma_start3A_190 = tpu.memref_slice %arg8[%dma_start3A_187, %dma_start3A_188, %dma_start3A_189] : memref<4x80x128xf32, #tpu.memory_space<vmem>> -> memref<1x80x128xf32, #tpu.memory_space<vmem>>
    %dma_start3A_191 = tpu.memref_squeeze %dma_start3A_190 : memref<1x80x128xf32, #tpu.memory_space<vmem>> -> memref<80x128xf32, #tpu.memory_space<vmem>>
    %dma_start3A_192 = arith.constant 0 : i32
    %dma_start3A_193 = tpu.memref_slice %arg9[%add3A_186, %dma_start3A_192] : memref<10240x128xf32, #tpu.memory_space<vmem_shared>> -> memref<80x128xf32, #tpu.memory_space<vmem_shared>>
    %dma_start3A_194 = arith.constant 0 : i32
    %dma_start3A_195 = tpu.memref_slice %arg9[%add3A_186, %dma_start3A_194] : memref<10240x128xf32, #tpu.memory_space<vmem_shared>> -> memref<80x128xf32, #tpu.memory_space<vmem_shared>>
    %dma_start3A_196 = arith.constant 0 : i32
    %dma_start3A_197 = arith.constant 0 : i32
    %dma_start3A_198 = tpu.memref_slice %arg8[%dma_start3A_187, %dma_start3A_196, %dma_start3A_197] : memref<4x80x128xf32, #tpu.memory_space<vmem>> -> memref<1x80x128xf32, #tpu.memory_space<vmem>>
    %dma_start3A_199 = tpu.memref_squeeze %dma_start3A_198 : memref<1x80x128xf32, #tpu.memory_space<vmem>> -> memref<80x128xf32, #tpu.memory_space<vmem>>
    tpu.enqueue_dma source(%dma_start3A_199 : memref<80x128xf32, #tpu.memory_space<vmem>>) target(%dma_start3A_195 : memref<80x128xf32, #tpu.memory_space<vmem_shared>>) target_semaphore(%arg26 : memref<!tpu.dma_semaphore, #tpu.memory_space<semaphore_mem>>)
    %mul3A_200 = arith.constant 640 : i32
    %mul3A_201 = arith.muli %arg1, %mul3A_200 : i32
    %dma_wait3A = arith.constant 0 : i32
    %dma_wait3A_202 = arith.constant 0 : i32
    %dma_wait3A_203 = arith.constant 0 : i32
    %dma_wait3A_204 = tpu.memref_slice %arg8[%dma_wait3A, %dma_wait3A_202, %dma_wait3A_203] : memref<4x80x128xf32, #tpu.memory_space<vmem>> -> memref<1x80x128xf32, #tpu.memory_space<vmem>>
    %dma_wait3A_205 = tpu.memref_squeeze %dma_wait3A_204 : memref<1x80x128xf32, #tpu.memory_space<vmem>> -> memref<80x128xf32, #tpu.memory_space<vmem>>
    %dma_wait3A_206 = arith.constant 0 : i32
    %dma_wait3A_207 = tpu.memref_slice %arg9[%mul3A_201, %dma_wait3A_206] : memref<10240x128xf32, #tpu.memory_space<vmem_shared>> -> memref<80x128xf32, #tpu.memory_space<vmem_shared>>
    %dma_wait3A_208 = arith.constant 0 : i32
    %dma_wait3A_209 = tpu.memref_slice %arg9[%mul3A_201, %dma_wait3A_208] : memref<10240x128xf32, #tpu.memory_space<vmem_shared>> -> memref<80x128xf32, #tpu.memory_space<vmem_shared>>
    %dma_wait3A_210 = arith.constant 0 : i32
    %dma_wait3A_211 = arith.constant 0 : i32
    %dma_wait3A_212 = tpu.memref_slice %arg8[%dma_wait3A, %dma_wait3A_210, %dma_wait3A_211] : memref<4x80x128xf32, #tpu.memory_space<vmem>> -> memref<1x80x128xf32, #tpu.memory_space<vmem>>
    %dma_wait3A_213 = tpu.memref_squeeze %dma_wait3A_212 : memref<1x80x128xf32, #tpu.memory_space<vmem>> -> memref<80x128xf32, #tpu.memory_space<vmem>>
    tpu.wait_dma2 semaphore(%arg26 : memref<!tpu.dma_semaphore, #tpu.memory_space<semaphore_mem>>) src(%dma_wait3A_213 : memref<80x128xf32, #tpu.memory_space<vmem>>) dst(%dma_wait3A_209 : memref<80x128xf32, #tpu.memory_space<vmem_shared>>)
    %mul3A_214 = arith.constant 640 : i32
    %mul3A_215 = arith.muli %arg1, %mul3A_214 : i32
    %dma_wait3A_216 = arith.constant 0 : i32
    %dma_wait3A_217 = arith.constant 0 : i32
    %dma_wait3A_218 = arith.constant 0 : i32
    %dma_wait3A_219 = tpu.memref_slice %arg8[%dma_wait3A_216, %dma_wait3A_217, %dma_wait3A_218] : memref<4x80x128xf32, #tpu.memory_space<vmem>> -> memref<1x80x128xf32, #tpu.memory_space<vmem>>
    %dma_wait3A_220 = tpu.memref_squeeze %dma_wait3A_219 : memref<1x80x128xf32, #tpu.memory_space<vmem>> -> memref<80x128xf32, #tpu.memory_space<vmem>>
    %dma_wait3A_221 = arith.constant 0 : i32
    %dma_wait3A_222 = tpu.memref_slice %arg9[%mul3A_215, %dma_wait3A_221] : memref<10240x128xf32, #tpu.memory_space<vmem_shared>> -> memref<80x128xf32, #tpu.memory_space<vmem_shared>>
    %dma_wait3A_223 = arith.constant 0 : i32
    %dma_wait3A_224 = tpu.memref_slice %arg9[%mul3A_215, %dma_wait3A_223] : memref<10240x128xf32, #tpu.memory_space<vmem_shared>> -> memref<80x128xf32, #tpu.memory_space<vmem_shared>>
    %dma_wait3A_225 = arith.constant 0 : i32
    %dma_wait3A_226 = arith.constant 0 : i32
    %dma_wait3A_227 = tpu.memref_slice %arg8[%dma_wait3A_216, %dma_wait3A_225, %dma_wait3A_226] : memref<4x80x128xf32, #tpu.memory_space<vmem>> -> memref<1x80x128xf32, #tpu.memory_space<vmem>>
    %dma_wait3A_228 = tpu.memref_squeeze %dma_wait3A_227 : memref<1x80x128xf32, #tpu.memory_space<vmem>> -> memref<80x128xf32, #tpu.memory_space<vmem>>
    tpu.wait_dma2 semaphore(%arg26 : memref<!tpu.dma_semaphore, #tpu.memory_space<semaphore_mem>>) src(%dma_wait3A_228 : memref<80x128xf32, #tpu.memory_space<vmem>>) dst(%dma_wait3A_224 : memref<80x128xf32, #tpu.memory_space<vmem_shared>>)
    %mul3A_229 = arith.constant 640 : i32
    %mul3A_230 = arith.muli %arg1, %mul3A_229 : i32
    %dma_wait3A_231 = arith.constant 0 : i32
    %dma_wait3A_232 = arith.constant 0 : i32
    %dma_wait3A_233 = arith.constant 0 : i32
    %dma_wait3A_234 = tpu.memref_slice %arg8[%dma_wait3A_231, %dma_wait3A_232, %dma_wait3A_233] : memref<4x80x128xf32, #tpu.memory_space<vmem>> -> memref<1x80x128xf32, #tpu.memory_space<vmem>>
    %dma_wait3A_235 = tpu.memref_squeeze %dma_wait3A_234 : memref<1x80x128xf32, #tpu.memory_space<vmem>> -> memref<80x128xf32, #tpu.memory_space<vmem>>
    %dma_wait3A_236 = arith.constant 0 : i32
    %dma_wait3A_237 = tpu.memref_slice %arg9[%mul3A_230, %dma_wait3A_236] : memref<10240x128xf32, #tpu.memory_space<vmem_shared>> -> memref<80x128xf32, #tpu.memory_space<vmem_shared>>
    %dma_wait3A_238 = arith.constant 0 : i32
    %dma_wait3A_239 = tpu.memref_slice %arg9[%mul3A_230, %dma_wait3A_238] : memref<10240x128xf32, #tpu.memory_space<vmem_shared>> -> memref<80x128xf32, #tpu.memory_space<vmem_shared>>
    %dma_wait3A_240 = arith.constant 0 : i32
    %dma_wait3A_241 = arith.constant 0 : i32
    %dma_wait3A_242 = tpu.memref_slice %arg8[%dma_wait3A_231, %dma_wait3A_240, %dma_wait3A_241] : memref<4x80x128xf32, #tpu.memory_space<vmem>> -> memref<1x80x128xf32, #tpu.memory_space<vmem>>
    %dma_wait3A_243 = tpu.memref_squeeze %dma_wait3A_242 : memref<1x80x128xf32, #tpu.memory_space<vmem>> -> memref<80x128xf32, #tpu.memory_space<vmem>>
    tpu.wait_dma2 semaphore(%arg26 : memref<!tpu.dma_semaphore, #tpu.memory_space<semaphore_mem>>) src(%dma_wait3A_243 : memref<80x128xf32, #tpu.memory_space<vmem>>) dst(%dma_wait3A_239 : memref<80x128xf32, #tpu.memory_space<vmem_shared>>)
    %mul3A_244 = arith.constant 640 : i32
    %mul3A_245 = arith.muli %arg1, %mul3A_244 : i32
    %dma_wait3A_246 = arith.constant 0 : i32
    %dma_wait3A_247 = arith.constant 0 : i32
    %dma_wait3A_248 = arith.constant 0 : i32
    %dma_wait3A_249 = tpu.memref_slice %arg8[%dma_wait3A_246, %dma_wait3A_247, %dma_wait3A_248] : memref<4x80x128xf32, #tpu.memory_space<vmem>> -> memref<1x80x128xf32, #tpu.memory_space<vmem>>
    %dma_wait3A_250 = tpu.memref_squeeze %dma_wait3A_249 : memref<1x80x128xf32, #tpu.memory_space<vmem>> -> memref<80x128xf32, #tpu.memory_space<vmem>>
    %dma_wait3A_251 = arith.constant 0 : i32
    %dma_wait3A_252 = tpu.memref_slice %arg9[%mul3A_245, %dma_wait3A_251] : memref<10240x128xf32, #tpu.memory_space<vmem_shared>> -> memref<80x128xf32, #tpu.memory_space<vmem_shared>>
    %dma_wait3A_253 = arith.constant 0 : i32
    %dma_wait3A_254 = tpu.memref_slice %arg9[%mul3A_245, %dma_wait3A_253] : memref<10240x128xf32, #tpu.memory_space<vmem_shared>> -> memref<80x128xf32, #tpu.memory_space<vmem_shared>>
    %dma_wait3A_255 = arith.constant 0 : i32
    %dma_wait3A_256 = arith.constant 0 : i32
    %dma_wait3A_257 = tpu.memref_slice %arg8[%dma_wait3A_246, %dma_wait3A_255, %dma_wait3A_256] : memref<4x80x128xf32, #tpu.memory_space<vmem>> -> memref<1x80x128xf32, #tpu.memory_space<vmem>>
    %dma_wait3A_258 = tpu.memref_squeeze %dma_wait3A_257 : memref<1x80x128xf32, #tpu.memory_space<vmem>> -> memref<80x128xf32, #tpu.memory_space<vmem>>
    tpu.wait_dma2 semaphore(%arg26 : memref<!tpu.dma_semaphore, #tpu.memory_space<semaphore_mem>>) src(%dma_wait3A_258 : memref<80x128xf32, #tpu.memory_space<vmem>>) dst(%dma_wait3A_254 : memref<80x128xf32, #tpu.memory_space<vmem_shared>>)
    %mul3A_259 = arith.constant 640 : i32
    %mul3A_260 = arith.muli %arg1, %mul3A_259 : i32
    %dma_wait3A_261 = arith.constant 0 : i32
    %dma_wait3A_262 = arith.constant 0 : i32
    %dma_wait3A_263 = arith.constant 0 : i32
    %dma_wait3A_264 = tpu.memref_slice %arg8[%dma_wait3A_261, %dma_wait3A_262, %dma_wait3A_263] : memref<4x80x128xf32, #tpu.memory_space<vmem>> -> memref<1x80x128xf32, #tpu.memory_space<vmem>>
    %dma_wait3A_265 = tpu.memref_squeeze %dma_wait3A_264 : memref<1x80x128xf32, #tpu.memory_space<vmem>> -> memref<80x128xf32, #tpu.memory_space<vmem>>
    %dma_wait3A_266 = arith.constant 0 : i32
    %dma_wait3A_267 = tpu.memref_slice %arg9[%mul3A_260, %dma_wait3A_266] : memref<10240x128xf32, #tpu.memory_space<vmem_shared>> -> memref<80x128xf32, #tpu.memory_space<vmem_shared>>
    %dma_wait3A_268 = arith.constant 0 : i32
    %dma_wait3A_269 = tpu.memref_slice %arg9[%mul3A_260, %dma_wait3A_268] : memref<10240x128xf32, #tpu.memory_space<vmem_shared>> -> memref<80x128xf32, #tpu.memory_space<vmem_shared>>
    %dma_wait3A_270 = arith.constant 0 : i32
    %dma_wait3A_271 = arith.constant 0 : i32
    %dma_wait3A_272 = tpu.memref_slice %arg8[%dma_wait3A_261, %dma_wait3A_270, %dma_wait3A_271] : memref<4x80x128xf32, #tpu.memory_space<vmem>> -> memref<1x80x128xf32, #tpu.memory_space<vmem>>
    %dma_wait3A_273 = tpu.memref_squeeze %dma_wait3A_272 : memref<1x80x128xf32, #tpu.memory_space<vmem>> -> memref<80x128xf32, #tpu.memory_space<vmem>>
    tpu.wait_dma2 semaphore(%arg26 : memref<!tpu.dma_semaphore, #tpu.memory_space<semaphore_mem>>) src(%dma_wait3A_273 : memref<80x128xf32, #tpu.memory_space<vmem>>) dst(%dma_wait3A_269 : memref<80x128xf32, #tpu.memory_space<vmem_shared>>)
    %mul3A_274 = arith.constant 640 : i32
    %mul3A_275 = arith.muli %arg1, %mul3A_274 : i32
    %dma_wait3A_276 = arith.constant 0 : i32
    %dma_wait3A_277 = arith.constant 0 : i32
    %dma_wait3A_278 = arith.constant 0 : i32
    %dma_wait3A_279 = tpu.memref_slice %arg8[%dma_wait3A_276, %dma_wait3A_277, %dma_wait3A_278] : memref<4x80x128xf32, #tpu.memory_space<vmem>> -> memref<1x80x128xf32, #tpu.memory_space<vmem>>
    %dma_wait3A_280 = tpu.memref_squeeze %dma_wait3A_279 : memref<1x80x128xf32, #tpu.memory_space<vmem>> -> memref<80x128xf32, #tpu.memory_space<vmem>>
    %dma_wait3A_281 = arith.constant 0 : i32
    %dma_wait3A_282 = tpu.memref_slice %arg9[%mul3A_275, %dma_wait3A_281] : memref<10240x128xf32, #tpu.memory_space<vmem_shared>> -> memref<80x128xf32, #tpu.memory_space<vmem_shared>>
    %dma_wait3A_283 = arith.constant 0 : i32
    %dma_wait3A_284 = tpu.memref_slice %arg9[%mul3A_275, %dma_wait3A_283] : memref<10240x128xf32, #tpu.memory_space<vmem_shared>> -> memref<80x128xf32, #tpu.memory_space<vmem_shared>>
    %dma_wait3A_285 = arith.constant 0 : i32
    %dma_wait3A_286 = arith.constant 0 : i32
    %dma_wait3A_287 = tpu.memref_slice %arg8[%dma_wait3A_276, %dma_wait3A_285, %dma_wait3A_286] : memref<4x80x128xf32, #tpu.memory_space<vmem>> -> memref<1x80x128xf32, #tpu.memory_space<vmem>>
    %dma_wait3A_288 = tpu.memref_squeeze %dma_wait3A_287 : memref<1x80x128xf32, #tpu.memory_space<vmem>> -> memref<80x128xf32, #tpu.memory_space<vmem>>
    tpu.wait_dma2 semaphore(%arg26 : memref<!tpu.dma_semaphore, #tpu.memory_space<semaphore_mem>>) src(%dma_wait3A_288 : memref<80x128xf32, #tpu.memory_space<vmem>>) dst(%dma_wait3A_284 : memref<80x128xf32, #tpu.memory_space<vmem_shared>>)
    %mul3A_289 = arith.constant 640 : i32
    %mul3A_290 = arith.muli %arg1, %mul3A_289 : i32
    %dma_wait3A_291 = arith.constant 0 : i32
    %dma_wait3A_292 = arith.constant 0 : i32
    %dma_wait3A_293 = arith.constant 0 : i32
    %dma_wait3A_294 = tpu.memref_slice %arg8[%dma_wait3A_291, %dma_wait3A_292, %dma_wait3A_293] : memref<4x80x128xf32, #tpu.memory_space<vmem>> -> memref<1x80x128xf32, #tpu.memory_space<vmem>>
    %dma_wait3A_295 = tpu.memref_squeeze %dma_wait3A_294 : memref<1x80x128xf32, #tpu.memory_space<vmem>> -> memref<80x128xf32, #tpu.memory_space<vmem>>
    %dma_wait3A_296 = arith.constant 0 : i32
    %dma_wait3A_297 = tpu.memref_slice %arg9[%mul3A_290, %dma_wait3A_296] : memref<10240x128xf32, #tpu.memory_space<vmem_shared>> -> memref<80x128xf32, #tpu.memory_space<vmem_shared>>
    %dma_wait3A_298 = arith.constant 0 : i32
    %dma_wait3A_299 = tpu.memref_slice %arg9[%mul3A_290, %dma_wait3A_298] : memref<10240x128xf32, #tpu.memory_space<vmem_shared>> -> memref<80x128xf32, #tpu.memory_space<vmem_shared>>
    %dma_wait3A_300 = arith.constant 0 : i32
    %dma_wait3A_301 = arith.constant 0 : i32
    %dma_wait3A_302 = tpu.memref_slice %arg8[%dma_wait3A_291, %dma_wait3A_300, %dma_wait3A_301] : memref<4x80x128xf32, #tpu.memory_space<vmem>> -> memref<1x80x128xf32, #tpu.memory_space<vmem>>
    %dma_wait3A_303 = tpu.memref_squeeze %dma_wait3A_302 : memref<1x80x128xf32, #tpu.memory_space<vmem>> -> memref<80x128xf32, #tpu.memory_space<vmem>>
    tpu.wait_dma2 semaphore(%arg26 : memref<!tpu.dma_semaphore, #tpu.memory_space<semaphore_mem>>) src(%dma_wait3A_303 : memref<80x128xf32, #tpu.memory_space<vmem>>) dst(%dma_wait3A_299 : memref<80x128xf32, #tpu.memory_space<vmem_shared>>)
    %mul3A_304 = arith.constant 640 : i32
    %mul3A_305 = arith.muli %arg1, %mul3A_304 : i32
    %dma_wait3A_306 = arith.constant 0 : i32
    %dma_wait3A_307 = arith.constant 0 : i32
    %dma_wait3A_308 = arith.constant 0 : i32
    %dma_wait3A_309 = tpu.memref_slice %arg8[%dma_wait3A_306, %dma_wait3A_307, %dma_wait3A_308] : memref<4x80x128xf32, #tpu.memory_space<vmem>> -> memref<1x80x128xf32, #tpu.memory_space<vmem>>
    %dma_wait3A_310 = tpu.memref_squeeze %dma_wait3A_309 : memref<1x80x128xf32, #tpu.memory_space<vmem>> -> memref<80x128xf32, #tpu.memory_space<vmem>>
    %dma_wait3A_311 = arith.constant 0 : i32
    %dma_wait3A_312 = tpu.memref_slice %arg9[%mul3A_305, %dma_wait3A_311] : memref<10240x128xf32, #tpu.memory_space<vmem_shared>> -> memref<80x128xf32, #tpu.memory_space<vmem_shared>>
    %dma_wait3A_313 = arith.constant 0 : i32
    %dma_wait3A_314 = tpu.memref_slice %arg9[%mul3A_305, %dma_wait3A_313] : memref<10240x128xf32, #tpu.memory_space<vmem_shared>> -> memref<80x128xf32, #tpu.memory_space<vmem_shared>>
    %dma_wait3A_315 = arith.constant 0 : i32
    %dma_wait3A_316 = arith.constant 0 : i32
    %dma_wait3A_317 = tpu.memref_slice %arg8[%dma_wait3A_306, %dma_wait3A_315, %dma_wait3A_316] : memref<4x80x128xf32, #tpu.memory_space<vmem>> -> memref<1x80x128xf32, #tpu.memory_space<vmem>>
    %dma_wait3A_318 = tpu.memref_squeeze %dma_wait3A_317 : memref<1x80x128xf32, #tpu.memory_space<vmem>> -> memref<80x128xf32, #tpu.memory_space<vmem>>
    tpu.wait_dma2 semaphore(%arg26 : memref<!tpu.dma_semaphore, #tpu.memory_space<semaphore_mem>>) src(%dma_wait3A_318 : memref<80x128xf32, #tpu.memory_space<vmem>>) dst(%dma_wait3A_314 : memref<80x128xf32, #tpu.memory_space<vmem_shared>>)
    %barrier3A = arith.constant 0 : index
    tpu.barrier barrier_id(%barrier3A)
    %dma_wait3A_319 = arith.constant 0 : i32
    %dma_wait3A_320 = arith.constant 0 : i32
    %dma_wait3A_321 = tpu.memref_slice %arg6[%dma_wait3A_319, %dma_wait3A_320] : memref<4x80xi32, #tpu.memory_space<vmem>> -> memref<1x80xi32, #tpu.memory_space<vmem>>
    %dma_wait3A_322 = tpu.memref_squeeze %dma_wait3A_321 : memref<1x80xi32, #tpu.memory_space<vmem>> -> memref<80xi32, #tpu.memory_space<vmem>>
    %dma_wait3A_323 = arith.constant 0 : i32
    %dma_wait3A_324 = tpu.memref_slice %arg3[%dma_wait3A_323] : memref<320000xi32, #tpu.memory_space<hbm>> -> memref<80xi32, #tpu.memory_space<hbm>>
    %dma_wait3A_325 = arith.constant 0 : i32
    %dma_wait3A_326 = tpu.memref_slice %arg6[%dma_wait3A_319, %dma_wait3A_325] : memref<4x80xi32, #tpu.memory_space<vmem>> -> memref<1x80xi32, #tpu.memory_space<vmem>>
    %dma_wait3A_327 = tpu.memref_squeeze %dma_wait3A_326 : memref<1x80xi32, #tpu.memory_space<vmem>> -> memref<80xi32, #tpu.memory_space<vmem>>
    %dma_wait3A_328 = arith.constant 0 : i32
    %dma_wait3A_329 = tpu.memref_slice %arg3[%dma_wait3A_328] : memref<320000xi32, #tpu.memory_space<hbm>> -> memref<80xi32, #tpu.memory_space<hbm>>
    tpu.wait_dma2 semaphore(%arg18 : memref<!tpu.dma_semaphore, #tpu.memory_space<semaphore_mem>>) src(%dma_wait3A_329 : memref<80xi32, #tpu.memory_space<hbm>>) dst(%dma_wait3A_327 : memref<80xi32, #tpu.memory_space<vmem>>)
    %dma_start3A_330 = arith.constant 0 : i32
    %dma_start3A_331 = arith.constant 0 : i32
    %dma_start3A_332 = arith.constant 0 : i32
    %dma_start3A_333 = arith.constant 0 : i32
    %dma_start3A_334 = tpu.memref_slice %arg8[%dma_start3A_331, %dma_start3A_332, %dma_start3A_333] : memref<4x80x128xf32, #tpu.memory_space<vmem>> -> memref<1x80x128xf32, #tpu.memory_space<vmem>>
    %dma_start3A_335 = tpu.memref_squeeze %dma_start3A_334 : memref<1x80x128xf32, #tpu.memory_space<vmem>> -> memref<80x128xf32, #tpu.memory_space<vmem>>
    %dma_start3A_336 = arith.constant 0 : i32
    %dma_start3A_337 = tpu.memref_slice %arg6[%dma_start3A_330, %dma_start3A_336] : memref<4x80xi32, #tpu.memory_space<vmem>> -> memref<1x80xi32, #tpu.memory_space<vmem>>
    %dma_start3A_338 = tpu.memref_squeeze %dma_start3A_337 : memref<1x80xi32, #tpu.memory_space<vmem>> -> memref<80xi32, #tpu.memory_space<vmem>>
    %dma_start3A_339 = arith.constant 0 : i32
    %dma_start3A_340 = arith.constant 0 : i32
    %dma_start3A_341 = tpu.memref_slice %arg2[%dma_start3A_339, %dma_start3A_340] : memref<10240x128xf32, #tpu.memory_space<hbm>> -> memref<10240x128xf32, #tpu.memory_space<hbm>>
    tpu.enqueue_indirect_dma source(%dma_start3A_341 : memref<10240x128xf32, #tpu.memory_space<hbm>>) target(%dma_start3A_335 : memref<80x128xf32, #tpu.memory_space<vmem>>) offsets(%dma_start3A_338 : memref<80xi32, #tpu.memory_space<vmem>>) semaphore(%arg10 : memref<!tpu.dma_semaphore, #tpu.memory_space<semaphore_mem>>)
    %dma_wait3A_342 = arith.constant 1 : i32
    %dma_wait3A_343 = arith.constant 0 : i32
    %dma_wait3A_344 = tpu.memref_slice %arg6[%dma_wait3A_342, %dma_wait3A_343] : memref<4x80xi32, #tpu.memory_space<vmem>> -> memref<1x80xi32, #tpu.memory_space<vmem>>
    %dma_wait3A_345 = tpu.memref_squeeze %dma_wait3A_344 : memref<1x80xi32, #tpu.memory_space<vmem>> -> memref<80xi32, #tpu.memory_space<vmem>>
    %dma_wait3A_346 = arith.constant 0 : i32
    %dma_wait3A_347 = tpu.memref_slice %arg3[%dma_wait3A_346] : memref<320000xi32, #tpu.memory_space<hbm>> -> memref<80xi32, #tpu.memory_space<hbm>>
    %dma_wait3A_348 = arith.constant 0 : i32
    %dma_wait3A_349 = tpu.memref_slice %arg6[%dma_wait3A_342, %dma_wait3A_348] : memref<4x80xi32, #tpu.memory_space<vmem>> -> memref<1x80xi32, #tpu.memory_space<vmem>>
    %dma_wait3A_350 = tpu.memref_squeeze %dma_wait3A_349 : memref<1x80xi32, #tpu.memory_space<vmem>> -> memref<80xi32, #tpu.memory_space<vmem>>
    %dma_wait3A_351 = arith.constant 0 : i32
    %dma_wait3A_352 = tpu.memref_slice %arg3[%dma_wait3A_351] : memref<320000xi32, #tpu.memory_space<hbm>> -> memref<80xi32, #tpu.memory_space<hbm>>
    tpu.wait_dma2 semaphore(%arg19 : memref<!tpu.dma_semaphore, #tpu.memory_space<semaphore_mem>>) src(%dma_wait3A_352 : memref<80xi32, #tpu.memory_space<hbm>>) dst(%dma_wait3A_350 : memref<80xi32, #tpu.memory_space<vmem>>)
    %dma_start3A_353 = arith.constant 1 : i32
    %dma_start3A_354 = arith.constant 1 : i32
    %dma_start3A_355 = arith.constant 0 : i32
    %dma_start3A_356 = arith.constant 0 : i32
    %dma_start3A_357 = tpu.memref_slice %arg8[%dma_start3A_354, %dma_start3A_355, %dma_start3A_356] : memref<4x80x128xf32, #tpu.memory_space<vmem>> -> memref<1x80x128xf32, #tpu.memory_space<vmem>>
    %dma_start3A_358 = tpu.memref_squeeze %dma_start3A_357 : memref<1x80x128xf32, #tpu.memory_space<vmem>> -> memref<80x128xf32, #tpu.memory_space<vmem>>
    %dma_start3A_359 = arith.constant 0 : i32
    %dma_start3A_360 = tpu.memref_slice %arg6[%dma_start3A_353, %dma_start3A_359] : memref<4x80xi32, #tpu.memory_space<vmem>> -> memref<1x80xi32, #tpu.memory_space<vmem>>
    %dma_start3A_361 = tpu.memref_squeeze %dma_start3A_360 : memref<1x80xi32, #tpu.memory_space<vmem>> -> memref<80xi32, #tpu.memory_space<vmem>>
    %dma_start3A_362 = arith.constant 0 : i32
    %dma_start3A_363 = arith.constant 0 : i32
    %dma_start3A_364 = tpu.memref_slice %arg2[%dma_start3A_362, %dma_start3A_363] : memref<10240x128xf32, #tpu.memory_space<hbm>> -> memref<10240x128xf32, #tpu.memory_space<hbm>>
    tpu.enqueue_indirect_dma source(%dma_start3A_364 : memref<10240x128xf32, #tpu.memory_space<hbm>>) target(%dma_start3A_358 : memref<80x128xf32, #tpu.memory_space<vmem>>) offsets(%dma_start3A_361 : memref<80xi32, #tpu.memory_space<vmem>>) semaphore(%arg11 : memref<!tpu.dma_semaphore, #tpu.memory_space<semaphore_mem>>)
    %scan3A_365 = arith.constant 0 : i32
    %scan3A_366 = arith.constant 0 : i32
    %scan3A_367 = arith.constant 31 : i32
    %scan3A_368 = arith.addi %scan3A_366, %scan3A_367 : i32
    %scan3A_369 = arith.constant 1 : i32
    %scan3A_370 = scf.for %scan3A_448 = %scan3A_366 to %scan3A_368 step %scan3A_369 iter_args(%scan3A_449 = %scan3A_365) -> (i32)  : i32 {
      %mul3A_450 = arith.constant 4 : i32
      %mul3A_451 = arith.muli %mul3A_450, %scan3A_448 : i32
      %add3A_452 = arith.constant 0 : i32
      %add3A_453 = arith.addi %mul3A_451, %add3A_452 : i32
      %dma_wait3A_454 = arith.constant 0 : i32
      %dma_wait3A_455 = arith.constant 0 : i32
      %dma_wait3A_456 = arith.constant 0 : i32
      %dma_wait3A_457 = arith.constant 0 : i32
      %dma_wait3A_458 = tpu.memref_slice %arg8[%dma_wait3A_455, %dma_wait3A_456, %dma_wait3A_457] : memref<4x80x128xf32, #tpu.memory_space<vmem>> -> memref<1x80x128xf32, #tpu.memory_space<vmem>>
      %dma_wait3A_459 = tpu.memref_squeeze %dma_wait3A_458 : memref<1x80x128xf32, #tpu.memory_space<vmem>> -> memref<80x128xf32, #tpu.memory_space<vmem>>
      %dma_wait3A_460 = arith.constant 0 : i32
      %dma_wait3A_461 = tpu.memref_slice %arg6[%dma_wait3A_454, %dma_wait3A_460] : memref<4x80xi32, #tpu.memory_space<vmem>> -> memref<1x80xi32, #tpu.memory_space<vmem>>
      %dma_wait3A_462 = tpu.memref_squeeze %dma_wait3A_461 : memref<1x80xi32, #tpu.memory_space<vmem>> -> memref<80xi32, #tpu.memory_space<vmem>>
      %dma_wait3A_463 = arith.constant 0 : i32
      %dma_wait3A_464 = arith.constant 0 : i32
      %dma_wait3A_465 = tpu.memref_slice %arg2[%dma_wait3A_463, %dma_wait3A_464] : memref<10240x128xf32, #tpu.memory_space<hbm>> -> memref<10240x128xf32, #tpu.memory_space<hbm>>
      tpu.wait_indirect_dma semaphore(%arg10 : memref<!tpu.dma_semaphore, #tpu.memory_space<semaphore_mem>>) src(%dma_wait3A_465 : memref<10240x128xf32, #tpu.memory_space<hbm>>) dst(%dma_wait3A_459 : memref<80x128xf32, #tpu.memory_space<vmem>>)
      %dma_wait3A_466 = arith.constant 0 : i32
      %dma_wait3A_467 = arith.constant 0 : i32
      %dma_wait3A_468 = tpu.memref_slice %arg7[%dma_wait3A_466, %dma_wait3A_467] : memref<4x80xi32, #tpu.memory_space<vmem>> -> memref<1x80xi32, #tpu.memory_space<vmem>>
      %dma_wait3A_469 = tpu.memref_squeeze %dma_wait3A_468 : memref<1x80xi32, #tpu.memory_space<vmem>> -> memref<80xi32, #tpu.memory_space<vmem>>
      %dma_wait3A_470 = arith.constant 0 : i32
      %dma_wait3A_471 = tpu.memref_slice %arg4[%dma_wait3A_470] : memref<320000xi32, #tpu.memory_space<hbm>> -> memref<80xi32, #tpu.memory_space<hbm>>
      %dma_wait3A_472 = arith.constant 0 : i32
      %dma_wait3A_473 = tpu.memref_slice %arg7[%dma_wait3A_466, %dma_wait3A_472] : memref<4x80xi32, #tpu.memory_space<vmem>> -> memref<1x80xi32, #tpu.memory_space<vmem>>
      %dma_wait3A_474 = tpu.memref_squeeze %dma_wait3A_473 : memref<1x80xi32, #tpu.memory_space<vmem>> -> memref<80xi32, #tpu.memory_space<vmem>>
      %dma_wait3A_475 = arith.constant 0 : i32
      %dma_wait3A_476 = tpu.memref_slice %arg4[%dma_wait3A_475] : memref<320000xi32, #tpu.memory_space<hbm>> -> memref<80xi32, #tpu.memory_space<hbm>>
      tpu.wait_dma2 semaphore(%arg22 : memref<!tpu.dma_semaphore, #tpu.memory_space<semaphore_mem>>) src(%dma_wait3A_476 : memref<80xi32, #tpu.memory_space<hbm>>) dst(%dma_wait3A_474 : memref<80xi32, #tpu.memory_space<vmem>>)
      %dma_start3A_477 = arith.constant 0 : i32
      %dma_start3A_478 = arith.constant 0 : i32
      %dma_start3A_479 = arith.constant 0 : i32
      %dma_start3A_480 = arith.constant 0 : i32
      %dma_start3A_481 = tpu.memref_slice %arg8[%dma_start3A_477, %dma_start3A_479, %dma_start3A_480] : memref<4x80x128xf32, #tpu.memory_space<vmem>> -> memref<1x80x128xf32, #tpu.memory_space<vmem>>
      %dma_start3A_482 = tpu.memref_squeeze %dma_start3A_481 : memref<1x80x128xf32, #tpu.memory_space<vmem>> -> memref<80x128xf32, #tpu.memory_space<vmem>>
      %dma_start3A_483 = arith.constant 0 : i32
      %dma_start3A_484 = tpu.memref_slice %arg7[%dma_start3A_478, %dma_start3A_483] : memref<4x80xi32, #tpu.memory_space<vmem>> -> memref<1x80xi32, #tpu.memory_space<vmem>>
      %dma_start3A_485 = tpu.memref_squeeze %dma_start3A_484 : memref<1x80xi32, #tpu.memory_space<vmem>> -> memref<80xi32, #tpu.memory_space<vmem>>
      %dma_start3A_486 = arith.constant 0 : i32
      %dma_start3A_487 = arith.constant 0 : i32
      %dma_start3A_488 = tpu.memref_slice %arg9[%dma_start3A_486, %dma_start3A_487] : memref<10240x128xf32, #tpu.memory_space<vmem_shared>> -> memref<10240x128xf32, #tpu.memory_space<vmem_shared>>
      tpu.enqueue_indirect_dma source(%dma_start3A_482 : memref<80x128xf32, #tpu.memory_space<vmem>>) target(%dma_start3A_488 : memref<10240x128xf32, #tpu.memory_space<vmem_shared>>) offsets(%dma_start3A_485 : memref<80xi32, #tpu.memory_space<vmem>>) semaphore(%arg14 : memref<!tpu.dma_semaphore, #tpu.memory_space<semaphore_mem>>) {add = true}
      %gt3A = arith.constant 0 : i32
      %gt3A_489 = arith.cmpi sgt, %scan3A_448, %gt3A : i32
      %convert_element_type3A = arith.extui %gt3A_489 : i1 to i32
      %cond3A = arith.constant 0 : i32
      %cond3A_490 = arith.cmpi ne, %convert_element_type3A, %cond3A : i32
      scf.if %cond3A_490 {
        %dma_wait3A_687 = arith.constant 2 : i32
        %dma_wait3A_688 = arith.constant 0 : i32
        %dma_wait3A_689 = arith.constant 0 : i32
        %dma_wait3A_690 = arith.constant 0 : i32
        %dma_wait3A_691 = tpu.memref_slice %arg8[%dma_wait3A_687, %dma_wait3A_689, %dma_wait3A_690] : memref<4x80x128xf32, #tpu.memory_space<vmem>> -> memref<1x80x128xf32, #tpu.memory_space<vmem>>
        %dma_wait3A_692 = tpu.memref_squeeze %dma_wait3A_691 : memref<1x80x128xf32, #tpu.memory_space<vmem>> -> memref<80x128xf32, #tpu.memory_space<vmem>>
        %dma_wait3A_693 = arith.constant 0 : i32
        %dma_wait3A_694 = tpu.memref_slice %arg7[%dma_wait3A_688, %dma_wait3A_693] : memref<4x80xi32, #tpu.memory_space<vmem>> -> memref<1x80xi32, #tpu.memory_space<vmem>>
        %dma_wait3A_695 = tpu.memref_squeeze %dma_wait3A_694 : memref<1x80xi32, #tpu.memory_space<vmem>> -> memref<80xi32, #tpu.memory_space<vmem>>
        %dma_wait3A_696 = arith.constant 0 : i32
        %dma_wait3A_697 = arith.constant 0 : i32
        %dma_wait3A_698 = tpu.memref_slice %arg9[%dma_wait3A_696, %dma_wait3A_697] : memref<10240x128xf32, #tpu.memory_space<vmem_shared>> -> memref<10240x128xf32, #tpu.memory_space<vmem_shared>>
        tpu.wait_indirect_dma semaphore(%arg16 : memref<!tpu.dma_semaphore, #tpu.memory_space<semaphore_mem>>) src(%dma_wait3A_692 : memref<80x128xf32, #tpu.memory_space<vmem>>) dst(%dma_wait3A_698 : memref<10240x128xf32, #tpu.memory_space<vmem_shared>>)
      } else {
      }
      %add3A_491 = arith.constant 2 : i32
      %add3A_492 = arith.addi %add3A_453, %add3A_491 : i32
      %lt3A = arith.constant 125 : i32
      %lt3A_493 = arith.cmpi slt, %add3A_492, %lt3A : i32
      %convert_element_type3A_494 = arith.extui %lt3A_493 : i1 to i32
      %cond3A_495 = arith.constant 0 : i32
      %cond3A_496 = arith.cmpi ne, %convert_element_type3A_494, %cond3A_495 : i32
      scf.if %cond3A_496 {
        %dma_wait3A_687 = arith.constant 2 : i32
        %dma_wait3A_688 = arith.constant 0 : i32
        %dma_wait3A_689 = tpu.memref_slice %arg6[%dma_wait3A_687, %dma_wait3A_688] : memref<4x80xi32, #tpu.memory_space<vmem>> -> memref<1x80xi32, #tpu.memory_space<vmem>>
        %dma_wait3A_690 = tpu.memref_squeeze %dma_wait3A_689 : memref<1x80xi32, #tpu.memory_space<vmem>> -> memref<80xi32, #tpu.memory_space<vmem>>
        %dma_wait3A_691 = arith.constant 0 : i32
        %dma_wait3A_692 = tpu.memref_slice %arg3[%dma_wait3A_691] : memref<320000xi32, #tpu.memory_space<hbm>> -> memref<80xi32, #tpu.memory_space<hbm>>
        %dma_wait3A_693 = arith.constant 0 : i32
        %dma_wait3A_694 = tpu.memref_slice %arg6[%dma_wait3A_687, %dma_wait3A_693] : memref<4x80xi32, #tpu.memory_space<vmem>> -> memref<1x80xi32, #tpu.memory_space<vmem>>
        %dma_wait3A_695 = tpu.memref_squeeze %dma_wait3A_694 : memref<1x80xi32, #tpu.memory_space<vmem>> -> memref<80xi32, #tpu.memory_space<vmem>>
        %dma_wait3A_696 = arith.constant 0 : i32
        %dma_wait3A_697 = tpu.memref_slice %arg3[%dma_wait3A_696] : memref<320000xi32, #tpu.memory_space<hbm>> -> memref<80xi32, #tpu.memory_space<hbm>>
        tpu.wait_dma2 semaphore(%arg20 : memref<!tpu.dma_semaphore, #tpu.memory_space<semaphore_mem>>) src(%dma_wait3A_697 : memref<80xi32, #tpu.memory_space<hbm>>) dst(%dma_wait3A_695 : memref<80xi32, #tpu.memory_space<vmem>>)
        %dma_start3A_698 = arith.constant 2 : i32
        %dma_start3A_699 = arith.constant 2 : i32
        %dma_start3A_700 = arith.constant 0 : i32
        %dma_start3A_701 = arith.constant 0 : i32
        %dma_start3A_702 = tpu.memref_slice %arg8[%dma_start3A_699, %dma_start3A_700, %dma_start3A_701] : memref<4x80x128xf32, #tpu.memory_space<vmem>> -> memref<1x80x128xf32, #tpu.memory_space<vmem>>
        %dma_start3A_703 = tpu.memref_squeeze %dma_start3A_702 : memref<1x80x128xf32, #tpu.memory_space<vmem>> -> memref<80x128xf32, #tpu.memory_space<vmem>>
        %dma_start3A_704 = arith.constant 0 : i32
        %dma_start3A_705 = tpu.memref_slice %arg6[%dma_start3A_698, %dma_start3A_704] : memref<4x80xi32, #tpu.memory_space<vmem>> -> memref<1x80xi32, #tpu.memory_space<vmem>>
        %dma_start3A_706 = tpu.memref_squeeze %dma_start3A_705 : memref<1x80xi32, #tpu.memory_space<vmem>> -> memref<80xi32, #tpu.memory_space<vmem>>
        %dma_start3A_707 = arith.constant 0 : i32
        %dma_start3A_708 = arith.constant 0 : i32
        %dma_start3A_709 = tpu.memref_slice %arg2[%dma_start3A_707, %dma_start3A_708] : memref<10240x128xf32, #tpu.memory_space<hbm>> -> memref<10240x128xf32, #tpu.memory_space<hbm>>
        tpu.enqueue_indirect_dma source(%dma_start3A_709 : memref<10240x128xf32, #tpu.memory_space<hbm>>) target(%dma_start3A_703 : memref<80x128xf32, #tpu.memory_space<vmem>>) offsets(%dma_start3A_706 : memref<80xi32, #tpu.memory_space<vmem>>) semaphore(%arg12 : memref<!tpu.dma_semaphore, #tpu.memory_space<semaphore_mem>>)
        %add3A_710 = arith.constant 2 : i32
        %add3A_711 = arith.addi %add3A_453, %add3A_710 : i32
        %mul3A_712 = arith.constant 80 : i32
        %mul3A_713 = arith.muli %add3A_711, %mul3A_712 : i32
        %add3A_714 = arith.addi %mul3A_2, %mul3A_713 : i32
        %dma_start3A_715 = arith.constant 2 : i32
        %dma_start3A_716 = arith.constant 0 : i32
        %dma_start3A_717 = tpu.memref_slice %arg7[%dma_start3A_715, %dma_start3A_716] : memref<4x80xi32, #tpu.memory_space<vmem>> -> memref<1x80xi32, #tpu.memory_space<vmem>>
        %dma_start3A_718 = tpu.memref_squeeze %dma_start3A_717 : memref<1x80xi32, #tpu.memory_space<vmem>> -> memref<80xi32, #tpu.memory_space<vmem>>
        %dma_start3A_719 = tpu.memref_slice %arg4[%add3A_714] : memref<320000xi32, #tpu.memory_space<hbm>> -> memref<80xi32, #tpu.memory_space<hbm>>
        %dma_start3A_720 = arith.constant 0 : i32
        %dma_start3A_721 = tpu.memref_slice %arg7[%dma_start3A_715, %dma_start3A_720] : memref<4x80xi32, #tpu.memory_space<vmem>> -> memref<1x80xi32, #tpu.memory_space<vmem>>
        %dma_start3A_722 = tpu.memref_squeeze %dma_start3A_721 : memref<1x80xi32, #tpu.memory_space<vmem>> -> memref<80xi32, #tpu.memory_space<vmem>>
        %dma_start3A_723 = tpu.memref_slice %arg4[%add3A_714] : memref<320000xi32, #tpu.memory_space<hbm>> -> memref<80xi32, #tpu.memory_space<hbm>>
        tpu.enqueue_dma source(%dma_start3A_723 : memref<80xi32, #tpu.memory_space<hbm>>) target(%dma_start3A_722 : memref<80xi32, #tpu.memory_space<vmem>>) target_semaphore(%arg24 : memref<!tpu.dma_semaphore, #tpu.memory_space<semaphore_mem>>)
      } else {
      }
      %add3A_497 = arith.constant 3 : i32
      %add3A_498 = arith.addi %add3A_453, %add3A_497 : i32
      %lt3A_499 = arith.constant 125 : i32
      %lt3A_500 = arith.cmpi slt, %add3A_498, %lt3A_499 : i32
      %convert_element_type3A_501 = arith.extui %lt3A_500 : i1 to i32
      %cond3A_502 = arith.constant 0 : i32
      %cond3A_503 = arith.cmpi ne, %convert_element_type3A_501, %cond3A_502 : i32
      scf.if %cond3A_503 {
        %add3A_687 = arith.constant 3 : i32
        %add3A_688 = arith.addi %add3A_453, %add3A_687 : i32
        %mul3A_689 = arith.constant 80 : i32
        %mul3A_690 = arith.muli %add3A_688, %mul3A_689 : i32
        %add3A_691 = arith.addi %mul3A_2, %mul3A_690 : i32
        %dma_start3A_692 = arith.constant 3 : i32
        %dma_start3A_693 = arith.constant 0 : i32
        %dma_start3A_694 = tpu.memref_slice %arg6[%dma_start3A_692, %dma_start3A_693] : memref<4x80xi32, #tpu.memory_space<vmem>> -> memref<1x80xi32, #tpu.memory_space<vmem>>
        %dma_start3A_695 = tpu.memref_squeeze %dma_start3A_694 : memref<1x80xi32, #tpu.memory_space<vmem>> -> memref<80xi32, #tpu.memory_space<vmem>>
        %dma_start3A_696 = tpu.memref_slice %arg3[%add3A_691] : memref<320000xi32, #tpu.memory_space<hbm>> -> memref<80xi32, #tpu.memory_space<hbm>>
        %dma_start3A_697 = arith.constant 0 : i32
        %dma_start3A_698 = tpu.memref_slice %arg6[%dma_start3A_692, %dma_start3A_697] : memref<4x80xi32, #tpu.memory_space<vmem>> -> memref<1x80xi32, #tpu.memory_space<vmem>>
        %dma_start3A_699 = tpu.memref_squeeze %dma_start3A_698 : memref<1x80xi32, #tpu.memory_space<vmem>> -> memref<80xi32, #tpu.memory_space<vmem>>
        %dma_start3A_700 = tpu.memref_slice %arg3[%add3A_691] : memref<320000xi32, #tpu.memory_space<hbm>> -> memref<80xi32, #tpu.memory_space<hbm>>
        tpu.enqueue_dma source(%dma_start3A_700 : memref<80xi32, #tpu.memory_space<hbm>>) target(%dma_start3A_699 : memref<80xi32, #tpu.memory_space<vmem>>) target_semaphore(%arg21 : memref<!tpu.dma_semaphore, #tpu.memory_space<semaphore_mem>>)
      } else {
      }
      %add3A_504 = arith.constant 1 : i32
      %add3A_505 = arith.addi %mul3A_451, %add3A_504 : i32
      %dma_wait3A_506 = arith.constant 0 : i32
      %dma_wait3A_507 = arith.constant 1 : i32
      %dma_wait3A_508 = arith.constant 0 : i32
      %dma_wait3A_509 = arith.constant 0 : i32
      %dma_wait3A_510 = tpu.memref_slice %arg8[%dma_wait3A_507, %dma_wait3A_508, %dma_wait3A_509] : memref<4x80x128xf32, #tpu.memory_space<vmem>> -> memref<1x80x128xf32, #tpu.memory_space<vmem>>
      %dma_wait3A_511 = tpu.memref_squeeze %dma_wait3A_510 : memref<1x80x128xf32, #tpu.memory_space<vmem>> -> memref<80x128xf32, #tpu.memory_space<vmem>>
      %dma_wait3A_512 = arith.constant 0 : i32
      %dma_wait3A_513 = tpu.memref_slice %arg6[%dma_wait3A_506, %dma_wait3A_512] : memref<4x80xi32, #tpu.memory_space<vmem>> -> memref<1x80xi32, #tpu.memory_space<vmem>>
      %dma_wait3A_514 = tpu.memref_squeeze %dma_wait3A_513 : memref<1x80xi32, #tpu.memory_space<vmem>> -> memref<80xi32, #tpu.memory_space<vmem>>
      %dma_wait3A_515 = arith.constant 0 : i32
      %dma_wait3A_516 = arith.constant 0 : i32
      %dma_wait3A_517 = tpu.memref_slice %arg2[%dma_wait3A_515, %dma_wait3A_516] : memref<10240x128xf32, #tpu.memory_space<hbm>> -> memref<10240x128xf32, #tpu.memory_space<hbm>>
      tpu.wait_indirect_dma semaphore(%arg11 : memref<!tpu.dma_semaphore, #tpu.memory_space<semaphore_mem>>) src(%dma_wait3A_517 : memref<10240x128xf32, #tpu.memory_space<hbm>>) dst(%dma_wait3A_511 : memref<80x128xf32, #tpu.memory_space<vmem>>)
      %dma_wait3A_518 = arith.constant 1 : i32
      %dma_wait3A_519 = arith.constant 0 : i32
      %dma_wait3A_520 = tpu.memref_slice %arg7[%dma_wait3A_518, %dma_wait3A_519] : memref<4x80xi32, #tpu.memory_space<vmem>> -> memref<1x80xi32, #tpu.memory_space<vmem>>
      %dma_wait3A_521 = tpu.memref_squeeze %dma_wait3A_520 : memref<1x80xi32, #tpu.memory_space<vmem>> -> memref<80xi32, #tpu.memory_space<vmem>>
      %dma_wait3A_522 = arith.constant 0 : i32
      %dma_wait3A_523 = tpu.memref_slice %arg4[%dma_wait3A_522] : memref<320000xi32, #tpu.memory_space<hbm>> -> memref<80xi32, #tpu.memory_space<hbm>>
      %dma_wait3A_524 = arith.constant 0 : i32
      %dma_wait3A_525 = tpu.memref_slice %arg7[%dma_wait3A_518, %dma_wait3A_524] : memref<4x80xi32, #tpu.memory_space<vmem>> -> memref<1x80xi32, #tpu.memory_space<vmem>>
      %dma_wait3A_526 = tpu.memref_squeeze %dma_wait3A_525 : memref<1x80xi32, #tpu.memory_space<vmem>> -> memref<80xi32, #tpu.memory_space<vmem>>
      %dma_wait3A_527 = arith.constant 0 : i32
      %dma_wait3A_528 = tpu.memref_slice %arg4[%dma_wait3A_527] : memref<320000xi32, #tpu.memory_space<hbm>> -> memref<80xi32, #tpu.memory_space<hbm>>
      tpu.wait_dma2 semaphore(%arg23 : memref<!tpu.dma_semaphore, #tpu.memory_space<semaphore_mem>>) src(%dma_wait3A_528 : memref<80xi32, #tpu.memory_space<hbm>>) dst(%dma_wait3A_526 : memref<80xi32, #tpu.memory_space<vmem>>)
      %dma_start3A_529 = arith.constant 1 : i32
      %dma_start3A_530 = arith.constant 1 : i32
      %dma_start3A_531 = arith.constant 0 : i32
      %dma_start3A_532 = arith.constant 0 : i32
      %dma_start3A_533 = tpu.memref_slice %arg8[%dma_start3A_529, %dma_start3A_531, %dma_start3A_532] : memref<4x80x128xf32, #tpu.memory_space<vmem>> -> memref<1x80x128xf32, #tpu.memory_space<vmem>>
      %dma_start3A_534 = tpu.memref_squeeze %dma_start3A_533 : memref<1x80x128xf32, #tpu.memory_space<vmem>> -> memref<80x128xf32, #tpu.memory_space<vmem>>
      %dma_start3A_535 = arith.constant 0 : i32
      %dma_start3A_536 = tpu.memref_slice %arg7[%dma_start3A_530, %dma_start3A_535] : memref<4x80xi32, #tpu.memory_space<vmem>> -> memref<1x80xi32, #tpu.memory_space<vmem>>
      %dma_start3A_537 = tpu.memref_squeeze %dma_start3A_536 : memref<1x80xi32, #tpu.memory_space<vmem>> -> memref<80xi32, #tpu.memory_space<vmem>>
      %dma_start3A_538 = arith.constant 0 : i32
      %dma_start3A_539 = arith.constant 0 : i32
      %dma_start3A_540 = tpu.memref_slice %arg9[%dma_start3A_538, %dma_start3A_539] : memref<10240x128xf32, #tpu.memory_space<vmem_shared>> -> memref<10240x128xf32, #tpu.memory_space<vmem_shared>>
      tpu.enqueue_indirect_dma source(%dma_start3A_534 : memref<80x128xf32, #tpu.memory_space<vmem>>) target(%dma_start3A_540 : memref<10240x128xf32, #tpu.memory_space<vmem_shared>>) offsets(%dma_start3A_537 : memref<80xi32, #tpu.memory_space<vmem>>) semaphore(%arg15 : memref<!tpu.dma_semaphore, #tpu.memory_space<semaphore_mem>>) {add = true}
      %gt3A_541 = arith.constant 0 : i32
      %gt3A_542 = arith.cmpi sgt, %scan3A_448, %gt3A_541 : i32
      %convert_element_type3A_543 = arith.extui %gt3A_542 : i1 to i32
      %cond3A_544 = arith.constant 0 : i32
      %cond3A_545 = arith.cmpi ne, %convert_element_type3A_543, %cond3A_544 : i32
      scf.if %cond3A_545 {
        %dma_wait3A_687 = arith.constant 3 : i32
        %dma_wait3A_688 = arith.constant 0 : i32
        %dma_wait3A_689 = arith.constant 0 : i32
        %dma_wait3A_690 = arith.constant 0 : i32
        %dma_wait3A_691 = tpu.memref_slice %arg8[%dma_wait3A_687, %dma_wait3A_689, %dma_wait3A_690] : memref<4x80x128xf32, #tpu.memory_space<vmem>> -> memref<1x80x128xf32, #tpu.memory_space<vmem>>
        %dma_wait3A_692 = tpu.memref_squeeze %dma_wait3A_691 : memref<1x80x128xf32, #tpu.memory_space<vmem>> -> memref<80x128xf32, #tpu.memory_space<vmem>>
        %dma_wait3A_693 = arith.constant 0 : i32
        %dma_wait3A_694 = tpu.memref_slice %arg7[%dma_wait3A_688, %dma_wait3A_693] : memref<4x80xi32, #tpu.memory_space<vmem>> -> memref<1x80xi32, #tpu.memory_space<vmem>>
        %dma_wait3A_695 = tpu.memref_squeeze %dma_wait3A_694 : memref<1x80xi32, #tpu.memory_space<vmem>> -> memref<80xi32, #tpu.memory_space<vmem>>
        %dma_wait3A_696 = arith.constant 0 : i32
        %dma_wait3A_697 = arith.constant 0 : i32
        %dma_wait3A_698 = tpu.memref_slice %arg9[%dma_wait3A_696, %dma_wait3A_697] : memref<10240x128xf32, #tpu.memory_space<vmem_shared>> -> memref<10240x128xf32, #tpu.memory_space<vmem_shared>>
        tpu.wait_indirect_dma semaphore(%arg17 : memref<!tpu.dma_semaphore, #tpu.memory_space<semaphore_mem>>) src(%dma_wait3A_692 : memref<80x128xf32, #tpu.memory_space<vmem>>) dst(%dma_wait3A_698 : memref<10240x128xf32, #tpu.memory_space<vmem_shared>>)
      } else {
      }
      %add3A_546 = arith.constant 2 : i32
      %add3A_547 = arith.addi %add3A_505, %add3A_546 : i32
      %lt3A_548 = arith.constant 125 : i32
      %lt3A_549 = arith.cmpi slt, %add3A_547, %lt3A_548 : i32
      %convert_element_type3A_550 = arith.extui %lt3A_549 : i1 to i32
      %cond3A_551 = arith.constant 0 : i32
      %cond3A_552 = arith.cmpi ne, %convert_element_type3A_550, %cond3A_551 : i32
      scf.if %cond3A_552 {
        %dma_wait3A_687 = arith.constant 3 : i32
        %dma_wait3A_688 = arith.constant 0 : i32
        %dma_wait3A_689 = tpu.memref_slice %arg6[%dma_wait3A_687, %dma_wait3A_688] : memref<4x80xi32, #tpu.memory_space<vmem>> -> memref<1x80xi32, #tpu.memory_space<vmem>>
        %dma_wait3A_690 = tpu.memref_squeeze %dma_wait3A_689 : memref<1x80xi32, #tpu.memory_space<vmem>> -> memref<80xi32, #tpu.memory_space<vmem>>
        %dma_wait3A_691 = arith.constant 0 : i32
        %dma_wait3A_692 = tpu.memref_slice %arg3[%dma_wait3A_691] : memref<320000xi32, #tpu.memory_space<hbm>> -> memref<80xi32, #tpu.memory_space<hbm>>
        %dma_wait3A_693 = arith.constant 0 : i32
        %dma_wait3A_694 = tpu.memref_slice %arg6[%dma_wait3A_687, %dma_wait3A_693] : memref<4x80xi32, #tpu.memory_space<vmem>> -> memref<1x80xi32, #tpu.memory_space<vmem>>
        %dma_wait3A_695 = tpu.memref_squeeze %dma_wait3A_694 : memref<1x80xi32, #tpu.memory_space<vmem>> -> memref<80xi32, #tpu.memory_space<vmem>>
        %dma_wait3A_696 = arith.constant 0 : i32
        %dma_wait3A_697 = tpu.memref_slice %arg3[%dma_wait3A_696] : memref<320000xi32, #tpu.memory_space<hbm>> -> memref<80xi32, #tpu.memory_space<hbm>>
        tpu.wait_dma2 semaphore(%arg21 : memref<!tpu.dma_semaphore, #tpu.memory_space<semaphore_mem>>) src(%dma_wait3A_697 : memref<80xi32, #tpu.memory_space<hbm>>) dst(%dma_wait3A_695 : memref<80xi32, #tpu.memory_space<vmem>>)
        %dma_start3A_698 = arith.constant 3 : i32
        %dma_start3A_699 = arith.constant 3 : i32
        %dma_start3A_700 = arith.constant 0 : i32
        %dma_start3A_701 = arith.constant 0 : i32
        %dma_start3A_702 = tpu.memref_slice %arg8[%dma_start3A_699, %dma_start3A_700, %dma_start3A_701] : memref<4x80x128xf32, #tpu.memory_space<vmem>> -> memref<1x80x128xf32, #tpu.memory_space<vmem>>
        %dma_start3A_703 = tpu.memref_squeeze %dma_start3A_702 : memref<1x80x128xf32, #tpu.memory_space<vmem>> -> memref<80x128xf32, #tpu.memory_space<vmem>>
        %dma_start3A_704 = arith.constant 0 : i32
        %dma_start3A_705 = tpu.memref_slice %arg6[%dma_start3A_698, %dma_start3A_704] : memref<4x80xi32, #tpu.memory_space<vmem>> -> memref<1x80xi32, #tpu.memory_space<vmem>>
        %dma_start3A_706 = tpu.memref_squeeze %dma_start3A_705 : memref<1x80xi32, #tpu.memory_space<vmem>> -> memref<80xi32, #tpu.memory_space<vmem>>
        %dma_start3A_707 = arith.constant 0 : i32
        %dma_start3A_708 = arith.constant 0 : i32
        %dma_start3A_709 = tpu.memref_slice %arg2[%dma_start3A_707, %dma_start3A_708] : memref<10240x128xf32, #tpu.memory_space<hbm>> -> memref<10240x128xf32, #tpu.memory_space<hbm>>
        tpu.enqueue_indirect_dma source(%dma_start3A_709 : memref<10240x128xf32, #tpu.memory_space<hbm>>) target(%dma_start3A_703 : memref<80x128xf32, #tpu.memory_space<vmem>>) offsets(%dma_start3A_706 : memref<80xi32, #tpu.memory_space<vmem>>) semaphore(%arg13 : memref<!tpu.dma_semaphore, #tpu.memory_space<semaphore_mem>>)
        %add3A_710 = arith.constant 2 : i32
        %add3A_711 = arith.addi %add3A_505, %add3A_710 : i32
        %mul3A_712 = arith.constant 80 : i32
        %mul3A_713 = arith.muli %add3A_711, %mul3A_712 : i32
        %add3A_714 = arith.addi %mul3A_2, %mul3A_713 : i32
        %dma_start3A_715 = arith.constant 3 : i32
        %dma_start3A_716 = arith.constant 0 : i32
        %dma_start3A_717 = tpu.memref_slice %arg7[%dma_start3A_715, %dma_start3A_716] : memref<4x80xi32, #tpu.memory_space<vmem>> -> memref<1x80xi32, #tpu.memory_space<vmem>>
        %dma_start3A_718 = tpu.memref_squeeze %dma_start3A_717 : memref<1x80xi32, #tpu.memory_space<vmem>> -> memref<80xi32, #tpu.memory_space<vmem>>
        %dma_start3A_719 = tpu.memref_slice %arg4[%add3A_714] : memref<320000xi32, #tpu.memory_space<hbm>> -> memref<80xi32, #tpu.memory_space<hbm>>
        %dma_start3A_720 = arith.constant 0 : i32
        %dma_start3A_721 = tpu.memref_slice %arg7[%dma_start3A_715, %dma_start3A_720] : memref<4x80xi32, #tpu.memory_space<vmem>> -> memref<1x80xi32, #tpu.memory_space<vmem>>
        %dma_start3A_722 = tpu.memref_squeeze %dma_start3A_721 : memref<1x80xi32, #tpu.memory_space<vmem>> -> memref<80xi32, #tpu.memory_space<vmem>>
        %dma_start3A_723 = tpu.memref_slice %arg4[%add3A_714] : memref<320000xi32, #tpu.memory_space<hbm>> -> memref<80xi32, #tpu.memory_space<hbm>>
        tpu.enqueue_dma source(%dma_start3A_723 : memref<80xi32, #tpu.memory_space<hbm>>) target(%dma_start3A_722 : memref<80xi32, #tpu.memory_space<vmem>>) target_semaphore(%arg25 : memref<!tpu.dma_semaphore, #tpu.memory_space<semaphore_mem>>)
      } else {
      }
      %add3A_553 = arith.constant 3 : i32
      %add3A_554 = arith.addi %add3A_505, %add3A_553 : i32
      %lt3A_555 = arith.constant 125 : i32
      %lt3A_556 = arith.cmpi slt, %add3A_554, %lt3A_555 : i32
      %convert_element_type3A_557 = arith.extui %lt3A_556 : i1 to i32
      %cond3A_558 = arith.constant 0 : i32
      %cond3A_559 = arith.cmpi ne, %convert_element_type3A_557, %cond3A_558 : i32
      scf.if %cond3A_559 {
        %add3A_687 = arith.constant 3 : i32
        %add3A_688 = arith.addi %add3A_505, %add3A_687 : i32
        %mul3A_689 = arith.constant 80 : i32
        %mul3A_690 = arith.muli %add3A_688, %mul3A_689 : i32
        %add3A_691 = arith.addi %mul3A_2, %mul3A_690 : i32
        %dma_start3A_692 = arith.constant 0 : i32
        %dma_start3A_693 = arith.constant 0 : i32
        %dma_start3A_694 = tpu.memref_slice %arg6[%dma_start3A_692, %dma_start3A_693] : memref<4x80xi32, #tpu.memory_space<vmem>> -> memref<1x80xi32, #tpu.memory_space<vmem>>
        %dma_start3A_695 = tpu.memref_squeeze %dma_start3A_694 : memref<1x80xi32, #tpu.memory_space<vmem>> -> memref<80xi32, #tpu.memory_space<vmem>>
        %dma_start3A_696 = tpu.memref_slice %arg3[%add3A_691] : memref<320000xi32, #tpu.memory_space<hbm>> -> memref<80xi32, #tpu.memory_space<hbm>>
        %dma_start3A_697 = arith.constant 0 : i32
        %dma_start3A_698 = tpu.memref_slice %arg6[%dma_start3A_692, %dma_start3A_697] : memref<4x80xi32, #tpu.memory_space<vmem>> -> memref<1x80xi32, #tpu.memory_space<vmem>>
        %dma_start3A_699 = tpu.memref_squeeze %dma_start3A_698 : memref<1x80xi32, #tpu.memory_space<vmem>> -> memref<80xi32, #tpu.memory_space<vmem>>
        %dma_start3A_700 = tpu.memref_slice %arg3[%add3A_691] : memref<320000xi32, #tpu.memory_space<hbm>> -> memref<80xi32, #tpu.memory_space<hbm>>
        tpu.enqueue_dma source(%dma_start3A_700 : memref<80xi32, #tpu.memory_space<hbm>>) target(%dma_start3A_699 : memref<80xi32, #tpu.memory_space<vmem>>) target_semaphore(%arg18 : memref<!tpu.dma_semaphore, #tpu.memory_space<semaphore_mem>>)
      } else {
      }
      %add3A_560 = arith.constant 2 : i32
      %add3A_561 = arith.addi %mul3A_451, %add3A_560 : i32
      %dma_wait3A_562 = arith.constant 0 : i32
      %dma_wait3A_563 = arith.constant 2 : i32
      %dma_wait3A_564 = arith.constant 0 : i32
      %dma_wait3A_565 = arith.constant 0 : i32
      %dma_wait3A_566 = tpu.memref_slice %arg8[%dma_wait3A_563, %dma_wait3A_564, %dma_wait3A_565] : memref<4x80x128xf32, #tpu.memory_space<vmem>> -> memref<1x80x128xf32, #tpu.memory_space<vmem>>
      %dma_wait3A_567 = tpu.memref_squeeze %dma_wait3A_566 : memref<1x80x128xf32, #tpu.memory_space<vmem>> -> memref<80x128xf32, #tpu.memory_space<vmem>>
      %dma_wait3A_568 = arith.constant 0 : i32
      %dma_wait3A_569 = tpu.memref_slice %arg6[%dma_wait3A_562, %dma_wait3A_568] : memref<4x80xi32, #tpu.memory_space<vmem>> -> memref<1x80xi32, #tpu.memory_space<vmem>>
      %dma_wait3A_570 = tpu.memref_squeeze %dma_wait3A_569 : memref<1x80xi32, #tpu.memory_space<vmem>> -> memref<80xi32, #tpu.memory_space<vmem>>
      %dma_wait3A_571 = arith.constant 0 : i32
      %dma_wait3A_572 = arith.constant 0 : i32
      %dma_wait3A_573 = tpu.memref_slice %arg2[%dma_wait3A_571, %dma_wait3A_572] : memref<10240x128xf32, #tpu.memory_space<hbm>> -> memref<10240x128xf32, #tpu.memory_space<hbm>>
      tpu.wait_indirect_dma semaphore(%arg12 : memref<!tpu.dma_semaphore, #tpu.memory_space<semaphore_mem>>) src(%dma_wait3A_573 : memref<10240x128xf32, #tpu.memory_space<hbm>>) dst(%dma_wait3A_567 : memref<80x128xf32, #tpu.memory_space<vmem>>)
      %dma_wait3A_574 = arith.constant 2 : i32
      %dma_wait3A_575 = arith.constant 0 : i32
      %dma_wait3A_576 = tpu.memref_slice %arg7[%dma_wait3A_574, %dma_wait3A_575] : memref<4x80xi32, #tpu.memory_space<vmem>> -> memref<1x80xi32, #tpu.memory_space<vmem>>
      %dma_wait3A_577 = tpu.memref_squeeze %dma_wait3A_576 : memref<1x80xi32, #tpu.memory_space<vmem>> -> memref<80xi32, #tpu.memory_space<vmem>>
      %dma_wait3A_578 = arith.constant 0 : i32
      %dma_wait3A_579 = tpu.memref_slice %arg4[%dma_wait3A_578] : memref<320000xi32, #tpu.memory_space<hbm>> -> memref<80xi32, #tpu.memory_space<hbm>>
      %dma_wait3A_580 = arith.constant 0 : i32
      %dma_wait3A_581 = tpu.memref_slice %arg7[%dma_wait3A_574, %dma_wait3A_580] : memref<4x80xi32, #tpu.memory_space<vmem>> -> memref<1x80xi32, #tpu.memory_space<vmem>>
      %dma_wait3A_582 = tpu.memref_squeeze %dma_wait3A_581 : memref<1x80xi32, #tpu.memory_space<vmem>> -> memref<80xi32, #tpu.memory_space<vmem>>
      %dma_wait3A_583 = arith.constant 0 : i32
      %dma_wait3A_584 = tpu.memref_slice %arg4[%dma_wait3A_583] : memref<320000xi32, #tpu.memory_space<hbm>> -> memref<80xi32, #tpu.memory_space<hbm>>
      tpu.wait_dma2 semaphore(%arg24 : memref<!tpu.dma_semaphore, #tpu.memory_space<semaphore_mem>>) src(%dma_wait3A_584 : memref<80xi32, #tpu.memory_space<hbm>>) dst(%dma_wait3A_582 : memref<80xi32, #tpu.memory_space<vmem>>)
      %dma_start3A_585 = arith.constant 2 : i32
      %dma_start3A_586 = arith.constant 2 : i32
      %dma_start3A_587 = arith.constant 0 : i32
      %dma_start3A_588 = arith.constant 0 : i32
      %dma_start3A_589 = tpu.memref_slice %arg8[%dma_start3A_585, %dma_start3A_587, %dma_start3A_588] : memref<4x80x128xf32, #tpu.memory_space<vmem>> -> memref<1x80x128xf32, #tpu.memory_space<vmem>>
      %dma_start3A_590 = tpu.memref_squeeze %dma_start3A_589 : memref<1x80x128xf32, #tpu.memory_space<vmem>> -> memref<80x128xf32, #tpu.memory_space<vmem>>
      %dma_start3A_591 = arith.constant 0 : i32
      %dma_start3A_592 = tpu.memref_slice %arg7[%dma_start3A_586, %dma_start3A_591] : memref<4x80xi32, #tpu.memory_space<vmem>> -> memref<1x80xi32, #tpu.memory_space<vmem>>
      %dma_start3A_593 = tpu.memref_squeeze %dma_start3A_592 : memref<1x80xi32, #tpu.memory_space<vmem>> -> memref<80xi32, #tpu.memory_space<vmem>>
      %dma_start3A_594 = arith.constant 0 : i32
      %dma_start3A_595 = arith.constant 0 : i32
      %dma_start3A_596 = tpu.memref_slice %arg9[%dma_start3A_594, %dma_start3A_595] : memref<10240x128xf32, #tpu.memory_space<vmem_shared>> -> memref<10240x128xf32, #tpu.memory_space<vmem_shared>>
      tpu.enqueue_indirect_dma source(%dma_start3A_590 : memref<80x128xf32, #tpu.memory_space<vmem>>) target(%dma_start3A_596 : memref<10240x128xf32, #tpu.memory_space<vmem_shared>>) offsets(%dma_start3A_593 : memref<80xi32, #tpu.memory_space<vmem>>) semaphore(%arg16 : memref<!tpu.dma_semaphore, #tpu.memory_space<semaphore_mem>>) {add = true}
      %dma_wait3A_597 = arith.constant 0 : i32
      %dma_wait3A_598 = arith.constant 0 : i32
      %dma_wait3A_599 = arith.constant 0 : i32
      %dma_wait3A_600 = arith.constant 0 : i32
      %dma_wait3A_601 = tpu.memref_slice %arg8[%dma_wait3A_597, %dma_wait3A_599, %dma_wait3A_600] : memref<4x80x128xf32, #tpu.memory_space<vmem>> -> memref<1x80x128xf32, #tpu.memory_space<vmem>>
      %dma_wait3A_602 = tpu.memref_squeeze %dma_wait3A_601 : memref<1x80x128xf32, #tpu.memory_space<vmem>> -> memref<80x128xf32, #tpu.memory_space<vmem>>
      %dma_wait3A_603 = arith.constant 0 : i32
      %dma_wait3A_604 = tpu.memref_slice %arg7[%dma_wait3A_598, %dma_wait3A_603] : memref<4x80xi32, #tpu.memory_space<vmem>> -> memref<1x80xi32, #tpu.memory_space<vmem>>
      %dma_wait3A_605 = tpu.memref_squeeze %dma_wait3A_604 : memref<1x80xi32, #tpu.memory_space<vmem>> -> memref<80xi32, #tpu.memory_space<vmem>>
      %dma_wait3A_606 = arith.constant 0 : i32
      %dma_wait3A_607 = arith.constant 0 : i32
      %dma_wait3A_608 = tpu.memref_slice %arg9[%dma_wait3A_606, %dma_wait3A_607] : memref<10240x128xf32, #tpu.memory_space<vmem_shared>> -> memref<10240x128xf32, #tpu.memory_space<vmem_shared>>
      tpu.wait_indirect_dma semaphore(%arg14 : memref<!tpu.dma_semaphore, #tpu.memory_space<semaphore_mem>>) src(%dma_wait3A_602 : memref<80x128xf32, #tpu.memory_space<vmem>>) dst(%dma_wait3A_608 : memref<10240x128xf32, #tpu.memory_space<vmem_shared>>)
      %add3A_609 = arith.constant 2 : i32
      %add3A_610 = arith.addi %add3A_561, %add3A_609 : i32
      %lt3A_611 = arith.constant 125 : i32
      %lt3A_612 = arith.cmpi slt, %add3A_610, %lt3A_611 : i32
      %convert_element_type3A_613 = arith.extui %lt3A_612 : i1 to i32
      %cond3A_614 = arith.constant 0 : i32
      %cond3A_615 = arith.cmpi ne, %convert_element_type3A_613, %cond3A_614 : i32
      scf.if %cond3A_615 {
        %dma_wait3A_687 = arith.constant 0 : i32
        %dma_wait3A_688 = arith.constant 0 : i32
        %dma_wait3A_689 = tpu.memref_slice %arg6[%dma_wait3A_687, %dma_wait3A_688] : memref<4x80xi32, #tpu.memory_space<vmem>> -> memref<1x80xi32, #tpu.memory_space<vmem>>
        %dma_wait3A_690 = tpu.memref_squeeze %dma_wait3A_689 : memref<1x80xi32, #tpu.memory_space<vmem>> -> memref<80xi32, #tpu.memory_space<vmem>>
        %dma_wait3A_691 = arith.constant 0 : i32
        %dma_wait3A_692 = tpu.memref_slice %arg3[%dma_wait3A_691] : memref<320000xi32, #tpu.memory_space<hbm>> -> memref<80xi32, #tpu.memory_space<hbm>>
        %dma_wait3A_693 = arith.constant 0 : i32
        %dma_wait3A_694 = tpu.memref_slice %arg6[%dma_wait3A_687, %dma_wait3A_693] : memref<4x80xi32, #tpu.memory_space<vmem>> -> memref<1x80xi32, #tpu.memory_space<vmem>>
        %dma_wait3A_695 = tpu.memref_squeeze %dma_wait3A_694 : memref<1x80xi32, #tpu.memory_space<vmem>> -> memref<80xi32, #tpu.memory_space<vmem>>
        %dma_wait3A_696 = arith.constant 0 : i32
        %dma_wait3A_697 = tpu.memref_slice %arg3[%dma_wait3A_696] : memref<320000xi32, #tpu.memory_space<hbm>> -> memref<80xi32, #tpu.memory_space<hbm>>
        tpu.wait_dma2 semaphore(%arg18 : memref<!tpu.dma_semaphore, #tpu.memory_space<semaphore_mem>>) src(%dma_wait3A_697 : memref<80xi32, #tpu.memory_space<hbm>>) dst(%dma_wait3A_695 : memref<80xi32, #tpu.memory_space<vmem>>)
        %dma_start3A_698 = arith.constant 0 : i32
        %dma_start3A_699 = arith.constant 0 : i32
        %dma_start3A_700 = arith.constant 0 : i32
        %dma_start3A_701 = arith.constant 0 : i32
        %dma_start3A_702 = tpu.memref_slice %arg8[%dma_start3A_699, %dma_start3A_700, %dma_start3A_701] : memref<4x80x128xf32, #tpu.memory_space<vmem>> -> memref<1x80x128xf32, #tpu.memory_space<vmem>>
        %dma_start3A_703 = tpu.memref_squeeze %dma_start3A_702 : memref<1x80x128xf32, #tpu.memory_space<vmem>> -> memref<80x128xf32, #tpu.memory_space<vmem>>
        %dma_start3A_704 = arith.constant 0 : i32
        %dma_start3A_705 = tpu.memref_slice %arg6[%dma_start3A_698, %dma_start3A_704] : memref<4x80xi32, #tpu.memory_space<vmem>> -> memref<1x80xi32, #tpu.memory_space<vmem>>
        %dma_start3A_706 = tpu.memref_squeeze %dma_start3A_705 : memref<1x80xi32, #tpu.memory_space<vmem>> -> memref<80xi32, #tpu.memory_space<vmem>>
        %dma_start3A_707 = arith.constant 0 : i32
        %dma_start3A_708 = arith.constant 0 : i32
        %dma_start3A_709 = tpu.memref_slice %arg2[%dma_start3A_707, %dma_start3A_708] : memref<10240x128xf32, #tpu.memory_space<hbm>> -> memref<10240x128xf32, #tpu.memory_space<hbm>>
        tpu.enqueue_indirect_dma source(%dma_start3A_709 : memref<10240x128xf32, #tpu.memory_space<hbm>>) target(%dma_start3A_703 : memref<80x128xf32, #tpu.memory_space<vmem>>) offsets(%dma_start3A_706 : memref<80xi32, #tpu.memory_space<vmem>>) semaphore(%arg10 : memref<!tpu.dma_semaphore, #tpu.memory_space<semaphore_mem>>)
        %add3A_710 = arith.constant 2 : i32
        %add3A_711 = arith.addi %add3A_561, %add3A_710 : i32
        %mul3A_712 = arith.constant 80 : i32
        %mul3A_713 = arith.muli %add3A_711, %mul3A_712 : i32
        %add3A_714 = arith.addi %mul3A_2, %mul3A_713 : i32
        %dma_start3A_715 = arith.constant 0 : i32
        %dma_start3A_716 = arith.constant 0 : i32
        %dma_start3A_717 = tpu.memref_slice %arg7[%dma_start3A_715, %dma_start3A_716] : memref<4x80xi32, #tpu.memory_space<vmem>> -> memref<1x80xi32, #tpu.memory_space<vmem>>
        %dma_start3A_718 = tpu.memref_squeeze %dma_start3A_717 : memref<1x80xi32, #tpu.memory_space<vmem>> -> memref<80xi32, #tpu.memory_space<vmem>>
        %dma_start3A_719 = tpu.memref_slice %arg4[%add3A_714] : memref<320000xi32, #tpu.memory_space<hbm>> -> memref<80xi32, #tpu.memory_space<hbm>>
        %dma_start3A_720 = arith.constant 0 : i32
        %dma_start3A_721 = tpu.memref_slice %arg7[%dma_start3A_715, %dma_start3A_720] : memref<4x80xi32, #tpu.memory_space<vmem>> -> memref<1x80xi32, #tpu.memory_space<vmem>>
        %dma_start3A_722 = tpu.memref_squeeze %dma_start3A_721 : memref<1x80xi32, #tpu.memory_space<vmem>> -> memref<80xi32, #tpu.memory_space<vmem>>
        %dma_start3A_723 = tpu.memref_slice %arg4[%add3A_714] : memref<320000xi32, #tpu.memory_space<hbm>> -> memref<80xi32, #tpu.memory_space<hbm>>
        tpu.enqueue_dma source(%dma_start3A_723 : memref<80xi32, #tpu.memory_space<hbm>>) target(%dma_start3A_722 : memref<80xi32, #tpu.memory_space<vmem>>) target_semaphore(%arg22 : memref<!tpu.dma_semaphore, #tpu.memory_space<semaphore_mem>>)
      } else {
      }
      %add3A_616 = arith.constant 3 : i32
      %add3A_617 = arith.addi %add3A_561, %add3A_616 : i32
      %lt3A_618 = arith.constant 125 : i32
      %lt3A_619 = arith.cmpi slt, %add3A_617, %lt3A_618 : i32
      %convert_element_type3A_620 = arith.extui %lt3A_619 : i1 to i32
      %cond3A_621 = arith.constant 0 : i32
      %cond3A_622 = arith.cmpi ne, %convert_element_type3A_620, %cond3A_621 : i32
      scf.if %cond3A_622 {
        %add3A_687 = arith.constant 3 : i32
        %add3A_688 = arith.addi %add3A_561, %add3A_687 : i32
        %mul3A_689 = arith.constant 80 : i32
        %mul3A_690 = arith.muli %add3A_688, %mul3A_689 : i32
        %add3A_691 = arith.addi %mul3A_2, %mul3A_690 : i32
        %dma_start3A_692 = arith.constant 1 : i32
        %dma_start3A_693 = arith.constant 0 : i32
        %dma_start3A_694 = tpu.memref_slice %arg6[%dma_start3A_692, %dma_start3A_693] : memref<4x80xi32, #tpu.memory_space<vmem>> -> memref<1x80xi32, #tpu.memory_space<vmem>>
        %dma_start3A_695 = tpu.memref_squeeze %dma_start3A_694 : memref<1x80xi32, #tpu.memory_space<vmem>> -> memref<80xi32, #tpu.memory_space<vmem>>
        %dma_start3A_696 = tpu.memref_slice %arg3[%add3A_691] : memref<320000xi32, #tpu.memory_space<hbm>> -> memref<80xi32, #tpu.memory_space<hbm>>
        %dma_start3A_697 = arith.constant 0 : i32
        %dma_start3A_698 = tpu.memref_slice %arg6[%dma_start3A_692, %dma_start3A_697] : memref<4x80xi32, #tpu.memory_space<vmem>> -> memref<1x80xi32, #tpu.memory_space<vmem>>
        %dma_start3A_699 = tpu.memref_squeeze %dma_start3A_698 : memref<1x80xi32, #tpu.memory_space<vmem>> -> memref<80xi32, #tpu.memory_space<vmem>>
        %dma_start3A_700 = tpu.memref_slice %arg3[%add3A_691] : memref<320000xi32, #tpu.memory_space<hbm>> -> memref<80xi32, #tpu.memory_space<hbm>>
        tpu.enqueue_dma source(%dma_start3A_700 : memref<80xi32, #tpu.memory_space<hbm>>) target(%dma_start3A_699 : memref<80xi32, #tpu.memory_space<vmem>>) target_semaphore(%arg19 : memref<!tpu.dma_semaphore, #tpu.memory_space<semaphore_mem>>)
      } else {
      }
      %add3A_623 = arith.constant 3 : i32
      %add3A_624 = arith.addi %mul3A_451, %add3A_623 : i32
      %dma_wait3A_625 = arith.constant 0 : i32
      %dma_wait3A_626 = arith.constant 3 : i32
      %dma_wait3A_627 = arith.constant 0 : i32
      %dma_wait3A_628 = arith.constant 0 : i32
      %dma_wait3A_629 = tpu.memref_slice %arg8[%dma_wait3A_626, %dma_wait3A_627, %dma_wait3A_628] : memref<4x80x128xf32, #tpu.memory_space<vmem>> -> memref<1x80x128xf32, #tpu.memory_space<vmem>>
      %dma_wait3A_630 = tpu.memref_squeeze %dma_wait3A_629 : memref<1x80x128xf32, #tpu.memory_space<vmem>> -> memref<80x128xf32, #tpu.memory_space<vmem>>
      %dma_wait3A_631 = arith.constant 0 : i32
      %dma_wait3A_632 = tpu.memref_slice %arg6[%dma_wait3A_625, %dma_wait3A_631] : memref<4x80xi32, #tpu.memory_space<vmem>> -> memref<1x80xi32, #tpu.memory_space<vmem>>
      %dma_wait3A_633 = tpu.memref_squeeze %dma_wait3A_632 : memref<1x80xi32, #tpu.memory_space<vmem>> -> memref<80xi32, #tpu.memory_space<vmem>>
      %dma_wait3A_634 = arith.constant 0 : i32
      %dma_wait3A_635 = arith.constant 0 : i32
      %dma_wait3A_636 = tpu.memref_slice %arg2[%dma_wait3A_634, %dma_wait3A_635] : memref<10240x128xf32, #tpu.memory_space<hbm>> -> memref<10240x128xf32, #tpu.memory_space<hbm>>
      tpu.wait_indirect_dma semaphore(%arg13 : memref<!tpu.dma_semaphore, #tpu.memory_space<semaphore_mem>>) src(%dma_wait3A_636 : memref<10240x128xf32, #tpu.memory_space<hbm>>) dst(%dma_wait3A_630 : memref<80x128xf32, #tpu.memory_space<vmem>>)
      %dma_wait3A_637 = arith.constant 3 : i32
      %dma_wait3A_638 = arith.constant 0 : i32
      %dma_wait3A_639 = tpu.memref_slice %arg7[%dma_wait3A_637, %dma_wait3A_638] : memref<4x80xi32, #tpu.memory_space<vmem>> -> memref<1x80xi32, #tpu.memory_space<vmem>>
      %dma_wait3A_640 = tpu.memref_squeeze %dma_wait3A_639 : memref<1x80xi32, #tpu.memory_space<vmem>> -> memref<80xi32, #tpu.memory_space<vmem>>
      %dma_wait3A_641 = arith.constant 0 : i32
      %dma_wait3A_642 = tpu.memref_slice %arg4[%dma_wait3A_641] : memref<320000xi32, #tpu.memory_space<hbm>> -> memref<80xi32, #tpu.memory_space<hbm>>
      %dma_wait3A_643 = arith.constant 0 : i32
      %dma_wait3A_644 = tpu.memref_slice %arg7[%dma_wait3A_637, %dma_wait3A_643] : memref<4x80xi32, #tpu.memory_space<vmem>> -> memref<1x80xi32, #tpu.memory_space<vmem>>
      %dma_wait3A_645 = tpu.memref_squeeze %dma_wait3A_644 : memref<1x80xi32, #tpu.memory_space<vmem>> -> memref<80xi32, #tpu.memory_space<vmem>>
      %dma_wait3A_646 = arith.constant 0 : i32
      %dma_wait3A_647 = tpu.memref_slice %arg4[%dma_wait3A_646] : memref<320000xi32, #tpu.memory_space<hbm>> -> memref<80xi32, #tpu.memory_space<hbm>>
      tpu.wait_dma2 semaphore(%arg25 : memref<!tpu.dma_semaphore, #tpu.memory_space<semaphore_mem>>) src(%dma_wait3A_647 : memref<80xi32, #tpu.memory_space<hbm>>) dst(%dma_wait3A_645 : memref<80xi32, #tpu.memory_space<vmem>>)
      %dma_start3A_648 = arith.constant 3 : i32
      %dma_start3A_649 = arith.constant 3 : i32
      %dma_start3A_650 = arith.constant 0 : i32
      %dma_start3A_651 = arith.constant 0 : i32
      %dma_start3A_652 = tpu.memref_slice %arg8[%dma_start3A_648, %dma_start3A_650, %dma_start3A_651] : memref<4x80x128xf32, #tpu.memory_space<vmem>> -> memref<1x80x128xf32, #tpu.memory_space<vmem>>
      %dma_start3A_653 = tpu.memref_squeeze %dma_start3A_652 : memref<1x80x128xf32, #tpu.memory_space<vmem>> -> memref<80x128xf32, #tpu.memory_space<vmem>>
      %dma_start3A_654 = arith.constant 0 : i32
      %dma_start3A_655 = tpu.memref_slice %arg7[%dma_start3A_649, %dma_start3A_654] : memref<4x80xi32, #tpu.memory_space<vmem>> -> memref<1x80xi32, #tpu.memory_space<vmem>>
      %dma_start3A_656 = tpu.memref_squeeze %dma_start3A_655 : memref<1x80xi32, #tpu.memory_space<vmem>> -> memref<80xi32, #tpu.memory_space<vmem>>
      %dma_start3A_657 = arith.constant 0 : i32
      %dma_start3A_658 = arith.constant 0 : i32
      %dma_start3A_659 = tpu.memref_slice %arg9[%dma_start3A_657, %dma_start3A_658] : memref<10240x128xf32, #tpu.memory_space<vmem_shared>> -> memref<10240x128xf32, #tpu.memory_space<vmem_shared>>
      tpu.enqueue_indirect_dma source(%dma_start3A_653 : memref<80x128xf32, #tpu.memory_space<vmem>>) target(%dma_start3A_659 : memref<10240x128xf32, #tpu.memory_space<vmem_shared>>) offsets(%dma_start3A_656 : memref<80xi32, #tpu.memory_space<vmem>>) semaphore(%arg17 : memref<!tpu.dma_semaphore, #tpu.memory_space<semaphore_mem>>) {add = true}
      %dma_wait3A_660 = arith.constant 1 : i32
      %dma_wait3A_661 = arith.constant 0 : i32
      %dma_wait3A_662 = arith.constant 0 : i32
      %dma_wait3A_663 = arith.constant 0 : i32
      %dma_wait3A_664 = tpu.memref_slice %arg8[%dma_wait3A_660, %dma_wait3A_662, %dma_wait3A_663] : memref<4x80x128xf32, #tpu.memory_space<vmem>> -> memref<1x80x128xf32, #tpu.memory_space<vmem>>
      %dma_wait3A_665 = tpu.memref_squeeze %dma_wait3A_664 : memref<1x80x128xf32, #tpu.memory_space<vmem>> -> memref<80x128xf32, #tpu.memory_space<vmem>>
      %dma_wait3A_666 = arith.constant 0 : i32
      %dma_wait3A_667 = tpu.memref_slice %arg7[%dma_wait3A_661, %dma_wait3A_666] : memref<4x80xi32, #tpu.memory_space<vmem>> -> memref<1x80xi32, #tpu.memory_space<vmem>>
      %dma_wait3A_668 = tpu.memref_squeeze %dma_wait3A_667 : memref<1x80xi32, #tpu.memory_space<vmem>> -> memref<80xi32, #tpu.memory_space<vmem>>
      %dma_wait3A_669 = arith.constant 0 : i32
      %dma_wait3A_670 = arith.constant 0 : i32
      %dma_wait3A_671 = tpu.memref_slice %arg9[%dma_wait3A_669, %dma_wait3A_670] : memref<10240x128xf32, #tpu.memory_space<vmem_shared>> -> memref<10240x128xf32, #tpu.memory_space<vmem_shared>>
      tpu.wait_indirect_dma semaphore(%arg15 : memref<!tpu.dma_semaphore, #tpu.memory_space<semaphore_mem>>) src(%dma_wait3A_665 : memref<80x128xf32, #tpu.memory_space<vmem>>) dst(%dma_wait3A_671 : memref<10240x128xf32, #tpu.memory_space<vmem_shared>>)
      %add3A_672 = arith.constant 2 : i32
      %add3A_673 = arith.addi %add3A_624, %add3A_672 : i32
      %lt3A_674 = arith.constant 125 : i32
      %lt3A_675 = arith.cmpi slt, %add3A_673, %lt3A_674 : i32
      %convert_element_type3A_676 = arith.extui %lt3A_675 : i1 to i32
      %cond3A_677 = arith.constant 0 : i32
      %cond3A_678 = arith.cmpi ne, %convert_element_type3A_676, %cond3A_677 : i32
      scf.if %cond3A_678 {
        %dma_wait3A_687 = arith.constant 1 : i32
        %dma_wait3A_688 = arith.constant 0 : i32
        %dma_wait3A_689 = tpu.memref_slice %arg6[%dma_wait3A_687, %dma_wait3A_688] : memref<4x80xi32, #tpu.memory_space<vmem>> -> memref<1x80xi32, #tpu.memory_space<vmem>>
        %dma_wait3A_690 = tpu.memref_squeeze %dma_wait3A_689 : memref<1x80xi32, #tpu.memory_space<vmem>> -> memref<80xi32, #tpu.memory_space<vmem>>
        %dma_wait3A_691 = arith.constant 0 : i32
        %dma_wait3A_692 = tpu.memref_slice %arg3[%dma_wait3A_691] : memref<320000xi32, #tpu.memory_space<hbm>> -> memref<80xi32, #tpu.memory_space<hbm>>
        %dma_wait3A_693 = arith.constant 0 : i32
        %dma_wait3A_694 = tpu.memref_slice %arg6[%dma_wait3A_687, %dma_wait3A_693] : memref<4x80xi32, #tpu.memory_space<vmem>> -> memref<1x80xi32, #tpu.memory_space<vmem>>
        %dma_wait3A_695 = tpu.memref_squeeze %dma_wait3A_694 : memref<1x80xi32, #tpu.memory_space<vmem>> -> memref<80xi32, #tpu.memory_space<vmem>>
        %dma_wait3A_696 = arith.constant 0 : i32
        %dma_wait3A_697 = tpu.memref_slice %arg3[%dma_wait3A_696] : memref<320000xi32, #tpu.memory_space<hbm>> -> memref<80xi32, #tpu.memory_space<hbm>>
        tpu.wait_dma2 semaphore(%arg19 : memref<!tpu.dma_semaphore, #tpu.memory_space<semaphore_mem>>) src(%dma_wait3A_697 : memref<80xi32, #tpu.memory_space<hbm>>) dst(%dma_wait3A_695 : memref<80xi32, #tpu.memory_space<vmem>>)
        %dma_start3A_698 = arith.constant 1 : i32
        %dma_start3A_699 = arith.constant 1 : i32
        %dma_start3A_700 = arith.constant 0 : i32
        %dma_start3A_701 = arith.constant 0 : i32
        %dma_start3A_702 = tpu.memref_slice %arg8[%dma_start3A_699, %dma_start3A_700, %dma_start3A_701] : memref<4x80x128xf32, #tpu.memory_space<vmem>> -> memref<1x80x128xf32, #tpu.memory_space<vmem>>
        %dma_start3A_703 = tpu.memref_squeeze %dma_start3A_702 : memref<1x80x128xf32, #tpu.memory_space<vmem>> -> memref<80x128xf32, #tpu.memory_space<vmem>>
        %dma_start3A_704 = arith.constant 0 : i32
        %dma_start3A_705 = tpu.memref_slice %arg6[%dma_start3A_698, %dma_start3A_704] : memref<4x80xi32, #tpu.memory_space<vmem>> -> memref<1x80xi32, #tpu.memory_space<vmem>>
        %dma_start3A_706 = tpu.memref_squeeze %dma_start3A_705 : memref<1x80xi32, #tpu.memory_space<vmem>> -> memref<80xi32, #tpu.memory_space<vmem>>
        %dma_start3A_707 = arith.constant 0 : i32
        %dma_start3A_708 = arith.constant 0 : i32
        %dma_start3A_709 = tpu.memref_slice %arg2[%dma_start3A_707, %dma_start3A_708] : memref<10240x128xf32, #tpu.memory_space<hbm>> -> memref<10240x128xf32, #tpu.memory_space<hbm>>
        tpu.enqueue_indirect_dma source(%dma_start3A_709 : memref<10240x128xf32, #tpu.memory_space<hbm>>) target(%dma_start3A_703 : memref<80x128xf32, #tpu.memory_space<vmem>>) offsets(%dma_start3A_706 : memref<80xi32, #tpu.memory_space<vmem>>) semaphore(%arg11 : memref<!tpu.dma_semaphore, #tpu.memory_space<semaphore_mem>>)
        %add3A_710 = arith.constant 2 : i32
        %add3A_711 = arith.addi %add3A_624, %add3A_710 : i32
        %mul3A_712 = arith.constant 80 : i32
        %mul3A_713 = arith.muli %add3A_711, %mul3A_712 : i32
        %add3A_714 = arith.addi %mul3A_2, %mul3A_713 : i32
        %dma_start3A_715 = arith.constant 1 : i32
        %dma_start3A_716 = arith.constant 0 : i32
        %dma_start3A_717 = tpu.memref_slice %arg7[%dma_start3A_715, %dma_start3A_716] : memref<4x80xi32, #tpu.memory_space<vmem>> -> memref<1x80xi32, #tpu.memory_space<vmem>>
        %dma_start3A_718 = tpu.memref_squeeze %dma_start3A_717 : memref<1x80xi32, #tpu.memory_space<vmem>> -> memref<80xi32, #tpu.memory_space<vmem>>
        %dma_start3A_719 = tpu.memref_slice %arg4[%add3A_714] : memref<320000xi32, #tpu.memory_space<hbm>> -> memref<80xi32, #tpu.memory_space<hbm>>
        %dma_start3A_720 = arith.constant 0 : i32
        %dma_start3A_721 = tpu.memref_slice %arg7[%dma_start3A_715, %dma_start3A_720] : memref<4x80xi32, #tpu.memory_space<vmem>> -> memref<1x80xi32, #tpu.memory_space<vmem>>
        %dma_start3A_722 = tpu.memref_squeeze %dma_start3A_721 : memref<1x80xi32, #tpu.memory_space<vmem>> -> memref<80xi32, #tpu.memory_space<vmem>>
        %dma_start3A_723 = tpu.memref_slice %arg4[%add3A_714] : memref<320000xi32, #tpu.memory_space<hbm>> -> memref<80xi32, #tpu.memory_space<hbm>>
        tpu.enqueue_dma source(%dma_start3A_723 : memref<80xi32, #tpu.memory_space<hbm>>) target(%dma_start3A_722 : memref<80xi32, #tpu.memory_space<vmem>>) target_semaphore(%arg23 : memref<!tpu.dma_semaphore, #tpu.memory_space<semaphore_mem>>)
      } else {
      }
      %add3A_679 = arith.constant 3 : i32
      %add3A_680 = arith.addi %add3A_624, %add3A_679 : i32
      %lt3A_681 = arith.constant 125 : i32
      %lt3A_682 = arith.cmpi slt, %add3A_680, %lt3A_681 : i32
      %convert_element_type3A_683 = arith.extui %lt3A_682 : i1 to i32
      %cond3A_684 = arith.constant 0 : i32
      %cond3A_685 = arith.cmpi ne, %convert_element_type3A_683, %cond3A_684 : i32
      scf.if %cond3A_685 {
        %add3A_687 = arith.constant 3 : i32
        %add3A_688 = arith.addi %add3A_624, %add3A_687 : i32
        %mul3A_689 = arith.constant 80 : i32
        %mul3A_690 = arith.muli %add3A_688, %mul3A_689 : i32
        %add3A_691 = arith.addi %mul3A_2, %mul3A_690 : i32
        %dma_start3A_692 = arith.constant 2 : i32
        %dma_start3A_693 = arith.constant 0 : i32
        %dma_start3A_694 = tpu.memref_slice %arg6[%dma_start3A_692, %dma_start3A_693] : memref<4x80xi32, #tpu.memory_space<vmem>> -> memref<1x80xi32, #tpu.memory_space<vmem>>
        %dma_start3A_695 = tpu.memref_squeeze %dma_start3A_694 : memref<1x80xi32, #tpu.memory_space<vmem>> -> memref<80xi32, #tpu.memory_space<vmem>>
        %dma_start3A_696 = tpu.memref_slice %arg3[%add3A_691] : memref<320000xi32, #tpu.memory_space<hbm>> -> memref<80xi32, #tpu.memory_space<hbm>>
        %dma_start3A_697 = arith.constant 0 : i32
        %dma_start3A_698 = tpu.memref_slice %arg6[%dma_start3A_692, %dma_start3A_697] : memref<4x80xi32, #tpu.memory_space<vmem>> -> memref<1x80xi32, #tpu.memory_space<vmem>>
        %dma_start3A_699 = tpu.memref_squeeze %dma_start3A_698 : memref<1x80xi32, #tpu.memory_space<vmem>> -> memref<80xi32, #tpu.memory_space<vmem>>
        %dma_start3A_700 = tpu.memref_slice %arg3[%add3A_691] : memref<320000xi32, #tpu.memory_space<hbm>> -> memref<80xi32, #tpu.memory_space<hbm>>
        tpu.enqueue_dma source(%dma_start3A_700 : memref<80xi32, #tpu.memory_space<hbm>>) target(%dma_start3A_699 : memref<80xi32, #tpu.memory_space<vmem>>) target_semaphore(%arg20 : memref<!tpu.dma_semaphore, #tpu.memory_space<semaphore_mem>>)
      } else {
      }
      %scan3A_686 = arith.constant 0 : i32
      scf.yield %scan3A_686 : i32
    }
    %scan3A_371 = arith.constant 31 : i32
    %dma_wait3A_372 = arith.constant 0 : i32
    %dma_wait3A_373 = arith.constant 0 : i32
    %dma_wait3A_374 = arith.constant 0 : i32
    %dma_wait3A_375 = arith.constant 0 : i32
    %dma_wait3A_376 = tpu.memref_slice %arg8[%dma_wait3A_373, %dma_wait3A_374, %dma_wait3A_375] : memref<4x80x128xf32, #tpu.memory_space<vmem>> -> memref<1x80x128xf32, #tpu.memory_space<vmem>>
    %dma_wait3A_377 = tpu.memref_squeeze %dma_wait3A_376 : memref<1x80x128xf32, #tpu.memory_space<vmem>> -> memref<80x128xf32, #tpu.memory_space<vmem>>
    %dma_wait3A_378 = arith.constant 0 : i32
    %dma_wait3A_379 = tpu.memref_slice %arg6[%dma_wait3A_372, %dma_wait3A_378] : memref<4x80xi32, #tpu.memory_space<vmem>> -> memref<1x80xi32, #tpu.memory_space<vmem>>
    %dma_wait3A_380 = tpu.memref_squeeze %dma_wait3A_379 : memref<1x80xi32, #tpu.memory_space<vmem>> -> memref<80xi32, #tpu.memory_space<vmem>>
    %dma_wait3A_381 = arith.constant 0 : i32
    %dma_wait3A_382 = arith.constant 0 : i32
    %dma_wait3A_383 = tpu.memref_slice %arg2[%dma_wait3A_381, %dma_wait3A_382] : memref<10240x128xf32, #tpu.memory_space<hbm>> -> memref<10240x128xf32, #tpu.memory_space<hbm>>
    tpu.wait_indirect_dma semaphore(%arg10 : memref<!tpu.dma_semaphore, #tpu.memory_space<semaphore_mem>>) src(%dma_wait3A_383 : memref<10240x128xf32, #tpu.memory_space<hbm>>) dst(%dma_wait3A_377 : memref<80x128xf32, #tpu.memory_space<vmem>>)
    %dma_wait3A_384 = arith.constant 0 : i32
    %dma_wait3A_385 = arith.constant 0 : i32
    %dma_wait3A_386 = tpu.memref_slice %arg7[%dma_wait3A_384, %dma_wait3A_385] : memref<4x80xi32, #tpu.memory_space<vmem>> -> memref<1x80xi32, #tpu.memory_space<vmem>>
    %dma_wait3A_387 = tpu.memref_squeeze %dma_wait3A_386 : memref<1x80xi32, #tpu.memory_space<vmem>> -> memref<80xi32, #tpu.memory_space<vmem>>
    %dma_wait3A_388 = arith.constant 0 : i32
    %dma_wait3A_389 = tpu.memref_slice %arg4[%dma_wait3A_388] : memref<320000xi32, #tpu.memory_space<hbm>> -> memref<80xi32, #tpu.memory_space<hbm>>
    %dma_wait3A_390 = arith.constant 0 : i32
    %dma_wait3A_391 = tpu.memref_slice %arg7[%dma_wait3A_384, %dma_wait3A_390] : memref<4x80xi32, #tpu.memory_space<vmem>> -> memref<1x80xi32, #tpu.memory_space<vmem>>
    %dma_wait3A_392 = tpu.memref_squeeze %dma_wait3A_391 : memref<1x80xi32, #tpu.memory_space<vmem>> -> memref<80xi32, #tpu.memory_space<vmem>>
    %dma_wait3A_393 = arith.constant 0 : i32
    %dma_wait3A_394 = tpu.memref_slice %arg4[%dma_wait3A_393] : memref<320000xi32, #tpu.memory_space<hbm>> -> memref<80xi32, #tpu.memory_space<hbm>>
    tpu.wait_dma2 semaphore(%arg22 : memref<!tpu.dma_semaphore, #tpu.memory_space<semaphore_mem>>) src(%dma_wait3A_394 : memref<80xi32, #tpu.memory_space<hbm>>) dst(%dma_wait3A_392 : memref<80xi32, #tpu.memory_space<vmem>>)
    %dma_start3A_395 = arith.constant 0 : i32
    %dma_start3A_396 = arith.constant 0 : i32
    %dma_start3A_397 = arith.constant 0 : i32
    %dma_start3A_398 = arith.constant 0 : i32
    %dma_start3A_399 = tpu.memref_slice %arg8[%dma_start3A_395, %dma_start3A_397, %dma_start3A_398] : memref<4x80x128xf32, #tpu.memory_space<vmem>> -> memref<1x80x128xf32, #tpu.memory_space<vmem>>
    %dma_start3A_400 = tpu.memref_squeeze %dma_start3A_399 : memref<1x80x128xf32, #tpu.memory_space<vmem>> -> memref<80x128xf32, #tpu.memory_space<vmem>>
    %dma_start3A_401 = arith.constant 0 : i32
    %dma_start3A_402 = tpu.memref_slice %arg7[%dma_start3A_396, %dma_start3A_401] : memref<4x80xi32, #tpu.memory_space<vmem>> -> memref<1x80xi32, #tpu.memory_space<vmem>>
    %dma_start3A_403 = tpu.memref_squeeze %dma_start3A_402 : memref<1x80xi32, #tpu.memory_space<vmem>> -> memref<80xi32, #tpu.memory_space<vmem>>
    %dma_start3A_404 = arith.constant 0 : i32
    %dma_start3A_405 = arith.constant 0 : i32
    %dma_start3A_406 = tpu.memref_slice %arg9[%dma_start3A_404, %dma_start3A_405] : memref<10240x128xf32, #tpu.memory_space<vmem_shared>> -> memref<10240x128xf32, #tpu.memory_space<vmem_shared>>
    tpu.enqueue_indirect_dma source(%dma_start3A_400 : memref<80x128xf32, #tpu.memory_space<vmem>>) target(%dma_start3A_406 : memref<10240x128xf32, #tpu.memory_space<vmem_shared>>) offsets(%dma_start3A_403 : memref<80xi32, #tpu.memory_space<vmem>>) semaphore(%arg14 : memref<!tpu.dma_semaphore, #tpu.memory_space<semaphore_mem>>) {add = true}
    %dma_wait3A_407 = arith.constant 2 : i32
    %dma_wait3A_408 = arith.constant 0 : i32
    %dma_wait3A_409 = arith.constant 0 : i32
    %dma_wait3A_410 = arith.constant 0 : i32
    %dma_wait3A_411 = tpu.memref_slice %arg8[%dma_wait3A_407, %dma_wait3A_409, %dma_wait3A_410] : memref<4x80x128xf32, #tpu.memory_space<vmem>> -> memref<1x80x128xf32, #tpu.memory_space<vmem>>
    %dma_wait3A_412 = tpu.memref_squeeze %dma_wait3A_411 : memref<1x80x128xf32, #tpu.memory_space<vmem>> -> memref<80x128xf32, #tpu.memory_space<vmem>>
    %dma_wait3A_413 = arith.constant 0 : i32
    %dma_wait3A_414 = tpu.memref_slice %arg7[%dma_wait3A_408, %dma_wait3A_413] : memref<4x80xi32, #tpu.memory_space<vmem>> -> memref<1x80xi32, #tpu.memory_space<vmem>>
    %dma_wait3A_415 = tpu.memref_squeeze %dma_wait3A_414 : memref<1x80xi32, #tpu.memory_space<vmem>> -> memref<80xi32, #tpu.memory_space<vmem>>
    %dma_wait3A_416 = arith.constant 0 : i32
    %dma_wait3A_417 = arith.constant 0 : i32
    %dma_wait3A_418 = tpu.memref_slice %arg9[%dma_wait3A_416, %dma_wait3A_417] : memref<10240x128xf32, #tpu.memory_space<vmem_shared>> -> memref<10240x128xf32, #tpu.memory_space<vmem_shared>>
    tpu.wait_indirect_dma semaphore(%arg16 : memref<!tpu.dma_semaphore, #tpu.memory_space<semaphore_mem>>) src(%dma_wait3A_412 : memref<80x128xf32, #tpu.memory_space<vmem>>) dst(%dma_wait3A_418 : memref<10240x128xf32, #tpu.memory_space<vmem_shared>>)
    %dma_wait3A_419 = arith.constant 3 : i32
    %dma_wait3A_420 = arith.constant 0 : i32
    %dma_wait3A_421 = arith.constant 0 : i32
    %dma_wait3A_422 = arith.constant 0 : i32
    %dma_wait3A_423 = tpu.memref_slice %arg8[%dma_wait3A_419, %dma_wait3A_421, %dma_wait3A_422] : memref<4x80x128xf32, #tpu.memory_space<vmem>> -> memref<1x80x128xf32, #tpu.memory_space<vmem>>
    %dma_wait3A_424 = tpu.memref_squeeze %dma_wait3A_423 : memref<1x80x128xf32, #tpu.memory_space<vmem>> -> memref<80x128xf32, #tpu.memory_space<vmem>>
    %dma_wait3A_425 = arith.constant 0 : i32
    %dma_wait3A_426 = tpu.memref_slice %arg7[%dma_wait3A_420, %dma_wait3A_425] : memref<4x80xi32, #tpu.memory_space<vmem>> -> memref<1x80xi32, #tpu.memory_space<vmem>>
    %dma_wait3A_427 = tpu.memref_squeeze %dma_wait3A_426 : memref<1x80xi32, #tpu.memory_space<vmem>> -> memref<80xi32, #tpu.memory_space<vmem>>
    %dma_wait3A_428 = arith.constant 0 : i32
    %dma_wait3A_429 = arith.constant 0 : i32
    %dma_wait3A_430 = tpu.memref_slice %arg9[%dma_wait3A_428, %dma_wait3A_429] : memref<10240x128xf32, #tpu.memory_space<vmem_shared>> -> memref<10240x128xf32, #tpu.memory_space<vmem_shared>>
    tpu.wait_indirect_dma semaphore(%arg17 : memref<!tpu.dma_semaphore, #tpu.memory_space<semaphore_mem>>) src(%dma_wait3A_424 : memref<80x128xf32, #tpu.memory_space<vmem>>) dst(%dma_wait3A_430 : memref<10240x128xf32, #tpu.memory_space<vmem_shared>>)
    %dma_wait3A_431 = arith.constant 0 : i32
    %dma_wait3A_432 = arith.constant 0 : i32
    %dma_wait3A_433 = arith.constant 0 : i32
    %dma_wait3A_434 = arith.constant 0 : i32
    %dma_wait3A_435 = tpu.memref_slice %arg8[%dma_wait3A_431, %dma_wait3A_433, %dma_wait3A_434] : memref<4x80x128xf32, #tpu.memory_space<vmem>> -> memref<1x80x128xf32, #tpu.memory_space<vmem>>
    %dma_wait3A_436 = tpu.memref_squeeze %dma_wait3A_435 : memref<1x80x128xf32, #tpu.memory_space<vmem>> -> memref<80x128xf32, #tpu.memory_space<vmem>>
    %dma_wait3A_437 = arith.constant 0 : i32
    %dma_wait3A_438 = tpu.memref_slice %arg7[%dma_wait3A_432, %dma_wait3A_437] : memref<4x80xi32, #tpu.memory_space<vmem>> -> memref<1x80xi32, #tpu.memory_space<vmem>>
    %dma_wait3A_439 = tpu.memref_squeeze %dma_wait3A_438 : memref<1x80xi32, #tpu.memory_space<vmem>> -> memref<80xi32, #tpu.memory_space<vmem>>
    %dma_wait3A_440 = arith.constant 0 : i32
    %dma_wait3A_441 = arith.constant 0 : i32
    %dma_wait3A_442 = tpu.memref_slice %arg9[%dma_wait3A_440, %dma_wait3A_441] : memref<10240x128xf32, #tpu.memory_space<vmem_shared>> -> memref<10240x128xf32, #tpu.memory_space<vmem_shared>>
    tpu.wait_indirect_dma semaphore(%arg14 : memref<!tpu.dma_semaphore, #tpu.memory_space<semaphore_mem>>) src(%dma_wait3A_436 : memref<80x128xf32, #tpu.memory_space<vmem>>) dst(%dma_wait3A_442 : memref<10240x128xf32, #tpu.memory_space<vmem_shared>>)
    %barrier3A_443 = arith.constant 0 : index
    tpu.barrier barrier_id(%barrier3A_443)
    %mul3A_444 = arith.constant 640 : i32
    %mul3A_445 = arith.muli %arg1, %mul3A_444 : i32
    %mul3A_446 = arith.constant 640 : i32
    %mul3A_447 = arith.muli %arg1, %mul3A_446 : i32
    "tpu.region"() ({
      %run_scoped3A = tpu.sem_alloc : memref<!tpu.dma_semaphore, #tpu.memory_space<semaphore_mem>>
      %dma_start3A_448 = arith.constant 0 : i32
      %dma_start3A_449 = tpu.memref_slice %arg5[%arg0, %mul3A_447, %dma_start3A_448] : memref<2x10240x128xf32, #tpu.memory_space<hbm>> -> memref<1x640x128xf32, #tpu.memory_space<hbm>>
      %dma_start3A_450 = tpu.memref_squeeze %dma_start3A_449 : memref<1x640x128xf32, #tpu.memory_space<hbm>> -> memref<640x128xf32, #tpu.memory_space<hbm>>
      %dma_start3A_451 = arith.constant 0 : i32
      %dma_start3A_452 = tpu.memref_slice %arg9[%mul3A_445, %dma_start3A_451] : memref<10240x128xf32, #tpu.memory_space<vmem_shared>> -> memref<640x128xf32, #tpu.memory_space<vmem_shared>>
      tpu.enqueue_dma source(%dma_start3A_452 : memref<640x128xf32, #tpu.memory_space<vmem_shared>>) target(%dma_start3A_450 : memref<640x128xf32, #tpu.memory_space<hbm>>) target_semaphore(%run_scoped3A : memref<!tpu.dma_semaphore, #tpu.memory_space<semaphore_mem>>)
      %dma_wait3A_453 = arith.constant 0 : i32
      %dma_wait3A_454 = tpu.memref_slice %arg5[%arg0, %mul3A_447, %dma_wait3A_453] : memref<2x10240x128xf32, #tpu.memory_space<hbm>> -> memref<1x640x128xf32, #tpu.memory_space<hbm>>
      %dma_wait3A_455 = tpu.memref_squeeze %dma_wait3A_454 : memref<1x640x128xf32, #tpu.memory_space<hbm>> -> memref<640x128xf32, #tpu.memory_space<hbm>>
      %dma_wait3A_456 = arith.constant 0 : i32
      %dma_wait3A_457 = tpu.memref_slice %arg9[%mul3A_445, %dma_wait3A_456] : memref<10240x128xf32, #tpu.memory_space<vmem_shared>> -> memref<640x128xf32, #tpu.memory_space<vmem_shared>>
      tpu.wait_dma2 semaphore(%run_scoped3A : memref<!tpu.dma_semaphore, #tpu.memory_space<semaphore_mem>>) src(%dma_wait3A_457 : memref<640x128xf32, #tpu.memory_space<vmem_shared>>) dst(%dma_wait3A_455 : memref<640x128xf32, #tpu.memory_space<hbm>>)
      tpu.yield
    }) : () -> ()
    return
  }
}

module attributes {stable_mosaic.version = 14 : i64} {
  func.func @_k2_body(%arg0: i32, %arg1: memref<32x2048xf32, #tpu.memory_space<vmem>>, %arg2: memref<2048x128xf32, #tpu.memory_space<vmem>>, %arg3: memref<128x128xf32, #tpu.memory_space<vmem>>, %arg4: memref<2048x128xf32, #tpu.memory_space<vmem>>) attributes {dimension_semantics = [#tpu.dimension_semantics<arbitrary>], iteration_bounds = array<i64: 5>, scalar_prefetch = 0 : i64, scratch_operands = 0 : i64, tpu.core_type = #tpu.core_type<tc>, window_params = [{transform_indices = @transform_0, window_bounds = array<i64: 32, 2048>}, {transform_indices = @transform_1, window_bounds = array<i64: 2048, 128>}, {pipeline_mode = #tpu.pipeline_mode<synchronous>, transform_indices = @transform_2, window_bounds = array<i64: 128, 128>}, {transform_indices = @transform_3, window_bounds = array<i64: 2048, 128>}]} {
    %get3A = arith.constant 0 : index
    %get3A_0 = arith.constant 0 : index
    %get3A_1 = vector.load %arg1[%get3A, %get3A_0] : memref<32x2048xf32, #tpu.memory_space<vmem>>, vector<32x2048xf32>
    %broadcast_in_dim3A = arith.constant 1.000000e+00 : f32
    %broadcast_in_dim3A_2 = vector.broadcast %broadcast_in_dim3A : f32 to vector<32x1xf32>
    %dot_general3A = arith.constant dense<0.000000e+00> : vector<2048x1xf32>
    %dot_general3A_3 = tpu.matmul %get3A_1, %broadcast_in_dim3A_2, %dot_general3A {dimension_numbers = #tpu.dot_dimension_numbers<[0], [0], [1], [1], [0, 1, 1, 1], [], []>, transpose_lhs_hint = false} : vector<32x2048xf32>, vector<32x1xf32>, vector<2048x1xf32> -> vector<2048x1xf32>
    %add3A = arith.constant 1.000000e+00 : f32
    %add3A_4 = vector.broadcast %add3A : f32 to vector<2048x1xf32>
    %add3A_5 = arith.addf %dot_general3A_3, %add3A_4 : vector<2048x1xf32>
    %rsqrt3A = math.rsqrt %add3A_5 : vector<2048x1xf32>
    %get3A_6 = arith.constant 0 : index
    %get3A_7 = arith.constant 0 : index
    %get3A_8 = vector.load %arg2[%get3A_6, %get3A_7] : memref<2048x128xf32, #tpu.memory_space<vmem>>, vector<2048x128xf32>
    %get3A_9 = arith.constant 0 : index
    %get3A_10 = arith.constant 0 : index
    %get3A_11 = vector.load %arg3[%get3A_9, %get3A_10] : memref<128x128xf32, #tpu.memory_space<vmem>>, vector<128x128xf32>
    %dot_general3A_12 = arith.constant dense<0.000000e+00> : vector<2048x128xf32>
    %dot_general3A_13 = tpu.matmul %get3A_8, %get3A_11, %dot_general3A_12 {dimension_numbers = #tpu.dot_dimension_numbers<[1], [0], [0], [1], [0, 0, 1, 1], [], []>, transpose_lhs_hint = false} : vector<2048x128xf32>, vector<128x128xf32>, vector<2048x128xf32> -> vector<2048x128xf32>
    %mul3A = vector.broadcast %rsqrt3A : vector<2048x1xf32> to vector<2048x128xf32>
    %mul3A_14 = arith.mulf %dot_general3A_13, %mul3A : vector<2048x128xf32>
    %swap3A = arith.constant 0 : index
    %swap3A_15 = arith.constant 0 : index
    %swap3A_16 = vector.load %arg4[%swap3A, %swap3A_15] : memref<2048x128xf32, #tpu.memory_space<vmem>>, vector<2048x128xf32>
    tpu.vector_store %arg4[%swap3A, %swap3A_15], %mul3A_14 {strides = array<i32>} : memref<2048x128xf32, #tpu.memory_space<vmem>>, vector<2048x128xf32>,
    return
  }
  func.func @transform_0(%arg0: i32) -> (i32, i32) {
    %c0_i32 = arith.constant 0 : i32
    %c0_i32_0 = arith.constant 0 : i32
    return %c0_i32, %arg0 : i32, i32
  }
  func.func @transform_1(%arg0: i32) -> (i32, i32) {
    %c0_i32 = arith.constant 0 : i32
    %c0_i32_0 = arith.constant 0 : i32
    return %arg0, %c0_i32 : i32, i32
  }
  func.func @transform_2(%arg0: i32) -> (i32, i32) {
    %c0_i32 = arith.constant 0 : i32
    %c0_i32_0 = arith.constant 0 : i32
    %c0_i32_1 = arith.constant 0 : i32
    return %c0_i32, %c0_i32_0 : i32, i32
  }
  func.func @transform_3(%arg0: i32) -> (i32, i32) {
    %c0_i32 = arith.constant 0 : i32
    %c0_i32_0 = arith.constant 0 : i32
    return %arg0, %c0_i32 : i32, i32
  }
}

module attributes {stable_mosaic.version = 14 : i64} {
  func.func @_k45_body(%arg0: i32, %arg1: memref<1x2048x128xf32, #tpu.memory_space<vmem>>, %arg2: memref<1x2048x128xf32, #tpu.memory_space<vmem>>, %arg3: memref<2048x128xf32, #tpu.memory_space<vmem>>, %arg4: memref<32x2048xf32, #tpu.memory_space<vmem>>, %arg5: memref<1x128xf32, #tpu.memory_space<vmem>>, %arg6: memref<1x128xf32, #tpu.memory_space<vmem>>, %arg7: memref<1x128xf32, #tpu.memory_space<vmem>>, %arg8: memref<128x64xf32, #tpu.memory_space<vmem>>, %arg9: memref<2048x64xf32, #tpu.memory_space<vmem>>, %arg10: memref<10240x128xf32, #tpu.memory_space<vmem>>, %arg11: memref<1x128xf32, #tpu.memory_space<vmem>>, %arg12: memref<1x128xf32, #tpu.memory_space<vmem>>, %arg13: memref<2x128xf32, #tpu.memory_space<vmem>>) attributes {dimension_semantics = [#tpu.dimension_semantics<arbitrary>], iteration_bounds = array<i64: 10>, scalar_prefetch = 0 : i64, scratch_operands = 4 : i64, tpu.core_type = #tpu.core_type<tc>, window_params = [{transform_indices = @transform_0, window_bounds = array<i64: 1, 2048, 128>}, {transform_indices = @transform_1, window_bounds = array<i64: 1, 2048, 128>}, {transform_indices = @transform_2, window_bounds = array<i64: 2048, 128>}, {transform_indices = @transform_3, window_bounds = array<i64: 32, 2048>}, {pipeline_mode = #tpu.pipeline_mode<synchronous>, transform_indices = @transform_4, window_bounds = array<i64: 1, 128>}, {pipeline_mode = #tpu.pipeline_mode<synchronous>, transform_indices = @transform_5, window_bounds = array<i64: 1, 128>}, {pipeline_mode = #tpu.pipeline_mode<synchronous>, transform_indices = @transform_6, window_bounds = array<i64: 1, 128>}, {pipeline_mode = #tpu.pipeline_mode<synchronous>, transform_indices = @transform_7, window_bounds = array<i64: 128, 64>}, {transform_indices = @transform_8, window_bounds = array<i64: 2048, 64>}]} {
    %lt3A = arith.constant 5 : i32
    %lt3A_0 = arith.cmpi slt, %arg0, %lt3A : i32
    %convert_element_type3A = arith.extui %lt3A_0 : i1 to i32
    %cond3A = arith.constant 0 : i32
    %cond3A_1 = arith.cmpi ne, %convert_element_type3A, %cond3A : i32
    scf.if %cond3A_1 {
      %get3A = arith.constant 0 : index
      %get3A_6 = arith.constant 0 : index
      %get3A_7 = vector.load %arg4[%get3A, %get3A_6] : memref<32x2048xf32, #tpu.memory_space<vmem>>, vector<32x2048xf32>
      %broadcast_in_dim3A = arith.constant 1.000000e+00 : f32
      %broadcast_in_dim3A_8 = vector.broadcast %broadcast_in_dim3A : f32 to vector<32x1xf32>
      %dot_general3A = arith.constant dense<0.000000e+00> : vector<2048x1xf32>
      %dot_general3A_9 = tpu.matmul %get3A_7, %broadcast_in_dim3A_8, %dot_general3A {dimension_numbers = #tpu.dot_dimension_numbers<[0], [0], [1], [1], [0, 1, 1, 1], [], []>, transpose_lhs_hint = false} : vector<32x2048xf32>, vector<32x1xf32>, vector<2048x1xf32> -> vector<2048x1xf32>
      %add3A = arith.constant 1.000000e+00 : f32
      %add3A_10 = vector.broadcast %add3A : f32 to vector<2048x1xf32>
      %add3A_11 = arith.addf %dot_general3A_9, %add3A_10 : vector<2048x1xf32>
      %rsqrt3A = math.rsqrt %add3A_11 : vector<2048x1xf32>
      %get3A_12 = arith.constant 0 : index
      %get3A_13 = arith.constant 0 : index
      %get3A_14 = arith.constant 0 : index
      %get3A_15 = vector.load %arg1[%get3A_12, %get3A_13, %get3A_14] : memref<1x2048x128xf32, #tpu.memory_space<vmem>>, vector<1x2048x128xf32>
      %get3A_16 = vector.shape_cast %get3A_15 : vector<1x2048x128xf32> to vector<2048x128xf32>
      %get3A_17 = arith.constant 0 : index
      %get3A_18 = arith.constant 0 : index
      %get3A_19 = arith.constant 0 : index
      %get3A_20 = vector.load %arg2[%get3A_17, %get3A_18, %get3A_19] : memref<1x2048x128xf32, #tpu.memory_space<vmem>>, vector<1x2048x128xf32>
      %get3A_21 = vector.shape_cast %get3A_20 : vector<1x2048x128xf32> to vector<2048x128xf32>
      %add3A_22 = arith.addf %get3A_16, %get3A_21 : vector<2048x128xf32>
      %get3A_23 = arith.constant 0 : index
      %get3A_24 = arith.constant 0 : index
      %get3A_25 = vector.load %arg3[%get3A_23, %get3A_24] : memref<2048x128xf32, #tpu.memory_space<vmem>>, vector<2048x128xf32>
      %add3A_26 = arith.addf %add3A_22, %get3A_25 : vector<2048x128xf32>
      %mul3A = vector.broadcast %rsqrt3A : vector<2048x1xf32> to vector<2048x128xf32>
      %mul3A_27 = arith.mulf %mul3A, %add3A_26 : vector<2048x128xf32>
      %get3A_28 = arith.constant 0 : index
      %get3A_29 = arith.constant 0 : index
      %get3A_30 = vector.load %arg5[%get3A_28, %get3A_29] : memref<1x128xf32, #tpu.memory_space<vmem>>, vector<1x128xf32>
      %add3A_31 = vector.broadcast %get3A_30 : vector<1x128xf32> to vector<2048x128xf32>
      %add3A_32 = arith.addf %mul3A_27, %add3A_31 : vector<2048x128xf32>
      %mul3A_33 = arith.constant 2048 : i32
      %mul3A_34 = arith.muli %arg0, %mul3A_33 : i32
      %swap3A = arith.index_cast %mul3A_34 : i32 to index
      %swap3A_35 = arith.constant 0 : index
      %swap3A_36 = vector.load %arg10[%swap3A, %swap3A_35] : memref<10240x128xf32, #tpu.memory_space<vmem>>, vector<2048x128xf32>
      tpu.vector_store %arg10[%swap3A, %swap3A_35], %add3A_32 {strides = array<i32>} : memref<10240x128xf32, #tpu.memory_space<vmem>>, vector<2048x128xf32>,
      %eq3A = arith.constant 0 : i32
      %eq3A_37 = arith.cmpi eq, %arg0, %eq3A : i32
      %convert_element_type3A_38 = arith.extui %eq3A_37 : i1 to i32
      %cond3A_39 = arith.constant 0 : i32
      %cond3A_40 = arith.cmpi ne, %convert_element_type3A_38, %cond3A_39 : i32
      scf.if %cond3A_40 {
        %broadcast_in_dim3A_76 = arith.constant 0.000000e+00 : f32
        %broadcast_in_dim3A_77 = vector.broadcast %broadcast_in_dim3A_76 : f32 to vector<1x128xf32>
        %swap3A_78 = arith.constant 0 : index
        %swap3A_79 = arith.constant 0 : index
        %swap3A_80 = vector.load %arg11[%swap3A_78, %swap3A_79] : memref<1x128xf32, #tpu.memory_space<vmem>>, vector<1x128xf32>
        tpu.vector_store %arg11[%swap3A_78, %swap3A_79], %broadcast_in_dim3A_77 {strides = array<i32>} : memref<1x128xf32, #tpu.memory_space<vmem>>, vector<1x128xf32>,
        %broadcast_in_dim3A_81 = arith.constant 0.000000e+00 : f32
        %broadcast_in_dim3A_82 = vector.broadcast %broadcast_in_dim3A_81 : f32 to vector<1x128xf32>
        %swap3A_83 = arith.constant 0 : index
        %swap3A_84 = arith.constant 0 : index
        %swap3A_85 = vector.load %arg12[%swap3A_83, %swap3A_84] : memref<1x128xf32, #tpu.memory_space<vmem>>, vector<1x128xf32>
        tpu.vector_store %arg12[%swap3A_83, %swap3A_84], %broadcast_in_dim3A_82 {strides = array<i32>} : memref<1x128xf32, #tpu.memory_space<vmem>>, vector<1x128xf32>,
      } else {
      }
      %iota3A = tpu.iota {dimensions = array<i32: 0>} : vector<2048x1xi32>
      %mul3A_41 = arith.constant 2048 : i32
      %mul3A_42 = arith.muli %arg0, %mul3A_41 : i32
      %add3A_43 = vector.broadcast %mul3A_42 : i32 to vector<2048x1xi32>
      %add3A_44 = arith.addi %iota3A, %add3A_43 : vector<2048x1xi32>
      %lt3A_45 = arith.constant 10000 : i32
      %lt3A_46 = vector.broadcast %lt3A_45 : i32 to vector<2048x1xi32>
      %lt3A_47 = arith.cmpi slt, %add3A_44, %lt3A_46 : vector<2048x1xi32>
      %jit3A = arith.constant 0.000000e+00 : f32
      %broadcast_in_dim3A_48 = vector.shape_cast %lt3A_47 : vector<2048x1xi1> to vector<2048x1xi1>
      %broadcast_in_dim3A_49 = vector.broadcast %broadcast_in_dim3A_48 : vector<2048x1xi1> to vector<2048x128xi1>
      %broadcast_in_dim3A_50 = vector.broadcast %jit3A : f32 to vector<2048x128xf32>
      %select_n3A = arith.select %broadcast_in_dim3A_49, %add3A_32, %broadcast_in_dim3A_50 : vector<2048x128xi1>, vector<2048x128xf32>
      %get3A_51 = arith.constant 0 : index
      %get3A_52 = arith.constant 0 : index
      %get3A_53 = vector.load %arg11[%get3A_51, %get3A_52] : memref<1x128xf32, #tpu.memory_space<vmem>>, vector<1x128xf32>
      %reduce_sum3A = arith.constant dense<0.000000e+00> : vector<128xf32>
      %reduce_sum3A_54 = vector.multi_reduction <add>, %select_n3A, %reduce_sum3A [0] : vector<2048x128xf32> to vector<128xf32>
      %broadcast_in_dim3A_55 = vector.shape_cast %reduce_sum3A_54 : vector<128xf32> to vector<1x128xf32>
      %add3A_56 = arith.addf %get3A_53, %broadcast_in_dim3A_55 : vector<1x128xf32>
      %swap3A_57 = arith.constant 0 : index
      %swap3A_58 = arith.constant 0 : index
      %swap3A_59 = vector.load %arg11[%swap3A_57, %swap3A_58] : memref<1x128xf32, #tpu.memory_space<vmem>>, vector<1x128xf32>
      tpu.vector_store %arg11[%swap3A_57, %swap3A_58], %add3A_56 {strides = array<i32>} : memref<1x128xf32, #tpu.memory_space<vmem>>, vector<1x128xf32>,
      %get3A_60 = arith.constant 0 : index
      %get3A_61 = arith.constant 0 : index
      %get3A_62 = vector.load %arg12[%get3A_60, %get3A_61] : memref<1x128xf32, #tpu.memory_space<vmem>>, vector<1x128xf32>
      %mul3A_63 = arith.mulf %select_n3A, %select_n3A : vector<2048x128xf32>
      %reduce_sum3A_64 = arith.constant dense<0.000000e+00> : vector<128xf32>
      %reduce_sum3A_65 = vector.multi_reduction <add>, %mul3A_63, %reduce_sum3A_64 [0] : vector<2048x128xf32> to vector<128xf32>
      %broadcast_in_dim3A_66 = vector.shape_cast %reduce_sum3A_65 : vector<128xf32> to vector<1x128xf32>
      %add3A_67 = arith.addf %get3A_62, %broadcast_in_dim3A_66 : vector<1x128xf32>
      %swap3A_68 = arith.constant 0 : index
      %swap3A_69 = arith.constant 0 : index
      %swap3A_70 = vector.load %arg12[%swap3A_68, %swap3A_69] : memref<1x128xf32, #tpu.memory_space<vmem>>, vector<1x128xf32>
      tpu.vector_store %arg12[%swap3A_68, %swap3A_69], %add3A_67 {strides = array<i32>} : memref<1x128xf32, #tpu.memory_space<vmem>>, vector<1x128xf32>,
      %eq3A_71 = arith.constant 4 : i32
      %eq3A_72 = arith.cmpi eq, %arg0, %eq3A_71 : i32
      %convert_element_type3A_73 = arith.extui %eq3A_72 : i1 to i32
      %cond3A_74 = arith.constant 0 : i32
      %cond3A_75 = arith.cmpi ne, %convert_element_type3A_73, %cond3A_74 : i32
      scf.if %cond3A_75 {
        %get3A_76 = arith.constant 0 : index
        %get3A_77 = arith.constant 0 : index
        %get3A_78 = vector.load %arg11[%get3A_76, %get3A_77] : memref<1x128xf32, #tpu.memory_space<vmem>>, vector<1x128xf32>
        %div3A = arith.constant 1.000000e+04 : f32
        %div3A_79 = vector.broadcast %div3A : f32 to vector<1x128xf32>
        %div3A_80 = arith.divf %get3A_78, %div3A_79 : vector<1x128xf32>
        %get3A_81 = arith.constant 0 : index
        %get3A_82 = arith.constant 0 : index
        %get3A_83 = vector.load %arg12[%get3A_81, %get3A_82] : memref<1x128xf32, #tpu.memory_space<vmem>>, vector<1x128xf32>
        %div3A_84 = arith.constant 1.000000e+04 : f32
        %div3A_85 = vector.broadcast %div3A_84 : f32 to vector<1x128xf32>
        %div3A_86 = arith.divf %get3A_83, %div3A_85 : vector<1x128xf32>
        %mul3A_87 = arith.mulf %div3A_80, %div3A_80 : vector<1x128xf32>
        %sub3A = arith.subf %div3A_86, %mul3A_87 : vector<1x128xf32>
        %get3A_88 = arith.constant 0 : index
        %get3A_89 = arith.constant 0 : index
        %get3A_90 = vector.load %arg6[%get3A_88, %get3A_89] : memref<1x128xf32, #tpu.memory_space<vmem>>, vector<1x128xf32>
        %add3A_91 = arith.constant 9.99999974E-6 : f32
        %add3A_92 = vector.broadcast %add3A_91 : f32 to vector<1x128xf32>
        %add3A_93 = arith.addf %sub3A, %add3A_92 : vector<1x128xf32>
        %rsqrt3A_94 = math.rsqrt %add3A_93 : vector<1x128xf32>
        %mul3A_95 = arith.mulf %get3A_90, %rsqrt3A_94 : vector<1x128xf32>
        %get3A_96 = arith.constant 0 : index
        %get3A_97 = arith.constant 0 : index
        %get3A_98 = vector.load %arg7[%get3A_96, %get3A_97] : memref<1x128xf32, #tpu.memory_space<vmem>>, vector<1x128xf32>
        %mul3A_99 = arith.mulf %div3A_80, %mul3A_95 : vector<1x128xf32>
        %sub3A_100 = arith.subf %get3A_98, %mul3A_99 : vector<1x128xf32>
        %concatenate3A = tpu.concatenate %mul3A_95, %sub3A_100 in 0 : vector<1x128xf32>, vector<1x128xf32> -> vector<2x128xf32>
        %swap3A_101 = arith.constant 0 : index
        %swap3A_102 = arith.constant 0 : index
        %swap3A_103 = vector.load %arg13[%swap3A_101, %swap3A_102] : memref<2x128xf32, #tpu.memory_space<vmem>>, vector<2x128xf32>
        tpu.vector_store %arg13[%swap3A_101, %swap3A_102], %concatenate3A {strides = array<i32>} : memref<2x128xf32, #tpu.memory_space<vmem>>, vector<2x128xf32>,
      } else {
      }
    } else {
    }
    %ge3A = arith.constant 5 : i32
    %ge3A_2 = arith.cmpi sge, %arg0, %ge3A : i32
    %convert_element_type3A_3 = arith.extui %ge3A_2 : i1 to i32
    %cond3A_4 = arith.constant 0 : i32
    %cond3A_5 = arith.cmpi ne, %convert_element_type3A_3, %cond3A_4 : i32
    scf.if %cond3A_5 {
      %sub3A = arith.constant 5 : i32
      %sub3A_6 = arith.subi %arg0, %sub3A : i32
      %mul3A = arith.constant 2048 : i32
      %mul3A_7 = arith.muli %sub3A_6, %mul3A : i32
      %get3A = arith.index_cast %mul3A_7 : i32 to index
      %get3A_8 = arith.constant 0 : index
      %get3A_9 = vector.load %arg10[%get3A, %get3A_8] : memref<10240x128xf32, #tpu.memory_space<vmem>>, vector<2048x128xf32>
      %get3A_10 = arith.constant 0 : index
      %get3A_11 = arith.constant 0 : index
      %get3A_12 = vector.load %arg13[%get3A_10, %get3A_11] : memref<2x128xf32, #tpu.memory_space<vmem>>, vector<1x128xf32>
      %mul3A_13 = vector.broadcast %get3A_12 : vector<1x128xf32> to vector<2048x128xf32>
      %mul3A_14 = arith.mulf %get3A_9, %mul3A_13 : vector<2048x128xf32>
      %get3A_15 = arith.constant 1 : index
      %get3A_16 = arith.constant 0 : index
      %get3A_17 = vector.load %arg13[%get3A_15, %get3A_16] : memref<2x128xf32, #tpu.memory_space<vmem>>, vector<1x128xf32>
      %add3A = vector.broadcast %get3A_17 : vector<1x128xf32> to vector<2048x128xf32>
      %add3A_18 = arith.addf %mul3A_14, %add3A : vector<2048x128xf32>
      %max3A = arith.constant 0.000000e+00 : f32
      %max3A_19 = vector.broadcast %max3A : f32 to vector<2048x128xf32>
      %max3A_20 = arith.maximumf %add3A_18, %max3A_19 : vector<2048x128xf32>
      %get3A_21 = arith.constant 0 : index
      %get3A_22 = arith.constant 0 : index
      %get3A_23 = vector.load %arg8[%get3A_21, %get3A_22] : memref<128x64xf32, #tpu.memory_space<vmem>>, vector<128x64xf32>
      %dot_general3A = arith.constant dense<0.000000e+00> : vector<2048x64xf32>
      %dot_general3A_24 = tpu.matmul %max3A_20, %get3A_23, %dot_general3A {dimension_numbers = #tpu.dot_dimension_numbers<[1], [0], [0], [1], [0, 0, 1, 1], [], []>, transpose_lhs_hint = false} : vector<2048x128xf32>, vector<128x64xf32>, vector<2048x64xf32> -> vector<2048x64xf32>
      %get3A_25 = arith.constant 0 : index
      %get3A_26 = arith.constant 0 : index
      %get3A_27 = vector.load %arg4[%get3A_25, %get3A_26] : memref<32x2048xf32, #tpu.memory_space<vmem>>, vector<32x2048xf32>
      %broadcast_in_dim3A = arith.constant 1.000000e+00 : f32
      %broadcast_in_dim3A_28 = vector.broadcast %broadcast_in_dim3A : f32 to vector<32x1xf32>
      %dot_general3A_29 = arith.constant dense<0.000000e+00> : vector<2048x1xf32>
      %dot_general3A_30 = tpu.matmul %get3A_27, %broadcast_in_dim3A_28, %dot_general3A_29 {dimension_numbers = #tpu.dot_dimension_numbers<[0], [0], [1], [1], [0, 1, 1, 1], [], []>, transpose_lhs_hint = false} : vector<32x2048xf32>, vector<32x1xf32>, vector<2048x1xf32> -> vector<2048x1xf32>
      %add3A_31 = arith.constant 1.000000e+00 : f32
      %add3A_32 = vector.broadcast %add3A_31 : f32 to vector<2048x1xf32>
      %add3A_33 = arith.addf %dot_general3A_30, %add3A_32 : vector<2048x1xf32>
      %rsqrt3A = math.rsqrt %add3A_33 : vector<2048x1xf32>
      %mul3A_34 = vector.broadcast %rsqrt3A : vector<2048x1xf32> to vector<2048x64xf32>
      %mul3A_35 = arith.mulf %dot_general3A_24, %mul3A_34 : vector<2048x64xf32>
      %swap3A = arith.constant 0 : index
      %swap3A_36 = arith.constant 0 : index
      %swap3A_37 = vector.load %arg9[%swap3A, %swap3A_36] : memref<2048x64xf32, #tpu.memory_space<vmem>>, vector<2048x64xf32>
      tpu.vector_store %arg9[%swap3A, %swap3A_36], %mul3A_35 {strides = array<i32>} : memref<2048x64xf32, #tpu.memory_space<vmem>>, vector<2048x64xf32>,
    } else {
    }
    return
  }
  func.func @transform_0(%arg0: i32) -> (i32, i32, i32) {
    %min3A = arith.constant 4 : i32
    %min3A_0 = arith.minsi %arg0, %min3A : i32
    %c0_i32 = arith.constant 0 : i32
    %c0_i32_1 = arith.constant 0 : i32
    %c0_i32_2 = arith.constant 0 : i32
    return %c0_i32, %min3A_0, %c0_i32_1 : i32, i32, i32
  }
  func.func @transform_1(%arg0: i32) -> (i32, i32, i32) {
    %min3A = arith.constant 4 : i32
    %min3A_0 = arith.minsi %arg0, %min3A : i32
    %c1_i32 = arith.constant 1 : i32
    %c0_i32 = arith.constant 0 : i32
    %c0_i32_1 = arith.constant 0 : i32
    return %c1_i32, %min3A_0, %c0_i32 : i32, i32, i32
  }
  func.func @transform_2(%arg0: i32) -> (i32, i32) {
    %min3A = arith.constant 4 : i32
    %min3A_0 = arith.minsi %arg0, %min3A : i32
    %c0_i32 = arith.constant 0 : i32
    %c0_i32_1 = arith.constant 0 : i32
    return %min3A_0, %c0_i32 : i32, i32
  }
  func.func @transform_3(%arg0: i32) -> (i32, i32) {
    %jit3A = arith.constant 5 : i32
    %eq3A = arith.constant 0 : i32
    %eq3A_0 = arith.cmpi eq, %jit3A, %eq3A : i32
    %jit3A_1 = arith.constant 1 : i32
    %select_n3A = arith.select %eq3A_0, %jit3A_1, %jit3A : i32
    %rem3A = arith.remsi %arg0, %select_n3A : i32
    %ne3A = arith.constant 0 : i32
    %ne3A_2 = arith.cmpi ne, %rem3A, %ne3A : i32
    %lt3A = arith.constant 0 : i32
    %lt3A_3 = arith.cmpi slt, %rem3A, %lt3A : i32
    %lt3A_4 = arith.constant 0 : i32
    %lt3A_5 = arith.cmpi slt, %select_n3A, %lt3A_4 : i32
    %ne3A_6 = arith.xori %lt3A_3, %lt3A_5 : i1
    %and3A = arith.andi %ne3A_6, %ne3A_2 : i1
    %add3A = arith.addi %rem3A, %select_n3A : i32
    %select_n3A_7 = arith.select %and3A, %add3A, %rem3A : i32
    %c0_i32 = arith.constant 0 : i32
    %c0_i32_8 = arith.constant 0 : i32
    return %c0_i32, %select_n3A_7 : i32, i32
  }
  func.func @transform_4(%arg0: i32) -> (i32, i32) {
    %c0_i32 = arith.constant 0 : i32
    %c0_i32_0 = arith.constant 0 : i32
    %c0_i32_1 = arith.constant 0 : i32
    return %c0_i32, %c0_i32_0 : i32, i32
  }
  func.func @transform_5(%arg0: i32) -> (i32, i32) {
    %c0_i32 = arith.constant 0 : i32
    %c0_i32_0 = arith.constant 0 : i32
    %c0_i32_1 = arith.constant 0 : i32
    return %c0_i32, %c0_i32_0 : i32, i32
  }
  func.func @transform_6(%arg0: i32) -> (i32, i32) {
    %c0_i32 = arith.constant 0 : i32
    %c0_i32_0 = arith.constant 0 : i32
    %c0_i32_1 = arith.constant 0 : i32
    return %c0_i32, %c0_i32_0 : i32, i32
  }
  func.func @transform_7(%arg0: i32) -> (i32, i32) {
    %c0_i32 = arith.constant 0 : i32
    %c0_i32_0 = arith.constant 0 : i32
    %c0_i32_1 = arith.constant 0 : i32
    return %c0_i32, %c0_i32_0 : i32, i32
  }
  func.func @transform_8(%arg0: i32) -> (i32, i32) {
    %sub3A = arith.constant 5 : i32
    %sub3A_0 = arith.subi %arg0, %sub3A : i32
    %max3A = arith.constant 0 : i32
    %max3A_1 = arith.maxsi %sub3A_0, %max3A : i32
    %c0_i32 = arith.constant 0 : i32
    %c0_i32_2 = arith.constant 0 : i32
    return %max3A_1, %c0_i32 : i32, i32
  }
}

module attributes {stable_mosaic.version = 14 : i64} {
  func.func @_k7_body(%arg0: i32, %arg1: memref<1x2048x64xf32, #tpu.memory_space<vmem>>, %arg2: memref<1x2048x64xf32, #tpu.memory_space<vmem>>, %arg3: memref<2048x64xf32, #tpu.memory_space<vmem>>, %arg4: memref<32x2048xf32, #tpu.memory_space<vmem>>, %arg5: memref<1x64xf32, #tpu.memory_space<vmem>>, %arg6: memref<2048x64xf32, #tpu.memory_space<vmem>>) attributes {dimension_semantics = [#tpu.dimension_semantics<arbitrary>], iteration_bounds = array<i64: 5>, scalar_prefetch = 0 : i64, scratch_operands = 0 : i64, tpu.core_type = #tpu.core_type<tc>, window_params = [{transform_indices = @transform_0, window_bounds = array<i64: 1, 2048, 64>}, {transform_indices = @transform_1, window_bounds = array<i64: 1, 2048, 64>}, {transform_indices = @transform_2, window_bounds = array<i64: 2048, 64>}, {transform_indices = @transform_3, window_bounds = array<i64: 32, 2048>}, {pipeline_mode = #tpu.pipeline_mode<synchronous>, transform_indices = @transform_4, window_bounds = array<i64: 1, 64>}, {transform_indices = @transform_5, window_bounds = array<i64: 2048, 64>}]} {
    %get3A = arith.constant 0 : index
    %get3A_0 = arith.constant 0 : index
    %get3A_1 = vector.load %arg4[%get3A, %get3A_0] : memref<32x2048xf32, #tpu.memory_space<vmem>>, vector<32x2048xf32>
    %broadcast_in_dim3A = arith.constant 1.000000e+00 : f32
    %broadcast_in_dim3A_2 = vector.broadcast %broadcast_in_dim3A : f32 to vector<32x1xf32>
    %dot_general3A = arith.constant dense<0.000000e+00> : vector<2048x1xf32>
    %dot_general3A_3 = tpu.matmul %get3A_1, %broadcast_in_dim3A_2, %dot_general3A {dimension_numbers = #tpu.dot_dimension_numbers<[0], [0], [1], [1], [0, 1, 1, 1], [], []>, transpose_lhs_hint = false} : vector<32x2048xf32>, vector<32x1xf32>, vector<2048x1xf32> -> vector<2048x1xf32>
    %add3A = arith.constant 1.000000e+00 : f32
    %add3A_4 = vector.broadcast %add3A : f32 to vector<2048x1xf32>
    %add3A_5 = arith.addf %dot_general3A_3, %add3A_4 : vector<2048x1xf32>
    %rsqrt3A = math.rsqrt %add3A_5 : vector<2048x1xf32>
    %get3A_6 = arith.constant 0 : index
    %get3A_7 = arith.constant 0 : index
    %get3A_8 = arith.constant 0 : index
    %get3A_9 = vector.load %arg1[%get3A_6, %get3A_7, %get3A_8] : memref<1x2048x64xf32, #tpu.memory_space<vmem>>, vector<1x2048x64xf32>
    %get3A_10 = vector.shape_cast %get3A_9 : vector<1x2048x64xf32> to vector<2048x64xf32>
    %get3A_11 = arith.constant 0 : index
    %get3A_12 = arith.constant 0 : index
    %get3A_13 = arith.constant 0 : index
    %get3A_14 = vector.load %arg2[%get3A_11, %get3A_12, %get3A_13] : memref<1x2048x64xf32, #tpu.memory_space<vmem>>, vector<1x2048x64xf32>
    %get3A_15 = vector.shape_cast %get3A_14 : vector<1x2048x64xf32> to vector<2048x64xf32>
    %add3A_16 = arith.addf %get3A_10, %get3A_15 : vector<2048x64xf32>
    %get3A_17 = arith.constant 0 : index
    %get3A_18 = arith.constant 0 : index
    %get3A_19 = vector.load %arg3[%get3A_17, %get3A_18] : memref<2048x64xf32, #tpu.memory_space<vmem>>, vector<2048x64xf32>
    %add3A_20 = arith.addf %add3A_16, %get3A_19 : vector<2048x64xf32>
    %mul3A = vector.broadcast %rsqrt3A : vector<2048x1xf32> to vector<2048x64xf32>
    %mul3A_21 = arith.mulf %mul3A, %add3A_20 : vector<2048x64xf32>
    %get3A_22 = arith.constant 0 : index
    %get3A_23 = arith.constant 0 : index
    %get3A_24 = vector.load %arg5[%get3A_22, %get3A_23] : memref<1x64xf32, #tpu.memory_space<vmem>>, vector<1x64xf32>
    %add3A_25 = vector.broadcast %get3A_24 : vector<1x64xf32> to vector<2048x64xf32>
    %add3A_26 = arith.addf %mul3A_21, %add3A_25 : vector<2048x64xf32>
    %swap3A = arith.constant 0 : index
    %swap3A_27 = arith.constant 0 : index
    %swap3A_28 = vector.load %arg6[%swap3A, %swap3A_27] : memref<2048x64xf32, #tpu.memory_space<vmem>>, vector<2048x64xf32>
    tpu.vector_store %arg6[%swap3A, %swap3A_27], %add3A_26 {strides = array<i32>} : memref<2048x64xf32, #tpu.memory_space<vmem>>, vector<2048x64xf32>,
    return
  }
  func.func @transform_0(%arg0: i32) -> (i32, i32, i32) {
    %c0_i32 = arith.constant 0 : i32
    %c0_i32_0 = arith.constant 0 : i32
    %c0_i32_1 = arith.constant 0 : i32
    return %c0_i32, %arg0, %c0_i32_0 : i32, i32, i32
  }
  func.func @transform_1(%arg0: i32) -> (i32, i32, i32) {
    %c1_i32 = arith.constant 1 : i32
    %c0_i32 = arith.constant 0 : i32
    %c0_i32_0 = arith.constant 0 : i32
    return %c1_i32, %arg0, %c0_i32 : i32, i32, i32
  }
  func.func @transform_2(%arg0: i32) -> (i32, i32) {
    %c0_i32 = arith.constant 0 : i32
    %c0_i32_0 = arith.constant 0 : i32
    return %arg0, %c0_i32 : i32, i32
  }
  func.func @transform_3(%arg0: i32) -> (i32, i32) {
    %c0_i32 = arith.constant 0 : i32
    %c0_i32_0 = arith.constant 0 : i32
    return %c0_i32, %arg0 : i32, i32
  }
  func.func @transform_4(%arg0: i32) -> (i32, i32) {
    %c0_i32 = arith.constant 0 : i32
    %c0_i32_0 = arith.constant 0 : i32
    %c0_i32_1 = arith.constant 0 : i32
    return %c0_i32, %c0_i32_0 : i32, i32
  }
  func.func @transform_5(%arg0: i32) -> (i32, i32) {
    %c0_i32 = arith.constant 0 : i32
    %c0_i32_0 = arith.constant 0 : i32
    return %arg0, %c0_i32 : i32, i32
  }
}

</mosaic_0001>

<sc_bundles>
// kernel: kernel.11.cloned.1.call-start
scs
__scs_entry_jumppad:
0x0: {  	(pc) =	sbr.rel $0x88, $3  }
0x1: {  	(tag) =	ssettag $0x0;
	lr =	simm.s32 $0x1  }
0x2: {  	[smem:$0x3F99] =	sst lr;
	_ =	strace $0xD0000000  }
0x3: {  	_ = 	snop  }
0x4: {  	_ = 	snop  }
0x5: {  	_ = 	snop  }
0x6: {  	_ = 	snop  }
0x7: {  	_ = 	snop  }
__scs_overlays_trampoline_lowered:
0x8: {  	[smem:$0x3FA8] =	sst s0  }
0x9: {  	[smem:$0x3FA9] =	sst s1  }
0xa: {  	[smem:$0x3FAA] =	sst s2  }
0xb: {  	[smem:$0x3FAB] =	sst s3  }
0xc: {  	[smem:$0x3FAC] =	sst s4  }
0xd: {  	[smem:$0x3FAD] =	sst s5  }
0xe: {  	[smem:$0x3FAE] =	sst s6  }
0xf: {  	[smem:$0x3FAF] =	sst s7  }
0x10: {  	[smem:$0x3FB0] =	sst s8  }
0x11: {  	[smem:$0x3FB1] =	sst s9;
	s0 =	simm.s32 @!p0 $0x0  }
0x12: {  	s1 =	sld [smem:$0x3F97];
	s0 =	simm.s32 @p0 $0x1  }
0x13: {  	[smem:$0x3FB2] =	sst s0;
	s0 =	simm.s32 @!p1 $0x0  }
0x14: {  	s2 =	sld [smem:$0x3F96];
	s0 =	simm.s32 @p1 $0x1  }
0x15: {  	[smem:$0x3FB3] =	sst s0;
	s0 =	simm.s32 @!p2 $0x0  }
0x16: {  	s3 =	sld [smem:$0x3FDB];
	s0 =	simm.s32 @p2 $0x1  }
0x17: {  	s4 =	simm.s32 $0x1BF5;
	[smem:$0x3FB5] =	sst s0  }
0x18: {  	s0 =	sld [smem:$0x3F98];
	_ =	swait.ge [sflag:s4], $0x0  }
0x19: {  	s7 =	sld [smem:$0x3F99]  }
0x1a: {  	s8 =	sadd.s32 $0xFFFFE003, lr  }
0x1b: {  	s9 =	sadd.s32 $0xFFFFFEF7, lr;
	s5 =	simm.s32 $0xFFFFFFFF;
	p2 =	slt.u32 s8, $0xFFFFF086  }
0x1c: {  	p1 =	slt.u32 s9, $0xF7A;
	s5 =	simm.s32 @!p2 $0x0  }
0x1d: {  	s5 =	simm.s32 @p1 $0x1;
	p0 =	seq.s32 s7, s2  }
0x1e: {  	s7 =	smul.u32 @!p0 $0xF7A, s2;
	p2 =	seq.s32 @!p0 s5, $0x0  }
0x1f: {  	s9 =	smul.u32 $0xF7A, s1;
	s8 =	simm.s32 @!p0 $0x1BF5;
	p2 =	por !p2, p0  }
0x20: {  	[sflag:s8] =	ssyncset.s32 @!p0 $0xFFFFF086;
	s6 =	sadd.s32 @!p0 s3, s7;
	s7 =	simm.s32 @!p0 $0x108  }
0x21: {  	s3 =	sadd.s32 s3, s9;
	s6 =	sadd.s32 @!p0 $0x88, s6;
	s7 =	simm.s32 @p2 $0x1082  }
0x22: {  	[simem:s7], [sflag:s8] =	dma.local @!p0 [hbm:s6], $0xF7A  }
0x23: {  	s9 =	sor.u32 $0xD0000000, s2;
	s6 =	simm.s32 $0x108;
	_ =	swait.ge @!p0 [sflag:s8], $0x0  }
0x24: {  	s3 =	sadd.s32 $0x88, s3;
	s6 =	simm.s32 @!p1 $0x1082;
	[sflag:s4] =	ssyncset.s32 $0xFFFFF086  }
0x25: {  	[simem:s6], [sflag:s4] =	dma.local [hbm:s3], $0xF7A  }
0x26: {  	[smem:$0x3F99] =	sst s1;
	(tag) =	ssettag s2;
	_ =	strace s9  }
0x27: {  	s1 =	sld [smem:$0x3FA9]  }
0x28: {  	s2 =	sld [smem:$0x3FAA]  }
0x29: {  	s4 =	sld [smem:$0x3FAC]  }
0x2a: {  	p0 =	seq.s32 s5, $0x0;
	s5 =	sld [smem:$0x3FAD]  }
0x2b: {  	s6 =	sld [smem:$0x3FAE]  }
0x2c: {  	s7 =	sld [smem:$0x3FAF]  }
0x2d: {  	s3 =	simm.s32 $0x108;
	s8 =	sld [smem:$0x3FB0]  }
0x2e: {  	s3 =	simm.s32 @!p0 $0x1082;
	s9 =	sld [smem:$0x3FB1]  }
0x2f: {  	lr =	sadd.s32 s0, s3;
	s0 =	sld [smem:$0x3FA8]  }
0x30: {  	s3 =	sld [smem:$0x3FAB]  }
0x31: {  	[smem:$0x3FB4] =	sst s10  }
0x32: {  	s10 =	sld [smem:$0x3FB2];
	_ =	sdelay $0x3  }
0x33: {  	p0 =	seq.s32 s10, $0x1;
	s10 =	sld [smem:$0x3FB4];
	_ =	sdelay $0x3  }
0x34: {  	[smem:$0x3FB4] =	sst s10  }
0x35: {  	s10 =	sld [smem:$0x3FB3];
	_ =	sdelay $0x3  }
0x36: {  	p1 =	seq.s32 s10, $0x1;
	s10 =	sld [smem:$0x3FB4];
	_ =	sdelay $0x3  }
0x37: {  	[smem:$0x3FB4] =	sst s10  }
0x38: {  	s10 =	sld [smem:$0x3FB5]  }
0x39: {  	_ = 	snop;
	(pc) =	sbr.ind lr, $3  }
0x3a: {  	_ = 	snop  }
0x3b: {  	_ = 	snop  }
0x3c: {  	p2 =	seq.s32 s10, $0x1;
	s10 =	sld [smem:$0x3FB4]  }
0x3d: {  	_ =	shalt  }
0x3e: {  	_ =	shalt  }
0x3f: {  	_ =	shalt  }
0x40: {  	_ =	shalt  }
0x41: {  	_ =	shalt  }
0x42: {  	_ =	shalt  }
0x43: {  	_ =	shalt  }
0x44: {  	_ =	shalt  }
0x45: {  	_ =	shalt  }
0x46: {  	_ =	shalt  }
0x47: {  	_ =	shalt  }
0x48: {  	_ =	shalt  }
0x49: {  	_ =	shalt  }
0x4a: {  	_ =	shalt  }
0x4b: {  	_ =	shalt  }
0x4c: {  	_ =	shalt  }
0x4d: {  	_ =	shalt  }
0x4e: {  	_ =	shalt  }
0x4f: {  	_ =	shalt  }
0x50: {  	_ =	shalt  }
0x51: {  	_ =	shalt  }
0x52: {  	_ =	shalt  }
0x53: {  	_ =	shalt  }
0x54: {  	_ =	shalt  }
0x55: {  	_ =	shalt  }
0x56: {  	_ =	shalt  }
0x57: {  	_ =	shalt  }
0x58: {  	_ =	shalt  }
0x59: {  	_ =	shalt  }
0x5a: {  	_ =	shalt  }
0x5b: {  	_ =	shalt  }
0x5c: {  	_ =	shalt  }
0x5d: {  	_ =	shalt  }
0x5e: {  	_ =	shalt  }
0x5f: {  	_ =	shalt  }
0x60: {  	_ =	shalt  }
0x61: {  	_ =	shalt  }
0x62: {  	_ =	shalt  }
0x63: {  	_ =	shalt  }
0x64: {  	_ =	shalt  }
0x65: {  	_ =	shalt  }
0x66: {  	_ =	shalt  }
0x67: {  	_ =	shalt  }
0x68: {  	_ =	shalt  }
0x69: {  	_ =	shalt  }
0x6a: {  	_ =	shalt  }
0x6b: {  	_ =	shalt  }
0x6c: {  	_ =	shalt  }
0x6d: {  	_ =	shalt  }
0x6e: {  	_ =	shalt  }
0x6f: {  	_ =	shalt  }
0x70: {  	_ =	shalt  }
0x71: {  	_ =	shalt  }
0x72: {  	_ =	shalt  }
0x73: {  	_ =	shalt  }
0x74: {  	_ =	shalt  }
0x75: {  	_ =	shalt  }
0x76: {  	_ =	shalt  }
0x77: {  	_ =	shalt  }
0x78: {  	_ =	shalt  }
0x79: {  	_ =	shalt  }
0x7a: {  	_ =	shalt  }
0x7b: {  	_ =	shalt  }
0x7c: {  	_ =	shalt  }
0x7d: {  	_ =	shalt  }
0x7e: {  	_ =	shalt  }
0x7f: {  	_ =	shalt  }
0x80: {  	_ =	shalt  }
0x81: {  	_ =	shalt  }
0x82: {  	_ =	shalt  }
0x83: {  	_ =	shalt  }
0x84: {  	_ =	shalt  }
0x85: {  	_ =	shalt  }
0x86: {  	_ =	shalt  }
0x87: {  	_ =	shalt  }
.Lfunc_end0:
.L_simem_size_0:
called_computation.1_lowered:
.L_overlay_start_0:
0x88: {  	s2 =	sld [smem:$0x3FD9]  }
0x89: {  	s3 =	sld [smem:$0x3FFE];
	_ =	sdelay $0x1  }
0x8a: {  	s1 =	srdreg.scid  }
0x8b: {  	s0 =	sand.u32 $0x1, s1  }
0x8c: {  	s16 =	sshll.u32 s0, $0xA;
	s2 =	sadd.s32 s3, s2  }
0x8d: {  	s2 =	sadd.s32 s2, s16  }
0x8e: {  	[smem:$0x3FC0] =	sst s2  }
0x8f: {  	_ = 	snop  }
0x90: {  	(tm) =	ssettm $0x1  }
0x91: {  	s17 =	sld [smem:$0x3FFB];
	_ =	sdelay $0x3  }
0x92: {  	_ =	strace s17  }
0x93: {  	s2 =	sld [smem:$0x3FFC];
	_ =	sdelay $0x3  }
0x94: {  	_ =	strace s2  }
0x95: {  	s2 =	sld [smem:$0x3FFD];
	_ =	sdelay $0x3  }
0x96: {  	_ =	strace s2  }
0x97: {  	_ =	strace $0x8FFFFFFF  }
0x98: {  	s18 =	sld [smem:$0x3FDB];
	_ =	sdelay $0x1  }
0x99: {  	s19 =	simm.s32 $_scs_section_size  }
0x9a: {  	s4 =	simm.s32 $_size__tile_overlayer_lowered;
	s5 =	simm.s32 $_tile_overlayer_lowered  }
0x9b: {  	s22 =	simm.s32 $0x1BFF;
	s21 =	sshll.u32 s5, $0x1;
	s2 =	sadd.s32 s19, s18  }
0x9c: {  	s6 =	simm.s32 $0x0;
	s20 =	sshll.u32 s4, $0x1;
	s4 =	sadd.s32 s21, s2  }
0x9d: {  	[timem:s6], [sflag:s22] =	dma.local [hbm:s4], s20  }
0x9e: {  	_ =	swait.ge [sflag:s22], s20  }
0x9f: {  	s3 =	ssub.s32 $0x0, s20;
	[sflag:s22] =	ssyncset.done $0x0  }
0xa0: {  	[sflag:s22] =	ssyncadd.s32 s3;
	_ =	sdelay $0x1  }
0xa1: {  	s23 =	simm.s32 $0x1B8B  }
0xa2: {  	_ =	swait.ge [sflag:s23], $0x1  }
0xa3: {  	[sflag:s23] =	ssyncset.done $0x0  }
0xa4: {  	s25 =	simm.s32 $0x1B8E;
	s24 =	sld [smem:$0x3FFE];
	[sflag:s23] =	ssyncadd.s32 $0xFFFFFFFF  }
0xa5: {  	s26 =	simm.s32 $execute0_lowered;
	[smem:$0x3FD2] =	sst s25  }
0xa6: {  	s4 =	sshll.u32 s26, $0x1;
	_ =	strace $0x80000049;
	[dreg:$0x1] =	wrdreg $0xFFFFFFFF  }
0xa7: {  	s28 =	simm.s32 $_size_execute0_lowered;
	s2 =	sadd.s32 s2, s4;
	[dreg:$0x0] =	wrdreg $0x0  }
0xa8: {  	s4 =	sshll.u32 s28, $0x1;
	[dreg:$0x2] =	wrdreg s2  }
0xa9: {  	[dreg:$0x3] =	wrdreg s4  }
0xaa: {  	[dreg:$0x4] =	wrdreg $0xC0  }
0xab: {  	_ =	task [dreg:s6], $0x5FFFF  }
0xac: {  	[dreg:$0x1] =	wrdreg $0xFFFFFFFF  }
0xad: {  	[dreg:$0x0] =	wrdreg $0x60  }
0xae: {  	[dreg:$0x2] =	wrdreg s24  }
0xaf: {  	[dreg:$0x3] =	wrdreg $0xA2800  }
0xb0: {  	[dreg:$0x4] =	wrdreg $0x9  }
0xb1: {  	_ =	task.clear_ibuf [dreg:s6], $0x5FFFF;
	_ =	strace $0x90000049  }
0xb2: {  	s29 =	simm.s32 $0x9;
	_ =	strace $0x8000004B  }
0xb3: {  	_ =	swait.ge [sflag:s29], $0x1  }
0xb4: {  	[sflag:s29] =	ssyncadd.s32 $0xFFFFFFFF  }
0xb5: {  	_ =	strace $0x9000004B  }
0xb6: {  	_ =	sfence  }
0xb7: {  	s30 =	sld [smem:$0x0];
	_ =	sdelay $0x2  }
0xb8: {  	s31 =	sshll.u32 s1, $0xD;
	s1 =	sshrl.u32 s1, $0x2  }
0xb9: {  	s3 =	sand.u32 $0x4000, s31;
	s1 =	sadd.s32 s1, s30  }
0xba: {  	s0 =	sor.u32 s3, s0;
	s1 =	sshll.u32 s1, $0x11  }
0xbb: {  	s0 =	sor.u32 s1, s0  }
0xbc: {  	s0 =	sadd.s32 $0x8F2B, s0  }
0xbd: {  	[sflag:s0] =	ssyncadd.remote.s32 $0x1  }
0xbe: {  	_ =	sfence.sel $0xFFFF  }
0xbf: {  	[dreg:$0x0] =	wrdreg $0xFFFFFFFF;
	(pc) =	sbr.abs _section_cstart, $3  }
0xc0: {  	[dreg:$0x1] =	wrdreg $0xFFFFFFFF  }
0xc1: {  	_ =	task.clear_ibuf [dreg:s6], $0x2FFFF;
	_ =	strace $0x9FFFFFFF  }
0xc2: {  	(tm) =	ssettm $0x7FFFFFFF  }
0xc3: {  	_ =	shalt  }
tec
execute0_lowered:
.L_overlay_start_1:
0x0: {  	(tag) =	ssettag $0x1  }
0x1: {  	s0 =	rddreg [dreg:$0x0]  }
0x2: {  	s2 =	rddreg [dreg:$0x1]  }
0x3: {  	s1 =	srdreg.scid;
	s12 =	stileid.u32  }
0x4: {  	s3 =	simm.s32 $0x0;
	s31 =	simm.s32 $0x50;
	s5 =	smul.u32 $0x14000, s12  }
0x5: {  	s29 =	simm.s32 $0x140;
	s30 =	simm.s32 $0xC;
	s11 =	smul.u32 $0x50000, s12  }
0x6: {  	s1 =	sand.u32 $0x1, s1;
	[smem:$0x7FF] =	sst s3;
	s26 =	smul.u32 $0x2710, s12  }
0x7: {  	s13 =	sadd.s32 $0x2A00, s0;
	s6 =	smul.u32 $0x140000, s1;
	s4 =	sshll.u32 s1, $0x4  }
0x8: {  	_ =	strace $0x8000004A;
	s21 =	ssub.s32 $0x2, s1;
	s1 =	smul.u32 $0x27100, s1  }
0x9: {  	[dreg:$0x3] =	wrdreg s13;
	s7 =	sor.u32 s12, s4;
	s4 =	sadd.s32 $0x16600, s0  }
0xa: {  	s9 =	sshrl.u32 s21, $0x1;
	s24 =	sshrl.u32 s11, $0x2;
	s8 =	sadd.s32 s5, s6  }
0xb: {  	s7 =	smul.u32 $0x2710, s7;
	s6 =	sadd.s32 $0xC800, s0;
	s5 =	sadd.s32 s5, s2  }
0xc: {  	s1 =	sadd.s32 s26, s1;
	s8 =	sshrl.u32 s8, $0x3;
	[dreg:$0x9] =	wrdreg s5  }
0xd: {  	s17 =	sadd.s32 $0x190, s1;
	s0 =	sadd.s32 s8, s0;
	s7 =	sshrl.u32 s7, $0x3  }
0xe: {  	s8 =	ssub.s32 s21, s9;
	s10 =	sadd.s32 $0xA, s7;
	s22 =	sadd.s32 s13, s7  }
0xf: {  	s9 =	sadd.s32 $0x14, s7;
	s7 =	sadd.s32 s6, s7;
	[dreg:$0x4] =	wrdreg s22  }
0x10: {  	s19 =	sadd.s32 $0x1E0, s1;
	s0 =	sadd.s32 $0x3E600, s0;
	[dreg:$0x7] =	wrdreg s7  }
0x11: {  	s5 =	sshrl.u32 s19, $0x3;
	s18 =	smax.u32 s8, $0x1;
	[dreg:$0x11] =	wrdreg s0  }
0x12: {  	s21 =	sadd.s32 $0xF0, s1;
	s19 =	simm.s32 $0x190;
	[dreg:$0x12] =	wrdreg s18  }
0x13: {  	s8 =	simm.s32 $0x0;
	s23 =	sadd.s32 s13, s10;
	[dreg:$0x6] =	wrdreg s9  }
0x14: {  	s10 =	sadd.s32 s6, s10;
	s7 =	sadd.s32 s24, s2;
	[dreg:$0x5] =	wrdreg s23  }
0x15: {  	s0 =	sshrl.u32 s17, $0x3;
	s22 =	sadd.s32 s5, s13;
	[dreg:$0x8] =	wrdreg s10  }
0x16: {  	s24 =	sadd.s32 $0x140, s1;
	s1 =	sadd.s32 $0xA0, s1;
	[dreg:$0x15] =	wrdreg s22  }
0x17: {  	s18 =	simm.s32 $0x2A80;
	s25 =	sadd.s32 $0x2800, s7;
	[dreg:$0x16] =	wrdreg s24  }
0x18: {  	s17 =	simm.s32 $0xB;
	s28 =	sadd.s32 $0x5000, s7;
	[dreg:$0xa] =	wrdreg s25  }
0x19: {  	s5 =	simm.s32 $0x3;
	s11 =	sadd.s32 $0x7800, s7;
	[dreg:$0xb] =	wrdreg s28  }
0x1a: {  	s12 =	sadd.s32 $0xA000, s7;
	s14 =	sadd.s32 $0xC800, s7;
	[dreg:$0xc] =	wrdreg s11  }
0x1b: {  	s15 =	sadd.s32 $0xF000, s7;
	s16 =	sadd.s32 $0x11800, s7;
	[dreg:$0xd] =	wrdreg s12  }
0x1c: {  	s20 =	sadd.s32 s0, s6;
	s0 =	sadd.s32 s0, s13;
	[dreg:$0xe] =	wrdreg s14  }
0x1d: {  	s23 =	sshrl.u32 s21, $0x3;
	s26 =	sshrl.u32 s1, $0x3;
	[dreg:$0xf] =	wrdreg s15  }
0x1e: {  	s1 =	simm.s32 $0xA0;
	s7 =	simm.s32 $0x190;
	[dreg:$0x10] =	wrdreg s16  }
0x1f: {  	s21 =	simm.s32 $0x2;
	s22 =	simm.s32 $0x5;
	[dreg:$0x13] =	wrdreg s20  }
0x20: {  	s24 =	simm.s32 $0x10;
	s10 =	simm.s32 $0x1E0;
	[dreg:$0x14] =	wrdreg s0  }
0x21: {  	s25 =	sadd.s32 s23, s6;
	s0 =	sadd.s32 s23, s13;
	[dreg:$0x19] =	wrdreg s26  }
.Ltmp0:
0x22: {  	s28 =	sadd.s32 s13, s9;
	s11 =	simm.s32 $0x9;
	(pc) =	sbr.rel .LBB2_1-.Ltmp0, $4  }
0x23: {  	s15 =	simm.s32 $0x1;
	s16 =	simm.s32 $0xD;
	s9 =	simm.s32 $0xF  }
0x24: {  	s23 =	simm.s32 $0x4;
	s26 =	simm.s32 $0x6;
	[dreg:$0x17] =	wrdreg s25  }
0x25: {  	s20 =	simm.s32 $0x2A80;
	s13 =	simm.s32 $0x230;
	[dreg:$0x18] =	wrdreg s0  }
0x26: {  	v0 =	vimm.f32 $0.0e+00;
	s12 =	simm.s32 $0x5280;
	[dreg:$0x1a] =	wrdreg s28;
	s25 =	simm.s32 $0xE  }
.LBB2_6:
0x27: {  	_ =	swait.ge [sflag:s23], $0x2800  }
0x28: {  	[sflag:s23] =	ssyncset.done $0x0  }
0x29: {  	[sflag:s23] =	ssyncadd.s32 $0xFFFFD800  }
0x2a: {  	_ =	swait.ge [sflag:s24], $0x50  }
0x2b: {  	[sflag:s24] =	ssyncset.done $0x0  }
0x2c: {  	[sflag:s24] =	ssyncadd.s32 $0xFFFFFFB0  }
0x2d: {  	[spmem:s2] =	stream.indirect.scatter.add.f32 [tilespmem:s8], [sflag:$0x8], $0x80, s13, s31, $0xb8;
	[tilespmem:$0x1E280] =	vst v63  }
0x2e: {  	_ =	swait.ge [sflag:s26], $0x2800  }
0x2f: {  	[sflag:s26] =	ssyncset.done $0x0  }
0x30: {  	[sflag:s26] =	ssyncadd.s32 $0xFFFFD800  }
0x31: {  	_ =	swait.ge [sflag:s15], $0x2800  }
0x32: {  	[sflag:s15] =	ssyncset.done $0x0  }
0x33: {  	[sflag:s15] =	ssyncadd.s32 $0xFFFFD800  }
0x34: {  	_ =	swait.ge [sflag:s16], $0x50  }
0x35: {  	[sflag:s16] =	ssyncset.done $0x0  }
0x36: {  	s29 =	simm.s32 $0x140;
	s0 =	simm.s32 $0x7;
	[sflag:s16] =	ssyncadd.s32 $0xFFFFFFB0  }
0x37: {  	[spmem:s2] =	stream.indirect.scatter.add.f32 [tilespmem:s7], [sflag:$0x5], $0x80, s29, s31, $0xb8;
	[tilespmem:$0x1E280] =	vst v63  }
0x38: {  	_ =	swait.ge [sflag:s0], $0x2800  }
0x39: {  	[sflag:s0] =	ssyncset.done $0x0  }
0x3a: {  	s7 =	simm.s32 $0x8;
	[sflag:s0] =	ssyncadd.s32 $0xFFFFD800  }
0x3b: {  	_ =	swait.ge [sflag:s7], $0x2800  }
0x3c: {  	[sflag:s7] =	ssyncset.done $0x0  }
0x3d: {  	[sflag:s7] =	ssyncadd.s32 $0xFFFFD800  }
0x3e: {  	_ =	swait.ge [sflag:s22], $0x2800  }
0x3f: {  	[sflag:s22] =	ssyncset.done $0x0  }
0x40: {  	[sflag:s22] =	ssyncadd.s32 $0xFFFFD800  }
0x41: {  	s8 =	stileid.u32;
	[bflag:$0x0] =	sbarrier.arrive $0xFFFF  }
0x42: {  	s1 =	simm.s32 $0x12;
	s0 =	sshll.u32 s8, $0x6;
	s14 =	rddreg [dreg:$0x9]  }
0x43: {  	s0 =	sor.u32 $0x1C12, s0;
	s28 =	rddreg [dreg:$0x11];
	s7 =	sshrl.u32 s14, $0x3  }
0x44: {  	[hbm:s28], [sflag:s0] =	dma.local [spmem:s7], $0x2800  }
0x45: {  	_ =	swait.ge [sflag:s1], $0x2800  }
0x46: {  	s18 =	rddreg [dreg:$0x1b]  }
0x47: {  	s28 =	rddreg [dreg:$0x12];
	s8 =	sadd.s32 $0x1, s18  }
0x48: {  	p0 =	sne.s32 s8, s28  }
.Ltmp1:
0x49: {  	_ = 	snop;
	(pc) =	sbr.rel @!p0 .LBB2_7-.Ltmp1, $3  }
0x4a: {  	_ =	sdelay $0x1  }
0x4b: {  	s7 =	simm.s32 $0x190;
	[sflag:s1] =	ssyncset.done $0x0  }
0x4c: {  	[sflag:s1] =	ssyncadd.s32 $0xFFFFD800;
	s1 =	simm.s32 $0xA0;
	s18 =	simm.s32 $0x2A80  }
.LBB2_1:
0x4d: {  	[dreg:$0x1b] =	wrdreg s8  }
0x4e: {  	s0 =	rddreg [dreg:$0x4]  }
0x4f: {  	[tilespmem:s3], [sflag:$0x9] =	stream.linear.gather [hbm4b:s0+s3], $0x50, $0x38;
	[tilespmem:$0x1E280] =	vst v63  }
0x50: {  	s14 =	rddreg [dreg:$0x5]  }
0x51: {  	[tilespmem:s31], [sflag:$0xA] =	stream.linear.gather [hbm4b:s14+s3], $0x50, $0x38;
	[tilespmem:$0x1E280] =	vst v63  }
0x52: {  	s8 =	rddreg [dreg:$0x1a]  }
0x53: {  	[tilespmem:s1], [sflag:$0xB] =	stream.linear.gather [hbm4b:s8+s3], $0x50, $0x38;
	[tilespmem:$0x1E280] =	vst v63  }
0x54: {  	s28 =	simm.s32 $0x0;
	s14 =	rddreg [dreg:$0x7];
	s8 =	sand.u32 $0xFE00, s3  }
0x55: {  	[tilespmem:s29], [sflag:$0xD] =	stream.linear.gather [hbm4b:s14+s3], $0x50, $0x38;
	[tilespmem:$0x1E280] =	vst v63  }
0x56: {  	s1 =	rddreg [dreg:$0x8];
	s0 =	sshrl.u32 s8, $0x2;
	s14 =	sand.u32 $0x40, s3  }
0x57: {  	[tilespmem:s7], [sflag:$0xE] =	stream.linear.gather [hbm4b:s1+s3], $0x50, $0x38;
	[tilespmem:$0x1E280] =	vst v63  }
0x58: {  	s29 =	sor.u32 s14, s0;
	s0 =	simm.s32 $0x0;
	s7 =	simm.s32 $0x0  }
.LBB2_2:
0x59: {  	s28 =	sadd.s32 $0x4, s28  }
0x5a: {  	[tilespmem:s29+$0x2B0] =	vst v0;
	s0 =	sadd.s32 $0x40, s0;
	s7 =	sadd.s32 $0x100, s7;
	p0 =	slt.u32 s28, $0x27C  }
.Ltmp2:
0x5b: {  	[tilespmem:s29+$0x2A0] =	vst v0;
	(pc) =	sbr.rel @p0 .LBB2_2-.Ltmp2, $4  }
0x5c: {  	[tilespmem:s29+$0x280] =	vst v0  }
0x5d: {  	s14 =	sand.u32 $0xFE00, s7;
	[tilespmem:s29+$0x290] =	vst v0  }
0x5e: {  	s14 =	sshrl.u32 s14, $0x2;
	s29 =	sand.u32 $0x40, s0  }
0x5f: {  	s29 =	sor.u32 s29, s14  }
0x60: {  	[tilespmem:s29+$0x2B0] =	vst v0  }
0x61: {  	[tilespmem:s29+$0x2A0] =	vst v0  }
0x62: {  	[tilespmem:s29+$0x280] =	vst v0  }
0x63: {  	[tilespmem:s29+$0x290] =	vst v0;
	s0 =	rddreg [dreg:$0x9];
	s1 =	simm.s32 $0x280  }
0x64: {  	[spmem:s0] =	stream.linear.scatter [tilespmem:s1], [sflag:$0x11], $0x2800, $0x38;
	[tilespmem:$0x1E280] =	vst v63  }
0x65: {  	s7 =	rddreg [dreg:$0xa]  }
0x66: {  	[spmem:s7] =	stream.linear.scatter [tilespmem:s1], [sflag:$0x11], $0x2800, $0x38;
	[tilespmem:$0x1E280] =	vst v63  }
0x67: {  	s8 =	rddreg [dreg:$0xb]  }
0x68: {  	[spmem:s8] =	stream.linear.scatter [tilespmem:s1], [sflag:$0x11], $0x2800, $0x38;
	[tilespmem:$0x1E280] =	vst v63  }
0x69: {  	s14 =	rddreg [dreg:$0xc]  }
0x6a: {  	[spmem:s14] =	stream.linear.scatter [tilespmem:s1], [sflag:$0x11], $0x2800, $0x38;
	[tilespmem:$0x1E280] =	vst v63  }
0x6b: {  	s7 =	rddreg [dreg:$0xd]  }
0x6c: {  	[spmem:s7] =	stream.linear.scatter [tilespmem:s1], [sflag:$0x11], $0x2800, $0x38;
	[tilespmem:$0x1E280] =	vst v63  }
0x6d: {  	s8 =	rddreg [dreg:$0xe]  }
0x6e: {  	[spmem:s8] =	stream.linear.scatter [tilespmem:s1], [sflag:$0x11], $0x2800, $0x38;
	[tilespmem:$0x1E280] =	vst v63  }
0x6f: {  	s14 =	rddreg [dreg:$0xf]  }
0x70: {  	[spmem:s14] =	stream.linear.scatter [tilespmem:s1], [sflag:$0x11], $0x2800, $0x38;
	[tilespmem:$0x1E280] =	vst v63  }
0x71: {  	s7 =	rddreg [dreg:$0x10];
	s8 =	simm.s32 $0x11  }
0x72: {  	[spmem:s7] =	stream.linear.scatter [tilespmem:s1], [sflag:$0x11], $0x2800, $0x38;
	[tilespmem:$0x1E280] =	vst v63  }
0x73: {  	_ =	swait.ge [sflag:s8], $0x2800  }
0x74: {  	[sflag:s8] =	ssyncset.done $0x0  }
0x75: {  	[sflag:s8] =	ssyncadd.s32 $0xFFFFD800  }
0x76: {  	_ =	swait.ge [sflag:s8], $0x2800  }
0x77: {  	[sflag:s8] =	ssyncset.done $0x0  }
0x78: {  	[sflag:s8] =	ssyncadd.s32 $0xFFFFD800  }
0x79: {  	_ =	swait.ge [sflag:s8], $0x2800  }
0x7a: {  	[sflag:s8] =	ssyncset.done $0x0  }
0x7b: {  	[sflag:s8] =	ssyncadd.s32 $0xFFFFD800  }
0x7c: {  	_ =	swait.ge [sflag:s8], $0x2800  }
0x7d: {  	[sflag:s8] =	ssyncset.done $0x0  }
0x7e: {  	[sflag:s8] =	ssyncadd.s32 $0xFFFFD800  }
0x7f: {  	_ =	swait.ge [sflag:s8], $0x2800  }
0x80: {  	[sflag:s8] =	ssyncset.done $0x0  }
0x81: {  	[sflag:s8] =	ssyncadd.s32 $0xFFFFD800  }
0x82: {  	_ =	swait.ge [sflag:s8], $0x2800  }
0x83: {  	[sflag:s8] =	ssyncset.done $0x0  }
0x84: {  	[sflag:s8] =	ssyncadd.s32 $0xFFFFD800  }
0x85: {  	_ =	swait.ge [sflag:s8], $0x2800  }
0x86: {  	[sflag:s8] =	ssyncset.done $0x0  }
0x87: {  	[sflag:s8] =	ssyncadd.s32 $0xFFFFD800  }
0x88: {  	_ =	swait.ge [sflag:s8], $0x2800  }
0x89: {  	[sflag:s8] =	ssyncset.done $0x0  }
0x8a: {  	[sflag:s8] =	ssyncadd.s32 $0xFFFFD800  }
0x8b: {  	[bflag:$0x0] =	sbarrier.arrive $0xFFFF  }
0x8c: {  	_ =	swait.ge [sflag:s11], $0x50  }
0x8d: {  	[sflag:s11] =	ssyncset.done $0x0  }
0x8e: {  	s28 =	simm.s32 $0x0;
	s14 =	simm.s32 $0xA;
	[sflag:s11] =	ssyncadd.s32 $0xFFFFFFB0  }
0x8f: {  	[tilespmem:s1], [sflag:$0x1] =	stream.indirect.gather [hbm4b:s4+s31], $0x80, s28, s31, $0xb8;
	[tilespmem:$0x1E280] =	vst v63  }
0x90: {  	_ =	swait.ge [sflag:s14], $0x50  }
0x91: {  	s8 =	simm.s32 $0x7A80;
	[sflag:s14] =	ssyncset.done $0x0  }
0x92: {  	s1 =	simm.s32 $0xA0;
	s29 =	rddreg [dreg:$0x16];
	[sflag:s14] =	ssyncadd.s32 $0xFFFFFFB0  }
0x93: {  	[tilespmem:s18], [sflag:$0x2] =	stream.indirect.gather [hbm4b:s4+s31], $0x80, s31, s31, $0xb8;
	[tilespmem:$0x1E280] =	vst v63  }
.LBB2_4:
0x94: {  	_ =	swait.ge [sflag:s15], $0x2800  }
0x95: {  	[sflag:s15] =	ssyncset.done $0x0  }
0x96: {  	[sflag:s15] =	ssyncadd.s32 $0xFFFFD800  }
0x97: {  	_ =	swait.ge [sflag:s16], $0x50  }
0x98: {  	s18 =	simm.s32 $0x140;
	p0 =	seq.s32 s28, $0x0;
	[sflag:s16] =	ssyncset.done $0x0  }
0x99: {  	s14 =	simm.s32 $0x280;
	s0 =	simm.s32 @!p0 $0x7;
	[sflag:s16] =	ssyncadd.s32 $0xFFFFFFB0  }
0x9a: {  	[spmem:s2] =	stream.indirect.scatter.add.f32 [tilespmem:s14], [sflag:$0x5], $0x80, s18, s31, $0xb8;
	[tilespmem:$0x1E280] =	vst v63  }
0x9b: {  	_ =	swait.ge @!p0 [sflag:s0], $0x2800  }
0x9c: {  	[sflag:s0] =	ssyncset.done @!p0 $0x0  }
0x9d: {  	[sflag:s0] =	ssyncadd.s32 @!p0 $0xFFFFD800  }
0x9e: {  	_ =	swait.ge [sflag:s17], $0x50  }
0x9f: {  	s0 =	rddreg [dreg:$0x19]  }
0xa0: {  	[sflag:s17] =	ssyncset.done $0x0;
	s7 =	rddreg [dreg:$0x6];
	s0 =	sadd.s32 @!p0 s28, s0  }
0xa1: {  	[sflag:s17] =	ssyncadd.s32 $0xFFFFFFB0;
	s0 =	smov.u32 @p0 s7  }
0xa2: {  	[tilespmem:s12], [sflag:$0x3] =	stream.indirect.gather [hbm4b:s4+s31], $0x80, s1, s31, $0xb8;
	[tilespmem:$0x1E280] =	vst v63  }
0xa3: {  	s7 =	rddreg [dreg:$0x18];
	s0 =	sadd.s32 s6, s0  }
0xa4: {  	[tilespmem:s10], [sflag:$0xF] =	stream.linear.gather [hbm4b:s0+s3], $0x50, $0x38;
	[tilespmem:$0x1E280] =	vst v63  }
0xa5: {  	s0 =	sadd.s32 s28, s7;
	s7 =	simm.s32 $0xF0  }
0xa6: {  	[tilespmem:s7], [sflag:$0xC] =	stream.linear.gather [hbm4b:s0+s3], $0x50, $0x38;
	[tilespmem:$0x1E280] =	vst v63  }
0xa7: {  	_ =	swait.ge [sflag:s21], $0x2800  }
0xa8: {  	[sflag:s21] =	ssyncset.done $0x0  }
0xa9: {  	[sflag:s21] =	ssyncadd.s32 $0xFFFFD800  }
0xaa: {  	_ =	swait.ge [sflag:s25], $0x50  }
0xab: {  	[sflag:s25] =	ssyncset.done $0x0  }
0xac: {  	s0 =	simm.s32 @!p0 $0x8;
	[sflag:s25] =	ssyncadd.s32 $0xFFFFFFB0  }
0xad: {  	[spmem:s2] =	stream.indirect.scatter.add.f32 [tilespmem:s20], [sflag:$0x6], $0x80, s19, s31, $0xb8;
	[tilespmem:$0x1E280] =	vst v63  }
0xae: {  	_ =	swait.ge @!p0 [sflag:s0], $0x2800  }
0xaf: {  	[sflag:s0] =	ssyncset.done @!p0 $0x0  }
0xb0: {  	[sflag:s0] =	ssyncadd.s32 @!p0 $0xFFFFD800  }
0xb1: {  	_ =	swait.ge [sflag:s30], $0x50  }
0xb2: {  	[sflag:s30] =	ssyncset.done $0x0  }
0xb3: {  	[sflag:s30] =	ssyncadd.s32 $0xFFFFFFB0  }
0xb4: {  	[tilespmem:s8], [sflag:$0x4] =	stream.indirect.gather [hbm4b:s4+s31], $0x80, s7, s31, $0xb8;
	[tilespmem:$0x1E280] =	vst v63  }
0xb5: {  	s7 =	rddreg [dreg:$0x17]  }
0xb6: {  	s0 =	sadd.s32 s28, s7  }
0xb7: {  	[tilespmem:s13], [sflag:$0x10] =	stream.linear.gather [hbm4b:s0+s3], $0x50, $0x38;
	[tilespmem:$0x1E280] =	vst v63  }
0xb8: {  	s7 =	rddreg [dreg:$0x3];
	s0 =	sshrl.u32 s29, $0x3  }
0xb9: {  	s7 =	sadd.s32 s7, s0  }
0xba: {  	[tilespmem:s3], [sflag:$0x9] =	stream.linear.gather [hbm4b:s7+s3], $0x50, $0x38;
	[tilespmem:$0x1E280] =	vst v63  }
0xbb: {  	_ =	swait.ge [sflag:s5], $0x2800  }
0xbc: {  	[sflag:s5] =	ssyncset.done $0x0  }
0xbd: {  	[sflag:s5] =	ssyncadd.s32 $0xFFFFD800  }
0xbe: {  	_ =	swait.ge [sflag:s9], $0x50  }
0xbf: {  	[sflag:s9] =	ssyncset.done $0x0  }
0xc0: {  	[sflag:s9] =	ssyncadd.s32 $0xFFFFFFB0  }
0xc1: {  	[spmem:s2] =	stream.indirect.scatter.add.f32 [tilespmem:s12], [sflag:$0x7], $0x80, s10, s31, $0xb8;
	[tilespmem:$0x1E280] =	vst v63  }
0xc2: {  	_ =	swait.ge [sflag:s22], $0x2800  }
0xc3: {  	[sflag:s22] =	ssyncset.done $0x0  }
0xc4: {  	[sflag:s22] =	ssyncadd.s32 $0xFFFFD800  }
0xc5: {  	p0 =	seq.s32 s28, $0x4B0;
	_ =	swait.ge [sflag:s11], $0x50  }
.Ltmp3:
0xc6: {  	[sflag:s11] =	ssyncset.done $0x0;
	(pc) =	sbr.rel @p0 .LBB2_6-.Ltmp3, $4  }
0xc7: {  	[sflag:s11] =	ssyncadd.s32 $0xFFFFFFB0  }
0xc8: {  	[tilespmem:s14], [sflag:$0x1] =	stream.indirect.gather [hbm4b:s4+s31], $0x80, s3, s31, $0xb8;
	[tilespmem:$0x1E280] =	vst v63  }
0xc9: {  	s0 =	sadd.s32 s6, s0;
	s7 =	simm.s32 $0x280  }
0xca: {  	[tilespmem:s18], [sflag:$0xD] =	stream.linear.gather [hbm4b:s0+s3], $0x50, $0x38;
	[tilespmem:$0x1E280] =	vst v63  }
0xcb: {  	s0 =	rddreg [dreg:$0x14]  }
0xcc: {  	s0 =	sadd.s32 s28, s0  }
0xcd: {  	[tilespmem:s31], [sflag:$0xA] =	stream.linear.gather [hbm4b:s0+s3], $0x50, $0x38;
	[tilespmem:$0x1E280] =	vst v63  }
0xce: {  	_ =	swait.ge [sflag:s23], $0x2800  }
0xcf: {  	[sflag:s23] =	ssyncset.done $0x0  }
0xd0: {  	[sflag:s23] =	ssyncadd.s32 $0xFFFFD800  }
0xd1: {  	_ =	swait.ge [sflag:s24], $0x50  }
0xd2: {  	[sflag:s24] =	ssyncset.done $0x0  }
0xd3: {  	[sflag:s24] =	ssyncadd.s32 $0xFFFFFFB0  }
0xd4: {  	[spmem:s2] =	stream.indirect.scatter.add.f32 [tilespmem:s8], [sflag:$0x8], $0x80, s13, s31, $0xb8;
	[tilespmem:$0x1E280] =	vst v63  }
0xd5: {  	_ =	swait.ge [sflag:s26], $0x2800  }
0xd6: {  	[sflag:s26] =	ssyncset.done $0x0  }
0xd7: {  	s7 =	simm.s32 $0xA;
	[sflag:s26] =	ssyncadd.s32 $0xFFFFD800  }
0xd8: {  	_ =	swait.ge [sflag:s7], $0x50  }
0xd9: {  	[sflag:s7] =	ssyncset.done $0x0  }
0xda: {  	[sflag:s7] =	ssyncadd.s32 $0xFFFFFFB0  }
0xdb: {  	[tilespmem:s20], [sflag:$0x2] =	stream.indirect.gather [hbm4b:s4+s31], $0x80, s31, s31, $0xb8;
	[tilespmem:$0x1E280] =	vst v63  }
.Ltmp4:
0xdc: {  	s14 =	rddreg [dreg:$0x13];
	(pc) =	sbr.rel .LBB2_4-.Ltmp4, $4  }
0xdd: {  	s18 =	rddreg [dreg:$0x15];
	s0 =	sadd.s32 s28, s14  }
0xde: {  	[tilespmem:s19], [sflag:$0xE] =	stream.linear.gather [hbm4b:s0+s3], $0x50, $0x38;
	[tilespmem:$0x1E280] =	vst v63  }
0xdf: {  	s29 =	sadd.s32 $0x140, s29;
	s0 =	sadd.s32 s28, s18;
	s28 =	sadd.s32 $0x28, s28  }
0xe0: {  	[tilespmem:s1], [sflag:$0xB] =	stream.linear.gather [hbm4b:s0+s3], $0x50, $0x38;
	[tilespmem:$0x1E280] =	vst v63  }
.LBB2_7:
0xe1: {  	_ =	sfence.sel $0x180000  }
0xe2: {  	[bflag:$0x0] =	sbarrier.arrive $0xFFFF  }
0xe3: {  	_ =	strace $0x9000004A  }
0xe4: {  	s0 =	stileid.u32;
	[bflag:$0x2] =	sbarrier.arrive $0xFFFF  }
0xe5: {  	p0 =	sne.s32 s0, $0x0;
	s0 =	rddreg [dreg:$0x2]  }
0xe6: {  	s0 =	sadd.s32 @!p0 $0x100000, s0  }
0xe7: {  	[sflag:s0] =	ssyncadd.tile.s32 @!p0 $0x1;
	_ =	shalt  }
.Lfunc_end2:
_tile_overlayer_lowered:
.L_overlay_start_2:
0xe8: {  	(tag) =	ssettag $0x2  }
0xe9: {  	s0 =	rddreg [dreg:$0x0];
	s2 =	stileid.u32  }
0xea: {  	s1 =	rddreg [dreg:$0x1];
	p0 =	sne.s32 s2, $0x0  }
0xeb: {  	s3 =	rddreg [dreg:$0x2];
	[bflag:$0x3] =	sbarrier.arrive $0xFFFF;
	s2 =	simm.s32 @!p0 $0x1C12  }
0xec: {  	[timem:s3], [sflag:s2] =	dma.local @!p0 [hbm:s0], s1  }
0xed: {  	s0 =	simm.s32 @!p0 $0x12  }
0xee: {  	_ =	swait.ge @!p0 [sflag:s0], s1  }
0xef: {  	s1 =	ssub.s32 @!p0 $0x0, s1;
	[sflag:s0] =	ssyncset.done @!p0 $0x0  }
0xf0: {  	[sflag:s0] =	ssyncadd.s32 @!p0 s1  }
0xf1: {  	[bflag:$0x3] =	sbarrier.arrive $0xFFFF  }
0xf2: {  	_ =	shalt  }

// kernel: kernel.14.cloned.1.call-start
scs
__scs_entry_jumppad:
0x0: {  	(pc) =	sbr.rel $0x88, $3  }
0x1: {  	(tag) =	ssettag $0x0;
	lr =	simm.s32 $0x1  }
0x2: {  	[smem:$0x3F99] =	sst lr;
	_ =	strace $0xD0000000  }
0x3: {  	_ = 	snop  }
0x4: {  	_ = 	snop  }
0x5: {  	_ = 	snop  }
0x6: {  	_ = 	snop  }
0x7: {  	_ = 	snop  }
__scs_overlays_trampoline_lowered:
0x8: {  	[smem:$0x3FA8] =	sst s0  }
0x9: {  	[smem:$0x3FA9] =	sst s1  }
0xa: {  	[smem:$0x3FAA] =	sst s2  }
0xb: {  	[smem:$0x3FAB] =	sst s3  }
0xc: {  	[smem:$0x3FAC] =	sst s4  }
0xd: {  	[smem:$0x3FAD] =	sst s5  }
0xe: {  	[smem:$0x3FAE] =	sst s6  }
0xf: {  	[smem:$0x3FAF] =	sst s7  }
0x10: {  	[smem:$0x3FB0] =	sst s8  }
0x11: {  	[smem:$0x3FB1] =	sst s9;
	s0 =	simm.s32 @!p0 $0x0  }
0x12: {  	s1 =	sld [smem:$0x3F97];
	s0 =	simm.s32 @p0 $0x1  }
0x13: {  	[smem:$0x3FB2] =	sst s0;
	s0 =	simm.s32 @!p1 $0x0  }
0x14: {  	s2 =	sld [smem:$0x3F96];
	s0 =	simm.s32 @p1 $0x1  }
0x15: {  	[smem:$0x3FB3] =	sst s0;
	s0 =	simm.s32 @!p2 $0x0  }
0x16: {  	s3 =	sld [smem:$0x3FDB];
	s0 =	simm.s32 @p2 $0x1  }
0x17: {  	s4 =	simm.s32 $0x1BF5;
	[smem:$0x3FB5] =	sst s0  }
0x18: {  	s0 =	sld [smem:$0x3F98];
	_ =	swait.ge [sflag:s4], $0x0  }
0x19: {  	s7 =	sld [smem:$0x3F99]  }
0x1a: {  	s8 =	sadd.s32 $0xFFFFE003, lr  }
0x1b: {  	s9 =	sadd.s32 $0xFFFFFEF7, lr;
	s5 =	simm.s32 $0xFFFFFFFF;
	p2 =	slt.u32 s8, $0xFFFFF086  }
0x1c: {  	p1 =	slt.u32 s9, $0xF7A;
	s5 =	simm.s32 @!p2 $0x0  }
0x1d: {  	s5 =	simm.s32 @p1 $0x1;
	p0 =	seq.s32 s7, s2  }
0x1e: {  	s7 =	smul.u32 @!p0 $0xF7A, s2;
	p2 =	seq.s32 @!p0 s5, $0x0  }
0x1f: {  	s9 =	smul.u32 $0xF7A, s1;
	s8 =	simm.s32 @!p0 $0x1BF5;
	p2 =	por !p2, p0  }
0x20: {  	[sflag:s8] =	ssyncset.s32 @!p0 $0xFFFFF086;
	s6 =	sadd.s32 @!p0 s3, s7;
	s7 =	simm.s32 @!p0 $0x108  }
0x21: {  	s3 =	sadd.s32 s3, s9;
	s6 =	sadd.s32 @!p0 $0x88, s6;
	s7 =	simm.s32 @p2 $0x1082  }
0x22: {  	[simem:s7], [sflag:s8] =	dma.local @!p0 [hbm:s6], $0xF7A  }
0x23: {  	s9 =	sor.u32 $0xD0000000, s2;
	s6 =	simm.s32 $0x108;
	_ =	swait.ge @!p0 [sflag:s8], $0x0  }
0x24: {  	s3 =	sadd.s32 $0x88, s3;
	s6 =	simm.s32 @!p1 $0x1082;
	[sflag:s4] =	ssyncset.s32 $0xFFFFF086  }
0x25: {  	[simem:s6], [sflag:s4] =	dma.local [hbm:s3], $0xF7A  }
0x26: {  	[smem:$0x3F99] =	sst s1;
	(tag) =	ssettag s2;
	_ =	strace s9  }
0x27: {  	s1 =	sld [smem:$0x3FA9]  }
0x28: {  	s2 =	sld [smem:$0x3FAA]  }
0x29: {  	s4 =	sld [smem:$0x3FAC]  }
0x2a: {  	p0 =	seq.s32 s5, $0x0;
	s5 =	sld [smem:$0x3FAD]  }
0x2b: {  	s6 =	sld [smem:$0x3FAE]  }
0x2c: {  	s7 =	sld [smem:$0x3FAF]  }
0x2d: {  	s3 =	simm.s32 $0x108;
	s8 =	sld [smem:$0x3FB0]  }
0x2e: {  	s3 =	simm.s32 @!p0 $0x1082;
	s9 =	sld [smem:$0x3FB1]  }
0x2f: {  	lr =	sadd.s32 s0, s3;
	s0 =	sld [smem:$0x3FA8]  }
0x30: {  	s3 =	sld [smem:$0x3FAB]  }
0x31: {  	[smem:$0x3FB4] =	sst s10  }
0x32: {  	s10 =	sld [smem:$0x3FB2];
	_ =	sdelay $0x3  }
0x33: {  	p0 =	seq.s32 s10, $0x1;
	s10 =	sld [smem:$0x3FB4];
	_ =	sdelay $0x3  }
0x34: {  	[smem:$0x3FB4] =	sst s10  }
0x35: {  	s10 =	sld [smem:$0x3FB3];
	_ =	sdelay $0x3  }
0x36: {  	p1 =	seq.s32 s10, $0x1;
	s10 =	sld [smem:$0x3FB4];
	_ =	sdelay $0x3  }
0x37: {  	[smem:$0x3FB4] =	sst s10  }
0x38: {  	s10 =	sld [smem:$0x3FB5]  }
0x39: {  	_ = 	snop;
	(pc) =	sbr.ind lr, $3  }
0x3a: {  	_ = 	snop  }
0x3b: {  	_ = 	snop  }
0x3c: {  	p2 =	seq.s32 s10, $0x1;
	s10 =	sld [smem:$0x3FB4]  }
0x3d: {  	_ =	shalt  }
0x3e: {  	_ =	shalt  }
0x3f: {  	_ =	shalt  }
0x40: {  	_ =	shalt  }
0x41: {  	_ =	shalt  }
0x42: {  	_ =	shalt  }
0x43: {  	_ =	shalt  }
0x44: {  	_ =	shalt  }
0x45: {  	_ =	shalt  }
0x46: {  	_ =	shalt  }
0x47: {  	_ =	shalt  }
0x48: {  	_ =	shalt  }
0x49: {  	_ =	shalt  }
0x4a: {  	_ =	shalt  }
0x4b: {  	_ =	shalt  }
0x4c: {  	_ =	shalt  }
0x4d: {  	_ =	shalt  }
0x4e: {  	_ =	shalt  }
0x4f: {  	_ =	shalt  }
0x50: {  	_ =	shalt  }
0x51: {  	_ =	shalt  }
0x52: {  	_ =	shalt  }
0x53: {  	_ =	shalt  }
0x54: {  	_ =	shalt  }
0x55: {  	_ =	shalt  }
0x56: {  	_ =	shalt  }
0x57: {  	_ =	shalt  }
0x58: {  	_ =	shalt  }
0x59: {  	_ =	shalt  }
0x5a: {  	_ =	shalt  }
0x5b: {  	_ =	shalt  }
0x5c: {  	_ =	shalt  }
0x5d: {  	_ =	shalt  }
0x5e: {  	_ =	shalt  }
0x5f: {  	_ =	shalt  }
0x60: {  	_ =	shalt  }
0x61: {  	_ =	shalt  }
0x62: {  	_ =	shalt  }
0x63: {  	_ =	shalt  }
0x64: {  	_ =	shalt  }
0x65: {  	_ =	shalt  }
0x66: {  	_ =	shalt  }
0x67: {  	_ =	shalt  }
0x68: {  	_ =	shalt  }
0x69: {  	_ =	shalt  }
0x6a: {  	_ =	shalt  }
0x6b: {  	_ =	shalt  }
0x6c: {  	_ =	shalt  }
0x6d: {  	_ =	shalt  }
0x6e: {  	_ =	shalt  }
0x6f: {  	_ =	shalt  }
0x70: {  	_ =	shalt  }
0x71: {  	_ =	shalt  }
0x72: {  	_ =	shalt  }
0x73: {  	_ =	shalt  }
0x74: {  	_ =	shalt  }
0x75: {  	_ =	shalt  }
0x76: {  	_ =	shalt  }
0x77: {  	_ =	shalt  }
0x78: {  	_ =	shalt  }
0x79: {  	_ =	shalt  }
0x7a: {  	_ =	shalt  }
0x7b: {  	_ =	shalt  }
0x7c: {  	_ =	shalt  }
0x7d: {  	_ =	shalt  }
0x7e: {  	_ =	shalt  }
0x7f: {  	_ =	shalt  }
0x80: {  	_ =	shalt  }
0x81: {  	_ =	shalt  }
0x82: {  	_ =	shalt  }
0x83: {  	_ =	shalt  }
0x84: {  	_ =	shalt  }
0x85: {  	_ =	shalt  }
0x86: {  	_ =	shalt  }
0x87: {  	_ =	shalt  }
.Lfunc_end0:
.L_simem_size_0:
called_computation.2_lowered:
.L_overlay_start_0:
0x88: {  	s2 =	sld [smem:$0x3FD9]  }
0x89: {  	s3 =	sld [smem:$0x3FFE];
	_ =	sdelay $0x1  }
0x8a: {  	s1 =	srdreg.scid  }
0x8b: {  	s0 =	sand.u32 $0x1, s1  }
0x8c: {  	s17 =	sshll.u32 s0, $0xA;
	s2 =	sadd.s32 s3, s2  }
0x8d: {  	s2 =	sadd.s32 s2, s17  }
0x8e: {  	[smem:$0x3FC0] =	sst s2  }
0x8f: {  	_ = 	snop  }
0x90: {  	s2 =	sld [smem:$0x3FD0];
	(tm) =	ssettm $0x1  }
0x91: {  	s18 =	sld [smem:$0x3FFB];
	_ =	sdelay $0x3  }
0x92: {  	_ =	strace s18  }
0x93: {  	s3 =	sld [smem:$0x3FFC];
	_ =	sdelay $0x3  }
0x94: {  	_ =	strace s3  }
0x95: {  	s3 =	sld [smem:$0x3FFD];
	_ =	sdelay $0x3  }
0x96: {  	_ =	strace s3  }
0x97: {  	_ =	strace $0x8FFFFFFF  }
0x98: {  	s19 =	sld [smem:$0x3FDB];
	_ =	sdelay $0x1  }
0x99: {  	s4 =	simm.s32 $_scs_section_size  }
0x9a: {  	s5 =	simm.s32 $_size__tile_overlayer_lowered;
	s6 =	simm.s32 $_tile_overlayer_lowered  }
0x9b: {  	s22 =	simm.s32 $0x1BFF;
	s21 =	sshll.u32 s6, $0x1;
	s3 =	sadd.s32 s4, s19  }
0x9c: {  	s7 =	simm.s32 $0x0;
	s20 =	sshll.u32 s5, $0x1;
	s5 =	sadd.s32 s21, s3  }
0x9d: {  	[timem:s7], [sflag:s22] =	dma.local [hbm:s5], s20  }
0x9e: {  	_ =	swait.ge [sflag:s22], s20  }
0x9f: {  	s4 =	ssub.s32 $0x0, s20;
	[sflag:s22] =	ssyncset.done $0x0  }
0xa0: {  	[sflag:s22] =	ssyncadd.s32 s4;
	_ =	sdelay $0x1  }
0xa1: {  	s23 =	simm.s32 $0x1B8B  }
0xa2: {  	_ =	swait.ge [sflag:s23], $0x1  }
0xa3: {  	[sflag:s23] =	ssyncset.done $0x0  }
0xa4: {  	s25 =	simm.s32 $0x1B8E;
	s24 =	sld [smem:$0x3FFE];
	[sflag:s23] =	ssyncadd.s32 $0xFFFFFFFF  }
0xa5: {  	s26 =	simm.s32 $execute0_lowered;
	[smem:$0x3FD2] =	sst s25  }
0xa6: {  	s5 =	sshll.u32 s26, $0x1;
	_ =	strace $0x8000004C;
	[dreg:$0x1] =	wrdreg $0xFFFFFFFF  }
0xa7: {  	s28 =	simm.s32 $_size_execute0_lowered;
	s3 =	sadd.s32 s3, s5;
	[dreg:$0x0] =	wrdreg $0x0  }
0xa8: {  	s5 =	sshll.u32 s28, $0x1;
	[dreg:$0x2] =	wrdreg s3  }
0xa9: {  	[dreg:$0x3] =	wrdreg s5  }
0xaa: {  	[dreg:$0x4] =	wrdreg $0xC0  }
0xab: {  	_ =	task [dreg:s7], $0x5FFFF  }
0xac: {  	[dreg:$0x1] =	wrdreg $0xFFFFFFFF  }
0xad: {  	[dreg:$0x0] =	wrdreg $0x60  }
0xae: {  	[dreg:$0x2] =	wrdreg s24  }
0xaf: {  	[dreg:$0x3] =	wrdreg s2  }
0xb0: {  	[dreg:$0x4] =	wrdreg $0x81000  }
0xb1: {  	[dreg:$0x5] =	wrdreg $0x9  }
0xb2: {  	_ =	task.clear_ibuf [dreg:s7], $0x6FFFF;
	_ =	strace $0x9000004C  }
0xb3: {  	s29 =	simm.s32 $0x9;
	_ =	strace $0x8000004E  }
0xb4: {  	_ =	swait.ge [sflag:s29], $0x1  }
0xb5: {  	[sflag:s29] =	ssyncadd.s32 $0xFFFFFFFF  }
0xb6: {  	_ =	strace $0x9000004E  }
0xb7: {  	_ =	sfence  }
0xb8: {  	s30 =	sld [smem:$0x0];
	_ =	sdelay $0x2  }
0xb9: {  	s31 =	sshll.u32 s1, $0xD;
	s1 =	sshrl.u32 s1, $0x2  }
0xba: {  	s3 =	sand.u32 $0x4000, s31;
	s1 =	sadd.s32 s1, s30  }
0xbb: {  	s0 =	sor.u32 s3, s0;
	s1 =	sshll.u32 s1, $0x11  }
0xbc: {  	s0 =	sor.u32 s1, s0  }
0xbd: {  	s0 =	sadd.s32 $0x8F2B, s0  }
0xbe: {  	[sflag:s0] =	ssyncadd.remote.s32 $0x1  }
0xbf: {  	_ =	sfence.sel $0xFFFF  }
0xc0: {  	[dreg:$0x0] =	wrdreg $0xFFFFFFFF;
	(pc) =	sbr.abs _section_cstart, $3  }
0xc1: {  	[dreg:$0x1] =	wrdreg $0xFFFFFFFF  }
0xc2: {  	_ =	task.clear_ibuf [dreg:s7], $0x2FFFF;
	_ =	strace $0x9FFFFFFF  }
0xc3: {  	(tm) =	ssettm $0x7FFFFFFF  }
tec
execute0_lowered:
.L_overlay_start_1:
0x0: {  	(tag) =	ssettag $0x1  }
0x1: {  	s0 =	rddreg [dreg:$0x0]  }
0x2: {  	s1 =	rddreg [dreg:$0x1]  }
0x3: {  	s2 =	rddreg [dreg:$0x2];
	s4 =	srdreg.scid  }
0x4: {  	s5 =	stileid.u32;
	s3 =	simm.s32 $0x0;
	s30 =	simm.s32 $0x100  }
0x5: {  	s29 =	simm.s32 $0x10;
	s31 =	simm.s32 $0x6;
	s8 =	smul.u32 $0xA000, s5  }
0x6: {  	s7 =	sand.u32 $0x1, s4;
	[smem:$0x7FF] =	sst s3;
	s19 =	smul.u32 $0x28000, s5  }
0x7: {  	s4 =	sadd.s32 $0x2A00, s0;
	s13 =	sadd.s32 $0x8E600, s0;
	s24 =	smul.u32 $0x50, s5  }
0x8: {  	s6 =	smul.u32 $0xA0000, s7;
	_ =	strace $0x8000004D;
	s9 =	sshll.u32 s7, $0x4  }
0x9: {  	s10 =	ssub.s32 $0x2, s7;
	s7 =	smul.u32 $0x500, s7;
	[dreg:$0x4] =	wrdreg s13  }
0xa: {  	s9 =	sor.u32 s5, s9;
	s12 =	sshrl.u32 s10, $0x1;
	s22 =	sshrl.u32 s19, $0x2  }
0xb: {  	s28 =	sadd.s32 s8, s2;
	s6 =	sadd.s32 s8, s6;
	s11 =	smul.u32 $0x500, s9  }
0xc: {  	s16 =	smul.u32 $0x50, s9;
	s17 =	ssub.s32 s10, s12;
	s23 =	sadd.s32 s22, s2  }
0xd: {  	s7 =	sadd.s32 s24, s7;
	s9 =	simm.s32 $0x61C0;
	s8 =	simm.s32 $0x4  }
0xe: {  	[dreg:$0xa] =	wrdreg s28;
	s6 =	sshrl.u32 s6, $0x3;
	s25 =	sadd.s32 $0x1400, s23  }
0xf: {  	s26 =	sadd.s32 $0x2800, s23;
	s12 =	sadd.s32 $0x5000, s23;
	[dreg:$0x5] =	wrdreg s16  }
0x10: {  	s15 =	sadd.s32 $0x7800, s23;
	s7 =	sshll.u32 s7, $0x4;
	[dreg:$0xb] =	wrdreg s25  }
0x11: {  	s17 =	smax.u32 s17, $0x1;
	s0 =	sadd.s32 s6, s0;
	[dreg:$0xc] =	wrdreg s26  }
0x12: {  	s18 =	sor.u32 $0x10, s11;
	s20 =	sadd.s32 s1, s11;
	[dreg:$0xe] =	wrdreg s12  }
0x13: {  	s11 =	sadd.s32 s13, s11;
	[dreg:$0x10] =	wrdreg s15;
	s16 =	sadd.s32 $0x8C00, s23  }
0x14: {  	[dreg:$0x13] =	wrdreg s17;
	s19 =	sadd.s32 s7, s13;
	s12 =	simm.s32 $0x2340  }
0x15: {  	s15 =	simm.s32 $0xB;
	s6 =	simm.s32 $0x0;
	[dreg:$0x8] =	wrdreg s11  }
0x16: {  	s14 =	sadd.s32 s1, s18;
	s10 =	sadd.s32 s13, s18;
	[dreg:$0x11] =	wrdreg s16  }
0x17: {  	s11 =	sadd.s32 $0x3C00, s23;
	s0 =	sadd.s32 $0x16A00, s0;
	[dreg:$0x6] =	wrdreg s20  }
0x18: {  	s18 =	sor.u32 $0x40, s7;
	s24 =	sadd.s32 $0x30, s19;
	[dreg:$0x7] =	wrdreg s14  }
0x19: {  	s25 =	sadd.s32 $0x20, s19;
	s20 =	sadd.s32 $0x20, s20;
	[dreg:$0x9] =	wrdreg s10  }
0x1a: {  	s19 =	simm.s32 $0x2;
	[dreg:$0xd] =	wrdreg s11;
	s14 =	sadd.s32 $0x6400, s23  }
0x1b: {  	[dreg:$0x12] =	wrdreg s0;
	s21 =	sadd.s32 s18, s13;
	s22 =	sadd.s32 s18, s1  }
.Ltmp0:
0x1c: {  	s23 =	sadd.s32 s7, s1;
	[dreg:$0x14] =	wrdreg s20;
	(pc) =	sbr.rel .LBB2_1-.Ltmp0, $4  }
0x1d: {  	s0 =	simm.s32 $0x280;
	s10 =	simm.s32 $0x7D;
	s7 =	simm.s32 $0xA  }
0x1e: {  	s13 =	simm.s32 $0x1;
	s18 =	simm.s32 $0x180;
	s20 =	simm.s32 $0xE  }
0x1f: {  	s11 =	simm.s32 $0x380;
	[dreg:$0xf] =	wrdreg s14;
	s26 =	sadd.s32 $0x60, s23  }
0x20: {  	v0 =	vimm.f32 $0.0e+00;
	s14 =	simm.s32 $0xD;
	[dreg:$0x15] =	wrdreg s26;
	s26 =	simm.s32 $0xC  }
.LBB2_6:
0x21: {  	s1 =	simm.s32 $0x7  }
0x22: {  	_ =	swait.ge [sflag:s1], $0x1F40  }
0x23: {  	[sflag:s1] =	ssyncset.done $0x0  }
0x24: {  	s5 =	simm.s32 $0x8;
	[sflag:s1] =	ssyncadd.s32 $0xFFFFE0C0  }
0x25: {  	_ =	swait.ge [sflag:s5], $0x1F40  }
0x26: {  	[sflag:s5] =	ssyncset.done $0x0  }
0x27: {  	[sflag:s5] =	ssyncadd.s32 $0xFFFFE0C0  }
0x28: {  	s6 =	stileid.u32;
	[bflag:$0x0] =	sbarrier.arrive $0xFFFF  }
0x29: {  	s1 =	sshll.u32 s6, $0x6;
	s28 =	rddreg [dreg:$0xa]  }
0x2a: {  	s1 =	sor.u32 $0x1C12, s1;
	s6 =	rddreg [dreg:$0x12];
	s5 =	sshrl.u32 s28, $0x3  }
0x2b: {  	[hbm:s6], [sflag:s1] =	dma.local [spmem:s5], $0x1400  }
0x2c: {  	s5 =	simm.s32 $0x12  }
0x2d: {  	_ =	swait.ge [sflag:s5], $0x1400  }
0x2e: {  	s16 =	rddreg [dreg:$0x16]  }
0x2f: {  	s17 =	rddreg [dreg:$0x13];
	s6 =	sadd.s32 $0x1, s16  }
0x30: {  	p0 =	sne.s32 s6, s17  }
.Ltmp1:
0x31: {  	_ = 	snop;
	(pc) =	sbr.rel @!p0 .LBB2_7-.Ltmp1, $3  }
0x32: {  	_ =	sdelay $0x1  }
0x33: {  	[sflag:s5] =	ssyncset.done $0x0  }
0x34: {  	[sflag:s5] =	ssyncadd.s32 $0xFFFFEC00  }
.LBB2_1:
0x35: {  	[dreg:$0x16] =	wrdreg s6  }
0x36: {  	s1 =	rddreg [dreg:$0x6]  }
0x37: {  	[tilespmem:s3], [sflag:$0x9] =	stream.linear.gather [hbm4b:s1+s3], $0x80, $0x38;
	[tilespmem:$0x12100] =	vst v63  }
0x38: {  	s17 =	rddreg [dreg:$0x7];
	s5 =	simm.s32 $0x80  }
0x39: {  	[tilespmem:s5], [sflag:$0xA] =	stream.linear.gather [hbm4b:s17+s3], $0x80, $0x38;
	[tilespmem:$0x12100] =	vst v63  }
0x3a: {  	s5 =	rddreg [dreg:$0x14]  }
0x3b: {  	[tilespmem:s30], [sflag:$0xB] =	stream.linear.gather [hbm4b:s5+s3], $0x80, $0x38;
	[tilespmem:$0x12100] =	vst v63  }
0x3c: {  	s6 =	rddreg [dreg:$0x8];
	s16 =	simm.s32 $0x200  }
0x3d: {  	[tilespmem:s16], [sflag:$0xD] =	stream.linear.gather [hbm4b:s6+s3], $0x80, $0x38;
	[tilespmem:$0x12100] =	vst v63  }
0x3e: {  	s17 =	rddreg [dreg:$0x9];
	s16 =	simm.s32 $0x420  }
0x3f: {  	[tilespmem:s0], [sflag:$0xE] =	stream.linear.gather [hbm4b:s17+s3], $0x80, $0x38;
	[tilespmem:$0x12100] =	vst v63  }
0x40: {  	[tilespmem:s16+$0xFFFFFFE0] =	vst v0  }
0x41: {  	[tilespmem:s16+$0x10] =	vst v0  }
0x42: {  	s17 =	simm.s32 $0x0;
	[tilespmem:s16+$0x0] =	vst v0  }
.LBB2_2:
0x43: {  	s17 =	sadd.s32 $0x4, s17  }
0x44: {  	[tilespmem:s16+$0xFFFFFFF0] =	vst v0;
	s16 =	sadd.s32 $0x40, s16;
	p0 =	slt.u32 s17, $0x13C  }
.Ltmp2:
0x45: {  	[tilespmem:s16+$0xFFFFFFE0] =	vst v0;
	(pc) =	sbr.rel @p0 .LBB2_2-.Ltmp2, $3  }
0x46: {  	_ =	sdelay $0x1  }
0x47: {  	[tilespmem:s16+$0x10] =	vst v0  }
0x48: {  	[tilespmem:s16+$0x0] =	vst v0  }
0x49: {  	[tilespmem:s16+$0xFFFFFFF0] =	vst v0;
	s5 =	simm.s32 $0x400  }
0x4a: {  	[spmem:s28] =	stream.linear.scatter [tilespmem:s5], [sflag:$0x11], $0x1400, $0x38;
	[tilespmem:$0x12100] =	vst v63  }
0x4b: {  	s1 =	rddreg [dreg:$0xb]  }
0x4c: {  	[spmem:s1] =	stream.linear.scatter [tilespmem:s5], [sflag:$0x11], $0x1400, $0x38;
	[tilespmem:$0x12100] =	vst v63  }
0x4d: {  	s28 =	rddreg [dreg:$0xc]  }
0x4e: {  	[spmem:s28] =	stream.linear.scatter [tilespmem:s5], [sflag:$0x11], $0x1400, $0x38;
	[tilespmem:$0x12100] =	vst v63  }
0x4f: {  	s6 =	rddreg [dreg:$0xd]  }
0x50: {  	[spmem:s6] =	stream.linear.scatter [tilespmem:s5], [sflag:$0x11], $0x1400, $0x38;
	[tilespmem:$0x12100] =	vst v63  }
0x51: {  	s16 =	rddreg [dreg:$0xe]  }
0x52: {  	[spmem:s16] =	stream.linear.scatter [tilespmem:s5], [sflag:$0x11], $0x1400, $0x38;
	[tilespmem:$0x12100] =	vst v63  }
0x53: {  	s17 =	rddreg [dreg:$0xf]  }
0x54: {  	[spmem:s17] =	stream.linear.scatter [tilespmem:s5], [sflag:$0x11], $0x1400, $0x38;
	[tilespmem:$0x12100] =	vst v63  }
0x55: {  	s28 =	rddreg [dreg:$0x10]  }
0x56: {  	[spmem:s28] =	stream.linear.scatter [tilespmem:s5], [sflag:$0x11], $0x1400, $0x38;
	[tilespmem:$0x12100] =	vst v63  }
0x57: {  	s6 =	rddreg [dreg:$0x11];
	s16 =	simm.s32 $0x11  }
0x58: {  	[spmem:s6] =	stream.linear.scatter [tilespmem:s5], [sflag:$0x11], $0x1400, $0x38;
	[tilespmem:$0x12100] =	vst v63  }
0x59: {  	_ =	swait.ge [sflag:s16], $0x1400  }
0x5a: {  	[sflag:s16] =	ssyncset.done $0x0  }
0x5b: {  	[sflag:s16] =	ssyncadd.s32 $0xFFFFEC00  }
0x5c: {  	_ =	swait.ge [sflag:s16], $0x1400  }
0x5d: {  	[sflag:s16] =	ssyncset.done $0x0  }
0x5e: {  	[sflag:s16] =	ssyncadd.s32 $0xFFFFEC00  }
0x5f: {  	_ =	swait.ge [sflag:s16], $0x1400  }
0x60: {  	[sflag:s16] =	ssyncset.done $0x0  }
0x61: {  	[sflag:s16] =	ssyncadd.s32 $0xFFFFEC00  }
0x62: {  	_ =	swait.ge [sflag:s16], $0x1400  }
0x63: {  	[sflag:s16] =	ssyncset.done $0x0  }
0x64: {  	[sflag:s16] =	ssyncadd.s32 $0xFFFFEC00  }
0x65: {  	_ =	swait.ge [sflag:s16], $0x1400  }
0x66: {  	[sflag:s16] =	ssyncset.done $0x0  }
0x67: {  	[sflag:s16] =	ssyncadd.s32 $0xFFFFEC00  }
0x68: {  	_ =	swait.ge [sflag:s16], $0x1400  }
0x69: {  	[sflag:s16] =	ssyncset.done $0x0  }
0x6a: {  	[sflag:s16] =	ssyncadd.s32 $0xFFFFEC00  }
0x6b: {  	_ =	swait.ge [sflag:s16], $0x1400  }
0x6c: {  	[sflag:s16] =	ssyncset.done $0x0  }
0x6d: {  	[sflag:s16] =	ssyncadd.s32 $0xFFFFEC00  }
0x6e: {  	_ =	swait.ge [sflag:s16], $0x1400  }
0x6f: {  	[sflag:s16] =	ssyncset.done $0x0  }
0x70: {  	[sflag:s16] =	ssyncadd.s32 $0xFFFFEC00  }
0x71: {  	s17 =	simm.s32 $0x9;
	[bflag:$0x0] =	sbarrier.arrive $0xFFFF  }
0x72: {  	_ =	swait.ge [sflag:s17], $0x80  }
0x73: {  	[sflag:s17] =	ssyncset.done $0x0  }
0x74: {  	s16 =	simm.s32 $0x0;
	[sflag:s17] =	ssyncadd.s32 $0xFFFFFF80  }
0x75: {  	[tilespmem:s5], [sflag:$0x1] =	stream.indirect.gather [hbm4b:s4+s10], $0x40, s16, s10, $0xb8;
	[tilespmem:$0x12100] =	vst v63  }
0x76: {  	_ =	swait.ge [sflag:s7], $0x80  }
0x77: {  	[sflag:s7] =	ssyncset.done $0x0  }
0x78: {  	s28 =	simm.s32 $0x80;
	s17 =	simm.s32 $0x5;
	[sflag:s7] =	ssyncadd.s32 $0xFFFFFF80  }
0x79: {  	[tilespmem:s12], [sflag:$0x2] =	stream.indirect.gather [hbm4b:s4+s10], $0x40, s28, s10, $0xb8;
	[tilespmem:$0x12100] =	vst v63  }
.LBB2_4:
0x7a: {  	_ =	swait.ge [sflag:s13], $0x1F40  }
0x7b: {  	[sflag:s13] =	ssyncset.done $0x0  }
0x7c: {  	[sflag:s13] =	ssyncadd.s32 $0xFFFFE0C0  }
0x7d: {  	_ =	swait.ge [sflag:s14], $0x80  }
0x7e: {  	s1 =	simm.s32 $0x200;
	[sflag:s14] =	ssyncset.done $0x0  }
0x7f: {  	s5 =	simm.s32 $0x400;
	p0 =	seq.s32 s16, $0x0;
	[sflag:s14] =	ssyncadd.s32 $0xFFFFFF80  }
0x80: {  	[spmem:s2] =	stream.indirect.scatter.add.f32 [tilespmem:s5], [sflag:$0x5], $0x40, s1, s10, $0xb8;
	[tilespmem:$0x12100] =	vst v63  }
0x81: {  	s1 =	simm.s32 @!p0 $0x7  }
0x82: {  	_ =	swait.ge @!p0 [sflag:s1], $0x1F40  }
0x83: {  	[sflag:s1] =	ssyncset.done @!p0 $0x0  }
0x84: {  	[sflag:s1] =	ssyncadd.s32 @!p0 $0xFFFFE0C0  }
0x85: {  	_ =	swait.ge [sflag:s15], $0x80  }
0x86: {  	[sflag:s15] =	ssyncset.done $0x0  }
0x87: {  	s5 =	simm.s32 $0x4280;
	[sflag:s15] =	ssyncadd.s32 $0xFFFFFF80  }
0x88: {  	[tilespmem:s5], [sflag:$0x3] =	stream.indirect.gather [hbm4b:s4+s10], $0x40, s30, s10, $0xb8;
	[tilespmem:$0x12100] =	vst v63  }
0x89: {  	s6 =	sadd.s32 s16, s25;
	s28 =	simm.s32 $0x300  }
0x8a: {  	[tilespmem:s28], [sflag:$0xF] =	stream.linear.gather [hbm4b:s6+s3], $0x80, $0x38;
	[tilespmem:$0x12100] =	vst v63  }
0x8b: {  	s6 =	sadd.s32 s16, s23  }
0x8c: {  	s1 =	sadd.s32 $0x30, s6  }
0x8d: {  	[tilespmem:s18], [sflag:$0xC] =	stream.linear.gather [hbm4b:s1+s3], $0x80, $0x38;
	[tilespmem:$0x12100] =	vst v63  }
0x8e: {  	_ =	swait.ge [sflag:s19], $0x1F40  }
0x8f: {  	[sflag:s19] =	ssyncset.done $0x0  }
0x90: {  	[sflag:s19] =	ssyncadd.s32 $0xFFFFE0C0  }
0x91: {  	_ =	swait.ge [sflag:s20], $0x80  }
0x92: {  	[sflag:s20] =	ssyncset.done $0x0  }
0x93: {  	s1 =	simm.s32 @!p0 $0x8;
	[sflag:s20] =	ssyncadd.s32 $0xFFFFFF80  }
0x94: {  	[spmem:s2] =	stream.indirect.scatter.add.f32 [tilespmem:s12], [sflag:$0x6], $0x40, s0, s10, $0xb8;
	[tilespmem:$0x12100] =	vst v63  }
0x95: {  	_ =	swait.ge @!p0 [sflag:s1], $0x1F40  }
0x96: {  	[sflag:s1] =	ssyncset.done @!p0 $0x0  }
0x97: {  	[sflag:s1] =	ssyncadd.s32 @!p0 $0xFFFFE0C0  }
0x98: {  	_ =	swait.ge [sflag:s26], $0x80  }
0x99: {  	[sflag:s26] =	ssyncset.done $0x0  }
0x9a: {  	p0 =	seq.s32 s16, $0x4C0;
	[sflag:s26] =	ssyncadd.s32 $0xFFFFFF80  }
0x9b: {  	[tilespmem:s9], [sflag:$0x4] =	stream.indirect.gather [hbm4b:s4+s10], $0x40, s18, s10, $0xb8;
	[tilespmem:$0x12100] =	vst v63  }
0x9c: {  	s28 =	sadd.s32 s16, s24;
	s1 =	simm.s32 @p0 $0x3  }
0x9d: {  	[tilespmem:s11], [sflag:$0x10] =	stream.linear.gather [hbm4b:s28+s3], $0x80, $0x38;
	[tilespmem:$0x12100] =	vst v63  }
0x9e: {  	_ =	swait.ge @p0 [sflag:s1], $0x1F40  }
0x9f: {  	[sflag:s1] =	ssyncset.done @p0 $0x0  }
0xa0: {  	[sflag:s1] =	ssyncadd.s32 @p0 $0xFFFFE0C0;
	s1 =	simm.s32 @p0 $0xF  }
0xa1: {  	_ =	swait.ge @p0 [sflag:s1], $0x80  }
0xa2: {  	s5 =	simm.s32 @p0 $0x300;
	[sflag:s1] =	ssyncset.done @p0 $0x0  }
0xa3: {  	s6 =	simm.s32 @p0 $0x4280;
	[sflag:s1] =	ssyncadd.s32 @p0 $0xFFFFFF80;
	s1 =	simm.s32 @p0 $0x7D  }
0xa4: {  	[spmem:s2] =	stream.indirect.scatter.add.f32 @p0 [tilespmem:s6], [sflag:$0x7], $0x40, s5, s1, $0xb8;
	[tilespmem:$0x12100] =	vst v63  }
0xa5: {  	s1 =	simm.s32 @p0 $0x5  }
0xa6: {  	_ =	swait.ge @p0 [sflag:s1], $0x1F40  }
0xa7: {  	[sflag:s1] =	ssyncset.done @p0 $0x0  }
0xa8: {  	s5 =	simm.s32 @!p0 $0x0;
	[sflag:s1] =	ssyncadd.s32 @p0 $0xFFFFE0C0;
	s1 =	sadd.s32 @!p0 s16, s22  }
0xa9: {  	[tilespmem:s5], [sflag:$0x9] =	stream.linear.gather @!p0 [hbm4b:s1+s5], $0x80, $0x38;
	[tilespmem:$0x12100] =	vst v63  }
0xaa: {  	s1 =	simm.s32 @!p0 $0x3  }
0xab: {  	_ =	swait.ge @!p0 [sflag:s1], $0x1F40  }
0xac: {  	[sflag:s1] =	ssyncset.done @!p0 $0x0  }
0xad: {  	[sflag:s1] =	ssyncadd.s32 @!p0 $0xFFFFE0C0;
	s1 =	simm.s32 @!p0 $0xF  }
0xae: {  	_ =	swait.ge @!p0 [sflag:s1], $0x80  }
0xaf: {  	s28 =	simm.s32 @!p0 $0x4280;
	[sflag:s1] =	ssyncset.done @!p0 $0x0  }
0xb0: {  	s6 =	simm.s32 @!p0 $0x300;
	[sflag:s1] =	ssyncadd.s32 @!p0 $0xFFFFFF80;
	s1 =	simm.s32 @!p0 $0x7D  }
0xb1: {  	[spmem:s2] =	stream.indirect.scatter.add.f32 @!p0 [tilespmem:s28], [sflag:$0x7], $0x40, s6, s1, $0xb8;
	[tilespmem:$0x12100] =	vst v63  }
0xb2: {  	s6 =	simm.s32 @!p0 $0x5  }
0xb3: {  	_ =	swait.ge @!p0 [sflag:s6], $0x1F40  }
0xb4: {  	[sflag:s6] =	ssyncset.done @!p0 $0x0  }
0xb5: {  	[sflag:s6] =	ssyncadd.s32 @!p0 $0xFFFFE0C0;
	s6 =	simm.s32 @!p0 $0x9  }
0xb6: {  	_ =	swait.ge @!p0 [sflag:s6], $0x80  }
0xb7: {  	[sflag:s6] =	ssyncset.done @!p0 $0x0  }
0xb8: {  	[sflag:s6] =	ssyncadd.s32 @!p0 $0xFFFFFF80;
	s6 =	simm.s32 @!p0 $0x400  }
0xb9: {  	[tilespmem:s6], [sflag:$0x1] =	stream.indirect.gather @!p0 [hbm4b:s4+s1], $0x40, s5, s1, $0xb8;
	[tilespmem:$0x12100] =	vst v63  }
0xba: {  	s1 =	sadd.s32 @!p0 s16, s21;
	s6 =	simm.s32 @!p0 $0x200  }
0xbb: {  	[tilespmem:s6], [sflag:$0xD] =	stream.linear.gather @!p0 [hbm4b:s1+s5], $0x80, $0x38;
	[tilespmem:$0x12100] =	vst v63  }
0xbc: {  	s1 =	sadd.s32 @!p0 s16, s23  }
0xbd: {  	s6 =	simm.s32 @!p0 $0x80;
	s1 =	sadd.s32 @!p0 $0x50, s1  }
0xbe: {  	[tilespmem:s6], [sflag:$0xA] =	stream.linear.gather @!p0 [hbm4b:s1+s5], $0x80, $0x38;
	[tilespmem:$0x12100] =	vst v63  }
0xbf: {  	_ =	swait.ge [sflag:s8], $0x1F40  }
0xc0: {  	[sflag:s8] =	ssyncset.done $0x0  }
0xc1: {  	[sflag:s8] =	ssyncadd.s32 $0xFFFFE0C0  }
0xc2: {  	_ =	swait.ge [sflag:s29], $0x80  }
0xc3: {  	[sflag:s29] =	ssyncset.done $0x0  }
.Ltmp3:
0xc4: {  	[sflag:s29] =	ssyncadd.s32 $0xFFFFFF80;
	(pc) =	sbr.rel @p0 .LBB2_6-.Ltmp3, $4  }
0xc5: {  	[spmem:s2] =	stream.indirect.scatter.add.f32 [tilespmem:s9], [sflag:$0x8], $0x40, s11, s10, $0xb8;
	[tilespmem:$0x12100] =	vst v63  }
0xc6: {  	_ =	swait.ge [sflag:s31], $0x1F40  }
0xc7: {  	[sflag:s31] =	ssyncset.done $0x0  }
0xc8: {  	[sflag:s31] =	ssyncadd.s32 $0xFFFFE0C0  }
0xc9: {  	_ =	swait.ge [sflag:s7], $0x80;
	s1 =	smov.u32 s17  }
0xca: {  	[sflag:s7] =	ssyncset.done $0x0;
	s1 =	simm.s32 @p0 $0x51;
	s28 =	rddreg [dreg:$0x5]  }
0xcb: {  	s5 =	simm.s32 $0x80;
	[sflag:s7] =	ssyncadd.s32 $0xFFFFFF80;
	s1 =	sadd.s32 s28, s1  }
0xcc: {  	[tilespmem:s12], [sflag:$0x2] =	stream.indirect.gather [hbm4b:s4+s10], $0x40, s5, s10, $0xb8;
	[tilespmem:$0x12100] =	vst v63  }
0xcd: {  	s1 =	sshll.u32 s1, $0x4  }
.Ltmp4:
0xce: {  	s6 =	rddreg [dreg:$0x4];
	s1 =	sand.u32 $0x1FFFFFD0, s1;
	(pc) =	sbr.rel .LBB2_4-.Ltmp4, $4  }
0xcf: {  	s28 =	rddreg [dreg:$0x15];
	s1 =	sadd.s32 s6, s1  }
0xd0: {  	[tilespmem:s0], [sflag:$0xE] =	stream.linear.gather [hbm4b:s1+s3], $0x80, $0x38;
	[tilespmem:$0x12100] =	vst v63  }
0xd1: {  	s17 =	sadd.s32 $0x4, s17;
	s1 =	sadd.s32 s16, s28;
	s16 =	sadd.s32 $0x40, s16  }
0xd2: {  	[tilespmem:s30], [sflag:$0xB] =	stream.linear.gather [hbm4b:s1+s3], $0x80, $0x38;
	[tilespmem:$0x12100] =	vst v63  }
.LBB2_7:
0xd3: {  	_ =	sfence.sel $0x180000  }
0xd4: {  	[bflag:$0x0] =	sbarrier.arrive $0xFFFF  }
0xd5: {  	_ =	strace $0x9000004D  }
0xd6: {  	s0 =	stileid.u32;
	[bflag:$0x2] =	sbarrier.arrive $0xFFFF  }
0xd7: {  	p0 =	sne.s32 s0, $0x0;
	s0 =	rddreg [dreg:$0x3]  }
0xd8: {  	s0 =	sadd.s32 @!p0 $0x100000, s0  }
0xd9: {  	[sflag:s0] =	ssyncadd.tile.s32 @!p0 $0x1;
	_ =	shalt  }
.Lfunc_end2:
_tile_overlayer_lowered:
.L_overlay_start_2:
0xda: {  	(tag) =	ssettag $0x2  }
0xdb: {  	s0 =	rddreg [dreg:$0x0];
	s2 =	stileid.u32  }
0xdc: {  	s1 =	rddreg [dreg:$0x1];
	p0 =	sne.s32 s2, $0x0  }
0xdd: {  	s3 =	rddreg [dreg:$0x2];
	[bflag:$0x3] =	sbarrier.arrive $0xFFFF;
	s2 =	simm.s32 @!p0 $0x1C12  }
0xde: {  	[timem:s3], [sflag:s2] =	dma.local @!p0 [hbm:s0], s1  }
0xdf: {  	s0 =	simm.s32 @!p0 $0x12  }
0xe0: {  	_ =	swait.ge @!p0 [sflag:s0], s1  }
0xe1: {  	s1 =	ssub.s32 @!p0 $0x0, s1;
	[sflag:s0] =	ssyncset.done @!p0 $0x0  }
0xe2: {  	[sflag:s0] =	ssyncadd.s32 @!p0 s1  }
0xe3: {  	[bflag:$0x3] =	sbarrier.arrive $0xFFFF  }
0xe4: {  	_ =	shalt  }

// kernel: kernel.8.cloned.1.call-start
scs
__scs_entry_jumppad:
0x0: {  	(pc) =	sbr.rel $0x88, $3  }
0x1: {  	(tag) =	ssettag $0x0;
	lr =	simm.s32 $0x1  }
0x2: {  	[smem:$0x3F99] =	sst lr;
	_ =	strace $0xD0000000  }
0x3: {  	_ = 	snop  }
0x4: {  	_ = 	snop  }
0x5: {  	_ = 	snop  }
0x6: {  	_ = 	snop  }
0x7: {  	_ = 	snop  }
__scs_overlays_trampoline_lowered:
0x8: {  	[smem:$0x3FA8] =	sst s0  }
0x9: {  	[smem:$0x3FA9] =	sst s1  }
0xa: {  	[smem:$0x3FAA] =	sst s2  }
0xb: {  	[smem:$0x3FAB] =	sst s3  }
0xc: {  	[smem:$0x3FAC] =	sst s4  }
0xd: {  	[smem:$0x3FAD] =	sst s5  }
0xe: {  	[smem:$0x3FAE] =	sst s6  }
0xf: {  	[smem:$0x3FAF] =	sst s7  }
0x10: {  	[smem:$0x3FB0] =	sst s8  }
0x11: {  	[smem:$0x3FB1] =	sst s9;
	s0 =	simm.s32 @!p0 $0x0  }
0x12: {  	s1 =	sld [smem:$0x3F97];
	s0 =	simm.s32 @p0 $0x1  }
0x13: {  	[smem:$0x3FB2] =	sst s0;
	s0 =	simm.s32 @!p1 $0x0  }
0x14: {  	s2 =	sld [smem:$0x3F96];
	s0 =	simm.s32 @p1 $0x1  }
0x15: {  	[smem:$0x3FB3] =	sst s0;
	s0 =	simm.s32 @!p2 $0x0  }
0x16: {  	s3 =	sld [smem:$0x3FDB];
	s0 =	simm.s32 @p2 $0x1  }
0x17: {  	s4 =	simm.s32 $0x1BF5;
	[smem:$0x3FB5] =	sst s0  }
0x18: {  	s0 =	sld [smem:$0x3F98];
	_ =	swait.ge [sflag:s4], $0x0  }
0x19: {  	s7 =	sld [smem:$0x3F99]  }
0x1a: {  	s8 =	sadd.s32 $0xFFFFE003, lr  }
0x1b: {  	s9 =	sadd.s32 $0xFFFFFEF7, lr;
	s5 =	simm.s32 $0xFFFFFFFF;
	p2 =	slt.u32 s8, $0xFFFFF086  }
0x1c: {  	p1 =	slt.u32 s9, $0xF7A;
	s5 =	simm.s32 @!p2 $0x0  }
0x1d: {  	s5 =	simm.s32 @p1 $0x1;
	p0 =	seq.s32 s7, s2  }
0x1e: {  	s7 =	smul.u32 @!p0 $0xF7A, s2;
	p2 =	seq.s32 @!p0 s5, $0x0  }
0x1f: {  	s9 =	smul.u32 $0xF7A, s1;
	s8 =	simm.s32 @!p0 $0x1BF5;
	p2 =	por !p2, p0  }
0x20: {  	[sflag:s8] =	ssyncset.s32 @!p0 $0xFFFFF086;
	s6 =	sadd.s32 @!p0 s3, s7;
	s7 =	simm.s32 @!p0 $0x108  }
0x21: {  	s3 =	sadd.s32 s3, s9;
	s6 =	sadd.s32 @!p0 $0x88, s6;
	s7 =	simm.s32 @p2 $0x1082  }
0x22: {  	[simem:s7], [sflag:s8] =	dma.local @!p0 [hbm:s6], $0xF7A  }
0x23: {  	s9 =	sor.u32 $0xD0000000, s2;
	s6 =	simm.s32 $0x108;
	_ =	swait.ge @!p0 [sflag:s8], $0x0  }
0x24: {  	s3 =	sadd.s32 $0x88, s3;
	s6 =	simm.s32 @!p1 $0x1082;
	[sflag:s4] =	ssyncset.s32 $0xFFFFF086  }
0x25: {  	[simem:s6], [sflag:s4] =	dma.local [hbm:s3], $0xF7A  }
0x26: {  	[smem:$0x3F99] =	sst s1;
	(tag) =	ssettag s2;
	_ =	strace s9  }
0x27: {  	s1 =	sld [smem:$0x3FA9]  }
0x28: {  	s2 =	sld [smem:$0x3FAA]  }
0x29: {  	s4 =	sld [smem:$0x3FAC]  }
0x2a: {  	p0 =	seq.s32 s5, $0x0;
	s5 =	sld [smem:$0x3FAD]  }
0x2b: {  	s6 =	sld [smem:$0x3FAE]  }
0x2c: {  	s7 =	sld [smem:$0x3FAF]  }
0x2d: {  	s3 =	simm.s32 $0x108;
	s8 =	sld [smem:$0x3FB0]  }
0x2e: {  	s3 =	simm.s32 @!p0 $0x1082;
	s9 =	sld [smem:$0x3FB1]  }
0x2f: {  	lr =	sadd.s32 s0, s3;
	s0 =	sld [smem:$0x3FA8]  }
0x30: {  	s3 =	sld [smem:$0x3FAB]  }
0x31: {  	[smem:$0x3FB4] =	sst s10  }
0x32: {  	s10 =	sld [smem:$0x3FB2];
	_ =	sdelay $0x3  }
0x33: {  	p0 =	seq.s32 s10, $0x1;
	s10 =	sld [smem:$0x3FB4];
	_ =	sdelay $0x3  }
0x34: {  	[smem:$0x3FB4] =	sst s10  }
0x35: {  	s10 =	sld [smem:$0x3FB3];
	_ =	sdelay $0x3  }
0x36: {  	p1 =	seq.s32 s10, $0x1;
	s10 =	sld [smem:$0x3FB4];
	_ =	sdelay $0x3  }
0x37: {  	[smem:$0x3FB4] =	sst s10  }
0x38: {  	s10 =	sld [smem:$0x3FB5]  }
0x39: {  	_ = 	snop;
	(pc) =	sbr.ind lr, $3  }
0x3a: {  	_ = 	snop  }
0x3b: {  	_ = 	snop  }
0x3c: {  	p2 =	seq.s32 s10, $0x1;
	s10 =	sld [smem:$0x3FB4]  }
0x3d: {  	_ =	shalt  }
0x3e: {  	_ =	shalt  }
0x3f: {  	_ =	shalt  }
0x40: {  	_ =	shalt  }
0x41: {  	_ =	shalt  }
0x42: {  	_ =	shalt  }
0x43: {  	_ =	shalt  }
0x44: {  	_ =	shalt  }
0x45: {  	_ =	shalt  }
0x46: {  	_ =	shalt  }
0x47: {  	_ =	shalt  }
0x48: {  	_ =	shalt  }
0x49: {  	_ =	shalt  }
0x4a: {  	_ =	shalt  }
0x4b: {  	_ =	shalt  }
0x4c: {  	_ =	shalt  }
0x4d: {  	_ =	shalt  }
0x4e: {  	_ =	shalt  }
0x4f: {  	_ =	shalt  }
0x50: {  	_ =	shalt  }
0x51: {  	_ =	shalt  }
0x52: {  	_ =	shalt  }
0x53: {  	_ =	shalt  }
0x54: {  	_ =	shalt  }
0x55: {  	_ =	shalt  }
0x56: {  	_ =	shalt  }
0x57: {  	_ =	shalt  }
0x58: {  	_ =	shalt  }
0x59: {  	_ =	shalt  }
0x5a: {  	_ =	shalt  }
0x5b: {  	_ =	shalt  }
0x5c: {  	_ =	shalt  }
0x5d: {  	_ =	shalt  }
0x5e: {  	_ =	shalt  }
0x5f: {  	_ =	shalt  }
0x60: {  	_ =	shalt  }
0x61: {  	_ =	shalt  }
0x62: {  	_ =	shalt  }
0x63: {  	_ =	shalt  }
0x64: {  	_ =	shalt  }
0x65: {  	_ =	shalt  }
0x66: {  	_ =	shalt  }
0x67: {  	_ =	shalt  }
0x68: {  	_ =	shalt  }
0x69: {  	_ =	shalt  }
0x6a: {  	_ =	shalt  }
0x6b: {  	_ =	shalt  }
0x6c: {  	_ =	shalt  }
0x6d: {  	_ =	shalt  }
0x6e: {  	_ =	shalt  }
0x6f: {  	_ =	shalt  }
0x70: {  	_ =	shalt  }
0x71: {  	_ =	shalt  }
0x72: {  	_ =	shalt  }
0x73: {  	_ =	shalt  }
0x74: {  	_ =	shalt  }
0x75: {  	_ =	shalt  }
0x76: {  	_ =	shalt  }
0x77: {  	_ =	shalt  }
0x78: {  	_ =	shalt  }
0x79: {  	_ =	shalt  }
0x7a: {  	_ =	shalt  }
0x7b: {  	_ =	shalt  }
0x7c: {  	_ =	shalt  }
0x7d: {  	_ =	shalt  }
0x7e: {  	_ =	shalt  }
0x7f: {  	_ =	shalt  }
0x80: {  	_ =	shalt  }
0x81: {  	_ =	shalt  }
0x82: {  	_ =	shalt  }
0x83: {  	_ =	shalt  }
0x84: {  	_ =	shalt  }
0x85: {  	_ =	shalt  }
0x86: {  	_ =	shalt  }
0x87: {  	_ =	shalt  }
.Lfunc_end0:
.L_simem_size_0:
called_computation_lowered:
.L_overlay_start_0:
0x88: {  	s2 =	sld [smem:$0x3FD9]  }
0x89: {  	s3 =	sld [smem:$0x3FFE];
	_ =	sdelay $0x1  }
0x8a: {  	s1 =	srdreg.scid  }
0x8b: {  	s0 =	sand.u32 $0x1, s1  }
0x8c: {  	s17 =	sshll.u32 s0, $0xA;
	s2 =	sadd.s32 s3, s2  }
0x8d: {  	s2 =	sadd.s32 s2, s17  }
0x8e: {  	[smem:$0x3FC0] =	sst s2  }
0x8f: {  	_ = 	snop  }
0x90: {  	s2 =	sld [smem:$0x3FD0];
	(tm) =	ssettm $0x1  }
0x91: {  	s18 =	sld [smem:$0x3FFB];
	_ =	sdelay $0x3  }
0x92: {  	_ =	strace s18  }
0x93: {  	s3 =	sld [smem:$0x3FFC];
	_ =	sdelay $0x3  }
0x94: {  	_ =	strace s3  }
0x95: {  	s3 =	sld [smem:$0x3FFD];
	_ =	sdelay $0x3  }
0x96: {  	_ =	strace s3  }
0x97: {  	_ =	strace $0x8FFFFFFF  }
0x98: {  	s19 =	sld [smem:$0x3FDB];
	_ =	sdelay $0x1  }
0x99: {  	s4 =	simm.s32 $_scs_section_size  }
0x9a: {  	s5 =	simm.s32 $_size__tile_overlayer_lowered;
	s6 =	simm.s32 $_tile_overlayer_lowered  }
0x9b: {  	s22 =	simm.s32 $0x1BFF;
	s21 =	sshll.u32 s6, $0x1;
	s3 =	sadd.s32 s4, s19  }
0x9c: {  	s7 =	simm.s32 $0x0;
	s20 =	sshll.u32 s5, $0x1;
	s5 =	sadd.s32 s21, s3  }
0x9d: {  	[timem:s7], [sflag:s22] =	dma.local [hbm:s5], s20  }
0x9e: {  	_ =	swait.ge [sflag:s22], s20  }
0x9f: {  	s4 =	ssub.s32 $0x0, s20;
	[sflag:s22] =	ssyncset.done $0x0  }
0xa0: {  	[sflag:s22] =	ssyncadd.s32 s4;
	_ =	sdelay $0x1  }
0xa1: {  	s23 =	simm.s32 $0x1B8B  }
0xa2: {  	_ =	swait.ge [sflag:s23], $0x1  }
0xa3: {  	[sflag:s23] =	ssyncset.done $0x0  }
0xa4: {  	s25 =	simm.s32 $0x1B8E;
	s24 =	sld [smem:$0x3FFE];
	[sflag:s23] =	ssyncadd.s32 $0xFFFFFFFF  }
0xa5: {  	s26 =	simm.s32 $execute0_lowered;
	[smem:$0x3FD2] =	sst s25  }
0xa6: {  	s5 =	sshll.u32 s26, $0x1;
	_ =	strace $0x80000046;
	[dreg:$0x1] =	wrdreg $0xFFFFFFFF  }
0xa7: {  	s28 =	simm.s32 $_size_execute0_lowered;
	s3 =	sadd.s32 s3, s5;
	[dreg:$0x0] =	wrdreg $0x0  }
0xa8: {  	s5 =	sshll.u32 s28, $0x1;
	[dreg:$0x2] =	wrdreg s3  }
0xa9: {  	[dreg:$0x3] =	wrdreg s5  }
0xaa: {  	[dreg:$0x4] =	wrdreg $0xC0  }
0xab: {  	_ =	task [dreg:s7], $0x5FFFF  }
0xac: {  	[dreg:$0x1] =	wrdreg $0xFFFFFFFF  }
0xad: {  	[dreg:$0x0] =	wrdreg $0x60  }
0xae: {  	[dreg:$0x2] =	wrdreg s24  }
0xaf: {  	[dreg:$0x3] =	wrdreg s2  }
0xb0: {  	[dreg:$0x4] =	wrdreg $0x9  }
0xb1: {  	_ =	task.clear_ibuf [dreg:s7], $0x5FFFF;
	_ =	strace $0x90000046  }
0xb2: {  	s29 =	simm.s32 $0x9;
	_ =	strace $0x80000048  }
0xb3: {  	_ =	swait.ge [sflag:s29], $0x1  }
0xb4: {  	[sflag:s29] =	ssyncadd.s32 $0xFFFFFFFF  }
0xb5: {  	_ =	strace $0x90000048  }
0xb6: {  	_ =	sfence  }
0xb7: {  	s30 =	sld [smem:$0x0];
	_ =	sdelay $0x2  }
0xb8: {  	s31 =	sshll.u32 s1, $0xD;
	s1 =	sshrl.u32 s1, $0x2  }
0xb9: {  	s3 =	sand.u32 $0x4000, s31;
	s1 =	sadd.s32 s1, s30  }
0xba: {  	s0 =	sor.u32 s3, s0;
	s1 =	sshll.u32 s1, $0x11  }
0xbb: {  	s0 =	sor.u32 s1, s0  }
0xbc: {  	s0 =	sadd.s32 $0x8F2B, s0  }
0xbd: {  	[sflag:s0] =	ssyncadd.remote.s32 $0x1  }
0xbe: {  	_ =	sfence.sel $0xFFFF  }
0xbf: {  	[dreg:$0x0] =	wrdreg $0xFFFFFFFF;
	(pc) =	sbr.abs _section_cstart, $3  }
0xc0: {  	[dreg:$0x1] =	wrdreg $0xFFFFFFFF  }
0xc1: {  	_ =	task.clear_ibuf [dreg:s7], $0x2FFFF;
	_ =	strace $0x9FFFFFFF  }
0xc2: {  	(tm) =	ssettm $0x7FFFFFFF  }
0xc3: {  	_ =	shalt  }
tec
execute0_lowered:
.L_overlay_start_1:
0x0: {  	(tag) =	ssettag $0x1  }
0x1: {  	s0 =	srdreg.scid  }
0x2: {  	s4 =	rddreg [dreg:$0x0];
	s3 =	sand.u32 $0x1, s0  }
0x3: {  	s5 =	rddreg [dreg:$0x1];
	s0 =	stileid.u32;
	s1 =	sshll.u32 s3, $0x4  }
0x4: {  	s2 =	simm.s32 $0x0;
	s9 =	simm.s32 $0x400;
	s6 =	sor.u32 s0, s1  }
0x5: {  	s10 =	simm.s32 $0x0;
	[smem:$0x7FF] =	sst s2;
	s7 =	sshrl.u32 s6, $0x3  }
0x6: {  	s8 =	sshll.u32 s0, $0x7;
	s3 =	ssub.s32 $0x2, s3;
	s7 =	smul.u32 $0x14000, s7  }
0x7: {  	s1 =	rddreg [dreg:$0x2];
	s8 =	sand.u32 $0x380, s8;
	s6 =	smul.u32 $0x4E2, s6  }
0x8: {  	_ =	strace $0x80000047;
	s31 =	sshrl.u32 s3, $0x1;
	s7 =	sor.u32 s8, s7  }
0x9: {  	s4 =	sadd.s32 s6, s4;
	s6 =	ssub.s32 s3, s31;
	s7 =	sshrl.u32 s7, $0x3  }
0xa: {  	s3 =	sadd.s32 $0xC800, s4;
	s8 =	simm.s32 $0x80;
	s4 =	sadd.s32 s5, s7  }
0xb: {  	v0 =	vimm.f32 $0.0e+00;
	v1 =	vimm.f32 $1.000000000e+00;
	s5 =	smax.u32 s6, $0x1;
	s6 =	simm.s32 $0x1;
	s7 =	simm.s32 $0x2780  }
.LBB2_1:
0xc: {  	[tilespmem:s2], [sflag:$0x1] =	stream.linear.gather [hbm4b:s3+s2], $0x2710, $0x38;
	[tilespmem:$0x4F80] =	vst v63  }
0xd: {  	_ =	swait.ge [sflag:s6], $0x2710  }
0xe: {  	[sflag:s6] =	ssyncset.done $0x0  }
0xf: {  	s13 =	simm.s32 $0x27A0;
	[sflag:s6] =	ssyncadd.s32 $0xFFFFD8F0  }
0x10: {  	[tilespmem:s13+$0xFFFFFFE0] =	vst v0  }
0x11: {  	[tilespmem:s13+$0x10] =	vst v0  }
0x12: {  	s11 =	simm.s32 $0xFFFFFFFC;
	s14 =	simm.s32 $0x0;
	[tilespmem:s13+$0x0] =	vst v0  }
.LBB2_2:
0x13: {  	s14 =	sadd.s32 $0x4, s14  }
0x14: {  	[tilespmem:s13+$0xFFFFFFF0] =	vst v0;
	s13 =	sadd.s32 $0x40, s13;
	s12 =	simm.s32 $0x20;
	p0 =	slt.u32 s14, $0x27C  }
.Ltmp0:
0x15: {  	[tilespmem:s13+$0xFFFFFFE0] =	vst v0;
	(pc) =	sbr.rel @p0 .LBB2_2-.Ltmp0, $3  }
0x16: {  	_ =	sdelay $0x1  }
0x17: {  	[tilespmem:s13+$0x10] =	vst v0  }
0x18: {  	[tilespmem:s13+$0x0] =	vst v0  }
0x19: {  	[tilespmem:s13+$0xFFFFFFF0] =	vst v0  }
.LBB2_4:
0x1a: {  	v2 =	vld [tilespmem:s12+$0xFFFFFFE0];
	_ =	sdelay $0x7  }
0x1b: {  	[tilespmem:v2+s7+$0x0] =	vst.idx.add.f32.msk $0xffff, v1  }
0x1c: {  	v2 =	vld [tilespmem:s12+$0xFFFFFFF0];
	_ =	sdelay $0x7  }
0x1d: {  	[tilespmem:v2+s7+$0x0] =	vst.idx.add.f32.msk $0xffff, v1  }
0x1e: {  	v2 =	vld [tilespmem:s12+$0x0];
	_ =	sdelay $0x7  }
0x1f: {  	[tilespmem:v2+s7+$0x0] =	vst.idx.add.f32.msk $0xffff, v1  }
0x20: {  	v2 =	vld [tilespmem:s12+$0x10];
	_ =	sdelay $0x1  }
0x21: {  	s11 =	sadd.s32 $0x4, s11  }
0x22: {  	p0 =	slt.u32 s11, $0x26C  }
.Ltmp1:
0x23: {  	_ = 	snop;
	(pc) =	sbr.rel @p0 .LBB2_4-.Ltmp1, $2  }
0x24: {  	_ =	sdelay $0x2  }
0x25: {  	s12 =	sadd.s32 $0x40, s12;
	[tilespmem:v2+s7+$0x0] =	vst.idx.add.f32.msk $0xffff, v1  }
0x26: {  	v2 =	vld [tilespmem:$0x2700];
	_ =	sdelay $0x5  }
0x27: {  	s10 =	sadd.s32 $0x1, s10  }
0x28: {  	p0 =	sne.s32 s10, s5  }
.Ltmp2:
0x29: {  	[tilespmem:v2+s7+$0x0] =	vst.idx.add.f32.msk $0xffff, v1;
	(pc) =	sbr.rel @p0 .LBB2_1-.Ltmp2, $4  }
0x2a: {  	[hbm4b:s4+s8] =	stream.strided.scatter [tilespmem:s7], [sflag:$0x1], $0x2800, s9, s8, $0x38;
	[tilespmem:$0x4F80] =	vst v63  }
0x2b: {  	_ =	swait.ge [sflag:s6], $0x2800  }
0x2c: {  	[sflag:s6] =	ssyncset.done $0x0  }
0x2d: {  	[sflag:s6] =	ssyncadd.s32 $0xFFFFD800  }
0x2e: {  	_ =	sfence.sel $0x180000  }
0x2f: {  	[bflag:$0x0] =	sbarrier.arrive $0xFFFF  }
0x30: {  	p0 =	sne.s32 s0, $0x0;
	_ =	strace $0x90000047  }
0x31: {  	s0 =	sadd.s32 @!p0 $0x100000, s1;
	[bflag:$0x2] =	sbarrier.arrive $0xFFFF  }
0x32: {  	[sflag:s0] =	ssyncadd.tile.s32 @!p0 $0x1;
	_ =	shalt  }
.Lfunc_end2:
_tile_overlayer_lowered:
.L_overlay_start_2:
0x33: {  	(tag) =	ssettag $0x2  }
0x34: {  	s0 =	rddreg [dreg:$0x0];
	s2 =	stileid.u32  }
0x35: {  	s1 =	rddreg [dreg:$0x1];
	p0 =	sne.s32 s2, $0x0  }
0x36: {  	s3 =	rddreg [dreg:$0x2];
	[bflag:$0x3] =	sbarrier.arrive $0xFFFF;
	s2 =	simm.s32 @!p0 $0x1C01  }
0x37: {  	[timem:s3], [sflag:s2] =	dma.local @!p0 [hbm:s0], s1  }
0x38: {  	s0 =	simm.s32 @!p0 $0x1  }
0x39: {  	_ =	swait.ge @!p0 [sflag:s0], s1  }
0x3a: {  	s1 =	ssub.s32 @!p0 $0x0, s1;
	[sflag:s0] =	ssyncset.done @!p0 $0x0  }
0x3b: {  	[sflag:s0] =	ssyncadd.s32 @!p0 s1  }
0x3c: {  	[bflag:$0x3] =	sbarrier.arrive $0xFFFF  }
0x3d: {  	_ =	shalt  }

</sc_bundles>
